<compile_context>
chip_gen: v7x
topology: tpu7x:2x2x1
jax: 0.10.2.dev20260603
libtpu: 0.0.44.dev20260713+nightly
codegen_flags: <defaults>
</compile_context>

<pallas_src>
import functools

import jax
import jax.numpy as jnp
from jax import lax
from jax.experimental import pallas as pl
from jax.experimental.pallas import tpu as pltpu
from jax.experimental.pallas import tpu_sc as plsc

_HP = [2654435761, 2246822519, 3266489917, 2028178513, 1220703125,
       1610612741, 805306457, 402653189, 3674653429, 2860486313,
       1073676287, 2971215073, 1500450271, 3267000013, 2654435789,
       4049292737, 2246822531, 3266489927, 2028178519, 1220703133]
_FIB = [1, 1, 2, 3, 5, 8, 13, 21]

_B, _T = 32, 512
_N = _B * _T
_VOCAB, _BD = 1024, 128
_NT, _BUCKETS, _EPT = 8, 65536, 16
_HID, _SCAN, _CH = 512, 256, 32
_SH, _SBITS, _SBK, _SE = 4, 16, 131072, 32
_NW = 32
_TPW = _N // _NW

_PLT = [[_HP[(t * 3 + k) % 20] & 0xFFFF for k in range(8)] for t in range(8)]
_SPL = [[_HP[(h * 3 + i) % 20] & 0x1FFFF for i in range(16)] for h in range(4)]


_SCPARAMS = pltpu.CompilerParams(needs_layout_passes=False,
                                 use_tc_tiling_on_sc=True)
_SCPARAMS_LIN = pltpu.CompilerParams(needs_layout_passes=False,
                                     use_tc_tiling_on_sc=False)


def _full16(x):
    return jnp.broadcast_to(x, (16,)).astype(jnp.int32)


def _tct(t2, C):
    blk = 8192
    return pl.pallas_call(
        lambda i_ref, o_ref: o_ref.__setitem__((Ellipsis,), i_ref[...].T),
        grid=(C // blk,),
        in_specs=[pl.BlockSpec((128, blk), lambda j: (j * 0, j))],
        out_specs=pl.BlockSpec((blk, 128), lambda j: (j, j * 0)),
        out_shape=jax.ShapeDtypeStruct((C, 128), jnp.float32),
    )(t2)


def _sc1_body(tok_hbm, tab_hbm, be_hbm, bytes_out, hash_out,
              tok_pad, idx_v, rows_b, rows_h, sem):
    wid = lax.axis_index("s") * 2 + lax.axis_index("c")
    base = wid * _TPW
    tok_pad[pl.ds(0, 16)] = jnp.zeros((16,), jnp.int32)
    tok_pad[pl.ds(16, 16)] = jnp.zeros((16,), jnp.int32)
    tok_pad[pl.ds(32, 16)] = jnp.zeros((16,), jnp.int32)
    pltpu.sync_copy(tok_hbm.at[pl.ds(base, _TPW)], tok_pad.at[pl.ds(32, _TPW)])
    lanes8 = lax.iota(jnp.int32, 16) * 8

    def keys_body(i, carry):
        taps = [tok_pad[pl.ds(32 + i * 16 - off, 16)] for off in _FIB]
        for t in range(8):
            key = (taps[0] * _PLT[t][0]) & 0xFFFF
            for k in range(1, 8):
                key = key ^ ((taps[k] * _PLT[t][k]) & 0xFFFF)
            plsc.store_scatter(idx_v, [i * 128 + lanes8 + t],
                               key * _NT + t)
        return carry

    lax.fori_loop(jnp.int32(0), jnp.int32(_TPW // 16), keys_body,
                  jnp.int32(0))

    cps = [pltpu.async_copy(
        be_hbm.at[tok_pad.at[pl.ds(32 + j * 128, 128)]],
        rows_b.at[pl.ds(j * 128, 128)], sem) for j in range(4)]
    for cp in cps:
        cp.wait()
    pltpu.sync_copy(rows_b, bytes_out.at[pl.ds(base, _TPW)])

    for half in range(2):
        cps = [pltpu.async_copy(
            tab_hbm.at[idx_v.at[pl.ds(half * 2048 + j * 128, 128)]],
            rows_h.at[pl.ds(j * 128, 128)], sem) for j in range(16)]
        for cp in cps:
            cp.wait()
        pltpu.sync_copy(rows_h,
                        hash_out.at[pl.ds(base * 8 + half * 2048, 2048)])


def _sc1(tok32, tabs, be):
    mesh = plsc.VectorSubcoreMesh(core_axis_name="c", subcore_axis_name="s")
    f = pl.kernel(
        _sc1_body,
        out_type=(jax.ShapeDtypeStruct((_N, _BD), jnp.float32),
                  jax.ShapeDtypeStruct((_N * _NT, _EPT), jnp.float32)),
        mesh=mesh,
        scratch_types=[
            pltpu.VMEM((_TPW + 48,), jnp.int32),
            pltpu.VMEM((_TPW * 8,), jnp.int32),
            pltpu.VMEM((_TPW, _BD), jnp.float32),
            pltpu.VMEM((2048, _EPT), jnp.float32),
            pltpu.SemaphoreType.DMA,
        ],
        compiler_params=_SCPARAMS_LIN,
    )
    return f(tok32, tabs, be)


def _sc2_body(idx_hbm, mem_hbm, comb_out, idx_v, rows_v, sem):
    wid = lax.axis_index("s") * 2 + lax.axis_index("c")
    base = wid * (_TPW * _SH)
    pltpu.sync_copy(idx_hbm.at[pl.ds(base, _TPW * _SH)], idx_v)
    cps = [pltpu.async_copy(
        mem_hbm.at[idx_v.at[pl.ds(j * 128, 128)]],
        rows_v.at[pl.ds(j * 128, 128)], sem) for j in range(16)]
    for cp in cps:
        cp.wait()
    pltpu.sync_copy(rows_v, comb_out.at[pl.ds(base, _TPW * _SH)])


def _sc2(sidx_flat, mem_flat):
    mesh = plsc.VectorSubcoreMesh(core_axis_name="c", subcore_axis_name="s")
    f = pl.kernel(
        _sc2_body,
        out_type=jax.ShapeDtypeStruct((_N * _SH, _SE), jnp.float32),
        mesh=mesh,
        scratch_types=[
            pltpu.VMEM((_TPW * _SH,), jnp.int32),
            pltpu.VMEM((_TPW * _SH, _SE), jnp.float32),
            pltpu.SemaphoreType.DMA,
        ],
        compiler_params=_SCPARAMS_LIN,
    )
    return f(sidx_flat, mem_flat)


def _sig(x):
    return 1.0 / (1.0 + jnp.exp(-x))


def _ln(x, g, b):
    m = jnp.mean(x, axis=-1, keepdims=True)
    v = jnp.mean((x - m) ** 2, axis=-1, keepdims=True)
    return (x - m) / jnp.sqrt(v + 1e-5) * g + b


def _dot(a, b):
    return jnp.dot(a, b, preferred_element_type=jnp.float32)


def _bdot(a, b):
    return jnp.dot(a.astype(jnp.bfloat16), b.astype(jnp.bfloat16),
                   preferred_element_type=jnp.float32)


_R1 = 4
_RT = _R1 * _T


def _tc1_body(xb_ref, xh_ref, wb_ref, wh_ref, ib_ref, gw_ref, gb_ref,
              iw_ref, ib2_ref, ow_ref, ob_ref, lg_ref, lb_ref,
              spw_ref, spb_ref, spr_ref, x1_ref, sidx_ref, st_ref):
    x0 = (_dot(xb_ref[...], wb_ref[...]) + _dot(xh_ref[...], wh_ref[...])
          + ib_ref[...])
    g = _sig(_dot(x0, gw_ref[...]) + gb_ref[...])
    d = (1.0 - g) * (_dot(x0, iw_ref[...]) + ib2_ref[...])
    log_a = jnp.log(jnp.maximum(g, 1e-6))

    rr = lax.broadcasted_iota(jnp.int32, (_T, _T), 0)
    cc = lax.broadcasted_iota(jnp.int32, (_T, _T), 1)
    tri = ((rr >= cc) & (rr // _CH == cc // _CH)).astype(jnp.float32)

    for r in range(_R1):
        sl = slice(r * _T, (r + 1) * _T)
        cum_a = jnp.exp(_dot(tri, log_a[sl, :]))
        inv = 1.0 / jnp.maximum(cum_a, 1e-8)
        cum_wb = _dot(tri, d[sl, :] * inv)
        h = jnp.zeros((1, _SCAN), jnp.float32)
        for c in range(_T // _CH):
            chunk = cum_a[c * _CH:(c + 1) * _CH, :] * (
                h + cum_wb[c * _CH:(c + 1) * _CH, :])
            st_ref[r * _T + c * _CH:r * _T + (c + 1) * _CH, :] = chunk
            h = chunk[_CH - 1:_CH, :]

    x1 = _ln(x0 + _dot(st_ref[...], ow_ref[...]) + ob_ref[...],
             lg_ref[...], lb_ref[...])
    x1_ref[...] = x1

    proj = _dot(x1, spw_ref[...]) + spb_ref[...]
    for hh in range(_SH):
        ph = proj[:, hh * 16:(hh + 1) * 16]
        pr = spr_ref[:, hh * 16:(hh + 1) * 16]
        terms = jnp.where(ph > 0, pr, jnp.int32(0))
        v = terms[:, :8] ^ terms[:, 8:]
        v = v[:, :4] ^ v[:, 4:]
        v = v[:, :2] ^ v[:, 2:]
        v = v[:, :1] ^ v[:, 1:]
        sidx_ref[:, hh:hh + 1] = v * _SH + hh


def _tc1(xb, xh, wb, wh, ib, gw, gb, iw, ib2, ow, ob, lg, lb, spw, spb):
    full = lambda s: pl.BlockSpec(s, lambda r: (r * 0, r * 0))
    blk = lambda s: pl.BlockSpec(s, lambda r: (r, r * 0))
    spr = jnp.array([[_SPL[h][i] for h in range(_SH) for i in range(16)]],
                    dtype=jnp.int32)
    return pl.pallas_call(
        _tc1_body,
        grid=(_B // _R1,),
        in_specs=[
            blk((_RT, _BD)), blk((_RT, _NT * _EPT)),
            full((_BD, _HID)), full((_NT * _EPT, _HID)), full((1, _HID)),
            full((_HID, _SCAN)), full((1, _SCAN)),
            full((_HID, _SCAN)), full((1, _SCAN)),
            full((_SCAN, _HID)), full((1, _HID)),
            full((1, _HID)), full((1, _HID)),
            full((_HID, _SH * _SBITS)), full((1, _SH * _SBITS)),
            full((1, _SH * _SBITS)),
        ],
        out_specs=[blk((_RT, _HID)), blk((_RT, _SH))],
        out_shape=[jax.ShapeDtypeStruct((_N, _HID), jnp.float32),
                   jax.ShapeDtypeStruct((_N, _SH), jnp.int32)],
        scratch_shapes=[pltpu.VMEM((_RT, _SCAN), jnp.float32)],
        compiler_params=pltpu.CompilerParams(
            vmem_limit_bytes=100 * 1024 * 1024),
    )(xb, xh, wb, wh, ib, gw, gb, iw, ib2, ow, ob, lg, lb, spw, spb, spr)


_RB = 1024


def _tc2_body(x1_ref, cb_ref, opw_ref, opb_ref,
              w1a_ref, w2a_ref, pja_ref, lga_ref, lba_ref,
              w1b_ref, w2b_ref, pjb_ref, lgb_ref, lbb_ref,
              hw_ref, hb_ref, out_ref):
    x = x1_ref[...] + _dot(cb_ref[...], opw_ref[...]) + opb_ref[...]
    for (w1, w2, pj, lg, lb) in (
            (w1a_ref, w2a_ref, pja_ref, lga_ref, lba_ref),
            (w1b_ref, w2b_ref, pjb_ref, lgb_ref, lbb_ref)):
        u = _dot(x, w1[...])
        hmid = _dot((u * _sig(u)) * _dot(x, w2[...]), pj[...])
        x = _ln(hmid + x, lg[...], lb[...])
    out_ref[...] = _dot(x, hw_ref[...]) + hb_ref[...]


def _tc2(x1, comb, opw, opb, res, hw, hb):
    full = lambda s: pl.BlockSpec(s, lambda r: (r * 0, r * 0))
    blk = lambda s: pl.BlockSpec(s, lambda r: (r, r * 0))
    rargs = []
    for l in range(2):
        rargs += [res[l]['w1'], res[l]['w2'], res[l]['proj'],
                  res[l]['ln_g'].reshape(1, -1), res[l]['ln_b'].reshape(1, -1)]
    rspecs = [full((_HID, _HID)), full((_HID, _HID)), full((_HID, _HID)),
              full((1, _HID)), full((1, _HID))] * 2
    return pl.pallas_call(
        _tc2_body,
        grid=(_N // _RB,),
        in_specs=[blk((_RB, _HID)), blk((_RB, _SH * _SE)),
                  full((_SH * _SE, _HID)), full((1, _HID))]
                 + rspecs + [full((_HID, _VOCAB)), full((1, _VOCAB))],
        out_specs=blk((_RB, _VOCAB)),
        out_shape=jax.ShapeDtypeStruct((_N, _VOCAB), jnp.float32),
        compiler_params=pltpu.CompilerParams(
            vmem_limit_bytes=100 * 1024 * 1024),
    )(x1, comb, opw, opb, *rargs, hw, hb)


def kernel(params, tokens):
    p = params
    tok32 = tokens.astype(jnp.int32).reshape(-1)
    tabs_t2 = p['hash_tables'].transpose(0, 2, 1).reshape(_NT * _EPT, _BUCKETS)
    tabs_n = _tct(tabs_t2, _BUCKETS).reshape(_NT * _BUCKETS, _EPT)
    bytes_e, hash_e = _sc1(tok32, tabs_n, p['byte_embed'])
    hash_e = hash_e.reshape(_N, _NT * _EPT)

    sc = p['scan']
    x1, sidx = _tc1(
        bytes_e, hash_e,
        p['inp_W'][:_BD], p['inp_W'][_BD:], p['inp_b'].reshape(1, -1),
        sc['gate_W'], sc['gate_b'].reshape(1, -1),
        sc['in_W'], sc['in_b'].reshape(1, -1),
        sc['out_W'], sc['out_b'].reshape(1, -1),
        sc['ln_g'].reshape(1, -1), sc['ln_b'].reshape(1, -1),
        p['sam']['sp_W'], p['sam']['sp_b'].reshape(1, -1))

    mem_t2 = p['sam']['mem'].transpose(0, 2, 1).reshape(_SH * _SE, _SBK)
    mem_n = _tct(mem_t2, _SBK).reshape(_SH * _SBK, _SE)
    comb = _sc2(sidx.reshape(-1), mem_n)
    comb = comb.reshape(_N, _SH * _SE)

    out = _tc2(x1, comb, p['sam']['op_W'], p['sam']['op_b'].reshape(1, -1),
               p['res'], p['head_W'], p['head_b'].reshape(1, -1))
    return out.reshape(_B, _T, _VOCAB)

# --- scband reference (transcript-rebuilt; emitter-appended) ---
"""Pipeline reference for scband-poly-hash-v7-29910152249494 (READ-ONLY COPY).

The authoritative reference and input builder live on the scoring server;
editing this copy changes nothing except your own understanding.
"""

import jax, jax.numpy as jnp
import numpy as np
jax.config.update('jax_enable_x64', True)

FIBONACCI = [1, 1, 2, 3, 5, 8, 13, 21]
HASH_PRIMES = [2654435761, 2246822519, 3266489917, 2028178513, 1220703125, 1610612741, 805306457, 402653189, 3674653429, 2860486313, 1073676287, 2971215073, 1500450271, 3267000013, 2654435789, 4049292737, 2246822531, 3266489927, 2028178519, 1220703133]

B, T = 32, 512
VOCAB = 1024
BYTE_DIM = 128
NUM_TABLES = 8
BUCKETS = 65536
EMB_PER_TABLE = 16
HIDDEN = 512
SCAN_DIM = 256
CHUNK = 32
SAM_HEADS = 4
SAM_BITS = 16
SAM_BUCKETS = 131072
SAM_EMB = 32
NUM_LAYERS = 2


def _ln(x, g, b):
    m = jnp.mean(x, axis=-1, keepdims=True)
    v = jnp.var(x, axis=-1, keepdims=True)
    return (x - m) / jnp.sqrt(v + 1e-5) * g + b


def _hash_ctx(tokens, pattern, table_idx, buckets):
    Bb, Tt = tokens.shape
    h = jnp.zeros((Bb, Tt), dtype=jnp.int64)
    for k, off in enumerate(pattern):
        pidx = (table_idx * 3 + k) % len(HASH_PRIMES)
        if 0 < off < Tt:
            shifted = jnp.pad(tokens[:, :Tt - off], ((0, 0), (off, 0)))
        else:
            shifted = jnp.zeros_like(tokens)
        h = jnp.bitwise_xor(h, shifted * jnp.int64(HASH_PRIMES[pidx]))
    return jnp.mod(h, buckets)


def _scan(x, p):
    Bb, Tt, _ = x.shape
    K = min(CHUNK, Tt)
    gates = jax.nn.sigmoid(x @ p['gate_W'] + p['gate_b'])
    inp = x @ p['in_W'] + p['in_b']
    drive = (1.0 - gates) * inp
    n_chunks = (Tt + K - 1) // K
    h = jnp.zeros((Bb, SCAN_DIM), dtype=x.dtype)
    outs = []
    for c in range(n_chunks):
        s, e = c * K, min((c + 1) * K, Tt)
        a = gates[:, s:e]
        bb = drive[:, s:e]
        log_a = jnp.log(jnp.clip(a, 1e-6, None))
        cum_a = jnp.exp(jnp.cumsum(log_a, axis=1))
        inv = 1.0 / jnp.clip(cum_a, 1e-8, None)
        cum_wb = jnp.cumsum(bb * inv, axis=1)
        chunk = cum_a * (h[:, None, :] + cum_wb)
        outs.append(chunk)
        h = chunk[:, -1]
    states = jnp.concatenate(outs, axis=1)
    return _ln(x + states @ p['out_W'] + p['out_b'], p['ln_g'], p['ln_b'])


def _sam(s, chars, p):
    proj = s @ p['sp_W'] + p['sp_b']
    heads = jnp.split(proj, SAM_HEADS, axis=-1)
    outs = []
    for h_idx, ph in enumerate(heads):
        bits = (ph > 0).astype(jnp.int64)
        key = jnp.zeros(ph.shape[:2], dtype=jnp.int64)
        for i in range(SAM_BITS):
            key = jnp.bitwise_xor(key, bits[:, :, i] * jnp.int64(HASH_PRIMES[(h_idx * 3 + i) % len(HASH_PRIMES)]))
        key = jnp.mod(key, SAM_BUCKETS)
        outs.append(p['mem'][h_idx][key])
    comb = jnp.concatenate(outs, axis=-1)
    return comb @ p['op_W'] + p['op_b']


def _resblock(x, p):
    h = (jax.nn.silu(x @ p['w1']) * (x @ p['w2'])) @ p['proj']
    return _ln(h + x, p['ln_g'], p['ln_b'])


def _forward(params, tokens):
    he = [params['byte_embed'][tokens]]
    for t in range(NUM_TABLES):
        key = _hash_ctx(tokens, FIBONACCI, t, BUCKETS)
        he.append(params['hash_tables'][t][key])
    x = jnp.concatenate(he, axis=-1)
    x = x @ params['inp_W'] + params['inp_b']
    x = _scan(x, params['scan'])
    x = x + _sam(x, tokens, params['sam'])
    for rb in params['res']:
        x = _resblock(x, rb)
    return x @ params['head_W'] + params['head_b']


def setup_inputs(seed: int = 0):
    key = jax.random.key(seed)
    ks = list(jax.random.split(key, 32))
    def N(i, shape, scale):
        return jax.random.normal(ks[i], shape, dtype=jnp.float32) * scale
    d_in = BYTE_DIM + NUM_TABLES * EMB_PER_TABLE
    params = {
        'byte_embed': N(1, (VOCAB, BYTE_DIM), 0.02),
        'hash_tables': N(2, (NUM_TABLES, BUCKETS, EMB_PER_TABLE), 0.02),
        'inp_W': N(3, (d_in, HIDDEN), d_in ** -0.5),
        'inp_b': jnp.zeros((HIDDEN,), jnp.float32),
        'scan': {
            'gate_W': N(4, (HIDDEN, SCAN_DIM), HIDDEN ** -0.5),
            'gate_b': jnp.zeros((SCAN_DIM,), jnp.float32),
            'in_W': N(5, (HIDDEN, SCAN_DIM), HIDDEN ** -0.5),
            'in_b': jnp.zeros((SCAN_DIM,), jnp.float32),
            'out_W': N(6, (SCAN_DIM, HIDDEN), SCAN_DIM ** -0.5),
            'out_b': jnp.zeros((HIDDEN,), jnp.float32),
            'ln_g': jnp.ones((HIDDEN,), jnp.float32),
            'ln_b': jnp.zeros((HIDDEN,), jnp.float32),
        },
        'sam': {
            'sp_W': N(7, (HIDDEN, SAM_BITS * SAM_HEADS), HIDDEN ** -0.5),
            'sp_b': jnp.zeros((SAM_BITS * SAM_HEADS,), jnp.float32),
            'mem': N(8, (SAM_HEADS, SAM_BUCKETS, SAM_EMB), 0.02),
            'op_W': N(9, (SAM_HEADS * SAM_EMB, HIDDEN), (SAM_HEADS * SAM_EMB) ** -0.5),
            'op_b': jnp.zeros((HIDDEN,), jnp.float32),
        },
        'res': [
            {'w1': N(10 + 5 * l, (HIDDEN, HIDDEN), HIDDEN ** -0.5),
             'w2': N(11 + 5 * l, (HIDDEN, HIDDEN), HIDDEN ** -0.5),
             'proj': N(12 + 5 * l, (HIDDEN, HIDDEN), HIDDEN ** -0.5),
             'ln_g': jnp.ones((HIDDEN,), jnp.float32),
             'ln_b': jnp.zeros((HIDDEN,), jnp.float32)} for l in range(NUM_LAYERS)],
        'head_W': N(22, (HIDDEN, VOCAB), HIDDEN ** -0.5),
        'head_b': jnp.zeros((VOCAB,), jnp.float32),
    }
    tokens = jax.random.randint(ks[0], (B, T), 0, VOCAB, dtype=jnp.int64)
    return {'params': params, 'tokens': tokens}


def reference(params, tokens):
    return _forward(params, tokens)

if __name__ == "__main__":
    import jax
    _d = setup_inputs()
    print(jax.jit(kernel)(*tuple(_d.values())))

</pallas_src>

<mosaic_0001>
#map = affine_map<(d0, d1) -> (0)>
#map1 = affine_map<(d0, d1) -> (0, 0)>
module attributes {stable_mosaic.version = 14 : i64} {
  func.func @_sc1_body(%arg0: i32, %arg1: i32, %arg2: memref<16384xi32, #tpu.memory_space<hbm>>, %arg3: memref<524288x16xf32, #tpu.memory_space<hbm>>, %arg4: memref<1024x128xf32, #tpu.memory_space<hbm>>, %arg5: memref<16384x128xf32, #tpu.memory_space<hbm>>, %arg6: memref<131072x16xf32, #tpu.memory_space<hbm>>, %arg7: memref<560xi32, #tpu.memory_space<vmem>>, %arg8: memref<4096xi32, #tpu.memory_space<vmem>>, %arg9: memref<512x128xf32, #tpu.memory_space<vmem>>, %arg10: memref<2048x16xf32, #tpu.memory_space<vmem>>, %arg11: memref<!tpu.dma_semaphore, #tpu.memory_space<semaphore_mem>>) attributes {dimension_semantics = [#tpu.dimension_semantics<core_parallel>, #tpu.dimension_semantics<subcore_parallel>], iteration_bounds = array<i64: 2, 16>, scalar_prefetch = 0 : i64, scratch_operands = 5 : i64, tpu.core_type = #tpu.core_type<sc_vector_subcore>, window_params = [{transform_indices = #map}, {transform_indices = #map1}, {transform_indices = #map1}, {transform_indices = #map1}, {transform_indices = #map1}]} {
    %mul3A = arith.constant 2 : i32
    %mul3A_0 = arith.muli %arg1, %mul3A : i32
    %add3A = arith.addi %mul3A_0, %arg0 : i32
    %mul3A_1 = arith.constant 512 : i32
    %mul3A_2 = arith.muli %add3A, %mul3A_1 : i32
    %broadcast_in_dim3A = arith.constant 0 : i32
    %broadcast_in_dim3A_3 = vector.broadcast %broadcast_in_dim3A : i32 to vector<16xi32>
    %swap3A = arith.constant 0 : index
    %swap3A_4 = tpu.vector_load %arg7[%swap3A] {strides = array<i32>} : memref<560xi32, #tpu.memory_space<vmem>>, vector<16xi32>,
    tpu.vector_store %arg7[%swap3A], %broadcast_in_dim3A_3 {strides = array<i32>} : memref<560xi32, #tpu.memory_space<vmem>>, vector<16xi32>,
    %broadcast_in_dim3A_5 = arith.constant 0 : i32
    %broadcast_in_dim3A_6 = vector.broadcast %broadcast_in_dim3A_5 : i32 to vector<16xi32>
    %swap3A_7 = arith.constant 16 : index
    %swap3A_8 = tpu.vector_load %arg7[%swap3A_7] {strides = array<i32>} : memref<560xi32, #tpu.memory_space<vmem>>, vector<16xi32>,
    tpu.vector_store %arg7[%swap3A_7], %broadcast_in_dim3A_6 {strides = array<i32>} : memref<560xi32, #tpu.memory_space<vmem>>, vector<16xi32>,
    %broadcast_in_dim3A_9 = arith.constant 0 : i32
    %broadcast_in_dim3A_10 = vector.broadcast %broadcast_in_dim3A_9 : i32 to vector<16xi32>
    %swap3A_11 = arith.constant 32 : index
    %swap3A_12 = tpu.vector_load %arg7[%swap3A_11] {strides = array<i32>} : memref<560xi32, #tpu.memory_space<vmem>>, vector<16xi32>,
    tpu.vector_store %arg7[%swap3A_11], %broadcast_in_dim3A_10 {strides = array<i32>} : memref<560xi32, #tpu.memory_space<vmem>>, vector<16xi32>,
    "tpu.region"() ({
      %run_scoped3A = tpu.sem_alloc : memref<!tpu.dma_semaphore, #tpu.memory_space<semaphore_mem>>
      %dma_start3A_608 = arith.constant 32 : i32
      %dma_start3A_609 = tpu.memref_slice %arg7[%dma_start3A_608] : memref<560xi32, #tpu.memory_space<vmem>> -> memref<512xi32, #tpu.memory_space<vmem>>
      %dma_start3A_610 = tpu.memref_slice %arg2[%mul3A_2] : memref<16384xi32, #tpu.memory_space<hbm>> -> memref<512xi32, #tpu.memory_space<hbm>>
      %dma_start3A_611 = arith.constant 32 : i32
      %dma_start3A_612 = tpu.memref_slice %arg7[%dma_start3A_611] : memref<560xi32, #tpu.memory_space<vmem>> -> memref<512xi32, #tpu.memory_space<vmem>>
      %dma_start3A_613 = tpu.memref_slice %arg2[%mul3A_2] : memref<16384xi32, #tpu.memory_space<hbm>> -> memref<512xi32, #tpu.memory_space<hbm>>
      tpu.enqueue_dma source(%dma_start3A_613 : memref<512xi32, #tpu.memory_space<hbm>>) target(%dma_start3A_612 : memref<512xi32, #tpu.memory_space<vmem>>) target_semaphore(%run_scoped3A : memref<!tpu.dma_semaphore, #tpu.memory_space<semaphore_mem>>)
      %dma_wait3A_614 = arith.constant 32 : i32
      %dma_wait3A_615 = tpu.memref_slice %arg7[%dma_wait3A_614] : memref<560xi32, #tpu.memory_space<vmem>> -> memref<512xi32, #tpu.memory_space<vmem>>
      %dma_wait3A_616 = tpu.memref_slice %arg2[%mul3A_2] : memref<16384xi32, #tpu.memory_space<hbm>> -> memref<512xi32, #tpu.memory_space<hbm>>
      %dma_wait3A_617 = arith.constant 32 : i32
      %dma_wait3A_618 = tpu.memref_slice %arg7[%dma_wait3A_617] : memref<560xi32, #tpu.memory_space<vmem>> -> memref<512xi32, #tpu.memory_space<vmem>>
      %dma_wait3A_619 = tpu.memref_slice %arg2[%mul3A_2] : memref<16384xi32, #tpu.memory_space<hbm>> -> memref<512xi32, #tpu.memory_space<hbm>>
      tpu.wait_dma2 semaphore(%run_scoped3A : memref<!tpu.dma_semaphore, #tpu.memory_space<semaphore_mem>>) src(%dma_wait3A_619 : memref<512xi32, #tpu.memory_space<hbm>>) dst(%dma_wait3A_618 : memref<512xi32, #tpu.memory_space<vmem>>)
      tpu.yield
    }) : () -> ()
    %iota3A = tpu.iota {dimensions = array<i32: 0>} : vector<16xi32>
    %mul3A_13 = arith.constant 8 : i32
    %mul3A_14 = vector.broadcast %mul3A_13 : i32 to vector<16xi32>
    %mul3A_15 = arith.muli %iota3A, %mul3A_14 : vector<16xi32>
    %while3A = arith.constant 0 : i32
    %while3A_16 = arith.constant 0 : i32
    %while3A_17 = arith.constant 32 : i32
    %while3A_18 = arith.subi %while3A_17, %while3A_16 : i32
    %while3A_19 = arith.addi %while3A_16, %while3A_18 : i32
    %while3A_20 = arith.constant 1 : i32
    %while3A_21 = arith.divsi %while3A_18, %while3A_20 : i32
    %while3A_22 = arith.muli %while3A_21, %while3A_20 : i32
    %while3A_23 = arith.addi %while3A_16, %while3A_22 : i32
    %while3A_24 = arith.constant 1 : i32
    scf.for %while3A_608 = %while3A_16 to %while3A_23 step %while3A_24  : i32 {
      %mul3A_609 = arith.constant 16 : i32
      %mul3A_610 = arith.muli %while3A_608, %mul3A_609 : i32
      %add3A_611 = arith.constant 32 : i32
      %add3A_612 = arith.addi %add3A_611, %mul3A_610 : i32
      %sub3A = arith.constant 1 : i32
      %sub3A_613 = arith.subi %add3A_612, %sub3A : i32
      %get3A = arith.index_cast %sub3A_613 : i32 to index
      %get3A_614 = tpu.vector_load %arg7[%get3A] {strides = array<i32>} : memref<560xi32, #tpu.memory_space<vmem>>, vector<16xi32>,
      %mul3A_615 = arith.constant 16 : i32
      %mul3A_616 = arith.muli %while3A_608, %mul3A_615 : i32
      %add3A_617 = arith.constant 32 : i32
      %add3A_618 = arith.addi %add3A_617, %mul3A_616 : i32
      %sub3A_619 = arith.constant 1 : i32
      %sub3A_620 = arith.subi %add3A_618, %sub3A_619 : i32
      %get3A_621 = arith.index_cast %sub3A_620 : i32 to index
      %get3A_622 = tpu.vector_load %arg7[%get3A_621] {strides = array<i32>} : memref<560xi32, #tpu.memory_space<vmem>>, vector<16xi32>,
      %mul3A_623 = arith.constant 16 : i32
      %mul3A_624 = arith.muli %while3A_608, %mul3A_623 : i32
      %add3A_625 = arith.constant 32 : i32
      %add3A_626 = arith.addi %add3A_625, %mul3A_624 : i32
      %sub3A_627 = arith.constant 2 : i32
      %sub3A_628 = arith.subi %add3A_626, %sub3A_627 : i32
      %get3A_629 = arith.index_cast %sub3A_628 : i32 to index
      %get3A_630 = tpu.vector_load %arg7[%get3A_629] {strides = array<i32>} : memref<560xi32, #tpu.memory_space<vmem>>, vector<16xi32>,
      %mul3A_631 = arith.constant 16 : i32
      %mul3A_632 = arith.muli %while3A_608, %mul3A_631 : i32
      %add3A_633 = arith.constant 32 : i32
      %add3A_634 = arith.addi %add3A_633, %mul3A_632 : i32
      %sub3A_635 = arith.constant 3 : i32
      %sub3A_636 = arith.subi %add3A_634, %sub3A_635 : i32
      %get3A_637 = arith.index_cast %sub3A_636 : i32 to index
      %get3A_638 = tpu.vector_load %arg7[%get3A_637] {strides = array<i32>} : memref<560xi32, #tpu.memory_space<vmem>>, vector<16xi32>,
      %mul3A_639 = arith.constant 16 : i32
      %mul3A_640 = arith.muli %while3A_608, %mul3A_639 : i32
      %add3A_641 = arith.constant 32 : i32
      %add3A_642 = arith.addi %add3A_641, %mul3A_640 : i32
      %sub3A_643 = arith.constant 5 : i32
      %sub3A_644 = arith.subi %add3A_642, %sub3A_643 : i32
      %get3A_645 = arith.index_cast %sub3A_644 : i32 to index
      %get3A_646 = tpu.vector_load %arg7[%get3A_645] {strides = array<i32>} : memref<560xi32, #tpu.memory_space<vmem>>, vector<16xi32>,
      %mul3A_647 = arith.constant 16 : i32
      %mul3A_648 = arith.muli %while3A_608, %mul3A_647 : i32
      %add3A_649 = arith.constant 32 : i32
      %add3A_650 = arith.addi %add3A_649, %mul3A_648 : i32
      %sub3A_651 = arith.constant 8 : i32
      %sub3A_652 = arith.subi %add3A_650, %sub3A_651 : i32
      %get3A_653 = arith.index_cast %sub3A_652 : i32 to index
      %get3A_654 = tpu.vector_load %arg7[%get3A_653] {strides = array<i32>} : memref<560xi32, #tpu.memory_space<vmem>>, vector<16xi32>,
      %mul3A_655 = arith.constant 16 : i32
      %mul3A_656 = arith.muli %while3A_608, %mul3A_655 : i32
      %add3A_657 = arith.constant 32 : i32
      %add3A_658 = arith.addi %add3A_657, %mul3A_656 : i32
      %sub3A_659 = arith.constant 13 : i32
      %sub3A_660 = arith.subi %add3A_658, %sub3A_659 : i32
      %get3A_661 = arith.index_cast %sub3A_660 : i32 to index
      %get3A_662 = tpu.vector_load %arg7[%get3A_661] {strides = array<i32>} : memref<560xi32, #tpu.memory_space<vmem>>, vector<16xi32>,
      %mul3A_663 = arith.constant 16 : i32
      %mul3A_664 = arith.muli %while3A_608, %mul3A_663 : i32
      %add3A_665 = arith.constant 32 : i32
      %add3A_666 = arith.addi %add3A_665, %mul3A_664 : i32
      %sub3A_667 = arith.constant 21 : i32
      %sub3A_668 = arith.subi %add3A_666, %sub3A_667 : i32
      %get3A_669 = arith.index_cast %sub3A_668 : i32 to index
      %get3A_670 = tpu.vector_load %arg7[%get3A_669] {strides = array<i32>} : memref<560xi32, #tpu.memory_space<vmem>>, vector<16xi32>,
      %mul3A_671 = arith.constant 31153 : i32
      %mul3A_672 = vector.broadcast %mul3A_671 : i32 to vector<16xi32>
      %mul3A_673 = arith.muli %get3A_614, %mul3A_672 : vector<16xi32>
      %and3A = arith.constant 65535 : i32
      %and3A_674 = vector.broadcast %and3A : i32 to vector<16xi32>
      %and3A_675 = arith.andi %mul3A_673, %and3A_674 : vector<16xi32>
      %mul3A_676 = arith.constant 51831 : i32
      %mul3A_677 = vector.broadcast %mul3A_676 : i32 to vector<16xi32>
      %mul3A_678 = arith.muli %get3A_622, %mul3A_677 : vector<16xi32>
      %and3A_679 = arith.constant 65535 : i32
      %and3A_680 = vector.broadcast %and3A_679 : i32 to vector<16xi32>
      %and3A_681 = arith.andi %mul3A_678, %and3A_680 : vector<16xi32>
      %xor3A = arith.xori %and3A_675, %and3A_681 : vector<16xi32>
      %mul3A_682 = arith.constant 44605 : i32
      %mul3A_683 = vector.broadcast %mul3A_682 : i32 to vector<16xi32>
      %mul3A_684 = arith.muli %get3A_630, %mul3A_683 : vector<16xi32>
      %and3A_685 = arith.constant 65535 : i32
      %and3A_686 = vector.broadcast %and3A_685 : i32 to vector<16xi32>
      %and3A_687 = arith.andi %mul3A_684, %and3A_686 : vector<16xi32>
      %xor3A_688 = arith.xori %xor3A, %and3A_687 : vector<16xi32>
      %mul3A_689 = arith.constant 35921 : i32
      %mul3A_690 = vector.broadcast %mul3A_689 : i32 to vector<16xi32>
      %mul3A_691 = arith.muli %get3A_638, %mul3A_690 : vector<16xi32>
      %and3A_692 = arith.constant 65535 : i32
      %and3A_693 = vector.broadcast %and3A_692 : i32 to vector<16xi32>
      %and3A_694 = arith.andi %mul3A_691, %and3A_693 : vector<16xi32>
      %xor3A_695 = arith.xori %xor3A_688, %and3A_694 : vector<16xi32>
      %mul3A_696 = arith.constant 29589 : i32
      %mul3A_697 = vector.broadcast %mul3A_696 : i32 to vector<16xi32>
      %mul3A_698 = arith.muli %get3A_646, %mul3A_697 : vector<16xi32>
      %and3A_699 = arith.constant 65535 : i32
      %and3A_700 = vector.broadcast %and3A_699 : i32 to vector<16xi32>
      %and3A_701 = arith.andi %mul3A_698, %and3A_700 : vector<16xi32>
      %xor3A_702 = arith.xori %xor3A_695, %and3A_701 : vector<16xi32>
      %mul3A_703 = arith.constant 5 : i32
      %mul3A_704 = vector.broadcast %mul3A_703 : i32 to vector<16xi32>
      %mul3A_705 = arith.muli %get3A_654, %mul3A_704 : vector<16xi32>
      %and3A_706 = arith.constant 65535 : i32
      %and3A_707 = vector.broadcast %and3A_706 : i32 to vector<16xi32>
      %and3A_708 = arith.andi %mul3A_705, %and3A_707 : vector<16xi32>
      %xor3A_709 = arith.xori %xor3A_702, %and3A_708 : vector<16xi32>
      %mul3A_710 = arith.constant 89 : i32
      %mul3A_711 = vector.broadcast %mul3A_710 : i32 to vector<16xi32>
      %mul3A_712 = arith.muli %get3A_662, %mul3A_711 : vector<16xi32>
      %and3A_713 = arith.constant 65535 : i32
      %and3A_714 = vector.broadcast %and3A_713 : i32 to vector<16xi32>
      %and3A_715 = arith.andi %mul3A_712, %and3A_714 : vector<16xi32>
      %xor3A_716 = arith.xori %xor3A_709, %and3A_715 : vector<16xi32>
      %mul3A_717 = arith.constant 5 : i32
      %mul3A_718 = vector.broadcast %mul3A_717 : i32 to vector<16xi32>
      %mul3A_719 = arith.muli %get3A_670, %mul3A_718 : vector<16xi32>
      %and3A_720 = arith.constant 65535 : i32
      %and3A_721 = vector.broadcast %and3A_720 : i32 to vector<16xi32>
      %and3A_722 = arith.andi %mul3A_719, %and3A_721 : vector<16xi32>
      %xor3A_723 = arith.xori %xor3A_716, %and3A_722 : vector<16xi32>
      %mul3A_724 = arith.constant 128 : i32
      %mul3A_725 = arith.muli %while3A_608, %mul3A_724 : i32
      %add3A_726 = vector.broadcast %mul3A_725 : i32 to vector<16xi32>
      %add3A_727 = arith.addi %add3A_726, %mul3A_15 : vector<16xi32>
      %add3A_728 = arith.constant 0 : i32
      %add3A_729 = vector.broadcast %add3A_728 : i32 to vector<16xi32>
      %add3A_730 = arith.addi %add3A_727, %add3A_729 : vector<16xi32>
      %mul3A_731 = arith.constant 8 : i32
      %mul3A_732 = vector.broadcast %mul3A_731 : i32 to vector<16xi32>
      %mul3A_733 = arith.muli %xor3A_723, %mul3A_732 : vector<16xi32>
      %add3A_734 = arith.constant 0 : i32
      %add3A_735 = vector.broadcast %add3A_734 : i32 to vector<16xi32>
      %add3A_736 = arith.addi %mul3A_733, %add3A_735 : vector<16xi32>
      tpu.vector_store_idx %arg8[%add3A_730], %add3A_736 : memref<4096xi32, #tpu.memory_space<vmem>>[vector<16xi32>], vector<16xi32>,
      %mul3A_737 = arith.constant 35921 : i32
      %mul3A_738 = vector.broadcast %mul3A_737 : i32 to vector<16xi32>
      %mul3A_739 = arith.muli %get3A_614, %mul3A_738 : vector<16xi32>
      %and3A_740 = arith.constant 65535 : i32
      %and3A_741 = vector.broadcast %and3A_740 : i32 to vector<16xi32>
      %and3A_742 = arith.andi %mul3A_739, %and3A_741 : vector<16xi32>
      %mul3A_743 = arith.constant 29589 : i32
      %mul3A_744 = vector.broadcast %mul3A_743 : i32 to vector<16xi32>
      %mul3A_745 = arith.muli %get3A_622, %mul3A_744 : vector<16xi32>
      %and3A_746 = arith.constant 65535 : i32
      %and3A_747 = vector.broadcast %and3A_746 : i32 to vector<16xi32>
      %and3A_748 = arith.andi %mul3A_745, %and3A_747 : vector<16xi32>
      %xor3A_749 = arith.xori %and3A_742, %and3A_748 : vector<16xi32>
      %mul3A_750 = arith.constant 5 : i32
      %mul3A_751 = vector.broadcast %mul3A_750 : i32 to vector<16xi32>
      %mul3A_752 = arith.muli %get3A_630, %mul3A_751 : vector<16xi32>
      %and3A_753 = arith.constant 65535 : i32
      %and3A_754 = vector.broadcast %and3A_753 : i32 to vector<16xi32>
      %and3A_755 = arith.andi %mul3A_752, %and3A_754 : vector<16xi32>
      %xor3A_756 = arith.xori %xor3A_749, %and3A_755 : vector<16xi32>
      %mul3A_757 = arith.constant 89 : i32
      %mul3A_758 = vector.broadcast %mul3A_757 : i32 to vector<16xi32>
      %mul3A_759 = arith.muli %get3A_638, %mul3A_758 : vector<16xi32>
      %and3A_760 = arith.constant 65535 : i32
      %and3A_761 = vector.broadcast %and3A_760 : i32 to vector<16xi32>
      %and3A_762 = arith.andi %mul3A_759, %and3A_761 : vector<16xi32>
      %xor3A_763 = arith.xori %xor3A_756, %and3A_762 : vector<16xi32>
      %mul3A_764 = arith.constant 5 : i32
      %mul3A_765 = vector.broadcast %mul3A_764 : i32 to vector<16xi32>
      %mul3A_766 = arith.muli %get3A_646, %mul3A_765 : vector<16xi32>
      %and3A_767 = arith.constant 65535 : i32
      %and3A_768 = vector.broadcast %and3A_767 : i32 to vector<16xi32>
      %and3A_769 = arith.andi %mul3A_766, %and3A_768 : vector<16xi32>
      %xor3A_770 = arith.xori %xor3A_763, %and3A_769 : vector<16xi32>
      %mul3A_771 = arith.constant 49909 : i32
      %mul3A_772 = vector.broadcast %mul3A_771 : i32 to vector<16xi32>
      %mul3A_773 = arith.muli %get3A_654, %mul3A_772 : vector<16xi32>
      %and3A_774 = arith.constant 65535 : i32
      %and3A_775 = vector.broadcast %and3A_774 : i32 to vector<16xi32>
      %and3A_776 = arith.andi %mul3A_773, %and3A_775 : vector<16xi32>
      %xor3A_777 = arith.xori %xor3A_770, %and3A_776 : vector<16xi32>
      %mul3A_778 = arith.constant 36521 : i32
      %mul3A_779 = vector.broadcast %mul3A_778 : i32 to vector<16xi32>
      %mul3A_780 = arith.muli %get3A_662, %mul3A_779 : vector<16xi32>
      %and3A_781 = arith.constant 65535 : i32
      %and3A_782 = vector.broadcast %and3A_781 : i32 to vector<16xi32>
      %and3A_783 = arith.andi %mul3A_780, %and3A_782 : vector<16xi32>
      %xor3A_784 = arith.xori %xor3A_777, %and3A_783 : vector<16xi32>
      %mul3A_785 = arith.constant 65535 : i32
      %mul3A_786 = vector.broadcast %mul3A_785 : i32 to vector<16xi32>
      %mul3A_787 = arith.muli %get3A_670, %mul3A_786 : vector<16xi32>
      %and3A_788 = arith.constant 65535 : i32
      %and3A_789 = vector.broadcast %and3A_788 : i32 to vector<16xi32>
      %and3A_790 = arith.andi %mul3A_787, %and3A_789 : vector<16xi32>
      %xor3A_791 = arith.xori %xor3A_784, %and3A_790 : vector<16xi32>
      %mul3A_792 = arith.constant 128 : i32
      %mul3A_793 = arith.muli %while3A_608, %mul3A_792 : i32
      %add3A_794 = vector.broadcast %mul3A_793 : i32 to vector<16xi32>
      %add3A_795 = arith.addi %add3A_794, %mul3A_15 : vector<16xi32>
      %add3A_796 = arith.constant 1 : i32
      %add3A_797 = vector.broadcast %add3A_796 : i32 to vector<16xi32>
      %add3A_798 = arith.addi %add3A_795, %add3A_797 : vector<16xi32>
      %mul3A_799 = arith.constant 8 : i32
      %mul3A_800 = vector.broadcast %mul3A_799 : i32 to vector<16xi32>
      %mul3A_801 = arith.muli %xor3A_791, %mul3A_800 : vector<16xi32>
      %add3A_802 = arith.constant 1 : i32
      %add3A_803 = vector.broadcast %add3A_802 : i32 to vector<16xi32>
      %add3A_804 = arith.addi %mul3A_801, %add3A_803 : vector<16xi32>
      tpu.vector_store_idx %arg8[%add3A_798], %add3A_804 : memref<4096xi32, #tpu.memory_space<vmem>>[vector<16xi32>], vector<16xi32>,
      %mul3A_805 = arith.constant 89 : i32
      %mul3A_806 = vector.broadcast %mul3A_805 : i32 to vector<16xi32>
      %mul3A_807 = arith.muli %get3A_614, %mul3A_806 : vector<16xi32>
      %and3A_808 = arith.constant 65535 : i32
      %and3A_809 = vector.broadcast %and3A_808 : i32 to vector<16xi32>
      %and3A_810 = arith.andi %mul3A_807, %and3A_809 : vector<16xi32>
      %mul3A_811 = arith.constant 5 : i32
      %mul3A_812 = vector.broadcast %mul3A_811 : i32 to vector<16xi32>
      %mul3A_813 = arith.muli %get3A_622, %mul3A_812 : vector<16xi32>
      %and3A_814 = arith.constant 65535 : i32
      %and3A_815 = vector.broadcast %and3A_814 : i32 to vector<16xi32>
      %and3A_816 = arith.andi %mul3A_813, %and3A_815 : vector<16xi32>
      %xor3A_817 = arith.xori %and3A_810, %and3A_816 : vector<16xi32>
      %mul3A_818 = arith.constant 49909 : i32
      %mul3A_819 = vector.broadcast %mul3A_818 : i32 to vector<16xi32>
      %mul3A_820 = arith.muli %get3A_630, %mul3A_819 : vector<16xi32>
      %and3A_821 = arith.constant 65535 : i32
      %and3A_822 = vector.broadcast %and3A_821 : i32 to vector<16xi32>
      %and3A_823 = arith.andi %mul3A_820, %and3A_822 : vector<16xi32>
      %xor3A_824 = arith.xori %xor3A_817, %and3A_823 : vector<16xi32>
      %mul3A_825 = arith.constant 36521 : i32
      %mul3A_826 = vector.broadcast %mul3A_825 : i32 to vector<16xi32>
      %mul3A_827 = arith.muli %get3A_638, %mul3A_826 : vector<16xi32>
      %and3A_828 = arith.constant 65535 : i32
      %and3A_829 = vector.broadcast %and3A_828 : i32 to vector<16xi32>
      %and3A_830 = arith.andi %mul3A_827, %and3A_829 : vector<16xi32>
      %xor3A_831 = arith.xori %xor3A_824, %and3A_830 : vector<16xi32>
      %mul3A_832 = arith.constant 65535 : i32
      %mul3A_833 = vector.broadcast %mul3A_832 : i32 to vector<16xi32>
      %mul3A_834 = arith.muli %get3A_646, %mul3A_833 : vector<16xi32>
      %and3A_835 = arith.constant 65535 : i32
      %and3A_836 = vector.broadcast %and3A_835 : i32 to vector<16xi32>
      %and3A_837 = arith.andi %mul3A_834, %and3A_836 : vector<16xi32>
      %xor3A_838 = arith.xori %xor3A_831, %and3A_837 : vector<16xi32>
      %mul3A_839 = arith.constant 9441 : i32
      %mul3A_840 = vector.broadcast %mul3A_839 : i32 to vector<16xi32>
      %mul3A_841 = arith.muli %get3A_654, %mul3A_840 : vector<16xi32>
      %and3A_842 = arith.constant 65535 : i32
      %and3A_843 = vector.broadcast %and3A_842 : i32 to vector<16xi32>
      %and3A_844 = arith.andi %mul3A_841, %and3A_843 : vector<16xi32>
      %xor3A_845 = arith.xori %xor3A_838, %and3A_844 : vector<16xi32>
      %mul3A_846 = arith.constant 3551 : i32
      %mul3A_847 = vector.broadcast %mul3A_846 : i32 to vector<16xi32>
      %mul3A_848 = arith.muli %get3A_662, %mul3A_847 : vector<16xi32>
      %and3A_849 = arith.constant 65535 : i32
      %and3A_850 = vector.broadcast %and3A_849 : i32 to vector<16xi32>
      %and3A_851 = arith.andi %mul3A_848, %and3A_850 : vector<16xi32>
      %xor3A_852 = arith.xori %xor3A_845, %and3A_851 : vector<16xi32>
      %mul3A_853 = arith.constant 30413 : i32
      %mul3A_854 = vector.broadcast %mul3A_853 : i32 to vector<16xi32>
      %mul3A_855 = arith.muli %get3A_670, %mul3A_854 : vector<16xi32>
      %and3A_856 = arith.constant 65535 : i32
      %and3A_857 = vector.broadcast %and3A_856 : i32 to vector<16xi32>
      %and3A_858 = arith.andi %mul3A_855, %and3A_857 : vector<16xi32>
      %xor3A_859 = arith.xori %xor3A_852, %and3A_858 : vector<16xi32>
      %mul3A_860 = arith.constant 128 : i32
      %mul3A_861 = arith.muli %while3A_608, %mul3A_860 : i32
      %add3A_862 = vector.broadcast %mul3A_861 : i32 to vector<16xi32>
      %add3A_863 = arith.addi %add3A_862, %mul3A_15 : vector<16xi32>
      %add3A_864 = arith.constant 2 : i32
      %add3A_865 = vector.broadcast %add3A_864 : i32 to vector<16xi32>
      %add3A_866 = arith.addi %add3A_863, %add3A_865 : vector<16xi32>
      %mul3A_867 = arith.constant 8 : i32
      %mul3A_868 = vector.broadcast %mul3A_867 : i32 to vector<16xi32>
      %mul3A_869 = arith.muli %xor3A_859, %mul3A_868 : vector<16xi32>
      %add3A_870 = arith.constant 2 : i32
      %add3A_871 = vector.broadcast %add3A_870 : i32 to vector<16xi32>
      %add3A_872 = arith.addi %mul3A_869, %add3A_871 : vector<16xi32>
      tpu.vector_store_idx %arg8[%add3A_866], %add3A_872 : memref<4096xi32, #tpu.memory_space<vmem>>[vector<16xi32>], vector<16xi32>,
      %mul3A_873 = arith.constant 36521 : i32
      %mul3A_874 = vector.broadcast %mul3A_873 : i32 to vector<16xi32>
      %mul3A_875 = arith.muli %get3A_614, %mul3A_874 : vector<16xi32>
      %and3A_876 = arith.constant 65535 : i32
      %and3A_877 = vector.broadcast %and3A_876 : i32 to vector<16xi32>
      %and3A_878 = arith.andi %mul3A_875, %and3A_877 : vector<16xi32>
      %mul3A_879 = arith.constant 65535 : i32
      %mul3A_880 = vector.broadcast %mul3A_879 : i32 to vector<16xi32>
      %mul3A_881 = arith.muli %get3A_622, %mul3A_880 : vector<16xi32>
      %and3A_882 = arith.constant 65535 : i32
      %and3A_883 = vector.broadcast %and3A_882 : i32 to vector<16xi32>
      %and3A_884 = arith.andi %mul3A_881, %and3A_883 : vector<16xi32>
      %xor3A_885 = arith.xori %and3A_878, %and3A_884 : vector<16xi32>
      %mul3A_886 = arith.constant 9441 : i32
      %mul3A_887 = vector.broadcast %mul3A_886 : i32 to vector<16xi32>
      %mul3A_888 = arith.muli %get3A_630, %mul3A_887 : vector<16xi32>
      %and3A_889 = arith.constant 65535 : i32
      %and3A_890 = vector.broadcast %and3A_889 : i32 to vector<16xi32>
      %and3A_891 = arith.andi %mul3A_888, %and3A_890 : vector<16xi32>
      %xor3A_892 = arith.xori %xor3A_885, %and3A_891 : vector<16xi32>
      %mul3A_893 = arith.constant 3551 : i32
      %mul3A_894 = vector.broadcast %mul3A_893 : i32 to vector<16xi32>
      %mul3A_895 = arith.muli %get3A_638, %mul3A_894 : vector<16xi32>
      %and3A_896 = arith.constant 65535 : i32
      %and3A_897 = vector.broadcast %and3A_896 : i32 to vector<16xi32>
      %and3A_898 = arith.andi %mul3A_895, %and3A_897 : vector<16xi32>
      %xor3A_899 = arith.xori %xor3A_892, %and3A_898 : vector<16xi32>
      %mul3A_900 = arith.constant 30413 : i32
      %mul3A_901 = vector.broadcast %mul3A_900 : i32 to vector<16xi32>
      %mul3A_902 = arith.muli %get3A_646, %mul3A_901 : vector<16xi32>
      %and3A_903 = arith.constant 65535 : i32
      %and3A_904 = vector.broadcast %and3A_903 : i32 to vector<16xi32>
      %and3A_905 = arith.andi %mul3A_902, %and3A_904 : vector<16xi32>
      %xor3A_906 = arith.xori %xor3A_899, %and3A_905 : vector<16xi32>
      %mul3A_907 = arith.constant 31181 : i32
      %mul3A_908 = vector.broadcast %mul3A_907 : i32 to vector<16xi32>
      %mul3A_909 = arith.muli %get3A_654, %mul3A_908 : vector<16xi32>
      %and3A_910 = arith.constant 65535 : i32
      %and3A_911 = vector.broadcast %and3A_910 : i32 to vector<16xi32>
      %and3A_912 = arith.andi %mul3A_909, %and3A_911 : vector<16xi32>
      %xor3A_913 = arith.xori %xor3A_906, %and3A_912 : vector<16xi32>
      %mul3A_914 = arith.constant 19905 : i32
      %mul3A_915 = vector.broadcast %mul3A_914 : i32 to vector<16xi32>
      %mul3A_916 = arith.muli %get3A_662, %mul3A_915 : vector<16xi32>
      %and3A_917 = arith.constant 65535 : i32
      %and3A_918 = vector.broadcast %and3A_917 : i32 to vector<16xi32>
      %and3A_919 = arith.andi %mul3A_916, %and3A_918 : vector<16xi32>
      %xor3A_920 = arith.xori %xor3A_913, %and3A_919 : vector<16xi32>
      %mul3A_921 = arith.constant 51843 : i32
      %mul3A_922 = vector.broadcast %mul3A_921 : i32 to vector<16xi32>
      %mul3A_923 = arith.muli %get3A_670, %mul3A_922 : vector<16xi32>
      %and3A_924 = arith.constant 65535 : i32
      %and3A_925 = vector.broadcast %and3A_924 : i32 to vector<16xi32>
      %and3A_926 = arith.andi %mul3A_923, %and3A_925 : vector<16xi32>
      %xor3A_927 = arith.xori %xor3A_920, %and3A_926 : vector<16xi32>
      %mul3A_928 = arith.constant 128 : i32
      %mul3A_929 = arith.muli %while3A_608, %mul3A_928 : i32
      %add3A_930 = vector.broadcast %mul3A_929 : i32 to vector<16xi32>
      %add3A_931 = arith.addi %add3A_930, %mul3A_15 : vector<16xi32>
      %add3A_932 = arith.constant 3 : i32
      %add3A_933 = vector.broadcast %add3A_932 : i32 to vector<16xi32>
      %add3A_934 = arith.addi %add3A_931, %add3A_933 : vector<16xi32>
      %mul3A_935 = arith.constant 8 : i32
      %mul3A_936 = vector.broadcast %mul3A_935 : i32 to vector<16xi32>
      %mul3A_937 = arith.muli %xor3A_927, %mul3A_936 : vector<16xi32>
      %add3A_938 = arith.constant 3 : i32
      %add3A_939 = vector.broadcast %add3A_938 : i32 to vector<16xi32>
      %add3A_940 = arith.addi %mul3A_937, %add3A_939 : vector<16xi32>
      tpu.vector_store_idx %arg8[%add3A_934], %add3A_940 : memref<4096xi32, #tpu.memory_space<vmem>>[vector<16xi32>], vector<16xi32>,
      %mul3A_941 = arith.constant 3551 : i32
      %mul3A_942 = vector.broadcast %mul3A_941 : i32 to vector<16xi32>
      %mul3A_943 = arith.muli %get3A_614, %mul3A_942 : vector<16xi32>
      %and3A_944 = arith.constant 65535 : i32
      %and3A_945 = vector.broadcast %and3A_944 : i32 to vector<16xi32>
      %and3A_946 = arith.andi %mul3A_943, %and3A_945 : vector<16xi32>
      %mul3A_947 = arith.constant 30413 : i32
      %mul3A_948 = vector.broadcast %mul3A_947 : i32 to vector<16xi32>
      %mul3A_949 = arith.muli %get3A_622, %mul3A_948 : vector<16xi32>
      %and3A_950 = arith.constant 65535 : i32
      %and3A_951 = vector.broadcast %and3A_950 : i32 to vector<16xi32>
      %and3A_952 = arith.andi %mul3A_949, %and3A_951 : vector<16xi32>
      %xor3A_953 = arith.xori %and3A_946, %and3A_952 : vector<16xi32>
      %mul3A_954 = arith.constant 31181 : i32
      %mul3A_955 = vector.broadcast %mul3A_954 : i32 to vector<16xi32>
      %mul3A_956 = arith.muli %get3A_630, %mul3A_955 : vector<16xi32>
      %and3A_957 = arith.constant 65535 : i32
      %and3A_958 = vector.broadcast %and3A_957 : i32 to vector<16xi32>
      %and3A_959 = arith.andi %mul3A_956, %and3A_958 : vector<16xi32>
      %xor3A_960 = arith.xori %xor3A_953, %and3A_959 : vector<16xi32>
      %mul3A_961 = arith.constant 19905 : i32
      %mul3A_962 = vector.broadcast %mul3A_961 : i32 to vector<16xi32>
      %mul3A_963 = arith.muli %get3A_638, %mul3A_962 : vector<16xi32>
      %and3A_964 = arith.constant 65535 : i32
      %and3A_965 = vector.broadcast %and3A_964 : i32 to vector<16xi32>
      %and3A_966 = arith.andi %mul3A_963, %and3A_965 : vector<16xi32>
      %xor3A_967 = arith.xori %xor3A_960, %and3A_966 : vector<16xi32>
      %mul3A_968 = arith.constant 51843 : i32
      %mul3A_969 = vector.broadcast %mul3A_968 : i32 to vector<16xi32>
      %mul3A_970 = arith.muli %get3A_646, %mul3A_969 : vector<16xi32>
      %and3A_971 = arith.constant 65535 : i32
      %and3A_972 = vector.broadcast %and3A_971 : i32 to vector<16xi32>
      %and3A_973 = arith.andi %mul3A_970, %and3A_972 : vector<16xi32>
      %xor3A_974 = arith.xori %xor3A_967, %and3A_973 : vector<16xi32>
      %mul3A_975 = arith.constant 44615 : i32
      %mul3A_976 = vector.broadcast %mul3A_975 : i32 to vector<16xi32>
      %mul3A_977 = arith.muli %get3A_654, %mul3A_976 : vector<16xi32>
      %and3A_978 = arith.constant 65535 : i32
      %and3A_979 = vector.broadcast %and3A_978 : i32 to vector<16xi32>
      %and3A_980 = arith.andi %mul3A_977, %and3A_979 : vector<16xi32>
      %xor3A_981 = arith.xori %xor3A_974, %and3A_980 : vector<16xi32>
      %mul3A_982 = arith.constant 35927 : i32
      %mul3A_983 = vector.broadcast %mul3A_982 : i32 to vector<16xi32>
      %mul3A_984 = arith.muli %get3A_662, %mul3A_983 : vector<16xi32>
      %and3A_985 = arith.constant 65535 : i32
      %and3A_986 = vector.broadcast %and3A_985 : i32 to vector<16xi32>
      %and3A_987 = arith.andi %mul3A_984, %and3A_986 : vector<16xi32>
      %xor3A_988 = arith.xori %xor3A_981, %and3A_987 : vector<16xi32>
      %mul3A_989 = arith.constant 29597 : i32
      %mul3A_990 = vector.broadcast %mul3A_989 : i32 to vector<16xi32>
      %mul3A_991 = arith.muli %get3A_670, %mul3A_990 : vector<16xi32>
      %and3A_992 = arith.constant 65535 : i32
      %and3A_993 = vector.broadcast %and3A_992 : i32 to vector<16xi32>
      %and3A_994 = arith.andi %mul3A_991, %and3A_993 : vector<16xi32>
      %xor3A_995 = arith.xori %xor3A_988, %and3A_994 : vector<16xi32>
      %mul3A_996 = arith.constant 128 : i32
      %mul3A_997 = arith.muli %while3A_608, %mul3A_996 : i32
      %add3A_998 = vector.broadcast %mul3A_997 : i32 to vector<16xi32>
      %add3A_999 = arith.addi %add3A_998, %mul3A_15 : vector<16xi32>
      %add3A_1000 = arith.constant 4 : i32
      %add3A_1001 = vector.broadcast %add3A_1000 : i32 to vector<16xi32>
      %add3A_1002 = arith.addi %add3A_999, %add3A_1001 : vector<16xi32>
      %mul3A_1003 = arith.constant 8 : i32
      %mul3A_1004 = vector.broadcast %mul3A_1003 : i32 to vector<16xi32>
      %mul3A_1005 = arith.muli %xor3A_995, %mul3A_1004 : vector<16xi32>
      %add3A_1006 = arith.constant 4 : i32
      %add3A_1007 = vector.broadcast %add3A_1006 : i32 to vector<16xi32>
      %add3A_1008 = arith.addi %mul3A_1005, %add3A_1007 : vector<16xi32>
      tpu.vector_store_idx %arg8[%add3A_1002], %add3A_1008 : memref<4096xi32, #tpu.memory_space<vmem>>[vector<16xi32>], vector<16xi32>,
      %mul3A_1009 = arith.constant 19905 : i32
      %mul3A_1010 = vector.broadcast %mul3A_1009 : i32 to vector<16xi32>
      %mul3A_1011 = arith.muli %get3A_614, %mul3A_1010 : vector<16xi32>
      %and3A_1012 = arith.constant 65535 : i32
      %and3A_1013 = vector.broadcast %and3A_1012 : i32 to vector<16xi32>
      %and3A_1014 = arith.andi %mul3A_1011, %and3A_1013 : vector<16xi32>
      %mul3A_1015 = arith.constant 51843 : i32
      %mul3A_1016 = vector.broadcast %mul3A_1015 : i32 to vector<16xi32>
      %mul3A_1017 = arith.muli %get3A_622, %mul3A_1016 : vector<16xi32>
      %and3A_1018 = arith.constant 65535 : i32
      %and3A_1019 = vector.broadcast %and3A_1018 : i32 to vector<16xi32>
      %and3A_1020 = arith.andi %mul3A_1017, %and3A_1019 : vector<16xi32>
      %xor3A_1021 = arith.xori %and3A_1014, %and3A_1020 : vector<16xi32>
      %mul3A_1022 = arith.constant 44615 : i32
      %mul3A_1023 = vector.broadcast %mul3A_1022 : i32 to vector<16xi32>
      %mul3A_1024 = arith.muli %get3A_630, %mul3A_1023 : vector<16xi32>
      %and3A_1025 = arith.constant 65535 : i32
      %and3A_1026 = vector.broadcast %and3A_1025 : i32 to vector<16xi32>
      %and3A_1027 = arith.andi %mul3A_1024, %and3A_1026 : vector<16xi32>
      %xor3A_1028 = arith.xori %xor3A_1021, %and3A_1027 : vector<16xi32>
      %mul3A_1029 = arith.constant 35927 : i32
      %mul3A_1030 = vector.broadcast %mul3A_1029 : i32 to vector<16xi32>
      %mul3A_1031 = arith.muli %get3A_638, %mul3A_1030 : vector<16xi32>
      %and3A_1032 = arith.constant 65535 : i32
      %and3A_1033 = vector.broadcast %and3A_1032 : i32 to vector<16xi32>
      %and3A_1034 = arith.andi %mul3A_1031, %and3A_1033 : vector<16xi32>
      %xor3A_1035 = arith.xori %xor3A_1028, %and3A_1034 : vector<16xi32>
      %mul3A_1036 = arith.constant 29597 : i32
      %mul3A_1037 = vector.broadcast %mul3A_1036 : i32 to vector<16xi32>
      %mul3A_1038 = arith.muli %get3A_646, %mul3A_1037 : vector<16xi32>
      %and3A_1039 = arith.constant 65535 : i32
      %and3A_1040 = vector.broadcast %and3A_1039 : i32 to vector<16xi32>
      %and3A_1041 = arith.andi %mul3A_1038, %and3A_1040 : vector<16xi32>
      %xor3A_1042 = arith.xori %xor3A_1035, %and3A_1041 : vector<16xi32>
      %mul3A_1043 = arith.constant 31153 : i32
      %mul3A_1044 = vector.broadcast %mul3A_1043 : i32 to vector<16xi32>
      %mul3A_1045 = arith.muli %get3A_654, %mul3A_1044 : vector<16xi32>
      %and3A_1046 = arith.constant 65535 : i32
      %and3A_1047 = vector.broadcast %and3A_1046 : i32 to vector<16xi32>
      %and3A_1048 = arith.andi %mul3A_1045, %and3A_1047 : vector<16xi32>
      %xor3A_1049 = arith.xori %xor3A_1042, %and3A_1048 : vector<16xi32>
      %mul3A_1050 = arith.constant 51831 : i32
      %mul3A_1051 = vector.broadcast %mul3A_1050 : i32 to vector<16xi32>
      %mul3A_1052 = arith.muli %get3A_662, %mul3A_1051 : vector<16xi32>
      %and3A_1053 = arith.constant 65535 : i32
      %and3A_1054 = vector.broadcast %and3A_1053 : i32 to vector<16xi32>
      %and3A_1055 = arith.andi %mul3A_1052, %and3A_1054 : vector<16xi32>
      %xor3A_1056 = arith.xori %xor3A_1049, %and3A_1055 : vector<16xi32>
      %mul3A_1057 = arith.constant 44605 : i32
      %mul3A_1058 = vector.broadcast %mul3A_1057 : i32 to vector<16xi32>
      %mul3A_1059 = arith.muli %get3A_670, %mul3A_1058 : vector<16xi32>
      %and3A_1060 = arith.constant 65535 : i32
      %and3A_1061 = vector.broadcast %and3A_1060 : i32 to vector<16xi32>
      %and3A_1062 = arith.andi %mul3A_1059, %and3A_1061 : vector<16xi32>
      %xor3A_1063 = arith.xori %xor3A_1056, %and3A_1062 : vector<16xi32>
      %mul3A_1064 = arith.constant 128 : i32
      %mul3A_1065 = arith.muli %while3A_608, %mul3A_1064 : i32
      %add3A_1066 = vector.broadcast %mul3A_1065 : i32 to vector<16xi32>
      %add3A_1067 = arith.addi %add3A_1066, %mul3A_15 : vector<16xi32>
      %add3A_1068 = arith.constant 5 : i32
      %add3A_1069 = vector.broadcast %add3A_1068 : i32 to vector<16xi32>
      %add3A_1070 = arith.addi %add3A_1067, %add3A_1069 : vector<16xi32>
      %mul3A_1071 = arith.constant 8 : i32
      %mul3A_1072 = vector.broadcast %mul3A_1071 : i32 to vector<16xi32>
      %mul3A_1073 = arith.muli %xor3A_1063, %mul3A_1072 : vector<16xi32>
      %add3A_1074 = arith.constant 5 : i32
      %add3A_1075 = vector.broadcast %add3A_1074 : i32 to vector<16xi32>
      %add3A_1076 = arith.addi %mul3A_1073, %add3A_1075 : vector<16xi32>
      tpu.vector_store_idx %arg8[%add3A_1070], %add3A_1076 : memref<4096xi32, #tpu.memory_space<vmem>>[vector<16xi32>], vector<16xi32>,
      %mul3A_1077 = arith.constant 35927 : i32
      %mul3A_1078 = vector.broadcast %mul3A_1077 : i32 to vector<16xi32>
      %mul3A_1079 = arith.muli %get3A_614, %mul3A_1078 : vector<16xi32>
      %and3A_1080 = arith.constant 65535 : i32
      %and3A_1081 = vector.broadcast %and3A_1080 : i32 to vector<16xi32>
      %and3A_1082 = arith.andi %mul3A_1079, %and3A_1081 : vector<16xi32>
      %mul3A_1083 = arith.constant 29597 : i32
      %mul3A_1084 = vector.broadcast %mul3A_1083 : i32 to vector<16xi32>
      %mul3A_1085 = arith.muli %get3A_622, %mul3A_1084 : vector<16xi32>
      %and3A_1086 = arith.constant 65535 : i32
      %and3A_1087 = vector.broadcast %and3A_1086 : i32 to vector<16xi32>
      %and3A_1088 = arith.andi %mul3A_1085, %and3A_1087 : vector<16xi32>
      %xor3A_1089 = arith.xori %and3A_1082, %and3A_1088 : vector<16xi32>
      %mul3A_1090 = arith.constant 31153 : i32
      %mul3A_1091 = vector.broadcast %mul3A_1090 : i32 to vector<16xi32>
      %mul3A_1092 = arith.muli %get3A_630, %mul3A_1091 : vector<16xi32>
      %and3A_1093 = arith.constant 65535 : i32
      %and3A_1094 = vector.broadcast %and3A_1093 : i32 to vector<16xi32>
      %and3A_1095 = arith.andi %mul3A_1092, %and3A_1094 : vector<16xi32>
      %xor3A_1096 = arith.xori %xor3A_1089, %and3A_1095 : vector<16xi32>
      %mul3A_1097 = arith.constant 51831 : i32
      %mul3A_1098 = vector.broadcast %mul3A_1097 : i32 to vector<16xi32>
      %mul3A_1099 = arith.muli %get3A_638, %mul3A_1098 : vector<16xi32>
      %and3A_1100 = arith.constant 65535 : i32
      %and3A_1101 = vector.broadcast %and3A_1100 : i32 to vector<16xi32>
      %and3A_1102 = arith.andi %mul3A_1099, %and3A_1101 : vector<16xi32>
      %xor3A_1103 = arith.xori %xor3A_1096, %and3A_1102 : vector<16xi32>
      %mul3A_1104 = arith.constant 44605 : i32
      %mul3A_1105 = vector.broadcast %mul3A_1104 : i32 to vector<16xi32>
      %mul3A_1106 = arith.muli %get3A_646, %mul3A_1105 : vector<16xi32>
      %and3A_1107 = arith.constant 65535 : i32
      %and3A_1108 = vector.broadcast %and3A_1107 : i32 to vector<16xi32>
      %and3A_1109 = arith.andi %mul3A_1106, %and3A_1108 : vector<16xi32>
      %xor3A_1110 = arith.xori %xor3A_1103, %and3A_1109 : vector<16xi32>
      %mul3A_1111 = arith.constant 35921 : i32
      %mul3A_1112 = vector.broadcast %mul3A_1111 : i32 to vector<16xi32>
      %mul3A_1113 = arith.muli %get3A_654, %mul3A_1112 : vector<16xi32>
      %and3A_1114 = arith.constant 65535 : i32
      %and3A_1115 = vector.broadcast %and3A_1114 : i32 to vector<16xi32>
      %and3A_1116 = arith.andi %mul3A_1113, %and3A_1115 : vector<16xi32>
      %xor3A_1117 = arith.xori %xor3A_1110, %and3A_1116 : vector<16xi32>
      %mul3A_1118 = arith.constant 29589 : i32
      %mul3A_1119 = vector.broadcast %mul3A_1118 : i32 to vector<16xi32>
      %mul3A_1120 = arith.muli %get3A_662, %mul3A_1119 : vector<16xi32>
      %and3A_1121 = arith.constant 65535 : i32
      %and3A_1122 = vector.broadcast %and3A_1121 : i32 to vector<16xi32>
      %and3A_1123 = arith.andi %mul3A_1120, %and3A_1122 : vector<16xi32>
      %xor3A_1124 = arith.xori %xor3A_1117, %and3A_1123 : vector<16xi32>
      %mul3A_1125 = arith.constant 5 : i32
      %mul3A_1126 = vector.broadcast %mul3A_1125 : i32 to vector<16xi32>
      %mul3A_1127 = arith.muli %get3A_670, %mul3A_1126 : vector<16xi32>
      %and3A_1128 = arith.constant 65535 : i32
      %and3A_1129 = vector.broadcast %and3A_1128 : i32 to vector<16xi32>
      %and3A_1130 = arith.andi %mul3A_1127, %and3A_1129 : vector<16xi32>
      %xor3A_1131 = arith.xori %xor3A_1124, %and3A_1130 : vector<16xi32>
      %mul3A_1132 = arith.constant 128 : i32
      %mul3A_1133 = arith.muli %while3A_608, %mul3A_1132 : i32
      %add3A_1134 = vector.broadcast %mul3A_1133 : i32 to vector<16xi32>
      %add3A_1135 = arith.addi %add3A_1134, %mul3A_15 : vector<16xi32>
      %add3A_1136 = arith.constant 6 : i32
      %add3A_1137 = vector.broadcast %add3A_1136 : i32 to vector<16xi32>
      %add3A_1138 = arith.addi %add3A_1135, %add3A_1137 : vector<16xi32>
      %mul3A_1139 = arith.constant 8 : i32
      %mul3A_1140 = vector.broadcast %mul3A_1139 : i32 to vector<16xi32>
      %mul3A_1141 = arith.muli %xor3A_1131, %mul3A_1140 : vector<16xi32>
      %add3A_1142 = arith.constant 6 : i32
      %add3A_1143 = vector.broadcast %add3A_1142 : i32 to vector<16xi32>
      %add3A_1144 = arith.addi %mul3A_1141, %add3A_1143 : vector<16xi32>
      tpu.vector_store_idx %arg8[%add3A_1138], %add3A_1144 : memref<4096xi32, #tpu.memory_space<vmem>>[vector<16xi32>], vector<16xi32>,
      %mul3A_1145 = arith.constant 51831 : i32
      %mul3A_1146 = vector.broadcast %mul3A_1145 : i32 to vector<16xi32>
      %mul3A_1147 = arith.muli %get3A_614, %mul3A_1146 : vector<16xi32>
      %and3A_1148 = arith.constant 65535 : i32
      %and3A_1149 = vector.broadcast %and3A_1148 : i32 to vector<16xi32>
      %and3A_1150 = arith.andi %mul3A_1147, %and3A_1149 : vector<16xi32>
      %mul3A_1151 = arith.constant 44605 : i32
      %mul3A_1152 = vector.broadcast %mul3A_1151 : i32 to vector<16xi32>
      %mul3A_1153 = arith.muli %get3A_622, %mul3A_1152 : vector<16xi32>
      %and3A_1154 = arith.constant 65535 : i32
      %and3A_1155 = vector.broadcast %and3A_1154 : i32 to vector<16xi32>
      %and3A_1156 = arith.andi %mul3A_1153, %and3A_1155 : vector<16xi32>
      %xor3A_1157 = arith.xori %and3A_1150, %and3A_1156 : vector<16xi32>
      %mul3A_1158 = arith.constant 35921 : i32
      %mul3A_1159 = vector.broadcast %mul3A_1158 : i32 to vector<16xi32>
      %mul3A_1160 = arith.muli %get3A_630, %mul3A_1159 : vector<16xi32>
      %and3A_1161 = arith.constant 65535 : i32
      %and3A_1162 = vector.broadcast %and3A_1161 : i32 to vector<16xi32>
      %and3A_1163 = arith.andi %mul3A_1160, %and3A_1162 : vector<16xi32>
      %xor3A_1164 = arith.xori %xor3A_1157, %and3A_1163 : vector<16xi32>
      %mul3A_1165 = arith.constant 29589 : i32
      %mul3A_1166 = vector.broadcast %mul3A_1165 : i32 to vector<16xi32>
      %mul3A_1167 = arith.muli %get3A_638, %mul3A_1166 : vector<16xi32>
      %and3A_1168 = arith.constant 65535 : i32
      %and3A_1169 = vector.broadcast %and3A_1168 : i32 to vector<16xi32>
      %and3A_1170 = arith.andi %mul3A_1167, %and3A_1169 : vector<16xi32>
      %xor3A_1171 = arith.xori %xor3A_1164, %and3A_1170 : vector<16xi32>
      %mul3A_1172 = arith.constant 5 : i32
      %mul3A_1173 = vector.broadcast %mul3A_1172 : i32 to vector<16xi32>
      %mul3A_1174 = arith.muli %get3A_646, %mul3A_1173 : vector<16xi32>
      %and3A_1175 = arith.constant 65535 : i32
      %and3A_1176 = vector.broadcast %and3A_1175 : i32 to vector<16xi32>
      %and3A_1177 = arith.andi %mul3A_1174, %and3A_1176 : vector<16xi32>
      %xor3A_1178 = arith.xori %xor3A_1171, %and3A_1177 : vector<16xi32>
      %mul3A_1179 = arith.constant 89 : i32
      %mul3A_1180 = vector.broadcast %mul3A_1179 : i32 to vector<16xi32>
      %mul3A_1181 = arith.muli %get3A_654, %mul3A_1180 : vector<16xi32>
      %and3A_1182 = arith.constant 65535 : i32
      %and3A_1183 = vector.broadcast %and3A_1182 : i32 to vector<16xi32>
      %and3A_1184 = arith.andi %mul3A_1181, %and3A_1183 : vector<16xi32>
      %xor3A_1185 = arith.xori %xor3A_1178, %and3A_1184 : vector<16xi32>
      %mul3A_1186 = arith.constant 5 : i32
      %mul3A_1187 = vector.broadcast %mul3A_1186 : i32 to vector<16xi32>
      %mul3A_1188 = arith.muli %get3A_662, %mul3A_1187 : vector<16xi32>
      %and3A_1189 = arith.constant 65535 : i32
      %and3A_1190 = vector.broadcast %and3A_1189 : i32 to vector<16xi32>
      %and3A_1191 = arith.andi %mul3A_1188, %and3A_1190 : vector<16xi32>
      %xor3A_1192 = arith.xori %xor3A_1185, %and3A_1191 : vector<16xi32>
      %mul3A_1193 = arith.constant 49909 : i32
      %mul3A_1194 = vector.broadcast %mul3A_1193 : i32 to vector<16xi32>
      %mul3A_1195 = arith.muli %get3A_670, %mul3A_1194 : vector<16xi32>
      %and3A_1196 = arith.constant 65535 : i32
      %and3A_1197 = vector.broadcast %and3A_1196 : i32 to vector<16xi32>
      %and3A_1198 = arith.andi %mul3A_1195, %and3A_1197 : vector<16xi32>
      %xor3A_1199 = arith.xori %xor3A_1192, %and3A_1198 : vector<16xi32>
      %mul3A_1200 = arith.constant 128 : i32
      %mul3A_1201 = arith.muli %while3A_608, %mul3A_1200 : i32
      %add3A_1202 = vector.broadcast %mul3A_1201 : i32 to vector<16xi32>
      %add3A_1203 = arith.addi %add3A_1202, %mul3A_15 : vector<16xi32>
      %add3A_1204 = arith.constant 7 : i32
      %add3A_1205 = vector.broadcast %add3A_1204 : i32 to vector<16xi32>
      %add3A_1206 = arith.addi %add3A_1203, %add3A_1205 : vector<16xi32>
      %mul3A_1207 = arith.constant 8 : i32
      %mul3A_1208 = vector.broadcast %mul3A_1207 : i32 to vector<16xi32>
      %mul3A_1209 = arith.muli %xor3A_1199, %mul3A_1208 : vector<16xi32>
      %add3A_1210 = arith.constant 7 : i32
      %add3A_1211 = vector.broadcast %add3A_1210 : i32 to vector<16xi32>
      %add3A_1212 = arith.addi %mul3A_1209, %add3A_1211 : vector<16xi32>
      tpu.vector_store_idx %arg8[%add3A_1206], %add3A_1212 : memref<4096xi32, #tpu.memory_space<vmem>>[vector<16xi32>], vector<16xi32>,
    }
    %while3A_25 = arith.constant 1 : i32
    scf.for %while3A_608 = %while3A_23 to %while3A_19 step %while3A_25  : i32 {
      %mul3A_609 = arith.constant 16 : i32
      %mul3A_610 = arith.muli %while3A_608, %mul3A_609 : i32
      %add3A_611 = arith.constant 32 : i32
      %add3A_612 = arith.addi %add3A_611, %mul3A_610 : i32
      %sub3A = arith.constant 1 : i32
      %sub3A_613 = arith.subi %add3A_612, %sub3A : i32
      %get3A = arith.index_cast %sub3A_613 : i32 to index
      %get3A_614 = tpu.vector_load %arg7[%get3A] {strides = array<i32>} : memref<560xi32, #tpu.memory_space<vmem>>, vector<16xi32>,
      %mul3A_615 = arith.constant 16 : i32
      %mul3A_616 = arith.muli %while3A_608, %mul3A_615 : i32
      %add3A_617 = arith.constant 32 : i32
      %add3A_618 = arith.addi %add3A_617, %mul3A_616 : i32
      %sub3A_619 = arith.constant 1 : i32
      %sub3A_620 = arith.subi %add3A_618, %sub3A_619 : i32
      %get3A_621 = arith.index_cast %sub3A_620 : i32 to index
      %get3A_622 = tpu.vector_load %arg7[%get3A_621] {strides = array<i32>} : memref<560xi32, #tpu.memory_space<vmem>>, vector<16xi32>,
      %mul3A_623 = arith.constant 16 : i32
      %mul3A_624 = arith.muli %while3A_608, %mul3A_623 : i32
      %add3A_625 = arith.constant 32 : i32
      %add3A_626 = arith.addi %add3A_625, %mul3A_624 : i32
      %sub3A_627 = arith.constant 2 : i32
      %sub3A_628 = arith.subi %add3A_626, %sub3A_627 : i32
      %get3A_629 = arith.index_cast %sub3A_628 : i32 to index
      %get3A_630 = tpu.vector_load %arg7[%get3A_629] {strides = array<i32>} : memref<560xi32, #tpu.memory_space<vmem>>, vector<16xi32>,
      %mul3A_631 = arith.constant 16 : i32
      %mul3A_632 = arith.muli %while3A_608, %mul3A_631 : i32
      %add3A_633 = arith.constant 32 : i32
      %add3A_634 = arith.addi %add3A_633, %mul3A_632 : i32
      %sub3A_635 = arith.constant 3 : i32
      %sub3A_636 = arith.subi %add3A_634, %sub3A_635 : i32
      %get3A_637 = arith.index_cast %sub3A_636 : i32 to index
      %get3A_638 = tpu.vector_load %arg7[%get3A_637] {strides = array<i32>} : memref<560xi32, #tpu.memory_space<vmem>>, vector<16xi32>,
      %mul3A_639 = arith.constant 16 : i32
      %mul3A_640 = arith.muli %while3A_608, %mul3A_639 : i32
      %add3A_641 = arith.constant 32 : i32
      %add3A_642 = arith.addi %add3A_641, %mul3A_640 : i32
      %sub3A_643 = arith.constant 5 : i32
      %sub3A_644 = arith.subi %add3A_642, %sub3A_643 : i32
      %get3A_645 = arith.index_cast %sub3A_644 : i32 to index
      %get3A_646 = tpu.vector_load %arg7[%get3A_645] {strides = array<i32>} : memref<560xi32, #tpu.memory_space<vmem>>, vector<16xi32>,
      %mul3A_647 = arith.constant 16 : i32
      %mul3A_648 = arith.muli %while3A_608, %mul3A_647 : i32
      %add3A_649 = arith.constant 32 : i32
      %add3A_650 = arith.addi %add3A_649, %mul3A_648 : i32
      %sub3A_651 = arith.constant 8 : i32
      %sub3A_652 = arith.subi %add3A_650, %sub3A_651 : i32
      %get3A_653 = arith.index_cast %sub3A_652 : i32 to index
      %get3A_654 = tpu.vector_load %arg7[%get3A_653] {strides = array<i32>} : memref<560xi32, #tpu.memory_space<vmem>>, vector<16xi32>,
      %mul3A_655 = arith.constant 16 : i32
      %mul3A_656 = arith.muli %while3A_608, %mul3A_655 : i32
      %add3A_657 = arith.constant 32 : i32
      %add3A_658 = arith.addi %add3A_657, %mul3A_656 : i32
      %sub3A_659 = arith.constant 13 : i32
      %sub3A_660 = arith.subi %add3A_658, %sub3A_659 : i32
      %get3A_661 = arith.index_cast %sub3A_660 : i32 to index
      %get3A_662 = tpu.vector_load %arg7[%get3A_661] {strides = array<i32>} : memref<560xi32, #tpu.memory_space<vmem>>, vector<16xi32>,
      %mul3A_663 = arith.constant 16 : i32
      %mul3A_664 = arith.muli %while3A_608, %mul3A_663 : i32
      %add3A_665 = arith.constant 32 : i32
      %add3A_666 = arith.addi %add3A_665, %mul3A_664 : i32
      %sub3A_667 = arith.constant 21 : i32
      %sub3A_668 = arith.subi %add3A_666, %sub3A_667 : i32
      %get3A_669 = arith.index_cast %sub3A_668 : i32 to index
      %get3A_670 = tpu.vector_load %arg7[%get3A_669] {strides = array<i32>} : memref<560xi32, #tpu.memory_space<vmem>>, vector<16xi32>,
      %mul3A_671 = arith.constant 31153 : i32
      %mul3A_672 = vector.broadcast %mul3A_671 : i32 to vector<16xi32>
      %mul3A_673 = arith.muli %get3A_614, %mul3A_672 : vector<16xi32>
      %and3A = arith.constant 65535 : i32
      %and3A_674 = vector.broadcast %and3A : i32 to vector<16xi32>
      %and3A_675 = arith.andi %mul3A_673, %and3A_674 : vector<16xi32>
      %mul3A_676 = arith.constant 51831 : i32
      %mul3A_677 = vector.broadcast %mul3A_676 : i32 to vector<16xi32>
      %mul3A_678 = arith.muli %get3A_622, %mul3A_677 : vector<16xi32>
      %and3A_679 = arith.constant 65535 : i32
      %and3A_680 = vector.broadcast %and3A_679 : i32 to vector<16xi32>
      %and3A_681 = arith.andi %mul3A_678, %and3A_680 : vector<16xi32>
      %xor3A = arith.xori %and3A_675, %and3A_681 : vector<16xi32>
      %mul3A_682 = arith.constant 44605 : i32
      %mul3A_683 = vector.broadcast %mul3A_682 : i32 to vector<16xi32>
      %mul3A_684 = arith.muli %get3A_630, %mul3A_683 : vector<16xi32>
      %and3A_685 = arith.constant 65535 : i32
      %and3A_686 = vector.broadcast %and3A_685 : i32 to vector<16xi32>
      %and3A_687 = arith.andi %mul3A_684, %and3A_686 : vector<16xi32>
      %xor3A_688 = arith.xori %xor3A, %and3A_687 : vector<16xi32>
      %mul3A_689 = arith.constant 35921 : i32
      %mul3A_690 = vector.broadcast %mul3A_689 : i32 to vector<16xi32>
      %mul3A_691 = arith.muli %get3A_638, %mul3A_690 : vector<16xi32>
      %and3A_692 = arith.constant 65535 : i32
      %and3A_693 = vector.broadcast %and3A_692 : i32 to vector<16xi32>
      %and3A_694 = arith.andi %mul3A_691, %and3A_693 : vector<16xi32>
      %xor3A_695 = arith.xori %xor3A_688, %and3A_694 : vector<16xi32>
      %mul3A_696 = arith.constant 29589 : i32
      %mul3A_697 = vector.broadcast %mul3A_696 : i32 to vector<16xi32>
      %mul3A_698 = arith.muli %get3A_646, %mul3A_697 : vector<16xi32>
      %and3A_699 = arith.constant 65535 : i32
      %and3A_700 = vector.broadcast %and3A_699 : i32 to vector<16xi32>
      %and3A_701 = arith.andi %mul3A_698, %and3A_700 : vector<16xi32>
      %xor3A_702 = arith.xori %xor3A_695, %and3A_701 : vector<16xi32>
      %mul3A_703 = arith.constant 5 : i32
      %mul3A_704 = vector.broadcast %mul3A_703 : i32 to vector<16xi32>
      %mul3A_705 = arith.muli %get3A_654, %mul3A_704 : vector<16xi32>
      %and3A_706 = arith.constant 65535 : i32
      %and3A_707 = vector.broadcast %and3A_706 : i32 to vector<16xi32>
      %and3A_708 = arith.andi %mul3A_705, %and3A_707 : vector<16xi32>
      %xor3A_709 = arith.xori %xor3A_702, %and3A_708 : vector<16xi32>
      %mul3A_710 = arith.constant 89 : i32
      %mul3A_711 = vector.broadcast %mul3A_710 : i32 to vector<16xi32>
      %mul3A_712 = arith.muli %get3A_662, %mul3A_711 : vector<16xi32>
      %and3A_713 = arith.constant 65535 : i32
      %and3A_714 = vector.broadcast %and3A_713 : i32 to vector<16xi32>
      %and3A_715 = arith.andi %mul3A_712, %and3A_714 : vector<16xi32>
      %xor3A_716 = arith.xori %xor3A_709, %and3A_715 : vector<16xi32>
      %mul3A_717 = arith.constant 5 : i32
      %mul3A_718 = vector.broadcast %mul3A_717 : i32 to vector<16xi32>
      %mul3A_719 = arith.muli %get3A_670, %mul3A_718 : vector<16xi32>
      %and3A_720 = arith.constant 65535 : i32
      %and3A_721 = vector.broadcast %and3A_720 : i32 to vector<16xi32>
      %and3A_722 = arith.andi %mul3A_719, %and3A_721 : vector<16xi32>
      %xor3A_723 = arith.xori %xor3A_716, %and3A_722 : vector<16xi32>
      %mul3A_724 = arith.constant 128 : i32
      %mul3A_725 = arith.muli %while3A_608, %mul3A_724 : i32
      %add3A_726 = vector.broadcast %mul3A_725 : i32 to vector<16xi32>
      %add3A_727 = arith.addi %add3A_726, %mul3A_15 : vector<16xi32>
      %add3A_728 = arith.constant 0 : i32
      %add3A_729 = vector.broadcast %add3A_728 : i32 to vector<16xi32>
      %add3A_730 = arith.addi %add3A_727, %add3A_729 : vector<16xi32>
      %mul3A_731 = arith.constant 8 : i32
      %mul3A_732 = vector.broadcast %mul3A_731 : i32 to vector<16xi32>
      %mul3A_733 = arith.muli %xor3A_723, %mul3A_732 : vector<16xi32>
      %add3A_734 = arith.constant 0 : i32
      %add3A_735 = vector.broadcast %add3A_734 : i32 to vector<16xi32>
      %add3A_736 = arith.addi %mul3A_733, %add3A_735 : vector<16xi32>
      tpu.vector_store_idx %arg8[%add3A_730], %add3A_736 : memref<4096xi32, #tpu.memory_space<vmem>>[vector<16xi32>], vector<16xi32>,
      %mul3A_737 = arith.constant 35921 : i32
      %mul3A_738 = vector.broadcast %mul3A_737 : i32 to vector<16xi32>
      %mul3A_739 = arith.muli %get3A_614, %mul3A_738 : vector<16xi32>
      %and3A_740 = arith.constant 65535 : i32
      %and3A_741 = vector.broadcast %and3A_740 : i32 to vector<16xi32>
      %and3A_742 = arith.andi %mul3A_739, %and3A_741 : vector<16xi32>
      %mul3A_743 = arith.constant 29589 : i32
      %mul3A_744 = vector.broadcast %mul3A_743 : i32 to vector<16xi32>
      %mul3A_745 = arith.muli %get3A_622, %mul3A_744 : vector<16xi32>
      %and3A_746 = arith.constant 65535 : i32
      %and3A_747 = vector.broadcast %and3A_746 : i32 to vector<16xi32>
      %and3A_748 = arith.andi %mul3A_745, %and3A_747 : vector<16xi32>
      %xor3A_749 = arith.xori %and3A_742, %and3A_748 : vector<16xi32>
      %mul3A_750 = arith.constant 5 : i32
      %mul3A_751 = vector.broadcast %mul3A_750 : i32 to vector<16xi32>
      %mul3A_752 = arith.muli %get3A_630, %mul3A_751 : vector<16xi32>
      %and3A_753 = arith.constant 65535 : i32
      %and3A_754 = vector.broadcast %and3A_753 : i32 to vector<16xi32>
      %and3A_755 = arith.andi %mul3A_752, %and3A_754 : vector<16xi32>
      %xor3A_756 = arith.xori %xor3A_749, %and3A_755 : vector<16xi32>
      %mul3A_757 = arith.constant 89 : i32
      %mul3A_758 = vector.broadcast %mul3A_757 : i32 to vector<16xi32>
      %mul3A_759 = arith.muli %get3A_638, %mul3A_758 : vector<16xi32>
      %and3A_760 = arith.constant 65535 : i32
      %and3A_761 = vector.broadcast %and3A_760 : i32 to vector<16xi32>
      %and3A_762 = arith.andi %mul3A_759, %and3A_761 : vector<16xi32>
      %xor3A_763 = arith.xori %xor3A_756, %and3A_762 : vector<16xi32>
      %mul3A_764 = arith.constant 5 : i32
      %mul3A_765 = vector.broadcast %mul3A_764 : i32 to vector<16xi32>
      %mul3A_766 = arith.muli %get3A_646, %mul3A_765 : vector<16xi32>
      %and3A_767 = arith.constant 65535 : i32
      %and3A_768 = vector.broadcast %and3A_767 : i32 to vector<16xi32>
      %and3A_769 = arith.andi %mul3A_766, %and3A_768 : vector<16xi32>
      %xor3A_770 = arith.xori %xor3A_763, %and3A_769 : vector<16xi32>
      %mul3A_771 = arith.constant 49909 : i32
      %mul3A_772 = vector.broadcast %mul3A_771 : i32 to vector<16xi32>
      %mul3A_773 = arith.muli %get3A_654, %mul3A_772 : vector<16xi32>
      %and3A_774 = arith.constant 65535 : i32
      %and3A_775 = vector.broadcast %and3A_774 : i32 to vector<16xi32>
      %and3A_776 = arith.andi %mul3A_773, %and3A_775 : vector<16xi32>
      %xor3A_777 = arith.xori %xor3A_770, %and3A_776 : vector<16xi32>
      %mul3A_778 = arith.constant 36521 : i32
      %mul3A_779 = vector.broadcast %mul3A_778 : i32 to vector<16xi32>
      %mul3A_780 = arith.muli %get3A_662, %mul3A_779 : vector<16xi32>
      %and3A_781 = arith.constant 65535 : i32
      %and3A_782 = vector.broadcast %and3A_781 : i32 to vector<16xi32>
      %and3A_783 = arith.andi %mul3A_780, %and3A_782 : vector<16xi32>
      %xor3A_784 = arith.xori %xor3A_777, %and3A_783 : vector<16xi32>
      %mul3A_785 = arith.constant 65535 : i32
      %mul3A_786 = vector.broadcast %mul3A_785 : i32 to vector<16xi32>
      %mul3A_787 = arith.muli %get3A_670, %mul3A_786 : vector<16xi32>
      %and3A_788 = arith.constant 65535 : i32
      %and3A_789 = vector.broadcast %and3A_788 : i32 to vector<16xi32>
      %and3A_790 = arith.andi %mul3A_787, %and3A_789 : vector<16xi32>
      %xor3A_791 = arith.xori %xor3A_784, %and3A_790 : vector<16xi32>
      %mul3A_792 = arith.constant 128 : i32
      %mul3A_793 = arith.muli %while3A_608, %mul3A_792 : i32
      %add3A_794 = vector.broadcast %mul3A_793 : i32 to vector<16xi32>
      %add3A_795 = arith.addi %add3A_794, %mul3A_15 : vector<16xi32>
      %add3A_796 = arith.constant 1 : i32
      %add3A_797 = vector.broadcast %add3A_796 : i32 to vector<16xi32>
      %add3A_798 = arith.addi %add3A_795, %add3A_797 : vector<16xi32>
      %mul3A_799 = arith.constant 8 : i32
      %mul3A_800 = vector.broadcast %mul3A_799 : i32 to vector<16xi32>
      %mul3A_801 = arith.muli %xor3A_791, %mul3A_800 : vector<16xi32>
      %add3A_802 = arith.constant 1 : i32
      %add3A_803 = vector.broadcast %add3A_802 : i32 to vector<16xi32>
      %add3A_804 = arith.addi %mul3A_801, %add3A_803 : vector<16xi32>
      tpu.vector_store_idx %arg8[%add3A_798], %add3A_804 : memref<4096xi32, #tpu.memory_space<vmem>>[vector<16xi32>], vector<16xi32>,
      %mul3A_805 = arith.constant 89 : i32
      %mul3A_806 = vector.broadcast %mul3A_805 : i32 to vector<16xi32>
      %mul3A_807 = arith.muli %get3A_614, %mul3A_806 : vector<16xi32>
      %and3A_808 = arith.constant 65535 : i32
      %and3A_809 = vector.broadcast %and3A_808 : i32 to vector<16xi32>
      %and3A_810 = arith.andi %mul3A_807, %and3A_809 : vector<16xi32>
      %mul3A_811 = arith.constant 5 : i32
      %mul3A_812 = vector.broadcast %mul3A_811 : i32 to vector<16xi32>
      %mul3A_813 = arith.muli %get3A_622, %mul3A_812 : vector<16xi32>
      %and3A_814 = arith.constant 65535 : i32
      %and3A_815 = vector.broadcast %and3A_814 : i32 to vector<16xi32>
      %and3A_816 = arith.andi %mul3A_813, %and3A_815 : vector<16xi32>
      %xor3A_817 = arith.xori %and3A_810, %and3A_816 : vector<16xi32>
      %mul3A_818 = arith.constant 49909 : i32
      %mul3A_819 = vector.broadcast %mul3A_818 : i32 to vector<16xi32>
      %mul3A_820 = arith.muli %get3A_630, %mul3A_819 : vector<16xi32>
      %and3A_821 = arith.constant 65535 : i32
      %and3A_822 = vector.broadcast %and3A_821 : i32 to vector<16xi32>
      %and3A_823 = arith.andi %mul3A_820, %and3A_822 : vector<16xi32>
      %xor3A_824 = arith.xori %xor3A_817, %and3A_823 : vector<16xi32>
      %mul3A_825 = arith.constant 36521 : i32
      %mul3A_826 = vector.broadcast %mul3A_825 : i32 to vector<16xi32>
      %mul3A_827 = arith.muli %get3A_638, %mul3A_826 : vector<16xi32>
      %and3A_828 = arith.constant 65535 : i32
      %and3A_829 = vector.broadcast %and3A_828 : i32 to vector<16xi32>
      %and3A_830 = arith.andi %mul3A_827, %and3A_829 : vector<16xi32>
      %xor3A_831 = arith.xori %xor3A_824, %and3A_830 : vector<16xi32>
      %mul3A_832 = arith.constant 65535 : i32
      %mul3A_833 = vector.broadcast %mul3A_832 : i32 to vector<16xi32>
      %mul3A_834 = arith.muli %get3A_646, %mul3A_833 : vector<16xi32>
      %and3A_835 = arith.constant 65535 : i32
      %and3A_836 = vector.broadcast %and3A_835 : i32 to vector<16xi32>
      %and3A_837 = arith.andi %mul3A_834, %and3A_836 : vector<16xi32>
      %xor3A_838 = arith.xori %xor3A_831, %and3A_837 : vector<16xi32>
      %mul3A_839 = arith.constant 9441 : i32
      %mul3A_840 = vector.broadcast %mul3A_839 : i32 to vector<16xi32>
      %mul3A_841 = arith.muli %get3A_654, %mul3A_840 : vector<16xi32>
      %and3A_842 = arith.constant 65535 : i32
      %and3A_843 = vector.broadcast %and3A_842 : i32 to vector<16xi32>
      %and3A_844 = arith.andi %mul3A_841, %and3A_843 : vector<16xi32>
      %xor3A_845 = arith.xori %xor3A_838, %and3A_844 : vector<16xi32>
      %mul3A_846 = arith.constant 3551 : i32
      %mul3A_847 = vector.broadcast %mul3A_846 : i32 to vector<16xi32>
      %mul3A_848 = arith.muli %get3A_662, %mul3A_847 : vector<16xi32>
      %and3A_849 = arith.constant 65535 : i32
      %and3A_850 = vector.broadcast %and3A_849 : i32 to vector<16xi32>
      %and3A_851 = arith.andi %mul3A_848, %and3A_850 : vector<16xi32>
      %xor3A_852 = arith.xori %xor3A_845, %and3A_851 : vector<16xi32>
      %mul3A_853 = arith.constant 30413 : i32
      %mul3A_854 = vector.broadcast %mul3A_853 : i32 to vector<16xi32>
      %mul3A_855 = arith.muli %get3A_670, %mul3A_854 : vector<16xi32>
      %and3A_856 = arith.constant 65535 : i32
      %and3A_857 = vector.broadcast %and3A_856 : i32 to vector<16xi32>
      %and3A_858 = arith.andi %mul3A_855, %and3A_857 : vector<16xi32>
      %xor3A_859 = arith.xori %xor3A_852, %and3A_858 : vector<16xi32>
      %mul3A_860 = arith.constant 128 : i32
      %mul3A_861 = arith.muli %while3A_608, %mul3A_860 : i32
      %add3A_862 = vector.broadcast %mul3A_861 : i32 to vector<16xi32>
      %add3A_863 = arith.addi %add3A_862, %mul3A_15 : vector<16xi32>
      %add3A_864 = arith.constant 2 : i32
      %add3A_865 = vector.broadcast %add3A_864 : i32 to vector<16xi32>
      %add3A_866 = arith.addi %add3A_863, %add3A_865 : vector<16xi32>
      %mul3A_867 = arith.constant 8 : i32
      %mul3A_868 = vector.broadcast %mul3A_867 : i32 to vector<16xi32>
      %mul3A_869 = arith.muli %xor3A_859, %mul3A_868 : vector<16xi32>
      %add3A_870 = arith.constant 2 : i32
      %add3A_871 = vector.broadcast %add3A_870 : i32 to vector<16xi32>
      %add3A_872 = arith.addi %mul3A_869, %add3A_871 : vector<16xi32>
      tpu.vector_store_idx %arg8[%add3A_866], %add3A_872 : memref<4096xi32, #tpu.memory_space<vmem>>[vector<16xi32>], vector<16xi32>,
      %mul3A_873 = arith.constant 36521 : i32
      %mul3A_874 = vector.broadcast %mul3A_873 : i32 to vector<16xi32>
      %mul3A_875 = arith.muli %get3A_614, %mul3A_874 : vector<16xi32>
      %and3A_876 = arith.constant 65535 : i32
      %and3A_877 = vector.broadcast %and3A_876 : i32 to vector<16xi32>
      %and3A_878 = arith.andi %mul3A_875, %and3A_877 : vector<16xi32>
      %mul3A_879 = arith.constant 65535 : i32
      %mul3A_880 = vector.broadcast %mul3A_879 : i32 to vector<16xi32>
      %mul3A_881 = arith.muli %get3A_622, %mul3A_880 : vector<16xi32>
      %and3A_882 = arith.constant 65535 : i32
      %and3A_883 = vector.broadcast %and3A_882 : i32 to vector<16xi32>
      %and3A_884 = arith.andi %mul3A_881, %and3A_883 : vector<16xi32>
      %xor3A_885 = arith.xori %and3A_878, %and3A_884 : vector<16xi32>
      %mul3A_886 = arith.constant 9441 : i32
      %mul3A_887 = vector.broadcast %mul3A_886 : i32 to vector<16xi32>
      %mul3A_888 = arith.muli %get3A_630, %mul3A_887 : vector<16xi32>
      %and3A_889 = arith.constant 65535 : i32
      %and3A_890 = vector.broadcast %and3A_889 : i32 to vector<16xi32>
      %and3A_891 = arith.andi %mul3A_888, %and3A_890 : vector<16xi32>
      %xor3A_892 = arith.xori %xor3A_885, %and3A_891 : vector<16xi32>
      %mul3A_893 = arith.constant 3551 : i32
      %mul3A_894 = vector.broadcast %mul3A_893 : i32 to vector<16xi32>
      %mul3A_895 = arith.muli %get3A_638, %mul3A_894 : vector<16xi32>
      %and3A_896 = arith.constant 65535 : i32
      %and3A_897 = vector.broadcast %and3A_896 : i32 to vector<16xi32>
      %and3A_898 = arith.andi %mul3A_895, %and3A_897 : vector<16xi32>
      %xor3A_899 = arith.xori %xor3A_892, %and3A_898 : vector<16xi32>
      %mul3A_900 = arith.constant 30413 : i32
      %mul3A_901 = vector.broadcast %mul3A_900 : i32 to vector<16xi32>
      %mul3A_902 = arith.muli %get3A_646, %mul3A_901 : vector<16xi32>
      %and3A_903 = arith.constant 65535 : i32
      %and3A_904 = vector.broadcast %and3A_903 : i32 to vector<16xi32>
      %and3A_905 = arith.andi %mul3A_902, %and3A_904 : vector<16xi32>
      %xor3A_906 = arith.xori %xor3A_899, %and3A_905 : vector<16xi32>
      %mul3A_907 = arith.constant 31181 : i32
      %mul3A_908 = vector.broadcast %mul3A_907 : i32 to vector<16xi32>
      %mul3A_909 = arith.muli %get3A_654, %mul3A_908 : vector<16xi32>
      %and3A_910 = arith.constant 65535 : i32
      %and3A_911 = vector.broadcast %and3A_910 : i32 to vector<16xi32>
      %and3A_912 = arith.andi %mul3A_909, %and3A_911 : vector<16xi32>
      %xor3A_913 = arith.xori %xor3A_906, %and3A_912 : vector<16xi32>
      %mul3A_914 = arith.constant 19905 : i32
      %mul3A_915 = vector.broadcast %mul3A_914 : i32 to vector<16xi32>
      %mul3A_916 = arith.muli %get3A_662, %mul3A_915 : vector<16xi32>
      %and3A_917 = arith.constant 65535 : i32
      %and3A_918 = vector.broadcast %and3A_917 : i32 to vector<16xi32>
      %and3A_919 = arith.andi %mul3A_916, %and3A_918 : vector<16xi32>
      %xor3A_920 = arith.xori %xor3A_913, %and3A_919 : vector<16xi32>
      %mul3A_921 = arith.constant 51843 : i32
      %mul3A_922 = vector.broadcast %mul3A_921 : i32 to vector<16xi32>
      %mul3A_923 = arith.muli %get3A_670, %mul3A_922 : vector<16xi32>
      %and3A_924 = arith.constant 65535 : i32
      %and3A_925 = vector.broadcast %and3A_924 : i32 to vector<16xi32>
      %and3A_926 = arith.andi %mul3A_923, %and3A_925 : vector<16xi32>
      %xor3A_927 = arith.xori %xor3A_920, %and3A_926 : vector<16xi32>
      %mul3A_928 = arith.constant 128 : i32
      %mul3A_929 = arith.muli %while3A_608, %mul3A_928 : i32
      %add3A_930 = vector.broadcast %mul3A_929 : i32 to vector<16xi32>
      %add3A_931 = arith.addi %add3A_930, %mul3A_15 : vector<16xi32>
      %add3A_932 = arith.constant 3 : i32
      %add3A_933 = vector.broadcast %add3A_932 : i32 to vector<16xi32>
      %add3A_934 = arith.addi %add3A_931, %add3A_933 : vector<16xi32>
      %mul3A_935 = arith.constant 8 : i32
      %mul3A_936 = vector.broadcast %mul3A_935 : i32 to vector<16xi32>
      %mul3A_937 = arith.muli %xor3A_927, %mul3A_936 : vector<16xi32>
      %add3A_938 = arith.constant 3 : i32
      %add3A_939 = vector.broadcast %add3A_938 : i32 to vector<16xi32>
      %add3A_940 = arith.addi %mul3A_937, %add3A_939 : vector<16xi32>
      tpu.vector_store_idx %arg8[%add3A_934], %add3A_940 : memref<4096xi32, #tpu.memory_space<vmem>>[vector<16xi32>], vector<16xi32>,
      %mul3A_941 = arith.constant 3551 : i32
      %mul3A_942 = vector.broadcast %mul3A_941 : i32 to vector<16xi32>
      %mul3A_943 = arith.muli %get3A_614, %mul3A_942 : vector<16xi32>
      %and3A_944 = arith.constant 65535 : i32
      %and3A_945 = vector.broadcast %and3A_944 : i32 to vector<16xi32>
      %and3A_946 = arith.andi %mul3A_943, %and3A_945 : vector<16xi32>
      %mul3A_947 = arith.constant 30413 : i32
      %mul3A_948 = vector.broadcast %mul3A_947 : i32 to vector<16xi32>
      %mul3A_949 = arith.muli %get3A_622, %mul3A_948 : vector<16xi32>
      %and3A_950 = arith.constant 65535 : i32
      %and3A_951 = vector.broadcast %and3A_950 : i32 to vector<16xi32>
      %and3A_952 = arith.andi %mul3A_949, %and3A_951 : vector<16xi32>
      %xor3A_953 = arith.xori %and3A_946, %and3A_952 : vector<16xi32>
      %mul3A_954 = arith.constant 31181 : i32
      %mul3A_955 = vector.broadcast %mul3A_954 : i32 to vector<16xi32>
      %mul3A_956 = arith.muli %get3A_630, %mul3A_955 : vector<16xi32>
      %and3A_957 = arith.constant 65535 : i32
      %and3A_958 = vector.broadcast %and3A_957 : i32 to vector<16xi32>
      %and3A_959 = arith.andi %mul3A_956, %and3A_958 : vector<16xi32>
      %xor3A_960 = arith.xori %xor3A_953, %and3A_959 : vector<16xi32>
      %mul3A_961 = arith.constant 19905 : i32
      %mul3A_962 = vector.broadcast %mul3A_961 : i32 to vector<16xi32>
      %mul3A_963 = arith.muli %get3A_638, %mul3A_962 : vector<16xi32>
      %and3A_964 = arith.constant 65535 : i32
      %and3A_965 = vector.broadcast %and3A_964 : i32 to vector<16xi32>
      %and3A_966 = arith.andi %mul3A_963, %and3A_965 : vector<16xi32>
      %xor3A_967 = arith.xori %xor3A_960, %and3A_966 : vector<16xi32>
      %mul3A_968 = arith.constant 51843 : i32
      %mul3A_969 = vector.broadcast %mul3A_968 : i32 to vector<16xi32>
      %mul3A_970 = arith.muli %get3A_646, %mul3A_969 : vector<16xi32>
      %and3A_971 = arith.constant 65535 : i32
      %and3A_972 = vector.broadcast %and3A_971 : i32 to vector<16xi32>
      %and3A_973 = arith.andi %mul3A_970, %and3A_972 : vector<16xi32>
      %xor3A_974 = arith.xori %xor3A_967, %and3A_973 : vector<16xi32>
      %mul3A_975 = arith.constant 44615 : i32
      %mul3A_976 = vector.broadcast %mul3A_975 : i32 to vector<16xi32>
      %mul3A_977 = arith.muli %get3A_654, %mul3A_976 : vector<16xi32>
      %and3A_978 = arith.constant 65535 : i32
      %and3A_979 = vector.broadcast %and3A_978 : i32 to vector<16xi32>
      %and3A_980 = arith.andi %mul3A_977, %and3A_979 : vector<16xi32>
      %xor3A_981 = arith.xori %xor3A_974, %and3A_980 : vector<16xi32>
      %mul3A_982 = arith.constant 35927 : i32
      %mul3A_983 = vector.broadcast %mul3A_982 : i32 to vector<16xi32>
      %mul3A_984 = arith.muli %get3A_662, %mul3A_983 : vector<16xi32>
      %and3A_985 = arith.constant 65535 : i32
      %and3A_986 = vector.broadcast %and3A_985 : i32 to vector<16xi32>
      %and3A_987 = arith.andi %mul3A_984, %and3A_986 : vector<16xi32>
      %xor3A_988 = arith.xori %xor3A_981, %and3A_987 : vector<16xi32>
      %mul3A_989 = arith.constant 29597 : i32
      %mul3A_990 = vector.broadcast %mul3A_989 : i32 to vector<16xi32>
      %mul3A_991 = arith.muli %get3A_670, %mul3A_990 : vector<16xi32>
      %and3A_992 = arith.constant 65535 : i32
      %and3A_993 = vector.broadcast %and3A_992 : i32 to vector<16xi32>
      %and3A_994 = arith.andi %mul3A_991, %and3A_993 : vector<16xi32>
      %xor3A_995 = arith.xori %xor3A_988, %and3A_994 : vector<16xi32>
      %mul3A_996 = arith.constant 128 : i32
      %mul3A_997 = arith.muli %while3A_608, %mul3A_996 : i32
      %add3A_998 = vector.broadcast %mul3A_997 : i32 to vector<16xi32>
      %add3A_999 = arith.addi %add3A_998, %mul3A_15 : vector<16xi32>
      %add3A_1000 = arith.constant 4 : i32
      %add3A_1001 = vector.broadcast %add3A_1000 : i32 to vector<16xi32>
      %add3A_1002 = arith.addi %add3A_999, %add3A_1001 : vector<16xi32>
      %mul3A_1003 = arith.constant 8 : i32
      %mul3A_1004 = vector.broadcast %mul3A_1003 : i32 to vector<16xi32>
      %mul3A_1005 = arith.muli %xor3A_995, %mul3A_1004 : vector<16xi32>
      %add3A_1006 = arith.constant 4 : i32
      %add3A_1007 = vector.broadcast %add3A_1006 : i32 to vector<16xi32>
      %add3A_1008 = arith.addi %mul3A_1005, %add3A_1007 : vector<16xi32>
      tpu.vector_store_idx %arg8[%add3A_1002], %add3A_1008 : memref<4096xi32, #tpu.memory_space<vmem>>[vector<16xi32>], vector<16xi32>,
      %mul3A_1009 = arith.constant 19905 : i32
      %mul3A_1010 = vector.broadcast %mul3A_1009 : i32 to vector<16xi32>
      %mul3A_1011 = arith.muli %get3A_614, %mul3A_1010 : vector<16xi32>
      %and3A_1012 = arith.constant 65535 : i32
      %and3A_1013 = vector.broadcast %and3A_1012 : i32 to vector<16xi32>
      %and3A_1014 = arith.andi %mul3A_1011, %and3A_1013 : vector<16xi32>
      %mul3A_1015 = arith.constant 51843 : i32
      %mul3A_1016 = vector.broadcast %mul3A_1015 : i32 to vector<16xi32>
      %mul3A_1017 = arith.muli %get3A_622, %mul3A_1016 : vector<16xi32>
      %and3A_1018 = arith.constant 65535 : i32
      %and3A_1019 = vector.broadcast %and3A_1018 : i32 to vector<16xi32>
      %and3A_1020 = arith.andi %mul3A_1017, %and3A_1019 : vector<16xi32>
      %xor3A_1021 = arith.xori %and3A_1014, %and3A_1020 : vector<16xi32>
      %mul3A_1022 = arith.constant 44615 : i32
      %mul3A_1023 = vector.broadcast %mul3A_1022 : i32 to vector<16xi32>
      %mul3A_1024 = arith.muli %get3A_630, %mul3A_1023 : vector<16xi32>
      %and3A_1025 = arith.constant 65535 : i32
      %and3A_1026 = vector.broadcast %and3A_1025 : i32 to vector<16xi32>
      %and3A_1027 = arith.andi %mul3A_1024, %and3A_1026 : vector<16xi32>
      %xor3A_1028 = arith.xori %xor3A_1021, %and3A_1027 : vector<16xi32>
      %mul3A_1029 = arith.constant 35927 : i32
      %mul3A_1030 = vector.broadcast %mul3A_1029 : i32 to vector<16xi32>
      %mul3A_1031 = arith.muli %get3A_638, %mul3A_1030 : vector<16xi32>
      %and3A_1032 = arith.constant 65535 : i32
      %and3A_1033 = vector.broadcast %and3A_1032 : i32 to vector<16xi32>
      %and3A_1034 = arith.andi %mul3A_1031, %and3A_1033 : vector<16xi32>
      %xor3A_1035 = arith.xori %xor3A_1028, %and3A_1034 : vector<16xi32>
      %mul3A_1036 = arith.constant 29597 : i32
      %mul3A_1037 = vector.broadcast %mul3A_1036 : i32 to vector<16xi32>
      %mul3A_1038 = arith.muli %get3A_646, %mul3A_1037 : vector<16xi32>
      %and3A_1039 = arith.constant 65535 : i32
      %and3A_1040 = vector.broadcast %and3A_1039 : i32 to vector<16xi32>
      %and3A_1041 = arith.andi %mul3A_1038, %and3A_1040 : vector<16xi32>
      %xor3A_1042 = arith.xori %xor3A_1035, %and3A_1041 : vector<16xi32>
      %mul3A_1043 = arith.constant 31153 : i32
      %mul3A_1044 = vector.broadcast %mul3A_1043 : i32 to vector<16xi32>
      %mul3A_1045 = arith.muli %get3A_654, %mul3A_1044 : vector<16xi32>
      %and3A_1046 = arith.constant 65535 : i32
      %and3A_1047 = vector.broadcast %and3A_1046 : i32 to vector<16xi32>
      %and3A_1048 = arith.andi %mul3A_1045, %and3A_1047 : vector<16xi32>
      %xor3A_1049 = arith.xori %xor3A_1042, %and3A_1048 : vector<16xi32>
      %mul3A_1050 = arith.constant 51831 : i32
      %mul3A_1051 = vector.broadcast %mul3A_1050 : i32 to vector<16xi32>
      %mul3A_1052 = arith.muli %get3A_662, %mul3A_1051 : vector<16xi32>
      %and3A_1053 = arith.constant 65535 : i32
      %and3A_1054 = vector.broadcast %and3A_1053 : i32 to vector<16xi32>
      %and3A_1055 = arith.andi %mul3A_1052, %and3A_1054 : vector<16xi32>
      %xor3A_1056 = arith.xori %xor3A_1049, %and3A_1055 : vector<16xi32>
      %mul3A_1057 = arith.constant 44605 : i32
      %mul3A_1058 = vector.broadcast %mul3A_1057 : i32 to vector<16xi32>
      %mul3A_1059 = arith.muli %get3A_670, %mul3A_1058 : vector<16xi32>
      %and3A_1060 = arith.constant 65535 : i32
      %and3A_1061 = vector.broadcast %and3A_1060 : i32 to vector<16xi32>
      %and3A_1062 = arith.andi %mul3A_1059, %and3A_1061 : vector<16xi32>
      %xor3A_1063 = arith.xori %xor3A_1056, %and3A_1062 : vector<16xi32>
      %mul3A_1064 = arith.constant 128 : i32
      %mul3A_1065 = arith.muli %while3A_608, %mul3A_1064 : i32
      %add3A_1066 = vector.broadcast %mul3A_1065 : i32 to vector<16xi32>
      %add3A_1067 = arith.addi %add3A_1066, %mul3A_15 : vector<16xi32>
      %add3A_1068 = arith.constant 5 : i32
      %add3A_1069 = vector.broadcast %add3A_1068 : i32 to vector<16xi32>
      %add3A_1070 = arith.addi %add3A_1067, %add3A_1069 : vector<16xi32>
      %mul3A_1071 = arith.constant 8 : i32
      %mul3A_1072 = vector.broadcast %mul3A_1071 : i32 to vector<16xi32>
      %mul3A_1073 = arith.muli %xor3A_1063, %mul3A_1072 : vector<16xi32>
      %add3A_1074 = arith.constant 5 : i32
      %add3A_1075 = vector.broadcast %add3A_1074 : i32 to vector<16xi32>
      %add3A_1076 = arith.addi %mul3A_1073, %add3A_1075 : vector<16xi32>
      tpu.vector_store_idx %arg8[%add3A_1070], %add3A_1076 : memref<4096xi32, #tpu.memory_space<vmem>>[vector<16xi32>], vector<16xi32>,
      %mul3A_1077 = arith.constant 35927 : i32
      %mul3A_1078 = vector.broadcast %mul3A_1077 : i32 to vector<16xi32>
      %mul3A_1079 = arith.muli %get3A_614, %mul3A_1078 : vector<16xi32>
      %and3A_1080 = arith.constant 65535 : i32
      %and3A_1081 = vector.broadcast %and3A_1080 : i32 to vector<16xi32>
      %and3A_1082 = arith.andi %mul3A_1079, %and3A_1081 : vector<16xi32>
      %mul3A_1083 = arith.constant 29597 : i32
      %mul3A_1084 = vector.broadcast %mul3A_1083 : i32 to vector<16xi32>
      %mul3A_1085 = arith.muli %get3A_622, %mul3A_1084 : vector<16xi32>
      %and3A_1086 = arith.constant 65535 : i32
      %and3A_1087 = vector.broadcast %and3A_1086 : i32 to vector<16xi32>
      %and3A_1088 = arith.andi %mul3A_1085, %and3A_1087 : vector<16xi32>
      %xor3A_1089 = arith.xori %and3A_1082, %and3A_1088 : vector<16xi32>
      %mul3A_1090 = arith.constant 31153 : i32
      %mul3A_1091 = vector.broadcast %mul3A_1090 : i32 to vector<16xi32>
      %mul3A_1092 = arith.muli %get3A_630, %mul3A_1091 : vector<16xi32>
      %and3A_1093 = arith.constant 65535 : i32
      %and3A_1094 = vector.broadcast %and3A_1093 : i32 to vector<16xi32>
      %and3A_1095 = arith.andi %mul3A_1092, %and3A_1094 : vector<16xi32>
      %xor3A_1096 = arith.xori %xor3A_1089, %and3A_1095 : vector<16xi32>
      %mul3A_1097 = arith.constant 51831 : i32
      %mul3A_1098 = vector.broadcast %mul3A_1097 : i32 to vector<16xi32>
      %mul3A_1099 = arith.muli %get3A_638, %mul3A_1098 : vector<16xi32>
      %and3A_1100 = arith.constant 65535 : i32
      %and3A_1101 = vector.broadcast %and3A_1100 : i32 to vector<16xi32>
      %and3A_1102 = arith.andi %mul3A_1099, %and3A_1101 : vector<16xi32>
      %xor3A_1103 = arith.xori %xor3A_1096, %and3A_1102 : vector<16xi32>
      %mul3A_1104 = arith.constant 44605 : i32
      %mul3A_1105 = vector.broadcast %mul3A_1104 : i32 to vector<16xi32>
      %mul3A_1106 = arith.muli %get3A_646, %mul3A_1105 : vector<16xi32>
      %and3A_1107 = arith.constant 65535 : i32
      %and3A_1108 = vector.broadcast %and3A_1107 : i32 to vector<16xi32>
      %and3A_1109 = arith.andi %mul3A_1106, %and3A_1108 : vector<16xi32>
      %xor3A_1110 = arith.xori %xor3A_1103, %and3A_1109 : vector<16xi32>
      %mul3A_1111 = arith.constant 35921 : i32
      %mul3A_1112 = vector.broadcast %mul3A_1111 : i32 to vector<16xi32>
      %mul3A_1113 = arith.muli %get3A_654, %mul3A_1112 : vector<16xi32>
      %and3A_1114 = arith.constant 65535 : i32
      %and3A_1115 = vector.broadcast %and3A_1114 : i32 to vector<16xi32>
      %and3A_1116 = arith.andi %mul3A_1113, %and3A_1115 : vector<16xi32>
      %xor3A_1117 = arith.xori %xor3A_1110, %and3A_1116 : vector<16xi32>
      %mul3A_1118 = arith.constant 29589 : i32
      %mul3A_1119 = vector.broadcast %mul3A_1118 : i32 to vector<16xi32>
      %mul3A_1120 = arith.muli %get3A_662, %mul3A_1119 : vector<16xi32>
      %and3A_1121 = arith.constant 65535 : i32
      %and3A_1122 = vector.broadcast %and3A_1121 : i32 to vector<16xi32>
      %and3A_1123 = arith.andi %mul3A_1120, %and3A_1122 : vector<16xi32>
      %xor3A_1124 = arith.xori %xor3A_1117, %and3A_1123 : vector<16xi32>
      %mul3A_1125 = arith.constant 5 : i32
      %mul3A_1126 = vector.broadcast %mul3A_1125 : i32 to vector<16xi32>
      %mul3A_1127 = arith.muli %get3A_670, %mul3A_1126 : vector<16xi32>
      %and3A_1128 = arith.constant 65535 : i32
      %and3A_1129 = vector.broadcast %and3A_1128 : i32 to vector<16xi32>
      %and3A_1130 = arith.andi %mul3A_1127, %and3A_1129 : vector<16xi32>
      %xor3A_1131 = arith.xori %xor3A_1124, %and3A_1130 : vector<16xi32>
      %mul3A_1132 = arith.constant 128 : i32
      %mul3A_1133 = arith.muli %while3A_608, %mul3A_1132 : i32
      %add3A_1134 = vector.broadcast %mul3A_1133 : i32 to vector<16xi32>
      %add3A_1135 = arith.addi %add3A_1134, %mul3A_15 : vector<16xi32>
      %add3A_1136 = arith.constant 6 : i32
      %add3A_1137 = vector.broadcast %add3A_1136 : i32 to vector<16xi32>
      %add3A_1138 = arith.addi %add3A_1135, %add3A_1137 : vector<16xi32>
      %mul3A_1139 = arith.constant 8 : i32
      %mul3A_1140 = vector.broadcast %mul3A_1139 : i32 to vector<16xi32>
      %mul3A_1141 = arith.muli %xor3A_1131, %mul3A_1140 : vector<16xi32>
      %add3A_1142 = arith.constant 6 : i32
      %add3A_1143 = vector.broadcast %add3A_1142 : i32 to vector<16xi32>
      %add3A_1144 = arith.addi %mul3A_1141, %add3A_1143 : vector<16xi32>
      tpu.vector_store_idx %arg8[%add3A_1138], %add3A_1144 : memref<4096xi32, #tpu.memory_space<vmem>>[vector<16xi32>], vector<16xi32>,
      %mul3A_1145 = arith.constant 51831 : i32
      %mul3A_1146 = vector.broadcast %mul3A_1145 : i32 to vector<16xi32>
      %mul3A_1147 = arith.muli %get3A_614, %mul3A_1146 : vector<16xi32>
      %and3A_1148 = arith.constant 65535 : i32
      %and3A_1149 = vector.broadcast %and3A_1148 : i32 to vector<16xi32>
      %and3A_1150 = arith.andi %mul3A_1147, %and3A_1149 : vector<16xi32>
      %mul3A_1151 = arith.constant 44605 : i32
      %mul3A_1152 = vector.broadcast %mul3A_1151 : i32 to vector<16xi32>
      %mul3A_1153 = arith.muli %get3A_622, %mul3A_1152 : vector<16xi32>
      %and3A_1154 = arith.constant 65535 : i32
      %and3A_1155 = vector.broadcast %and3A_1154 : i32 to vector<16xi32>
      %and3A_1156 = arith.andi %mul3A_1153, %and3A_1155 : vector<16xi32>
      %xor3A_1157 = arith.xori %and3A_1150, %and3A_1156 : vector<16xi32>
      %mul3A_1158 = arith.constant 35921 : i32
      %mul3A_1159 = vector.broadcast %mul3A_1158 : i32 to vector<16xi32>
      %mul3A_1160 = arith.muli %get3A_630, %mul3A_1159 : vector<16xi32>
      %and3A_1161 = arith.constant 65535 : i32
      %and3A_1162 = vector.broadcast %and3A_1161 : i32 to vector<16xi32>
      %and3A_1163 = arith.andi %mul3A_1160, %and3A_1162 : vector<16xi32>
      %xor3A_1164 = arith.xori %xor3A_1157, %and3A_1163 : vector<16xi32>
      %mul3A_1165 = arith.constant 29589 : i32
      %mul3A_1166 = vector.broadcast %mul3A_1165 : i32 to vector<16xi32>
      %mul3A_1167 = arith.muli %get3A_638, %mul3A_1166 : vector<16xi32>
      %and3A_1168 = arith.constant 65535 : i32
      %and3A_1169 = vector.broadcast %and3A_1168 : i32 to vector<16xi32>
      %and3A_1170 = arith.andi %mul3A_1167, %and3A_1169 : vector<16xi32>
      %xor3A_1171 = arith.xori %xor3A_1164, %and3A_1170 : vector<16xi32>
      %mul3A_1172 = arith.constant 5 : i32
      %mul3A_1173 = vector.broadcast %mul3A_1172 : i32 to vector<16xi32>
      %mul3A_1174 = arith.muli %get3A_646, %mul3A_1173 : vector<16xi32>
      %and3A_1175 = arith.constant 65535 : i32
      %and3A_1176 = vector.broadcast %and3A_1175 : i32 to vector<16xi32>
      %and3A_1177 = arith.andi %mul3A_1174, %and3A_1176 : vector<16xi32>
      %xor3A_1178 = arith.xori %xor3A_1171, %and3A_1177 : vector<16xi32>
      %mul3A_1179 = arith.constant 89 : i32
      %mul3A_1180 = vector.broadcast %mul3A_1179 : i32 to vector<16xi32>
      %mul3A_1181 = arith.muli %get3A_654, %mul3A_1180 : vector<16xi32>
      %and3A_1182 = arith.constant 65535 : i32
      %and3A_1183 = vector.broadcast %and3A_1182 : i32 to vector<16xi32>
      %and3A_1184 = arith.andi %mul3A_1181, %and3A_1183 : vector<16xi32>
      %xor3A_1185 = arith.xori %xor3A_1178, %and3A_1184 : vector<16xi32>
      %mul3A_1186 = arith.constant 5 : i32
      %mul3A_1187 = vector.broadcast %mul3A_1186 : i32 to vector<16xi32>
      %mul3A_1188 = arith.muli %get3A_662, %mul3A_1187 : vector<16xi32>
      %and3A_1189 = arith.constant 65535 : i32
      %and3A_1190 = vector.broadcast %and3A_1189 : i32 to vector<16xi32>
      %and3A_1191 = arith.andi %mul3A_1188, %and3A_1190 : vector<16xi32>
      %xor3A_1192 = arith.xori %xor3A_1185, %and3A_1191 : vector<16xi32>
      %mul3A_1193 = arith.constant 49909 : i32
      %mul3A_1194 = vector.broadcast %mul3A_1193 : i32 to vector<16xi32>
      %mul3A_1195 = arith.muli %get3A_670, %mul3A_1194 : vector<16xi32>
      %and3A_1196 = arith.constant 65535 : i32
      %and3A_1197 = vector.broadcast %and3A_1196 : i32 to vector<16xi32>
      %and3A_1198 = arith.andi %mul3A_1195, %and3A_1197 : vector<16xi32>
      %xor3A_1199 = arith.xori %xor3A_1192, %and3A_1198 : vector<16xi32>
      %mul3A_1200 = arith.constant 128 : i32
      %mul3A_1201 = arith.muli %while3A_608, %mul3A_1200 : i32
      %add3A_1202 = vector.broadcast %mul3A_1201 : i32 to vector<16xi32>
      %add3A_1203 = arith.addi %add3A_1202, %mul3A_15 : vector<16xi32>
      %add3A_1204 = arith.constant 7 : i32
      %add3A_1205 = vector.broadcast %add3A_1204 : i32 to vector<16xi32>
      %add3A_1206 = arith.addi %add3A_1203, %add3A_1205 : vector<16xi32>
      %mul3A_1207 = arith.constant 8 : i32
      %mul3A_1208 = vector.broadcast %mul3A_1207 : i32 to vector<16xi32>
      %mul3A_1209 = arith.muli %xor3A_1199, %mul3A_1208 : vector<16xi32>
      %add3A_1210 = arith.constant 7 : i32
      %add3A_1211 = vector.broadcast %add3A_1210 : i32 to vector<16xi32>
      %add3A_1212 = arith.addi %mul3A_1209, %add3A_1211 : vector<16xi32>
      tpu.vector_store_idx %arg8[%add3A_1206], %add3A_1212 : memref<4096xi32, #tpu.memory_space<vmem>>[vector<16xi32>], vector<16xi32>,
    }
    %dma_start3A = arith.constant 0 : i32
    %dma_start3A_26 = arith.constant 0 : i32
    %dma_start3A_27 = tpu.memref_slice %arg9[%dma_start3A, %dma_start3A_26] : memref<512x128xf32, #tpu.memory_space<vmem>> -> memref<128x128xf32, #tpu.memory_space<vmem>>
    %dma_start3A_28 = arith.constant 32 : i32
    %dma_start3A_29 = tpu.memref_slice %arg7[%dma_start3A_28] : memref<560xi32, #tpu.memory_space<vmem>> -> memref<128xi32, #tpu.memory_space<vmem>>
    %dma_start3A_30 = arith.constant 0 : i32
    %dma_start3A_31 = arith.constant 0 : i32
    %dma_start3A_32 = tpu.memref_slice %arg4[%dma_start3A_30, %dma_start3A_31] : memref<1024x128xf32, #tpu.memory_space<hbm>> -> memref<1024x128xf32, #tpu.memory_space<hbm>>
    tpu.enqueue_indirect_dma source(%dma_start3A_32 : memref<1024x128xf32, #tpu.memory_space<hbm>>) target(%dma_start3A_27 : memref<128x128xf32, #tpu.memory_space<vmem>>) offsets(%dma_start3A_29 : memref<128xi32, #tpu.memory_space<vmem>>) semaphore(%arg11 : memref<!tpu.dma_semaphore, #tpu.memory_space<semaphore_mem>>)
    %dma_start3A_33 = arith.constant 128 : i32
    %dma_start3A_34 = arith.constant 0 : i32
    %dma_start3A_35 = tpu.memref_slice %arg9[%dma_start3A_33, %dma_start3A_34] : memref<512x128xf32, #tpu.memory_space<vmem>> -> memref<128x128xf32, #tpu.memory_space<vmem>>
    %dma_start3A_36 = arith.constant 160 : i32
    %dma_start3A_37 = tpu.memref_slice %arg7[%dma_start3A_36] : memref<560xi32, #tpu.memory_space<vmem>> -> memref<128xi32, #tpu.memory_space<vmem>>
    %dma_start3A_38 = arith.constant 0 : i32
    %dma_start3A_39 = arith.constant 0 : i32
    %dma_start3A_40 = tpu.memref_slice %arg4[%dma_start3A_38, %dma_start3A_39] : memref<1024x128xf32, #tpu.memory_space<hbm>> -> memref<1024x128xf32, #tpu.memory_space<hbm>>
    tpu.enqueue_indirect_dma source(%dma_start3A_40 : memref<1024x128xf32, #tpu.memory_space<hbm>>) target(%dma_start3A_35 : memref<128x128xf32, #tpu.memory_space<vmem>>) offsets(%dma_start3A_37 : memref<128xi32, #tpu.memory_space<vmem>>) semaphore(%arg11 : memref<!tpu.dma_semaphore, #tpu.memory_space<semaphore_mem>>)
    %dma_start3A_41 = arith.constant 256 : i32
    %dma_start3A_42 = arith.constant 0 : i32
    %dma_start3A_43 = tpu.memref_slice %arg9[%dma_start3A_41, %dma_start3A_42] : memref<512x128xf32, #tpu.memory_space<vmem>> -> memref<128x128xf32, #tpu.memory_space<vmem>>
    %dma_start3A_44 = arith.constant 288 : i32
    %dma_start3A_45 = tpu.memref_slice %arg7[%dma_start3A_44] : memref<560xi32, #tpu.memory_space<vmem>> -> memref<128xi32, #tpu.memory_space<vmem>>
    %dma_start3A_46 = arith.constant 0 : i32
    %dma_start3A_47 = arith.constant 0 : i32
    %dma_start3A_48 = tpu.memref_slice %arg4[%dma_start3A_46, %dma_start3A_47] : memref<1024x128xf32, #tpu.memory_space<hbm>> -> memref<1024x128xf32, #tpu.memory_space<hbm>>
    tpu.enqueue_indirect_dma source(%dma_start3A_48 : memref<1024x128xf32, #tpu.memory_space<hbm>>) target(%dma_start3A_43 : memref<128x128xf32, #tpu.memory_space<vmem>>) offsets(%dma_start3A_45 : memref<128xi32, #tpu.memory_space<vmem>>) semaphore(%arg11 : memref<!tpu.dma_semaphore, #tpu.memory_space<semaphore_mem>>)
    %dma_start3A_49 = arith.constant 384 : i32
    %dma_start3A_50 = arith.constant 0 : i32
    %dma_start3A_51 = tpu.memref_slice %arg9[%dma_start3A_49, %dma_start3A_50] : memref<512x128xf32, #tpu.memory_space<vmem>> -> memref<128x128xf32, #tpu.memory_space<vmem>>
    %dma_start3A_52 = arith.constant 416 : i32
    %dma_start3A_53 = tpu.memref_slice %arg7[%dma_start3A_52] : memref<560xi32, #tpu.memory_space<vmem>> -> memref<128xi32, #tpu.memory_space<vmem>>
    %dma_start3A_54 = arith.constant 0 : i32
    %dma_start3A_55 = arith.constant 0 : i32
    %dma_start3A_56 = tpu.memref_slice %arg4[%dma_start3A_54, %dma_start3A_55] : memref<1024x128xf32, #tpu.memory_space<hbm>> -> memref<1024x128xf32, #tpu.memory_space<hbm>>
    tpu.enqueue_indirect_dma source(%dma_start3A_56 : memref<1024x128xf32, #tpu.memory_space<hbm>>) target(%dma_start3A_51 : memref<128x128xf32, #tpu.memory_space<vmem>>) offsets(%dma_start3A_53 : memref<128xi32, #tpu.memory_space<vmem>>) semaphore(%arg11 : memref<!tpu.dma_semaphore, #tpu.memory_space<semaphore_mem>>)
    %dma_wait3A = arith.constant 0 : i32
    %dma_wait3A_57 = arith.constant 0 : i32
    %dma_wait3A_58 = tpu.memref_slice %arg9[%dma_wait3A, %dma_wait3A_57] : memref<512x128xf32, #tpu.memory_space<vmem>> -> memref<128x128xf32, #tpu.memory_space<vmem>>
    %dma_wait3A_59 = arith.constant 32 : i32
    %dma_wait3A_60 = tpu.memref_slice %arg7[%dma_wait3A_59] : memref<560xi32, #tpu.memory_space<vmem>> -> memref<128xi32, #tpu.memory_space<vmem>>
    %dma_wait3A_61 = arith.constant 0 : i32
    %dma_wait3A_62 = arith.constant 0 : i32
    %dma_wait3A_63 = tpu.memref_slice %arg4[%dma_wait3A_61, %dma_wait3A_62] : memref<1024x128xf32, #tpu.memory_space<hbm>> -> memref<1024x128xf32, #tpu.memory_space<hbm>>
    tpu.wait_indirect_dma semaphore(%arg11 : memref<!tpu.dma_semaphore, #tpu.memory_space<semaphore_mem>>) src(%dma_wait3A_63 : memref<1024x128xf32, #tpu.memory_space<hbm>>) dst(%dma_wait3A_58 : memref<128x128xf32, #tpu.memory_space<vmem>>)
    %dma_wait3A_64 = arith.constant 128 : i32
    %dma_wait3A_65 = arith.constant 0 : i32
    %dma_wait3A_66 = tpu.memref_slice %arg9[%dma_wait3A_64, %dma_wait3A_65] : memref<512x128xf32, #tpu.memory_space<vmem>> -> memref<128x128xf32, #tpu.memory_space<vmem>>
    %dma_wait3A_67 = arith.constant 160 : i32
    %dma_wait3A_68 = tpu.memref_slice %arg7[%dma_wait3A_67] : memref<560xi32, #tpu.memory_space<vmem>> -> memref<128xi32, #tpu.memory_space<vmem>>
    %dma_wait3A_69 = arith.constant 0 : i32
    %dma_wait3A_70 = arith.constant 0 : i32
    %dma_wait3A_71 = tpu.memref_slice %arg4[%dma_wait3A_69, %dma_wait3A_70] : memref<1024x128xf32, #tpu.memory_space<hbm>> -> memref<1024x128xf32, #tpu.memory_space<hbm>>
    tpu.wait_indirect_dma semaphore(%arg11 : memref<!tpu.dma_semaphore, #tpu.memory_space<semaphore_mem>>) src(%dma_wait3A_71 : memref<1024x128xf32, #tpu.memory_space<hbm>>) dst(%dma_wait3A_66 : memref<128x128xf32, #tpu.memory_space<vmem>>)
    %dma_wait3A_72 = arith.constant 256 : i32
    %dma_wait3A_73 = arith.constant 0 : i32
    %dma_wait3A_74 = tpu.memref_slice %arg9[%dma_wait3A_72, %dma_wait3A_73] : memref<512x128xf32, #tpu.memory_space<vmem>> -> memref<128x128xf32, #tpu.memory_space<vmem>>
    %dma_wait3A_75 = arith.constant 288 : i32
    %dma_wait3A_76 = tpu.memref_slice %arg7[%dma_wait3A_75] : memref<560xi32, #tpu.memory_space<vmem>> -> memref<128xi32, #tpu.memory_space<vmem>>
    %dma_wait3A_77 = arith.constant 0 : i32
    %dma_wait3A_78 = arith.constant 0 : i32
    %dma_wait3A_79 = tpu.memref_slice %arg4[%dma_wait3A_77, %dma_wait3A_78] : memref<1024x128xf32, #tpu.memory_space<hbm>> -> memref<1024x128xf32, #tpu.memory_space<hbm>>
    tpu.wait_indirect_dma semaphore(%arg11 : memref<!tpu.dma_semaphore, #tpu.memory_space<semaphore_mem>>) src(%dma_wait3A_79 : memref<1024x128xf32, #tpu.memory_space<hbm>>) dst(%dma_wait3A_74 : memref<128x128xf32, #tpu.memory_space<vmem>>)
    %dma_wait3A_80 = arith.constant 384 : i32
    %dma_wait3A_81 = arith.constant 0 : i32
    %dma_wait3A_82 = tpu.memref_slice %arg9[%dma_wait3A_80, %dma_wait3A_81] : memref<512x128xf32, #tpu.memory_space<vmem>> -> memref<128x128xf32, #tpu.memory_space<vmem>>
    %dma_wait3A_83 = arith.constant 416 : i32
    %dma_wait3A_84 = tpu.memref_slice %arg7[%dma_wait3A_83] : memref<560xi32, #tpu.memory_space<vmem>> -> memref<128xi32, #tpu.memory_space<vmem>>
    %dma_wait3A_85 = arith.constant 0 : i32
    %dma_wait3A_86 = arith.constant 0 : i32
    %dma_wait3A_87 = tpu.memref_slice %arg4[%dma_wait3A_85, %dma_wait3A_86] : memref<1024x128xf32, #tpu.memory_space<hbm>> -> memref<1024x128xf32, #tpu.memory_space<hbm>>
    tpu.wait_indirect_dma semaphore(%arg11 : memref<!tpu.dma_semaphore, #tpu.memory_space<semaphore_mem>>) src(%dma_wait3A_87 : memref<1024x128xf32, #tpu.memory_space<hbm>>) dst(%dma_wait3A_82 : memref<128x128xf32, #tpu.memory_space<vmem>>)
    "tpu.region"() ({
      %run_scoped3A = tpu.sem_alloc : memref<!tpu.dma_semaphore, #tpu.memory_space<semaphore_mem>>
      %dma_start3A_608 = arith.constant 0 : i32
      %dma_start3A_609 = tpu.memref_slice %arg5[%mul3A_2, %dma_start3A_608] : memref<16384x128xf32, #tpu.memory_space<hbm>> -> memref<512x128xf32, #tpu.memory_space<hbm>>
      %dma_start3A_610 = arith.constant 0 : i32
      %dma_start3A_611 = tpu.memref_slice %arg5[%mul3A_2, %dma_start3A_610] : memref<16384x128xf32, #tpu.memory_space<hbm>> -> memref<512x128xf32, #tpu.memory_space<hbm>>
      tpu.enqueue_dma source(%arg9 : memref<512x128xf32, #tpu.memory_space<vmem>>) target(%dma_start3A_611 : memref<512x128xf32, #tpu.memory_space<hbm>>) target_semaphore(%run_scoped3A : memref<!tpu.dma_semaphore, #tpu.memory_space<semaphore_mem>>)
      %dma_wait3A_612 = arith.constant 0 : i32
      %dma_wait3A_613 = tpu.memref_slice %arg5[%mul3A_2, %dma_wait3A_612] : memref<16384x128xf32, #tpu.memory_space<hbm>> -> memref<512x128xf32, #tpu.memory_space<hbm>>
      %dma_wait3A_614 = arith.constant 0 : i32
      %dma_wait3A_615 = tpu.memref_slice %arg5[%mul3A_2, %dma_wait3A_614] : memref<16384x128xf32, #tpu.memory_space<hbm>> -> memref<512x128xf32, #tpu.memory_space<hbm>>
      tpu.wait_dma2 semaphore(%run_scoped3A : memref<!tpu.dma_semaphore, #tpu.memory_space<semaphore_mem>>) src(%arg9 : memref<512x128xf32, #tpu.memory_space<vmem>>) dst(%dma_wait3A_615 : memref<512x128xf32, #tpu.memory_space<hbm>>)
      tpu.yield
    }) : () -> ()
    %dma_start3A_88 = arith.constant 0 : i32
    %dma_start3A_89 = arith.constant 0 : i32
    %dma_start3A_90 = tpu.memref_slice %arg10[%dma_start3A_88, %dma_start3A_89] : memref<2048x16xf32, #tpu.memory_space<vmem>> -> memref<128x16xf32, #tpu.memory_space<vmem>>
    %dma_start3A_91 = arith.constant 0 : i32
    %dma_start3A_92 = tpu.memref_slice %arg8[%dma_start3A_91] : memref<4096xi32, #tpu.memory_space<vmem>> -> memref<128xi32, #tpu.memory_space<vmem>>
    %dma_start3A_93 = arith.constant 0 : i32
    %dma_start3A_94 = arith.constant 0 : i32
    %dma_start3A_95 = tpu.memref_slice %arg3[%dma_start3A_93, %dma_start3A_94] : memref<524288x16xf32, #tpu.memory_space<hbm>> -> memref<524288x16xf32, #tpu.memory_space<hbm>>
    tpu.enqueue_indirect_dma source(%dma_start3A_95 : memref<524288x16xf32, #tpu.memory_space<hbm>>) target(%dma_start3A_90 : memref<128x16xf32, #tpu.memory_space<vmem>>) offsets(%dma_start3A_92 : memref<128xi32, #tpu.memory_space<vmem>>) semaphore(%arg11 : memref<!tpu.dma_semaphore, #tpu.memory_space<semaphore_mem>>)
    %dma_start3A_96 = arith.constant 128 : i32
    %dma_start3A_97 = arith.constant 0 : i32
    %dma_start3A_98 = tpu.memref_slice %arg10[%dma_start3A_96, %dma_start3A_97] : memref<2048x16xf32, #tpu.memory_space<vmem>> -> memref<128x16xf32, #tpu.memory_space<vmem>>
    %dma_start3A_99 = arith.constant 128 : i32
    %dma_start3A_100 = tpu.memref_slice %arg8[%dma_start3A_99] : memref<4096xi32, #tpu.memory_space<vmem>> -> memref<128xi32, #tpu.memory_space<vmem>>
    %dma_start3A_101 = arith.constant 0 : i32
    %dma_start3A_102 = arith.constant 0 : i32
    %dma_start3A_103 = tpu.memref_slice %arg3[%dma_start3A_101, %dma_start3A_102] : memref<524288x16xf32, #tpu.memory_space<hbm>> -> memref<524288x16xf32, #tpu.memory_space<hbm>>
    tpu.enqueue_indirect_dma source(%dma_start3A_103 : memref<524288x16xf32, #tpu.memory_space<hbm>>) target(%dma_start3A_98 : memref<128x16xf32, #tpu.memory_space<vmem>>) offsets(%dma_start3A_100 : memref<128xi32, #tpu.memory_space<vmem>>) semaphore(%arg11 : memref<!tpu.dma_semaphore, #tpu.memory_space<semaphore_mem>>)
    %dma_start3A_104 = arith.constant 256 : i32
    %dma_start3A_105 = arith.constant 0 : i32
    %dma_start3A_106 = tpu.memref_slice %arg10[%dma_start3A_104, %dma_start3A_105] : memref<2048x16xf32, #tpu.memory_space<vmem>> -> memref<128x16xf32, #tpu.memory_space<vmem>>
    %dma_start3A_107 = arith.constant 256 : i32
    %dma_start3A_108 = tpu.memref_slice %arg8[%dma_start3A_107] : memref<4096xi32, #tpu.memory_space<vmem>> -> memref<128xi32, #tpu.memory_space<vmem>>
    %dma_start3A_109 = arith.constant 0 : i32
    %dma_start3A_110 = arith.constant 0 : i32
    %dma_start3A_111 = tpu.memref_slice %arg3[%dma_start3A_109, %dma_start3A_110] : memref<524288x16xf32, #tpu.memory_space<hbm>> -> memref<524288x16xf32, #tpu.memory_space<hbm>>
    tpu.enqueue_indirect_dma source(%dma_start3A_111 : memref<524288x16xf32, #tpu.memory_space<hbm>>) target(%dma_start3A_106 : memref<128x16xf32, #tpu.memory_space<vmem>>) offsets(%dma_start3A_108 : memref<128xi32, #tpu.memory_space<vmem>>) semaphore(%arg11 : memref<!tpu.dma_semaphore, #tpu.memory_space<semaphore_mem>>)
    %dma_start3A_112 = arith.constant 384 : i32
    %dma_start3A_113 = arith.constant 0 : i32
    %dma_start3A_114 = tpu.memref_slice %arg10[%dma_start3A_112, %dma_start3A_113] : memref<2048x16xf32, #tpu.memory_space<vmem>> -> memref<128x16xf32, #tpu.memory_space<vmem>>
    %dma_start3A_115 = arith.constant 384 : i32
    %dma_start3A_116 = tpu.memref_slice %arg8[%dma_start3A_115] : memref<4096xi32, #tpu.memory_space<vmem>> -> memref<128xi32, #tpu.memory_space<vmem>>
    %dma_start3A_117 = arith.constant 0 : i32
    %dma_start3A_118 = arith.constant 0 : i32
    %dma_start3A_119 = tpu.memref_slice %arg3[%dma_start3A_117, %dma_start3A_118] : memref<524288x16xf32, #tpu.memory_space<hbm>> -> memref<524288x16xf32, #tpu.memory_space<hbm>>
    tpu.enqueue_indirect_dma source(%dma_start3A_119 : memref<524288x16xf32, #tpu.memory_space<hbm>>) target(%dma_start3A_114 : memref<128x16xf32, #tpu.memory_space<vmem>>) offsets(%dma_start3A_116 : memref<128xi32, #tpu.memory_space<vmem>>) semaphore(%arg11 : memref<!tpu.dma_semaphore, #tpu.memory_space<semaphore_mem>>)
    %dma_start3A_120 = arith.constant 512 : i32
    %dma_start3A_121 = arith.constant 0 : i32
    %dma_start3A_122 = tpu.memref_slice %arg10[%dma_start3A_120, %dma_start3A_121] : memref<2048x16xf32, #tpu.memory_space<vmem>> -> memref<128x16xf32, #tpu.memory_space<vmem>>
    %dma_start3A_123 = arith.constant 512 : i32
    %dma_start3A_124 = tpu.memref_slice %arg8[%dma_start3A_123] : memref<4096xi32, #tpu.memory_space<vmem>> -> memref<128xi32, #tpu.memory_space<vmem>>
    %dma_start3A_125 = arith.constant 0 : i32
    %dma_start3A_126 = arith.constant 0 : i32
    %dma_start3A_127 = tpu.memref_slice %arg3[%dma_start3A_125, %dma_start3A_126] : memref<524288x16xf32, #tpu.memory_space<hbm>> -> memref<524288x16xf32, #tpu.memory_space<hbm>>
    tpu.enqueue_indirect_dma source(%dma_start3A_127 : memref<524288x16xf32, #tpu.memory_space<hbm>>) target(%dma_start3A_122 : memref<128x16xf32, #tpu.memory_space<vmem>>) offsets(%dma_start3A_124 : memref<128xi32, #tpu.memory_space<vmem>>) semaphore(%arg11 : memref<!tpu.dma_semaphore, #tpu.memory_space<semaphore_mem>>)
    %dma_start3A_128 = arith.constant 640 : i32
    %dma_start3A_129 = arith.constant 0 : i32
    %dma_start3A_130 = tpu.memref_slice %arg10[%dma_start3A_128, %dma_start3A_129] : memref<2048x16xf32, #tpu.memory_space<vmem>> -> memref<128x16xf32, #tpu.memory_space<vmem>>
    %dma_start3A_131 = arith.constant 640 : i32
    %dma_start3A_132 = tpu.memref_slice %arg8[%dma_start3A_131] : memref<4096xi32, #tpu.memory_space<vmem>> -> memref<128xi32, #tpu.memory_space<vmem>>
    %dma_start3A_133 = arith.constant 0 : i32
    %dma_start3A_134 = arith.constant 0 : i32
    %dma_start3A_135 = tpu.memref_slice %arg3[%dma_start3A_133, %dma_start3A_134] : memref<524288x16xf32, #tpu.memory_space<hbm>> -> memref<524288x16xf32, #tpu.memory_space<hbm>>
    tpu.enqueue_indirect_dma source(%dma_start3A_135 : memref<524288x16xf32, #tpu.memory_space<hbm>>) target(%dma_start3A_130 : memref<128x16xf32, #tpu.memory_space<vmem>>) offsets(%dma_start3A_132 : memref<128xi32, #tpu.memory_space<vmem>>) semaphore(%arg11 : memref<!tpu.dma_semaphore, #tpu.memory_space<semaphore_mem>>)
    %dma_start3A_136 = arith.constant 768 : i32
    %dma_start3A_137 = arith.constant 0 : i32
    %dma_start3A_138 = tpu.memref_slice %arg10[%dma_start3A_136, %dma_start3A_137] : memref<2048x16xf32, #tpu.memory_space<vmem>> -> memref<128x16xf32, #tpu.memory_space<vmem>>
    %dma_start3A_139 = arith.constant 768 : i32
    %dma_start3A_140 = tpu.memref_slice %arg8[%dma_start3A_139] : memref<4096xi32, #tpu.memory_space<vmem>> -> memref<128xi32, #tpu.memory_space<vmem>>
    %dma_start3A_141 = arith.constant 0 : i32
    %dma_start3A_142 = arith.constant 0 : i32
    %dma_start3A_143 = tpu.memref_slice %arg3[%dma_start3A_141, %dma_start3A_142] : memref<524288x16xf32, #tpu.memory_space<hbm>> -> memref<524288x16xf32, #tpu.memory_space<hbm>>
    tpu.enqueue_indirect_dma source(%dma_start3A_143 : memref<524288x16xf32, #tpu.memory_space<hbm>>) target(%dma_start3A_138 : memref<128x16xf32, #tpu.memory_space<vmem>>) offsets(%dma_start3A_140 : memref<128xi32, #tpu.memory_space<vmem>>) semaphore(%arg11 : memref<!tpu.dma_semaphore, #tpu.memory_space<semaphore_mem>>)
    %dma_start3A_144 = arith.constant 896 : i32
    %dma_start3A_145 = arith.constant 0 : i32
    %dma_start3A_146 = tpu.memref_slice %arg10[%dma_start3A_144, %dma_start3A_145] : memref<2048x16xf32, #tpu.memory_space<vmem>> -> memref<128x16xf32, #tpu.memory_space<vmem>>
    %dma_start3A_147 = arith.constant 896 : i32
    %dma_start3A_148 = tpu.memref_slice %arg8[%dma_start3A_147] : memref<4096xi32, #tpu.memory_space<vmem>> -> memref<128xi32, #tpu.memory_space<vmem>>
    %dma_start3A_149 = arith.constant 0 : i32
    %dma_start3A_150 = arith.constant 0 : i32
    %dma_start3A_151 = tpu.memref_slice %arg3[%dma_start3A_149, %dma_start3A_150] : memref<524288x16xf32, #tpu.memory_space<hbm>> -> memref<524288x16xf32, #tpu.memory_space<hbm>>
    tpu.enqueue_indirect_dma source(%dma_start3A_151 : memref<524288x16xf32, #tpu.memory_space<hbm>>) target(%dma_start3A_146 : memref<128x16xf32, #tpu.memory_space<vmem>>) offsets(%dma_start3A_148 : memref<128xi32, #tpu.memory_space<vmem>>) semaphore(%arg11 : memref<!tpu.dma_semaphore, #tpu.memory_space<semaphore_mem>>)
    %dma_start3A_152 = arith.constant 1024 : i32
    %dma_start3A_153 = arith.constant 0 : i32
    %dma_start3A_154 = tpu.memref_slice %arg10[%dma_start3A_152, %dma_start3A_153] : memref<2048x16xf32, #tpu.memory_space<vmem>> -> memref<128x16xf32, #tpu.memory_space<vmem>>
    %dma_start3A_155 = arith.constant 1024 : i32
    %dma_start3A_156 = tpu.memref_slice %arg8[%dma_start3A_155] : memref<4096xi32, #tpu.memory_space<vmem>> -> memref<128xi32, #tpu.memory_space<vmem>>
    %dma_start3A_157 = arith.constant 0 : i32
    %dma_start3A_158 = arith.constant 0 : i32
    %dma_start3A_159 = tpu.memref_slice %arg3[%dma_start3A_157, %dma_start3A_158] : memref<524288x16xf32, #tpu.memory_space<hbm>> -> memref<524288x16xf32, #tpu.memory_space<hbm>>
    tpu.enqueue_indirect_dma source(%dma_start3A_159 : memref<524288x16xf32, #tpu.memory_space<hbm>>) target(%dma_start3A_154 : memref<128x16xf32, #tpu.memory_space<vmem>>) offsets(%dma_start3A_156 : memref<128xi32, #tpu.memory_space<vmem>>) semaphore(%arg11 : memref<!tpu.dma_semaphore, #tpu.memory_space<semaphore_mem>>)
    %dma_start3A_160 = arith.constant 1152 : i32
    %dma_start3A_161 = arith.constant 0 : i32
    %dma_start3A_162 = tpu.memref_slice %arg10[%dma_start3A_160, %dma_start3A_161] : memref<2048x16xf32, #tpu.memory_space<vmem>> -> memref<128x16xf32, #tpu.memory_space<vmem>>
    %dma_start3A_163 = arith.constant 1152 : i32
    %dma_start3A_164 = tpu.memref_slice %arg8[%dma_start3A_163] : memref<4096xi32, #tpu.memory_space<vmem>> -> memref<128xi32, #tpu.memory_space<vmem>>
    %dma_start3A_165 = arith.constant 0 : i32
    %dma_start3A_166 = arith.constant 0 : i32
    %dma_start3A_167 = tpu.memref_slice %arg3[%dma_start3A_165, %dma_start3A_166] : memref<524288x16xf32, #tpu.memory_space<hbm>> -> memref<524288x16xf32, #tpu.memory_space<hbm>>
    tpu.enqueue_indirect_dma source(%dma_start3A_167 : memref<524288x16xf32, #tpu.memory_space<hbm>>) target(%dma_start3A_162 : memref<128x16xf32, #tpu.memory_space<vmem>>) offsets(%dma_start3A_164 : memref<128xi32, #tpu.memory_space<vmem>>) semaphore(%arg11 : memref<!tpu.dma_semaphore, #tpu.memory_space<semaphore_mem>>)
    %dma_start3A_168 = arith.constant 1280 : i32
    %dma_start3A_169 = arith.constant 0 : i32
    %dma_start3A_170 = tpu.memref_slice %arg10[%dma_start3A_168, %dma_start3A_169] : memref<2048x16xf32, #tpu.memory_space<vmem>> -> memref<128x16xf32, #tpu.memory_space<vmem>>
    %dma_start3A_171 = arith.constant 1280 : i32
    %dma_start3A_172 = tpu.memref_slice %arg8[%dma_start3A_171] : memref<4096xi32, #tpu.memory_space<vmem>> -> memref<128xi32, #tpu.memory_space<vmem>>
    %dma_start3A_173 = arith.constant 0 : i32
    %dma_start3A_174 = arith.constant 0 : i32
    %dma_start3A_175 = tpu.memref_slice %arg3[%dma_start3A_173, %dma_start3A_174] : memref<524288x16xf32, #tpu.memory_space<hbm>> -> memref<524288x16xf32, #tpu.memory_space<hbm>>
    tpu.enqueue_indirect_dma source(%dma_start3A_175 : memref<524288x16xf32, #tpu.memory_space<hbm>>) target(%dma_start3A_170 : memref<128x16xf32, #tpu.memory_space<vmem>>) offsets(%dma_start3A_172 : memref<128xi32, #tpu.memory_space<vmem>>) semaphore(%arg11 : memref<!tpu.dma_semaphore, #tpu.memory_space<semaphore_mem>>)
    %dma_start3A_176 = arith.constant 1408 : i32
    %dma_start3A_177 = arith.constant 0 : i32
    %dma_start3A_178 = tpu.memref_slice %arg10[%dma_start3A_176, %dma_start3A_177] : memref<2048x16xf32, #tpu.memory_space<vmem>> -> memref<128x16xf32, #tpu.memory_space<vmem>>
    %dma_start3A_179 = arith.constant 1408 : i32
    %dma_start3A_180 = tpu.memref_slice %arg8[%dma_start3A_179] : memref<4096xi32, #tpu.memory_space<vmem>> -> memref<128xi32, #tpu.memory_space<vmem>>
    %dma_start3A_181 = arith.constant 0 : i32
    %dma_start3A_182 = arith.constant 0 : i32
    %dma_start3A_183 = tpu.memref_slice %arg3[%dma_start3A_181, %dma_start3A_182] : memref<524288x16xf32, #tpu.memory_space<hbm>> -> memref<524288x16xf32, #tpu.memory_space<hbm>>
    tpu.enqueue_indirect_dma source(%dma_start3A_183 : memref<524288x16xf32, #tpu.memory_space<hbm>>) target(%dma_start3A_178 : memref<128x16xf32, #tpu.memory_space<vmem>>) offsets(%dma_start3A_180 : memref<128xi32, #tpu.memory_space<vmem>>) semaphore(%arg11 : memref<!tpu.dma_semaphore, #tpu.memory_space<semaphore_mem>>)
    %dma_start3A_184 = arith.constant 1536 : i32
    %dma_start3A_185 = arith.constant 0 : i32
    %dma_start3A_186 = tpu.memref_slice %arg10[%dma_start3A_184, %dma_start3A_185] : memref<2048x16xf32, #tpu.memory_space<vmem>> -> memref<128x16xf32, #tpu.memory_space<vmem>>
    %dma_start3A_187 = arith.constant 1536 : i32
    %dma_start3A_188 = tpu.memref_slice %arg8[%dma_start3A_187] : memref<4096xi32, #tpu.memory_space<vmem>> -> memref<128xi32, #tpu.memory_space<vmem>>
    %dma_start3A_189 = arith.constant 0 : i32
    %dma_start3A_190 = arith.constant 0 : i32
    %dma_start3A_191 = tpu.memref_slice %arg3[%dma_start3A_189, %dma_start3A_190] : memref<524288x16xf32, #tpu.memory_space<hbm>> -> memref<524288x16xf32, #tpu.memory_space<hbm>>
    tpu.enqueue_indirect_dma source(%dma_start3A_191 : memref<524288x16xf32, #tpu.memory_space<hbm>>) target(%dma_start3A_186 : memref<128x16xf32, #tpu.memory_space<vmem>>) offsets(%dma_start3A_188 : memref<128xi32, #tpu.memory_space<vmem>>) semaphore(%arg11 : memref<!tpu.dma_semaphore, #tpu.memory_space<semaphore_mem>>)
    %dma_start3A_192 = arith.constant 1664 : i32
    %dma_start3A_193 = arith.constant 0 : i32
    %dma_start3A_194 = tpu.memref_slice %arg10[%dma_start3A_192, %dma_start3A_193] : memref<2048x16xf32, #tpu.memory_space<vmem>> -> memref<128x16xf32, #tpu.memory_space<vmem>>
    %dma_start3A_195 = arith.constant 1664 : i32
    %dma_start3A_196 = tpu.memref_slice %arg8[%dma_start3A_195] : memref<4096xi32, #tpu.memory_space<vmem>> -> memref<128xi32, #tpu.memory_space<vmem>>
    %dma_start3A_197 = arith.constant 0 : i32
    %dma_start3A_198 = arith.constant 0 : i32
    %dma_start3A_199 = tpu.memref_slice %arg3[%dma_start3A_197, %dma_start3A_198] : memref<524288x16xf32, #tpu.memory_space<hbm>> -> memref<524288x16xf32, #tpu.memory_space<hbm>>
    tpu.enqueue_indirect_dma source(%dma_start3A_199 : memref<524288x16xf32, #tpu.memory_space<hbm>>) target(%dma_start3A_194 : memref<128x16xf32, #tpu.memory_space<vmem>>) offsets(%dma_start3A_196 : memref<128xi32, #tpu.memory_space<vmem>>) semaphore(%arg11 : memref<!tpu.dma_semaphore, #tpu.memory_space<semaphore_mem>>)
    %dma_start3A_200 = arith.constant 1792 : i32
    %dma_start3A_201 = arith.constant 0 : i32
    %dma_start3A_202 = tpu.memref_slice %arg10[%dma_start3A_200, %dma_start3A_201] : memref<2048x16xf32, #tpu.memory_space<vmem>> -> memref<128x16xf32, #tpu.memory_space<vmem>>
    %dma_start3A_203 = arith.constant 1792 : i32
    %dma_start3A_204 = tpu.memref_slice %arg8[%dma_start3A_203] : memref<4096xi32, #tpu.memory_space<vmem>> -> memref<128xi32, #tpu.memory_space<vmem>>
    %dma_start3A_205 = arith.constant 0 : i32
    %dma_start3A_206 = arith.constant 0 : i32
    %dma_start3A_207 = tpu.memref_slice %arg3[%dma_start3A_205, %dma_start3A_206] : memref<524288x16xf32, #tpu.memory_space<hbm>> -> memref<524288x16xf32, #tpu.memory_space<hbm>>
    tpu.enqueue_indirect_dma source(%dma_start3A_207 : memref<524288x16xf32, #tpu.memory_space<hbm>>) target(%dma_start3A_202 : memref<128x16xf32, #tpu.memory_space<vmem>>) offsets(%dma_start3A_204 : memref<128xi32, #tpu.memory_space<vmem>>) semaphore(%arg11 : memref<!tpu.dma_semaphore, #tpu.memory_space<semaphore_mem>>)
    %dma_start3A_208 = arith.constant 1920 : i32
    %dma_start3A_209 = arith.constant 0 : i32
    %dma_start3A_210 = tpu.memref_slice %arg10[%dma_start3A_208, %dma_start3A_209] : memref<2048x16xf32, #tpu.memory_space<vmem>> -> memref<128x16xf32, #tpu.memory_space<vmem>>
    %dma_start3A_211 = arith.constant 1920 : i32
    %dma_start3A_212 = tpu.memref_slice %arg8[%dma_start3A_211] : memref<4096xi32, #tpu.memory_space<vmem>> -> memref<128xi32, #tpu.memory_space<vmem>>
    %dma_start3A_213 = arith.constant 0 : i32
    %dma_start3A_214 = arith.constant 0 : i32
    %dma_start3A_215 = tpu.memref_slice %arg3[%dma_start3A_213, %dma_start3A_214] : memref<524288x16xf32, #tpu.memory_space<hbm>> -> memref<524288x16xf32, #tpu.memory_space<hbm>>
    tpu.enqueue_indirect_dma source(%dma_start3A_215 : memref<524288x16xf32, #tpu.memory_space<hbm>>) target(%dma_start3A_210 : memref<128x16xf32, #tpu.memory_space<vmem>>) offsets(%dma_start3A_212 : memref<128xi32, #tpu.memory_space<vmem>>) semaphore(%arg11 : memref<!tpu.dma_semaphore, #tpu.memory_space<semaphore_mem>>)
    %dma_wait3A_216 = arith.constant 0 : i32
    %dma_wait3A_217 = arith.constant 0 : i32
    %dma_wait3A_218 = tpu.memref_slice %arg10[%dma_wait3A_216, %dma_wait3A_217] : memref<2048x16xf32, #tpu.memory_space<vmem>> -> memref<128x16xf32, #tpu.memory_space<vmem>>
    %dma_wait3A_219 = arith.constant 0 : i32
    %dma_wait3A_220 = tpu.memref_slice %arg8[%dma_wait3A_219] : memref<4096xi32, #tpu.memory_space<vmem>> -> memref<128xi32, #tpu.memory_space<vmem>>
    %dma_wait3A_221 = arith.constant 0 : i32
    %dma_wait3A_222 = arith.constant 0 : i32
    %dma_wait3A_223 = tpu.memref_slice %arg3[%dma_wait3A_221, %dma_wait3A_222] : memref<524288x16xf32, #tpu.memory_space<hbm>> -> memref<524288x16xf32, #tpu.memory_space<hbm>>
    tpu.wait_indirect_dma semaphore(%arg11 : memref<!tpu.dma_semaphore, #tpu.memory_space<semaphore_mem>>) src(%dma_wait3A_223 : memref<524288x16xf32, #tpu.memory_space<hbm>>) dst(%dma_wait3A_218 : memref<128x16xf32, #tpu.memory_space<vmem>>)
    %dma_wait3A_224 = arith.constant 128 : i32
    %dma_wait3A_225 = arith.constant 0 : i32
    %dma_wait3A_226 = tpu.memref_slice %arg10[%dma_wait3A_224, %dma_wait3A_225] : memref<2048x16xf32, #tpu.memory_space<vmem>> -> memref<128x16xf32, #tpu.memory_space<vmem>>
    %dma_wait3A_227 = arith.constant 128 : i32
    %dma_wait3A_228 = tpu.memref_slice %arg8[%dma_wait3A_227] : memref<4096xi32, #tpu.memory_space<vmem>> -> memref<128xi32, #tpu.memory_space<vmem>>
    %dma_wait3A_229 = arith.constant 0 : i32
    %dma_wait3A_230 = arith.constant 0 : i32
    %dma_wait3A_231 = tpu.memref_slice %arg3[%dma_wait3A_229, %dma_wait3A_230] : memref<524288x16xf32, #tpu.memory_space<hbm>> -> memref<524288x16xf32, #tpu.memory_space<hbm>>
    tpu.wait_indirect_dma semaphore(%arg11 : memref<!tpu.dma_semaphore, #tpu.memory_space<semaphore_mem>>) src(%dma_wait3A_231 : memref<524288x16xf32, #tpu.memory_space<hbm>>) dst(%dma_wait3A_226 : memref<128x16xf32, #tpu.memory_space<vmem>>)
    %dma_wait3A_232 = arith.constant 256 : i32
    %dma_wait3A_233 = arith.constant 0 : i32
    %dma_wait3A_234 = tpu.memref_slice %arg10[%dma_wait3A_232, %dma_wait3A_233] : memref<2048x16xf32, #tpu.memory_space<vmem>> -> memref<128x16xf32, #tpu.memory_space<vmem>>
    %dma_wait3A_235 = arith.constant 256 : i32
    %dma_wait3A_236 = tpu.memref_slice %arg8[%dma_wait3A_235] : memref<4096xi32, #tpu.memory_space<vmem>> -> memref<128xi32, #tpu.memory_space<vmem>>
    %dma_wait3A_237 = arith.constant 0 : i32
    %dma_wait3A_238 = arith.constant 0 : i32
    %dma_wait3A_239 = tpu.memref_slice %arg3[%dma_wait3A_237, %dma_wait3A_238] : memref<524288x16xf32, #tpu.memory_space<hbm>> -> memref<524288x16xf32, #tpu.memory_space<hbm>>
    tpu.wait_indirect_dma semaphore(%arg11 : memref<!tpu.dma_semaphore, #tpu.memory_space<semaphore_mem>>) src(%dma_wait3A_239 : memref<524288x16xf32, #tpu.memory_space<hbm>>) dst(%dma_wait3A_234 : memref<128x16xf32, #tpu.memory_space<vmem>>)
    %dma_wait3A_240 = arith.constant 384 : i32
    %dma_wait3A_241 = arith.constant 0 : i32
    %dma_wait3A_242 = tpu.memref_slice %arg10[%dma_wait3A_240, %dma_wait3A_241] : memref<2048x16xf32, #tpu.memory_space<vmem>> -> memref<128x16xf32, #tpu.memory_space<vmem>>
    %dma_wait3A_243 = arith.constant 384 : i32
    %dma_wait3A_244 = tpu.memref_slice %arg8[%dma_wait3A_243] : memref<4096xi32, #tpu.memory_space<vmem>> -> memref<128xi32, #tpu.memory_space<vmem>>
    %dma_wait3A_245 = arith.constant 0 : i32
    %dma_wait3A_246 = arith.constant 0 : i32
    %dma_wait3A_247 = tpu.memref_slice %arg3[%dma_wait3A_245, %dma_wait3A_246] : memref<524288x16xf32, #tpu.memory_space<hbm>> -> memref<524288x16xf32, #tpu.memory_space<hbm>>
    tpu.wait_indirect_dma semaphore(%arg11 : memref<!tpu.dma_semaphore, #tpu.memory_space<semaphore_mem>>) src(%dma_wait3A_247 : memref<524288x16xf32, #tpu.memory_space<hbm>>) dst(%dma_wait3A_242 : memref<128x16xf32, #tpu.memory_space<vmem>>)
    %dma_wait3A_248 = arith.constant 512 : i32
    %dma_wait3A_249 = arith.constant 0 : i32
    %dma_wait3A_250 = tpu.memref_slice %arg10[%dma_wait3A_248, %dma_wait3A_249] : memref<2048x16xf32, #tpu.memory_space<vmem>> -> memref<128x16xf32, #tpu.memory_space<vmem>>
    %dma_wait3A_251 = arith.constant 512 : i32
    %dma_wait3A_252 = tpu.memref_slice %arg8[%dma_wait3A_251] : memref<4096xi32, #tpu.memory_space<vmem>> -> memref<128xi32, #tpu.memory_space<vmem>>
    %dma_wait3A_253 = arith.constant 0 : i32
    %dma_wait3A_254 = arith.constant 0 : i32
    %dma_wait3A_255 = tpu.memref_slice %arg3[%dma_wait3A_253, %dma_wait3A_254] : memref<524288x16xf32, #tpu.memory_space<hbm>> -> memref<524288x16xf32, #tpu.memory_space<hbm>>
    tpu.wait_indirect_dma semaphore(%arg11 : memref<!tpu.dma_semaphore, #tpu.memory_space<semaphore_mem>>) src(%dma_wait3A_255 : memref<524288x16xf32, #tpu.memory_space<hbm>>) dst(%dma_wait3A_250 : memref<128x16xf32, #tpu.memory_space<vmem>>)
    %dma_wait3A_256 = arith.constant 640 : i32
    %dma_wait3A_257 = arith.constant 0 : i32
    %dma_wait3A_258 = tpu.memref_slice %arg10[%dma_wait3A_256, %dma_wait3A_257] : memref<2048x16xf32, #tpu.memory_space<vmem>> -> memref<128x16xf32, #tpu.memory_space<vmem>>
    %dma_wait3A_259 = arith.constant 640 : i32
    %dma_wait3A_260 = tpu.memref_slice %arg8[%dma_wait3A_259] : memref<4096xi32, #tpu.memory_space<vmem>> -> memref<128xi32, #tpu.memory_space<vmem>>
    %dma_wait3A_261 = arith.constant 0 : i32
    %dma_wait3A_262 = arith.constant 0 : i32
    %dma_wait3A_263 = tpu.memref_slice %arg3[%dma_wait3A_261, %dma_wait3A_262] : memref<524288x16xf32, #tpu.memory_space<hbm>> -> memref<524288x16xf32, #tpu.memory_space<hbm>>
    tpu.wait_indirect_dma semaphore(%arg11 : memref<!tpu.dma_semaphore, #tpu.memory_space<semaphore_mem>>) src(%dma_wait3A_263 : memref<524288x16xf32, #tpu.memory_space<hbm>>) dst(%dma_wait3A_258 : memref<128x16xf32, #tpu.memory_space<vmem>>)
    %dma_wait3A_264 = arith.constant 768 : i32
    %dma_wait3A_265 = arith.constant 0 : i32
    %dma_wait3A_266 = tpu.memref_slice %arg10[%dma_wait3A_264, %dma_wait3A_265] : memref<2048x16xf32, #tpu.memory_space<vmem>> -> memref<128x16xf32, #tpu.memory_space<vmem>>
    %dma_wait3A_267 = arith.constant 768 : i32
    %dma_wait3A_268 = tpu.memref_slice %arg8[%dma_wait3A_267] : memref<4096xi32, #tpu.memory_space<vmem>> -> memref<128xi32, #tpu.memory_space<vmem>>
    %dma_wait3A_269 = arith.constant 0 : i32
    %dma_wait3A_270 = arith.constant 0 : i32
    %dma_wait3A_271 = tpu.memref_slice %arg3[%dma_wait3A_269, %dma_wait3A_270] : memref<524288x16xf32, #tpu.memory_space<hbm>> -> memref<524288x16xf32, #tpu.memory_space<hbm>>
    tpu.wait_indirect_dma semaphore(%arg11 : memref<!tpu.dma_semaphore, #tpu.memory_space<semaphore_mem>>) src(%dma_wait3A_271 : memref<524288x16xf32, #tpu.memory_space<hbm>>) dst(%dma_wait3A_266 : memref<128x16xf32, #tpu.memory_space<vmem>>)
    %dma_wait3A_272 = arith.constant 896 : i32
    %dma_wait3A_273 = arith.constant 0 : i32
    %dma_wait3A_274 = tpu.memref_slice %arg10[%dma_wait3A_272, %dma_wait3A_273] : memref<2048x16xf32, #tpu.memory_space<vmem>> -> memref<128x16xf32, #tpu.memory_space<vmem>>
    %dma_wait3A_275 = arith.constant 896 : i32
    %dma_wait3A_276 = tpu.memref_slice %arg8[%dma_wait3A_275] : memref<4096xi32, #tpu.memory_space<vmem>> -> memref<128xi32, #tpu.memory_space<vmem>>
    %dma_wait3A_277 = arith.constant 0 : i32
    %dma_wait3A_278 = arith.constant 0 : i32
    %dma_wait3A_279 = tpu.memref_slice %arg3[%dma_wait3A_277, %dma_wait3A_278] : memref<524288x16xf32, #tpu.memory_space<hbm>> -> memref<524288x16xf32, #tpu.memory_space<hbm>>
    tpu.wait_indirect_dma semaphore(%arg11 : memref<!tpu.dma_semaphore, #tpu.memory_space<semaphore_mem>>) src(%dma_wait3A_279 : memref<524288x16xf32, #tpu.memory_space<hbm>>) dst(%dma_wait3A_274 : memref<128x16xf32, #tpu.memory_space<vmem>>)
    %dma_wait3A_280 = arith.constant 1024 : i32
    %dma_wait3A_281 = arith.constant 0 : i32
    %dma_wait3A_282 = tpu.memref_slice %arg10[%dma_wait3A_280, %dma_wait3A_281] : memref<2048x16xf32, #tpu.memory_space<vmem>> -> memref<128x16xf32, #tpu.memory_space<vmem>>
    %dma_wait3A_283 = arith.constant 1024 : i32
    %dma_wait3A_284 = tpu.memref_slice %arg8[%dma_wait3A_283] : memref<4096xi32, #tpu.memory_space<vmem>> -> memref<128xi32, #tpu.memory_space<vmem>>
    %dma_wait3A_285 = arith.constant 0 : i32
    %dma_wait3A_286 = arith.constant 0 : i32
    %dma_wait3A_287 = tpu.memref_slice %arg3[%dma_wait3A_285, %dma_wait3A_286] : memref<524288x16xf32, #tpu.memory_space<hbm>> -> memref<524288x16xf32, #tpu.memory_space<hbm>>
    tpu.wait_indirect_dma semaphore(%arg11 : memref<!tpu.dma_semaphore, #tpu.memory_space<semaphore_mem>>) src(%dma_wait3A_287 : memref<524288x16xf32, #tpu.memory_space<hbm>>) dst(%dma_wait3A_282 : memref<128x16xf32, #tpu.memory_space<vmem>>)
    %dma_wait3A_288 = arith.constant 1152 : i32
    %dma_wait3A_289 = arith.constant 0 : i32
    %dma_wait3A_290 = tpu.memref_slice %arg10[%dma_wait3A_288, %dma_wait3A_289] : memref<2048x16xf32, #tpu.memory_space<vmem>> -> memref<128x16xf32, #tpu.memory_space<vmem>>
    %dma_wait3A_291 = arith.constant 1152 : i32
    %dma_wait3A_292 = tpu.memref_slice %arg8[%dma_wait3A_291] : memref<4096xi32, #tpu.memory_space<vmem>> -> memref<128xi32, #tpu.memory_space<vmem>>
    %dma_wait3A_293 = arith.constant 0 : i32
    %dma_wait3A_294 = arith.constant 0 : i32
    %dma_wait3A_295 = tpu.memref_slice %arg3[%dma_wait3A_293, %dma_wait3A_294] : memref<524288x16xf32, #tpu.memory_space<hbm>> -> memref<524288x16xf32, #tpu.memory_space<hbm>>
    tpu.wait_indirect_dma semaphore(%arg11 : memref<!tpu.dma_semaphore, #tpu.memory_space<semaphore_mem>>) src(%dma_wait3A_295 : memref<524288x16xf32, #tpu.memory_space<hbm>>) dst(%dma_wait3A_290 : memref<128x16xf32, #tpu.memory_space<vmem>>)
    %dma_wait3A_296 = arith.constant 1280 : i32
    %dma_wait3A_297 = arith.constant 0 : i32
    %dma_wait3A_298 = tpu.memref_slice %arg10[%dma_wait3A_296, %dma_wait3A_297] : memref<2048x16xf32, #tpu.memory_space<vmem>> -> memref<128x16xf32, #tpu.memory_space<vmem>>
    %dma_wait3A_299 = arith.constant 1280 : i32
    %dma_wait3A_300 = tpu.memref_slice %arg8[%dma_wait3A_299] : memref<4096xi32, #tpu.memory_space<vmem>> -> memref<128xi32, #tpu.memory_space<vmem>>
    %dma_wait3A_301 = arith.constant 0 : i32
    %dma_wait3A_302 = arith.constant 0 : i32
    %dma_wait3A_303 = tpu.memref_slice %arg3[%dma_wait3A_301, %dma_wait3A_302] : memref<524288x16xf32, #tpu.memory_space<hbm>> -> memref<524288x16xf32, #tpu.memory_space<hbm>>
    tpu.wait_indirect_dma semaphore(%arg11 : memref<!tpu.dma_semaphore, #tpu.memory_space<semaphore_mem>>) src(%dma_wait3A_303 : memref<524288x16xf32, #tpu.memory_space<hbm>>) dst(%dma_wait3A_298 : memref<128x16xf32, #tpu.memory_space<vmem>>)
    %dma_wait3A_304 = arith.constant 1408 : i32
    %dma_wait3A_305 = arith.constant 0 : i32
    %dma_wait3A_306 = tpu.memref_slice %arg10[%dma_wait3A_304, %dma_wait3A_305] : memref<2048x16xf32, #tpu.memory_space<vmem>> -> memref<128x16xf32, #tpu.memory_space<vmem>>
    %dma_wait3A_307 = arith.constant 1408 : i32
    %dma_wait3A_308 = tpu.memref_slice %arg8[%dma_wait3A_307] : memref<4096xi32, #tpu.memory_space<vmem>> -> memref<128xi32, #tpu.memory_space<vmem>>
    %dma_wait3A_309 = arith.constant 0 : i32
    %dma_wait3A_310 = arith.constant 0 : i32
    %dma_wait3A_311 = tpu.memref_slice %arg3[%dma_wait3A_309, %dma_wait3A_310] : memref<524288x16xf32, #tpu.memory_space<hbm>> -> memref<524288x16xf32, #tpu.memory_space<hbm>>
    tpu.wait_indirect_dma semaphore(%arg11 : memref<!tpu.dma_semaphore, #tpu.memory_space<semaphore_mem>>) src(%dma_wait3A_311 : memref<524288x16xf32, #tpu.memory_space<hbm>>) dst(%dma_wait3A_306 : memref<128x16xf32, #tpu.memory_space<vmem>>)
    %dma_wait3A_312 = arith.constant 1536 : i32
    %dma_wait3A_313 = arith.constant 0 : i32
    %dma_wait3A_314 = tpu.memref_slice %arg10[%dma_wait3A_312, %dma_wait3A_313] : memref<2048x16xf32, #tpu.memory_space<vmem>> -> memref<128x16xf32, #tpu.memory_space<vmem>>
    %dma_wait3A_315 = arith.constant 1536 : i32
    %dma_wait3A_316 = tpu.memref_slice %arg8[%dma_wait3A_315] : memref<4096xi32, #tpu.memory_space<vmem>> -> memref<128xi32, #tpu.memory_space<vmem>>
    %dma_wait3A_317 = arith.constant 0 : i32
    %dma_wait3A_318 = arith.constant 0 : i32
    %dma_wait3A_319 = tpu.memref_slice %arg3[%dma_wait3A_317, %dma_wait3A_318] : memref<524288x16xf32, #tpu.memory_space<hbm>> -> memref<524288x16xf32, #tpu.memory_space<hbm>>
    tpu.wait_indirect_dma semaphore(%arg11 : memref<!tpu.dma_semaphore, #tpu.memory_space<semaphore_mem>>) src(%dma_wait3A_319 : memref<524288x16xf32, #tpu.memory_space<hbm>>) dst(%dma_wait3A_314 : memref<128x16xf32, #tpu.memory_space<vmem>>)
    %dma_wait3A_320 = arith.constant 1664 : i32
    %dma_wait3A_321 = arith.constant 0 : i32
    %dma_wait3A_322 = tpu.memref_slice %arg10[%dma_wait3A_320, %dma_wait3A_321] : memref<2048x16xf32, #tpu.memory_space<vmem>> -> memref<128x16xf32, #tpu.memory_space<vmem>>
    %dma_wait3A_323 = arith.constant 1664 : i32
    %dma_wait3A_324 = tpu.memref_slice %arg8[%dma_wait3A_323] : memref<4096xi32, #tpu.memory_space<vmem>> -> memref<128xi32, #tpu.memory_space<vmem>>
    %dma_wait3A_325 = arith.constant 0 : i32
    %dma_wait3A_326 = arith.constant 0 : i32
    %dma_wait3A_327 = tpu.memref_slice %arg3[%dma_wait3A_325, %dma_wait3A_326] : memref<524288x16xf32, #tpu.memory_space<hbm>> -> memref<524288x16xf32, #tpu.memory_space<hbm>>
    tpu.wait_indirect_dma semaphore(%arg11 : memref<!tpu.dma_semaphore, #tpu.memory_space<semaphore_mem>>) src(%dma_wait3A_327 : memref<524288x16xf32, #tpu.memory_space<hbm>>) dst(%dma_wait3A_322 : memref<128x16xf32, #tpu.memory_space<vmem>>)
    %dma_wait3A_328 = arith.constant 1792 : i32
    %dma_wait3A_329 = arith.constant 0 : i32
    %dma_wait3A_330 = tpu.memref_slice %arg10[%dma_wait3A_328, %dma_wait3A_329] : memref<2048x16xf32, #tpu.memory_space<vmem>> -> memref<128x16xf32, #tpu.memory_space<vmem>>
    %dma_wait3A_331 = arith.constant 1792 : i32
    %dma_wait3A_332 = tpu.memref_slice %arg8[%dma_wait3A_331] : memref<4096xi32, #tpu.memory_space<vmem>> -> memref<128xi32, #tpu.memory_space<vmem>>
    %dma_wait3A_333 = arith.constant 0 : i32
    %dma_wait3A_334 = arith.constant 0 : i32
    %dma_wait3A_335 = tpu.memref_slice %arg3[%dma_wait3A_333, %dma_wait3A_334] : memref<524288x16xf32, #tpu.memory_space<hbm>> -> memref<524288x16xf32, #tpu.memory_space<hbm>>
    tpu.wait_indirect_dma semaphore(%arg11 : memref<!tpu.dma_semaphore, #tpu.memory_space<semaphore_mem>>) src(%dma_wait3A_335 : memref<524288x16xf32, #tpu.memory_space<hbm>>) dst(%dma_wait3A_330 : memref<128x16xf32, #tpu.memory_space<vmem>>)
    %dma_wait3A_336 = arith.constant 1920 : i32
    %dma_wait3A_337 = arith.constant 0 : i32
    %dma_wait3A_338 = tpu.memref_slice %arg10[%dma_wait3A_336, %dma_wait3A_337] : memref<2048x16xf32, #tpu.memory_space<vmem>> -> memref<128x16xf32, #tpu.memory_space<vmem>>
    %dma_wait3A_339 = arith.constant 1920 : i32
    %dma_wait3A_340 = tpu.memref_slice %arg8[%dma_wait3A_339] : memref<4096xi32, #tpu.memory_space<vmem>> -> memref<128xi32, #tpu.memory_space<vmem>>
    %dma_wait3A_341 = arith.constant 0 : i32
    %dma_wait3A_342 = arith.constant 0 : i32
    %dma_wait3A_343 = tpu.memref_slice %arg3[%dma_wait3A_341, %dma_wait3A_342] : memref<524288x16xf32, #tpu.memory_space<hbm>> -> memref<524288x16xf32, #tpu.memory_space<hbm>>
    tpu.wait_indirect_dma semaphore(%arg11 : memref<!tpu.dma_semaphore, #tpu.memory_space<semaphore_mem>>) src(%dma_wait3A_343 : memref<524288x16xf32, #tpu.memory_space<hbm>>) dst(%dma_wait3A_338 : memref<128x16xf32, #tpu.memory_space<vmem>>)
    %mul3A_344 = arith.constant 8 : i32
    %mul3A_345 = arith.muli %mul3A_2, %mul3A_344 : i32
    %add3A_346 = arith.constant 0 : i32
    %add3A_347 = arith.addi %mul3A_345, %add3A_346 : i32
    "tpu.region"() ({
      %run_scoped3A = tpu.sem_alloc : memref<!tpu.dma_semaphore, #tpu.memory_space<semaphore_mem>>
      %dma_start3A_608 = arith.constant 0 : i32
      %dma_start3A_609 = tpu.memref_slice %arg6[%add3A_347, %dma_start3A_608] : memref<131072x16xf32, #tpu.memory_space<hbm>> -> memref<2048x16xf32, #tpu.memory_space<hbm>>
      %dma_start3A_610 = arith.constant 0 : i32
      %dma_start3A_611 = tpu.memref_slice %arg6[%add3A_347, %dma_start3A_610] : memref<131072x16xf32, #tpu.memory_space<hbm>> -> memref<2048x16xf32, #tpu.memory_space<hbm>>
      tpu.enqueue_dma source(%arg10 : memref<2048x16xf32, #tpu.memory_space<vmem>>) target(%dma_start3A_611 : memref<2048x16xf32, #tpu.memory_space<hbm>>) target_semaphore(%run_scoped3A : memref<!tpu.dma_semaphore, #tpu.memory_space<semaphore_mem>>)
      %dma_wait3A_612 = arith.constant 0 : i32
      %dma_wait3A_613 = tpu.memref_slice %arg6[%add3A_347, %dma_wait3A_612] : memref<131072x16xf32, #tpu.memory_space<hbm>> -> memref<2048x16xf32, #tpu.memory_space<hbm>>
      %dma_wait3A_614 = arith.constant 0 : i32
      %dma_wait3A_615 = tpu.memref_slice %arg6[%add3A_347, %dma_wait3A_614] : memref<131072x16xf32, #tpu.memory_space<hbm>> -> memref<2048x16xf32, #tpu.memory_space<hbm>>
      tpu.wait_dma2 semaphore(%run_scoped3A : memref<!tpu.dma_semaphore, #tpu.memory_space<semaphore_mem>>) src(%arg10 : memref<2048x16xf32, #tpu.memory_space<vmem>>) dst(%dma_wait3A_615 : memref<2048x16xf32, #tpu.memory_space<hbm>>)
      tpu.yield
    }) : () -> ()
    %dma_start3A_348 = arith.constant 0 : i32
    %dma_start3A_349 = arith.constant 0 : i32
    %dma_start3A_350 = tpu.memref_slice %arg10[%dma_start3A_348, %dma_start3A_349] : memref<2048x16xf32, #tpu.memory_space<vmem>> -> memref<128x16xf32, #tpu.memory_space<vmem>>
    %dma_start3A_351 = arith.constant 2048 : i32
    %dma_start3A_352 = tpu.memref_slice %arg8[%dma_start3A_351] : memref<4096xi32, #tpu.memory_space<vmem>> -> memref<128xi32, #tpu.memory_space<vmem>>
    %dma_start3A_353 = arith.constant 0 : i32
    %dma_start3A_354 = arith.constant 0 : i32
    %dma_start3A_355 = tpu.memref_slice %arg3[%dma_start3A_353, %dma_start3A_354] : memref<524288x16xf32, #tpu.memory_space<hbm>> -> memref<524288x16xf32, #tpu.memory_space<hbm>>
    tpu.enqueue_indirect_dma source(%dma_start3A_355 : memref<524288x16xf32, #tpu.memory_space<hbm>>) target(%dma_start3A_350 : memref<128x16xf32, #tpu.memory_space<vmem>>) offsets(%dma_start3A_352 : memref<128xi32, #tpu.memory_space<vmem>>) semaphore(%arg11 : memref<!tpu.dma_semaphore, #tpu.memory_space<semaphore_mem>>)
    %dma_start3A_356 = arith.constant 128 : i32
    %dma_start3A_357 = arith.constant 0 : i32
    %dma_start3A_358 = tpu.memref_slice %arg10[%dma_start3A_356, %dma_start3A_357] : memref<2048x16xf32, #tpu.memory_space<vmem>> -> memref<128x16xf32, #tpu.memory_space<vmem>>
    %dma_start3A_359 = arith.constant 2176 : i32
    %dma_start3A_360 = tpu.memref_slice %arg8[%dma_start3A_359] : memref<4096xi32, #tpu.memory_space<vmem>> -> memref<128xi32, #tpu.memory_space<vmem>>
    %dma_start3A_361 = arith.constant 0 : i32
    %dma_start3A_362 = arith.constant 0 : i32
    %dma_start3A_363 = tpu.memref_slice %arg3[%dma_start3A_361, %dma_start3A_362] : memref<524288x16xf32, #tpu.memory_space<hbm>> -> memref<524288x16xf32, #tpu.memory_space<hbm>>
    tpu.enqueue_indirect_dma source(%dma_start3A_363 : memref<524288x16xf32, #tpu.memory_space<hbm>>) target(%dma_start3A_358 : memref<128x16xf32, #tpu.memory_space<vmem>>) offsets(%dma_start3A_360 : memref<128xi32, #tpu.memory_space<vmem>>) semaphore(%arg11 : memref<!tpu.dma_semaphore, #tpu.memory_space<semaphore_mem>>)
    %dma_start3A_364 = arith.constant 256 : i32
    %dma_start3A_365 = arith.constant 0 : i32
    %dma_start3A_366 = tpu.memref_slice %arg10[%dma_start3A_364, %dma_start3A_365] : memref<2048x16xf32, #tpu.memory_space<vmem>> -> memref<128x16xf32, #tpu.memory_space<vmem>>
    %dma_start3A_367 = arith.constant 2304 : i32
    %dma_start3A_368 = tpu.memref_slice %arg8[%dma_start3A_367] : memref<4096xi32, #tpu.memory_space<vmem>> -> memref<128xi32, #tpu.memory_space<vmem>>
    %dma_start3A_369 = arith.constant 0 : i32
    %dma_start3A_370 = arith.constant 0 : i32
    %dma_start3A_371 = tpu.memref_slice %arg3[%dma_start3A_369, %dma_start3A_370] : memref<524288x16xf32, #tpu.memory_space<hbm>> -> memref<524288x16xf32, #tpu.memory_space<hbm>>
    tpu.enqueue_indirect_dma source(%dma_start3A_371 : memref<524288x16xf32, #tpu.memory_space<hbm>>) target(%dma_start3A_366 : memref<128x16xf32, #tpu.memory_space<vmem>>) offsets(%dma_start3A_368 : memref<128xi32, #tpu.memory_space<vmem>>) semaphore(%arg11 : memref<!tpu.dma_semaphore, #tpu.memory_space<semaphore_mem>>)
    %dma_start3A_372 = arith.constant 384 : i32
    %dma_start3A_373 = arith.constant 0 : i32
    %dma_start3A_374 = tpu.memref_slice %arg10[%dma_start3A_372, %dma_start3A_373] : memref<2048x16xf32, #tpu.memory_space<vmem>> -> memref<128x16xf32, #tpu.memory_space<vmem>>
    %dma_start3A_375 = arith.constant 2432 : i32
    %dma_start3A_376 = tpu.memref_slice %arg8[%dma_start3A_375] : memref<4096xi32, #tpu.memory_space<vmem>> -> memref<128xi32, #tpu.memory_space<vmem>>
    %dma_start3A_377 = arith.constant 0 : i32
    %dma_start3A_378 = arith.constant 0 : i32
    %dma_start3A_379 = tpu.memref_slice %arg3[%dma_start3A_377, %dma_start3A_378] : memref<524288x16xf32, #tpu.memory_space<hbm>> -> memref<524288x16xf32, #tpu.memory_space<hbm>>
    tpu.enqueue_indirect_dma source(%dma_start3A_379 : memref<524288x16xf32, #tpu.memory_space<hbm>>) target(%dma_start3A_374 : memref<128x16xf32, #tpu.memory_space<vmem>>) offsets(%dma_start3A_376 : memref<128xi32, #tpu.memory_space<vmem>>) semaphore(%arg11 : memref<!tpu.dma_semaphore, #tpu.memory_space<semaphore_mem>>)
    %dma_start3A_380 = arith.constant 512 : i32
    %dma_start3A_381 = arith.constant 0 : i32
    %dma_start3A_382 = tpu.memref_slice %arg10[%dma_start3A_380, %dma_start3A_381] : memref<2048x16xf32, #tpu.memory_space<vmem>> -> memref<128x16xf32, #tpu.memory_space<vmem>>
    %dma_start3A_383 = arith.constant 2560 : i32
    %dma_start3A_384 = tpu.memref_slice %arg8[%dma_start3A_383] : memref<4096xi32, #tpu.memory_space<vmem>> -> memref<128xi32, #tpu.memory_space<vmem>>
    %dma_start3A_385 = arith.constant 0 : i32
    %dma_start3A_386 = arith.constant 0 : i32
    %dma_start3A_387 = tpu.memref_slice %arg3[%dma_start3A_385, %dma_start3A_386] : memref<524288x16xf32, #tpu.memory_space<hbm>> -> memref<524288x16xf32, #tpu.memory_space<hbm>>
    tpu.enqueue_indirect_dma source(%dma_start3A_387 : memref<524288x16xf32, #tpu.memory_space<hbm>>) target(%dma_start3A_382 : memref<128x16xf32, #tpu.memory_space<vmem>>) offsets(%dma_start3A_384 : memref<128xi32, #tpu.memory_space<vmem>>) semaphore(%arg11 : memref<!tpu.dma_semaphore, #tpu.memory_space<semaphore_mem>>)
    %dma_start3A_388 = arith.constant 640 : i32
    %dma_start3A_389 = arith.constant 0 : i32
    %dma_start3A_390 = tpu.memref_slice %arg10[%dma_start3A_388, %dma_start3A_389] : memref<2048x16xf32, #tpu.memory_space<vmem>> -> memref<128x16xf32, #tpu.memory_space<vmem>>
    %dma_start3A_391 = arith.constant 2688 : i32
    %dma_start3A_392 = tpu.memref_slice %arg8[%dma_start3A_391] : memref<4096xi32, #tpu.memory_space<vmem>> -> memref<128xi32, #tpu.memory_space<vmem>>
    %dma_start3A_393 = arith.constant 0 : i32
    %dma_start3A_394 = arith.constant 0 : i32
    %dma_start3A_395 = tpu.memref_slice %arg3[%dma_start3A_393, %dma_start3A_394] : memref<524288x16xf32, #tpu.memory_space<hbm>> -> memref<524288x16xf32, #tpu.memory_space<hbm>>
    tpu.enqueue_indirect_dma source(%dma_start3A_395 : memref<524288x16xf32, #tpu.memory_space<hbm>>) target(%dma_start3A_390 : memref<128x16xf32, #tpu.memory_space<vmem>>) offsets(%dma_start3A_392 : memref<128xi32, #tpu.memory_space<vmem>>) semaphore(%arg11 : memref<!tpu.dma_semaphore, #tpu.memory_space<semaphore_mem>>)
    %dma_start3A_396 = arith.constant 768 : i32
    %dma_start3A_397 = arith.constant 0 : i32
    %dma_start3A_398 = tpu.memref_slice %arg10[%dma_start3A_396, %dma_start3A_397] : memref<2048x16xf32, #tpu.memory_space<vmem>> -> memref<128x16xf32, #tpu.memory_space<vmem>>
    %dma_start3A_399 = arith.constant 2816 : i32
    %dma_start3A_400 = tpu.memref_slice %arg8[%dma_start3A_399] : memref<4096xi32, #tpu.memory_space<vmem>> -> memref<128xi32, #tpu.memory_space<vmem>>
    %dma_start3A_401 = arith.constant 0 : i32
    %dma_start3A_402 = arith.constant 0 : i32
    %dma_start3A_403 = tpu.memref_slice %arg3[%dma_start3A_401, %dma_start3A_402] : memref<524288x16xf32, #tpu.memory_space<hbm>> -> memref<524288x16xf32, #tpu.memory_space<hbm>>
    tpu.enqueue_indirect_dma source(%dma_start3A_403 : memref<524288x16xf32, #tpu.memory_space<hbm>>) target(%dma_start3A_398 : memref<128x16xf32, #tpu.memory_space<vmem>>) offsets(%dma_start3A_400 : memref<128xi32, #tpu.memory_space<vmem>>) semaphore(%arg11 : memref<!tpu.dma_semaphore, #tpu.memory_space<semaphore_mem>>)
    %dma_start3A_404 = arith.constant 896 : i32
    %dma_start3A_405 = arith.constant 0 : i32
    %dma_start3A_406 = tpu.memref_slice %arg10[%dma_start3A_404, %dma_start3A_405] : memref<2048x16xf32, #tpu.memory_space<vmem>> -> memref<128x16xf32, #tpu.memory_space<vmem>>
    %dma_start3A_407 = arith.constant 2944 : i32
    %dma_start3A_408 = tpu.memref_slice %arg8[%dma_start3A_407] : memref<4096xi32, #tpu.memory_space<vmem>> -> memref<128xi32, #tpu.memory_space<vmem>>
    %dma_start3A_409 = arith.constant 0 : i32
    %dma_start3A_410 = arith.constant 0 : i32
    %dma_start3A_411 = tpu.memref_slice %arg3[%dma_start3A_409, %dma_start3A_410] : memref<524288x16xf32, #tpu.memory_space<hbm>> -> memref<524288x16xf32, #tpu.memory_space<hbm>>
    tpu.enqueue_indirect_dma source(%dma_start3A_411 : memref<524288x16xf32, #tpu.memory_space<hbm>>) target(%dma_start3A_406 : memref<128x16xf32, #tpu.memory_space<vmem>>) offsets(%dma_start3A_408 : memref<128xi32, #tpu.memory_space<vmem>>) semaphore(%arg11 : memref<!tpu.dma_semaphore, #tpu.memory_space<semaphore_mem>>)
    %dma_start3A_412 = arith.constant 1024 : i32
    %dma_start3A_413 = arith.constant 0 : i32
    %dma_start3A_414 = tpu.memref_slice %arg10[%dma_start3A_412, %dma_start3A_413] : memref<2048x16xf32, #tpu.memory_space<vmem>> -> memref<128x16xf32, #tpu.memory_space<vmem>>
    %dma_start3A_415 = arith.constant 3072 : i32
    %dma_start3A_416 = tpu.memref_slice %arg8[%dma_start3A_415] : memref<4096xi32, #tpu.memory_space<vmem>> -> memref<128xi32, #tpu.memory_space<vmem>>
    %dma_start3A_417 = arith.constant 0 : i32
    %dma_start3A_418 = arith.constant 0 : i32
    %dma_start3A_419 = tpu.memref_slice %arg3[%dma_start3A_417, %dma_start3A_418] : memref<524288x16xf32, #tpu.memory_space<hbm>> -> memref<524288x16xf32, #tpu.memory_space<hbm>>
    tpu.enqueue_indirect_dma source(%dma_start3A_419 : memref<524288x16xf32, #tpu.memory_space<hbm>>) target(%dma_start3A_414 : memref<128x16xf32, #tpu.memory_space<vmem>>) offsets(%dma_start3A_416 : memref<128xi32, #tpu.memory_space<vmem>>) semaphore(%arg11 : memref<!tpu.dma_semaphore, #tpu.memory_space<semaphore_mem>>)
    %dma_start3A_420 = arith.constant 1152 : i32
    %dma_start3A_421 = arith.constant 0 : i32
    %dma_start3A_422 = tpu.memref_slice %arg10[%dma_start3A_420, %dma_start3A_421] : memref<2048x16xf32, #tpu.memory_space<vmem>> -> memref<128x16xf32, #tpu.memory_space<vmem>>
    %dma_start3A_423 = arith.constant 3200 : i32
    %dma_start3A_424 = tpu.memref_slice %arg8[%dma_start3A_423] : memref<4096xi32, #tpu.memory_space<vmem>> -> memref<128xi32, #tpu.memory_space<vmem>>
    %dma_start3A_425 = arith.constant 0 : i32
    %dma_start3A_426 = arith.constant 0 : i32
    %dma_start3A_427 = tpu.memref_slice %arg3[%dma_start3A_425, %dma_start3A_426] : memref<524288x16xf32, #tpu.memory_space<hbm>> -> memref<524288x16xf32, #tpu.memory_space<hbm>>
    tpu.enqueue_indirect_dma source(%dma_start3A_427 : memref<524288x16xf32, #tpu.memory_space<hbm>>) target(%dma_start3A_422 : memref<128x16xf32, #tpu.memory_space<vmem>>) offsets(%dma_start3A_424 : memref<128xi32, #tpu.memory_space<vmem>>) semaphore(%arg11 : memref<!tpu.dma_semaphore, #tpu.memory_space<semaphore_mem>>)
    %dma_start3A_428 = arith.constant 1280 : i32
    %dma_start3A_429 = arith.constant 0 : i32
    %dma_start3A_430 = tpu.memref_slice %arg10[%dma_start3A_428, %dma_start3A_429] : memref<2048x16xf32, #tpu.memory_space<vmem>> -> memref<128x16xf32, #tpu.memory_space<vmem>>
    %dma_start3A_431 = arith.constant 3328 : i32
    %dma_start3A_432 = tpu.memref_slice %arg8[%dma_start3A_431] : memref<4096xi32, #tpu.memory_space<vmem>> -> memref<128xi32, #tpu.memory_space<vmem>>
    %dma_start3A_433 = arith.constant 0 : i32
    %dma_start3A_434 = arith.constant 0 : i32
    %dma_start3A_435 = tpu.memref_slice %arg3[%dma_start3A_433, %dma_start3A_434] : memref<524288x16xf32, #tpu.memory_space<hbm>> -> memref<524288x16xf32, #tpu.memory_space<hbm>>
    tpu.enqueue_indirect_dma source(%dma_start3A_435 : memref<524288x16xf32, #tpu.memory_space<hbm>>) target(%dma_start3A_430 : memref<128x16xf32, #tpu.memory_space<vmem>>) offsets(%dma_start3A_432 : memref<128xi32, #tpu.memory_space<vmem>>) semaphore(%arg11 : memref<!tpu.dma_semaphore, #tpu.memory_space<semaphore_mem>>)
    %dma_start3A_436 = arith.constant 1408 : i32
    %dma_start3A_437 = arith.constant 0 : i32
    %dma_start3A_438 = tpu.memref_slice %arg10[%dma_start3A_436, %dma_start3A_437] : memref<2048x16xf32, #tpu.memory_space<vmem>> -> memref<128x16xf32, #tpu.memory_space<vmem>>
    %dma_start3A_439 = arith.constant 3456 : i32
    %dma_start3A_440 = tpu.memref_slice %arg8[%dma_start3A_439] : memref<4096xi32, #tpu.memory_space<vmem>> -> memref<128xi32, #tpu.memory_space<vmem>>
    %dma_start3A_441 = arith.constant 0 : i32
    %dma_start3A_442 = arith.constant 0 : i32
    %dma_start3A_443 = tpu.memref_slice %arg3[%dma_start3A_441, %dma_start3A_442] : memref<524288x16xf32, #tpu.memory_space<hbm>> -> memref<524288x16xf32, #tpu.memory_space<hbm>>
    tpu.enqueue_indirect_dma source(%dma_start3A_443 : memref<524288x16xf32, #tpu.memory_space<hbm>>) target(%dma_start3A_438 : memref<128x16xf32, #tpu.memory_space<vmem>>) offsets(%dma_start3A_440 : memref<128xi32, #tpu.memory_space<vmem>>) semaphore(%arg11 : memref<!tpu.dma_semaphore, #tpu.memory_space<semaphore_mem>>)
    %dma_start3A_444 = arith.constant 1536 : i32
    %dma_start3A_445 = arith.constant 0 : i32
    %dma_start3A_446 = tpu.memref_slice %arg10[%dma_start3A_444, %dma_start3A_445] : memref<2048x16xf32, #tpu.memory_space<vmem>> -> memref<128x16xf32, #tpu.memory_space<vmem>>
    %dma_start3A_447 = arith.constant 3584 : i32
    %dma_start3A_448 = tpu.memref_slice %arg8[%dma_start3A_447] : memref<4096xi32, #tpu.memory_space<vmem>> -> memref<128xi32, #tpu.memory_space<vmem>>
    %dma_start3A_449 = arith.constant 0 : i32
    %dma_start3A_450 = arith.constant 0 : i32
    %dma_start3A_451 = tpu.memref_slice %arg3[%dma_start3A_449, %dma_start3A_450] : memref<524288x16xf32, #tpu.memory_space<hbm>> -> memref<524288x16xf32, #tpu.memory_space<hbm>>
    tpu.enqueue_indirect_dma source(%dma_start3A_451 : memref<524288x16xf32, #tpu.memory_space<hbm>>) target(%dma_start3A_446 : memref<128x16xf32, #tpu.memory_space<vmem>>) offsets(%dma_start3A_448 : memref<128xi32, #tpu.memory_space<vmem>>) semaphore(%arg11 : memref<!tpu.dma_semaphore, #tpu.memory_space<semaphore_mem>>)
    %dma_start3A_452 = arith.constant 1664 : i32
    %dma_start3A_453 = arith.constant 0 : i32
    %dma_start3A_454 = tpu.memref_slice %arg10[%dma_start3A_452, %dma_start3A_453] : memref<2048x16xf32, #tpu.memory_space<vmem>> -> memref<128x16xf32, #tpu.memory_space<vmem>>
    %dma_start3A_455 = arith.constant 3712 : i32
    %dma_start3A_456 = tpu.memref_slice %arg8[%dma_start3A_455] : memref<4096xi32, #tpu.memory_space<vmem>> -> memref<128xi32, #tpu.memory_space<vmem>>
    %dma_start3A_457 = arith.constant 0 : i32
    %dma_start3A_458 = arith.constant 0 : i32
    %dma_start3A_459 = tpu.memref_slice %arg3[%dma_start3A_457, %dma_start3A_458] : memref<524288x16xf32, #tpu.memory_space<hbm>> -> memref<524288x16xf32, #tpu.memory_space<hbm>>
    tpu.enqueue_indirect_dma source(%dma_start3A_459 : memref<524288x16xf32, #tpu.memory_space<hbm>>) target(%dma_start3A_454 : memref<128x16xf32, #tpu.memory_space<vmem>>) offsets(%dma_start3A_456 : memref<128xi32, #tpu.memory_space<vmem>>) semaphore(%arg11 : memref<!tpu.dma_semaphore, #tpu.memory_space<semaphore_mem>>)
    %dma_start3A_460 = arith.constant 1792 : i32
    %dma_start3A_461 = arith.constant 0 : i32
    %dma_start3A_462 = tpu.memref_slice %arg10[%dma_start3A_460, %dma_start3A_461] : memref<2048x16xf32, #tpu.memory_space<vmem>> -> memref<128x16xf32, #tpu.memory_space<vmem>>
    %dma_start3A_463 = arith.constant 3840 : i32
    %dma_start3A_464 = tpu.memref_slice %arg8[%dma_start3A_463] : memref<4096xi32, #tpu.memory_space<vmem>> -> memref<128xi32, #tpu.memory_space<vmem>>
    %dma_start3A_465 = arith.constant 0 : i32
    %dma_start3A_466 = arith.constant 0 : i32
    %dma_start3A_467 = tpu.memref_slice %arg3[%dma_start3A_465, %dma_start3A_466] : memref<524288x16xf32, #tpu.memory_space<hbm>> -> memref<524288x16xf32, #tpu.memory_space<hbm>>
    tpu.enqueue_indirect_dma source(%dma_start3A_467 : memref<524288x16xf32, #tpu.memory_space<hbm>>) target(%dma_start3A_462 : memref<128x16xf32, #tpu.memory_space<vmem>>) offsets(%dma_start3A_464 : memref<128xi32, #tpu.memory_space<vmem>>) semaphore(%arg11 : memref<!tpu.dma_semaphore, #tpu.memory_space<semaphore_mem>>)
    %dma_start3A_468 = arith.constant 1920 : i32
    %dma_start3A_469 = arith.constant 0 : i32
    %dma_start3A_470 = tpu.memref_slice %arg10[%dma_start3A_468, %dma_start3A_469] : memref<2048x16xf32, #tpu.memory_space<vmem>> -> memref<128x16xf32, #tpu.memory_space<vmem>>
    %dma_start3A_471 = arith.constant 3968 : i32
    %dma_start3A_472 = tpu.memref_slice %arg8[%dma_start3A_471] : memref<4096xi32, #tpu.memory_space<vmem>> -> memref<128xi32, #tpu.memory_space<vmem>>
    %dma_start3A_473 = arith.constant 0 : i32
    %dma_start3A_474 = arith.constant 0 : i32
    %dma_start3A_475 = tpu.memref_slice %arg3[%dma_start3A_473, %dma_start3A_474] : memref<524288x16xf32, #tpu.memory_space<hbm>> -> memref<524288x16xf32, #tpu.memory_space<hbm>>
    tpu.enqueue_indirect_dma source(%dma_start3A_475 : memref<524288x16xf32, #tpu.memory_space<hbm>>) target(%dma_start3A_470 : memref<128x16xf32, #tpu.memory_space<vmem>>) offsets(%dma_start3A_472 : memref<128xi32, #tpu.memory_space<vmem>>) semaphore(%arg11 : memref<!tpu.dma_semaphore, #tpu.memory_space<semaphore_mem>>)
    %dma_wait3A_476 = arith.constant 0 : i32
    %dma_wait3A_477 = arith.constant 0 : i32
    %dma_wait3A_478 = tpu.memref_slice %arg10[%dma_wait3A_476, %dma_wait3A_477] : memref<2048x16xf32, #tpu.memory_space<vmem>> -> memref<128x16xf32, #tpu.memory_space<vmem>>
    %dma_wait3A_479 = arith.constant 2048 : i32
    %dma_wait3A_480 = tpu.memref_slice %arg8[%dma_wait3A_479] : memref<4096xi32, #tpu.memory_space<vmem>> -> memref<128xi32, #tpu.memory_space<vmem>>
    %dma_wait3A_481 = arith.constant 0 : i32
    %dma_wait3A_482 = arith.constant 0 : i32
    %dma_wait3A_483 = tpu.memref_slice %arg3[%dma_wait3A_481, %dma_wait3A_482] : memref<524288x16xf32, #tpu.memory_space<hbm>> -> memref<524288x16xf32, #tpu.memory_space<hbm>>
    tpu.wait_indirect_dma semaphore(%arg11 : memref<!tpu.dma_semaphore, #tpu.memory_space<semaphore_mem>>) src(%dma_wait3A_483 : memref<524288x16xf32, #tpu.memory_space<hbm>>) dst(%dma_wait3A_478 : memref<128x16xf32, #tpu.memory_space<vmem>>)
    %dma_wait3A_484 = arith.constant 128 : i32
    %dma_wait3A_485 = arith.constant 0 : i32
    %dma_wait3A_486 = tpu.memref_slice %arg10[%dma_wait3A_484, %dma_wait3A_485] : memref<2048x16xf32, #tpu.memory_space<vmem>> -> memref<128x16xf32, #tpu.memory_space<vmem>>
    %dma_wait3A_487 = arith.constant 2176 : i32
    %dma_wait3A_488 = tpu.memref_slice %arg8[%dma_wait3A_487] : memref<4096xi32, #tpu.memory_space<vmem>> -> memref<128xi32, #tpu.memory_space<vmem>>
    %dma_wait3A_489 = arith.constant 0 : i32
    %dma_wait3A_490 = arith.constant 0 : i32
    %dma_wait3A_491 = tpu.memref_slice %arg3[%dma_wait3A_489, %dma_wait3A_490] : memref<524288x16xf32, #tpu.memory_space<hbm>> -> memref<524288x16xf32, #tpu.memory_space<hbm>>
    tpu.wait_indirect_dma semaphore(%arg11 : memref<!tpu.dma_semaphore, #tpu.memory_space<semaphore_mem>>) src(%dma_wait3A_491 : memref<524288x16xf32, #tpu.memory_space<hbm>>) dst(%dma_wait3A_486 : memref<128x16xf32, #tpu.memory_space<vmem>>)
    %dma_wait3A_492 = arith.constant 256 : i32
    %dma_wait3A_493 = arith.constant 0 : i32
    %dma_wait3A_494 = tpu.memref_slice %arg10[%dma_wait3A_492, %dma_wait3A_493] : memref<2048x16xf32, #tpu.memory_space<vmem>> -> memref<128x16xf32, #tpu.memory_space<vmem>>
    %dma_wait3A_495 = arith.constant 2304 : i32
    %dma_wait3A_496 = tpu.memref_slice %arg8[%dma_wait3A_495] : memref<4096xi32, #tpu.memory_space<vmem>> -> memref<128xi32, #tpu.memory_space<vmem>>
    %dma_wait3A_497 = arith.constant 0 : i32
    %dma_wait3A_498 = arith.constant 0 : i32
    %dma_wait3A_499 = tpu.memref_slice %arg3[%dma_wait3A_497, %dma_wait3A_498] : memref<524288x16xf32, #tpu.memory_space<hbm>> -> memref<524288x16xf32, #tpu.memory_space<hbm>>
    tpu.wait_indirect_dma semaphore(%arg11 : memref<!tpu.dma_semaphore, #tpu.memory_space<semaphore_mem>>) src(%dma_wait3A_499 : memref<524288x16xf32, #tpu.memory_space<hbm>>) dst(%dma_wait3A_494 : memref<128x16xf32, #tpu.memory_space<vmem>>)
    %dma_wait3A_500 = arith.constant 384 : i32
    %dma_wait3A_501 = arith.constant 0 : i32
    %dma_wait3A_502 = tpu.memref_slice %arg10[%dma_wait3A_500, %dma_wait3A_501] : memref<2048x16xf32, #tpu.memory_space<vmem>> -> memref<128x16xf32, #tpu.memory_space<vmem>>
    %dma_wait3A_503 = arith.constant 2432 : i32
    %dma_wait3A_504 = tpu.memref_slice %arg8[%dma_wait3A_503] : memref<4096xi32, #tpu.memory_space<vmem>> -> memref<128xi32, #tpu.memory_space<vmem>>
    %dma_wait3A_505 = arith.constant 0 : i32
    %dma_wait3A_506 = arith.constant 0 : i32
    %dma_wait3A_507 = tpu.memref_slice %arg3[%dma_wait3A_505, %dma_wait3A_506] : memref<524288x16xf32, #tpu.memory_space<hbm>> -> memref<524288x16xf32, #tpu.memory_space<hbm>>
    tpu.wait_indirect_dma semaphore(%arg11 : memref<!tpu.dma_semaphore, #tpu.memory_space<semaphore_mem>>) src(%dma_wait3A_507 : memref<524288x16xf32, #tpu.memory_space<hbm>>) dst(%dma_wait3A_502 : memref<128x16xf32, #tpu.memory_space<vmem>>)
    %dma_wait3A_508 = arith.constant 512 : i32
    %dma_wait3A_509 = arith.constant 0 : i32
    %dma_wait3A_510 = tpu.memref_slice %arg10[%dma_wait3A_508, %dma_wait3A_509] : memref<2048x16xf32, #tpu.memory_space<vmem>> -> memref<128x16xf32, #tpu.memory_space<vmem>>
    %dma_wait3A_511 = arith.constant 2560 : i32
    %dma_wait3A_512 = tpu.memref_slice %arg8[%dma_wait3A_511] : memref<4096xi32, #tpu.memory_space<vmem>> -> memref<128xi32, #tpu.memory_space<vmem>>
    %dma_wait3A_513 = arith.constant 0 : i32
    %dma_wait3A_514 = arith.constant 0 : i32
    %dma_wait3A_515 = tpu.memref_slice %arg3[%dma_wait3A_513, %dma_wait3A_514] : memref<524288x16xf32, #tpu.memory_space<hbm>> -> memref<524288x16xf32, #tpu.memory_space<hbm>>
    tpu.wait_indirect_dma semaphore(%arg11 : memref<!tpu.dma_semaphore, #tpu.memory_space<semaphore_mem>>) src(%dma_wait3A_515 : memref<524288x16xf32, #tpu.memory_space<hbm>>) dst(%dma_wait3A_510 : memref<128x16xf32, #tpu.memory_space<vmem>>)
    %dma_wait3A_516 = arith.constant 640 : i32
    %dma_wait3A_517 = arith.constant 0 : i32
    %dma_wait3A_518 = tpu.memref_slice %arg10[%dma_wait3A_516, %dma_wait3A_517] : memref<2048x16xf32, #tpu.memory_space<vmem>> -> memref<128x16xf32, #tpu.memory_space<vmem>>
    %dma_wait3A_519 = arith.constant 2688 : i32
    %dma_wait3A_520 = tpu.memref_slice %arg8[%dma_wait3A_519] : memref<4096xi32, #tpu.memory_space<vmem>> -> memref<128xi32, #tpu.memory_space<vmem>>
    %dma_wait3A_521 = arith.constant 0 : i32
    %dma_wait3A_522 = arith.constant 0 : i32
    %dma_wait3A_523 = tpu.memref_slice %arg3[%dma_wait3A_521, %dma_wait3A_522] : memref<524288x16xf32, #tpu.memory_space<hbm>> -> memref<524288x16xf32, #tpu.memory_space<hbm>>
    tpu.wait_indirect_dma semaphore(%arg11 : memref<!tpu.dma_semaphore, #tpu.memory_space<semaphore_mem>>) src(%dma_wait3A_523 : memref<524288x16xf32, #tpu.memory_space<hbm>>) dst(%dma_wait3A_518 : memref<128x16xf32, #tpu.memory_space<vmem>>)
    %dma_wait3A_524 = arith.constant 768 : i32
    %dma_wait3A_525 = arith.constant 0 : i32
    %dma_wait3A_526 = tpu.memref_slice %arg10[%dma_wait3A_524, %dma_wait3A_525] : memref<2048x16xf32, #tpu.memory_space<vmem>> -> memref<128x16xf32, #tpu.memory_space<vmem>>
    %dma_wait3A_527 = arith.constant 2816 : i32
    %dma_wait3A_528 = tpu.memref_slice %arg8[%dma_wait3A_527] : memref<4096xi32, #tpu.memory_space<vmem>> -> memref<128xi32, #tpu.memory_space<vmem>>
    %dma_wait3A_529 = arith.constant 0 : i32
    %dma_wait3A_530 = arith.constant 0 : i32
    %dma_wait3A_531 = tpu.memref_slice %arg3[%dma_wait3A_529, %dma_wait3A_530] : memref<524288x16xf32, #tpu.memory_space<hbm>> -> memref<524288x16xf32, #tpu.memory_space<hbm>>
    tpu.wait_indirect_dma semaphore(%arg11 : memref<!tpu.dma_semaphore, #tpu.memory_space<semaphore_mem>>) src(%dma_wait3A_531 : memref<524288x16xf32, #tpu.memory_space<hbm>>) dst(%dma_wait3A_526 : memref<128x16xf32, #tpu.memory_space<vmem>>)
    %dma_wait3A_532 = arith.constant 896 : i32
    %dma_wait3A_533 = arith.constant 0 : i32
    %dma_wait3A_534 = tpu.memref_slice %arg10[%dma_wait3A_532, %dma_wait3A_533] : memref<2048x16xf32, #tpu.memory_space<vmem>> -> memref<128x16xf32, #tpu.memory_space<vmem>>
    %dma_wait3A_535 = arith.constant 2944 : i32
    %dma_wait3A_536 = tpu.memref_slice %arg8[%dma_wait3A_535] : memref<4096xi32, #tpu.memory_space<vmem>> -> memref<128xi32, #tpu.memory_space<vmem>>
    %dma_wait3A_537 = arith.constant 0 : i32
    %dma_wait3A_538 = arith.constant 0 : i32
    %dma_wait3A_539 = tpu.memref_slice %arg3[%dma_wait3A_537, %dma_wait3A_538] : memref<524288x16xf32, #tpu.memory_space<hbm>> -> memref<524288x16xf32, #tpu.memory_space<hbm>>
    tpu.wait_indirect_dma semaphore(%arg11 : memref<!tpu.dma_semaphore, #tpu.memory_space<semaphore_mem>>) src(%dma_wait3A_539 : memref<524288x16xf32, #tpu.memory_space<hbm>>) dst(%dma_wait3A_534 : memref<128x16xf32, #tpu.memory_space<vmem>>)
    %dma_wait3A_540 = arith.constant 1024 : i32
    %dma_wait3A_541 = arith.constant 0 : i32
    %dma_wait3A_542 = tpu.memref_slice %arg10[%dma_wait3A_540, %dma_wait3A_541] : memref<2048x16xf32, #tpu.memory_space<vmem>> -> memref<128x16xf32, #tpu.memory_space<vmem>>
    %dma_wait3A_543 = arith.constant 3072 : i32
    %dma_wait3A_544 = tpu.memref_slice %arg8[%dma_wait3A_543] : memref<4096xi32, #tpu.memory_space<vmem>> -> memref<128xi32, #tpu.memory_space<vmem>>
    %dma_wait3A_545 = arith.constant 0 : i32
    %dma_wait3A_546 = arith.constant 0 : i32
    %dma_wait3A_547 = tpu.memref_slice %arg3[%dma_wait3A_545, %dma_wait3A_546] : memref<524288x16xf32, #tpu.memory_space<hbm>> -> memref<524288x16xf32, #tpu.memory_space<hbm>>
    tpu.wait_indirect_dma semaphore(%arg11 : memref<!tpu.dma_semaphore, #tpu.memory_space<semaphore_mem>>) src(%dma_wait3A_547 : memref<524288x16xf32, #tpu.memory_space<hbm>>) dst(%dma_wait3A_542 : memref<128x16xf32, #tpu.memory_space<vmem>>)
    %dma_wait3A_548 = arith.constant 1152 : i32
    %dma_wait3A_549 = arith.constant 0 : i32
    %dma_wait3A_550 = tpu.memref_slice %arg10[%dma_wait3A_548, %dma_wait3A_549] : memref<2048x16xf32, #tpu.memory_space<vmem>> -> memref<128x16xf32, #tpu.memory_space<vmem>>
    %dma_wait3A_551 = arith.constant 3200 : i32
    %dma_wait3A_552 = tpu.memref_slice %arg8[%dma_wait3A_551] : memref<4096xi32, #tpu.memory_space<vmem>> -> memref<128xi32, #tpu.memory_space<vmem>>
    %dma_wait3A_553 = arith.constant 0 : i32
    %dma_wait3A_554 = arith.constant 0 : i32
    %dma_wait3A_555 = tpu.memref_slice %arg3[%dma_wait3A_553, %dma_wait3A_554] : memref<524288x16xf32, #tpu.memory_space<hbm>> -> memref<524288x16xf32, #tpu.memory_space<hbm>>
    tpu.wait_indirect_dma semaphore(%arg11 : memref<!tpu.dma_semaphore, #tpu.memory_space<semaphore_mem>>) src(%dma_wait3A_555 : memref<524288x16xf32, #tpu.memory_space<hbm>>) dst(%dma_wait3A_550 : memref<128x16xf32, #tpu.memory_space<vmem>>)
    %dma_wait3A_556 = arith.constant 1280 : i32
    %dma_wait3A_557 = arith.constant 0 : i32
    %dma_wait3A_558 = tpu.memref_slice %arg10[%dma_wait3A_556, %dma_wait3A_557] : memref<2048x16xf32, #tpu.memory_space<vmem>> -> memref<128x16xf32, #tpu.memory_space<vmem>>
    %dma_wait3A_559 = arith.constant 3328 : i32
    %dma_wait3A_560 = tpu.memref_slice %arg8[%dma_wait3A_559] : memref<4096xi32, #tpu.memory_space<vmem>> -> memref<128xi32, #tpu.memory_space<vmem>>
    %dma_wait3A_561 = arith.constant 0 : i32
    %dma_wait3A_562 = arith.constant 0 : i32
    %dma_wait3A_563 = tpu.memref_slice %arg3[%dma_wait3A_561, %dma_wait3A_562] : memref<524288x16xf32, #tpu.memory_space<hbm>> -> memref<524288x16xf32, #tpu.memory_space<hbm>>
    tpu.wait_indirect_dma semaphore(%arg11 : memref<!tpu.dma_semaphore, #tpu.memory_space<semaphore_mem>>) src(%dma_wait3A_563 : memref<524288x16xf32, #tpu.memory_space<hbm>>) dst(%dma_wait3A_558 : memref<128x16xf32, #tpu.memory_space<vmem>>)
    %dma_wait3A_564 = arith.constant 1408 : i32
    %dma_wait3A_565 = arith.constant 0 : i32
    %dma_wait3A_566 = tpu.memref_slice %arg10[%dma_wait3A_564, %dma_wait3A_565] : memref<2048x16xf32, #tpu.memory_space<vmem>> -> memref<128x16xf32, #tpu.memory_space<vmem>>
    %dma_wait3A_567 = arith.constant 3456 : i32
    %dma_wait3A_568 = tpu.memref_slice %arg8[%dma_wait3A_567] : memref<4096xi32, #tpu.memory_space<vmem>> -> memref<128xi32, #tpu.memory_space<vmem>>
    %dma_wait3A_569 = arith.constant 0 : i32
    %dma_wait3A_570 = arith.constant 0 : i32
    %dma_wait3A_571 = tpu.memref_slice %arg3[%dma_wait3A_569, %dma_wait3A_570] : memref<524288x16xf32, #tpu.memory_space<hbm>> -> memref<524288x16xf32, #tpu.memory_space<hbm>>
    tpu.wait_indirect_dma semaphore(%arg11 : memref<!tpu.dma_semaphore, #tpu.memory_space<semaphore_mem>>) src(%dma_wait3A_571 : memref<524288x16xf32, #tpu.memory_space<hbm>>) dst(%dma_wait3A_566 : memref<128x16xf32, #tpu.memory_space<vmem>>)
    %dma_wait3A_572 = arith.constant 1536 : i32
    %dma_wait3A_573 = arith.constant 0 : i32
    %dma_wait3A_574 = tpu.memref_slice %arg10[%dma_wait3A_572, %dma_wait3A_573] : memref<2048x16xf32, #tpu.memory_space<vmem>> -> memref<128x16xf32, #tpu.memory_space<vmem>>
    %dma_wait3A_575 = arith.constant 3584 : i32
    %dma_wait3A_576 = tpu.memref_slice %arg8[%dma_wait3A_575] : memref<4096xi32, #tpu.memory_space<vmem>> -> memref<128xi32, #tpu.memory_space<vmem>>
    %dma_wait3A_577 = arith.constant 0 : i32
    %dma_wait3A_578 = arith.constant 0 : i32
    %dma_wait3A_579 = tpu.memref_slice %arg3[%dma_wait3A_577, %dma_wait3A_578] : memref<524288x16xf32, #tpu.memory_space<hbm>> -> memref<524288x16xf32, #tpu.memory_space<hbm>>
    tpu.wait_indirect_dma semaphore(%arg11 : memref<!tpu.dma_semaphore, #tpu.memory_space<semaphore_mem>>) src(%dma_wait3A_579 : memref<524288x16xf32, #tpu.memory_space<hbm>>) dst(%dma_wait3A_574 : memref<128x16xf32, #tpu.memory_space<vmem>>)
    %dma_wait3A_580 = arith.constant 1664 : i32
    %dma_wait3A_581 = arith.constant 0 : i32
    %dma_wait3A_582 = tpu.memref_slice %arg10[%dma_wait3A_580, %dma_wait3A_581] : memref<2048x16xf32, #tpu.memory_space<vmem>> -> memref<128x16xf32, #tpu.memory_space<vmem>>
    %dma_wait3A_583 = arith.constant 3712 : i32
    %dma_wait3A_584 = tpu.memref_slice %arg8[%dma_wait3A_583] : memref<4096xi32, #tpu.memory_space<vmem>> -> memref<128xi32, #tpu.memory_space<vmem>>
    %dma_wait3A_585 = arith.constant 0 : i32
    %dma_wait3A_586 = arith.constant 0 : i32
    %dma_wait3A_587 = tpu.memref_slice %arg3[%dma_wait3A_585, %dma_wait3A_586] : memref<524288x16xf32, #tpu.memory_space<hbm>> -> memref<524288x16xf32, #tpu.memory_space<hbm>>
    tpu.wait_indirect_dma semaphore(%arg11 : memref<!tpu.dma_semaphore, #tpu.memory_space<semaphore_mem>>) src(%dma_wait3A_587 : memref<524288x16xf32, #tpu.memory_space<hbm>>) dst(%dma_wait3A_582 : memref<128x16xf32, #tpu.memory_space<vmem>>)
    %dma_wait3A_588 = arith.constant 1792 : i32
    %dma_wait3A_589 = arith.constant 0 : i32
    %dma_wait3A_590 = tpu.memref_slice %arg10[%dma_wait3A_588, %dma_wait3A_589] : memref<2048x16xf32, #tpu.memory_space<vmem>> -> memref<128x16xf32, #tpu.memory_space<vmem>>
    %dma_wait3A_591 = arith.constant 3840 : i32
    %dma_wait3A_592 = tpu.memref_slice %arg8[%dma_wait3A_591] : memref<4096xi32, #tpu.memory_space<vmem>> -> memref<128xi32, #tpu.memory_space<vmem>>
    %dma_wait3A_593 = arith.constant 0 : i32
    %dma_wait3A_594 = arith.constant 0 : i32
    %dma_wait3A_595 = tpu.memref_slice %arg3[%dma_wait3A_593, %dma_wait3A_594] : memref<524288x16xf32, #tpu.memory_space<hbm>> -> memref<524288x16xf32, #tpu.memory_space<hbm>>
    tpu.wait_indirect_dma semaphore(%arg11 : memref<!tpu.dma_semaphore, #tpu.memory_space<semaphore_mem>>) src(%dma_wait3A_595 : memref<524288x16xf32, #tpu.memory_space<hbm>>) dst(%dma_wait3A_590 : memref<128x16xf32, #tpu.memory_space<vmem>>)
    %dma_wait3A_596 = arith.constant 1920 : i32
    %dma_wait3A_597 = arith.constant 0 : i32
    %dma_wait3A_598 = tpu.memref_slice %arg10[%dma_wait3A_596, %dma_wait3A_597] : memref<2048x16xf32, #tpu.memory_space<vmem>> -> memref<128x16xf32, #tpu.memory_space<vmem>>
    %dma_wait3A_599 = arith.constant 3968 : i32
    %dma_wait3A_600 = tpu.memref_slice %arg8[%dma_wait3A_599] : memref<4096xi32, #tpu.memory_space<vmem>> -> memref<128xi32, #tpu.memory_space<vmem>>
    %dma_wait3A_601 = arith.constant 0 : i32
    %dma_wait3A_602 = arith.constant 0 : i32
    %dma_wait3A_603 = tpu.memref_slice %arg3[%dma_wait3A_601, %dma_wait3A_602] : memref<524288x16xf32, #tpu.memory_space<hbm>> -> memref<524288x16xf32, #tpu.memory_space<hbm>>
    tpu.wait_indirect_dma semaphore(%arg11 : memref<!tpu.dma_semaphore, #tpu.memory_space<semaphore_mem>>) src(%dma_wait3A_603 : memref<524288x16xf32, #tpu.memory_space<hbm>>) dst(%dma_wait3A_598 : memref<128x16xf32, #tpu.memory_space<vmem>>)
    %mul3A_604 = arith.constant 8 : i32
    %mul3A_605 = arith.muli %mul3A_2, %mul3A_604 : i32
    %add3A_606 = arith.constant 2048 : i32
    %add3A_607 = arith.addi %mul3A_605, %add3A_606 : i32
    "tpu.region"() ({
      %run_scoped3A = tpu.sem_alloc : memref<!tpu.dma_semaphore, #tpu.memory_space<semaphore_mem>>
      %dma_start3A_608 = arith.constant 0 : i32
      %dma_start3A_609 = tpu.memref_slice %arg6[%add3A_607, %dma_start3A_608] : memref<131072x16xf32, #tpu.memory_space<hbm>> -> memref<2048x16xf32, #tpu.memory_space<hbm>>
      %dma_start3A_610 = arith.constant 0 : i32
      %dma_start3A_611 = tpu.memref_slice %arg6[%add3A_607, %dma_start3A_610] : memref<131072x16xf32, #tpu.memory_space<hbm>> -> memref<2048x16xf32, #tpu.memory_space<hbm>>
      tpu.enqueue_dma source(%arg10 : memref<2048x16xf32, #tpu.memory_space<vmem>>) target(%dma_start3A_611 : memref<2048x16xf32, #tpu.memory_space<hbm>>) target_semaphore(%run_scoped3A : memref<!tpu.dma_semaphore, #tpu.memory_space<semaphore_mem>>)
      %dma_wait3A_612 = arith.constant 0 : i32
      %dma_wait3A_613 = tpu.memref_slice %arg6[%add3A_607, %dma_wait3A_612] : memref<131072x16xf32, #tpu.memory_space<hbm>> -> memref<2048x16xf32, #tpu.memory_space<hbm>>
      %dma_wait3A_614 = arith.constant 0 : i32
      %dma_wait3A_615 = tpu.memref_slice %arg6[%add3A_607, %dma_wait3A_614] : memref<131072x16xf32, #tpu.memory_space<hbm>> -> memref<2048x16xf32, #tpu.memory_space<hbm>>
      tpu.wait_dma2 semaphore(%run_scoped3A : memref<!tpu.dma_semaphore, #tpu.memory_space<semaphore_mem>>) src(%arg10 : memref<2048x16xf32, #tpu.memory_space<vmem>>) dst(%dma_wait3A_615 : memref<2048x16xf32, #tpu.memory_space<hbm>>)
      tpu.yield
    }) : () -> ()
    return
  }
}

#map = affine_map<(d0, d1) -> (0)>
#map1 = affine_map<(d0, d1) -> (0, 0)>
module attributes {stable_mosaic.version = 14 : i64} {
  func.func @_sc2_body(%arg0: i32, %arg1: i32, %arg2: memref<65536xi32, #tpu.memory_space<hbm>>, %arg3: memref<524288x32xf32, #tpu.memory_space<hbm>>, %arg4: memref<65536x32xf32, #tpu.memory_space<hbm>>, %arg5: memref<2048xi32, #tpu.memory_space<vmem>>, %arg6: memref<2048x32xf32, #tpu.memory_space<vmem>>, %arg7: memref<!tpu.dma_semaphore, #tpu.memory_space<semaphore_mem>>) attributes {dimension_semantics = [#tpu.dimension_semantics<core_parallel>, #tpu.dimension_semantics<subcore_parallel>], iteration_bounds = array<i64: 2, 16>, scalar_prefetch = 0 : i64, scratch_operands = 3 : i64, tpu.core_type = #tpu.core_type<sc_vector_subcore>, window_params = [{transform_indices = #map}, {transform_indices = #map1}, {transform_indices = #map1}]} {
    %mul3A = arith.constant 2 : i32
    %mul3A_0 = arith.muli %arg1, %mul3A : i32
    %add3A = arith.addi %mul3A_0, %arg0 : i32
    %mul3A_1 = arith.constant 2048 : i32
    %mul3A_2 = arith.muli %add3A, %mul3A_1 : i32
    "tpu.region"() ({
      %run_scoped3A = tpu.sem_alloc : memref<!tpu.dma_semaphore, #tpu.memory_space<semaphore_mem>>
      %dma_start3A_257 = tpu.memref_slice %arg2[%mul3A_2] : memref<65536xi32, #tpu.memory_space<hbm>> -> memref<2048xi32, #tpu.memory_space<hbm>>
      %dma_start3A_258 = tpu.memref_slice %arg2[%mul3A_2] : memref<65536xi32, #tpu.memory_space<hbm>> -> memref<2048xi32, #tpu.memory_space<hbm>>
      tpu.enqueue_dma source(%dma_start3A_258 : memref<2048xi32, #tpu.memory_space<hbm>>) target(%arg5 : memref<2048xi32, #tpu.memory_space<vmem>>) target_semaphore(%run_scoped3A : memref<!tpu.dma_semaphore, #tpu.memory_space<semaphore_mem>>)
      %dma_wait3A_259 = tpu.memref_slice %arg2[%mul3A_2] : memref<65536xi32, #tpu.memory_space<hbm>> -> memref<2048xi32, #tpu.memory_space<hbm>>
      %dma_wait3A_260 = tpu.memref_slice %arg2[%mul3A_2] : memref<65536xi32, #tpu.memory_space<hbm>> -> memref<2048xi32, #tpu.memory_space<hbm>>
      tpu.wait_dma2 semaphore(%run_scoped3A : memref<!tpu.dma_semaphore, #tpu.memory_space<semaphore_mem>>) src(%dma_wait3A_260 : memref<2048xi32, #tpu.memory_space<hbm>>) dst(%arg5 : memref<2048xi32, #tpu.memory_space<vmem>>)
      tpu.yield
    }) : () -> ()
    %dma_start3A = arith.constant 0 : i32
    %dma_start3A_3 = arith.constant 0 : i32
    %dma_start3A_4 = tpu.memref_slice %arg6[%dma_start3A, %dma_start3A_3] : memref<2048x32xf32, #tpu.memory_space<vmem>> -> memref<128x32xf32, #tpu.memory_space<vmem>>
    %dma_start3A_5 = arith.constant 0 : i32
    %dma_start3A_6 = tpu.memref_slice %arg5[%dma_start3A_5] : memref<2048xi32, #tpu.memory_space<vmem>> -> memref<128xi32, #tpu.memory_space<vmem>>
    %dma_start3A_7 = arith.constant 0 : i32
    %dma_start3A_8 = arith.constant 0 : i32
    %dma_start3A_9 = tpu.memref_slice %arg3[%dma_start3A_7, %dma_start3A_8] : memref<524288x32xf32, #tpu.memory_space<hbm>> -> memref<524288x32xf32, #tpu.memory_space<hbm>>
    tpu.enqueue_indirect_dma source(%dma_start3A_9 : memref<524288x32xf32, #tpu.memory_space<hbm>>) target(%dma_start3A_4 : memref<128x32xf32, #tpu.memory_space<vmem>>) offsets(%dma_start3A_6 : memref<128xi32, #tpu.memory_space<vmem>>) semaphore(%arg7 : memref<!tpu.dma_semaphore, #tpu.memory_space<semaphore_mem>>)
    %dma_start3A_10 = arith.constant 128 : i32
    %dma_start3A_11 = arith.constant 0 : i32
    %dma_start3A_12 = tpu.memref_slice %arg6[%dma_start3A_10, %dma_start3A_11] : memref<2048x32xf32, #tpu.memory_space<vmem>> -> memref<128x32xf32, #tpu.memory_space<vmem>>
    %dma_start3A_13 = arith.constant 128 : i32
    %dma_start3A_14 = tpu.memref_slice %arg5[%dma_start3A_13] : memref<2048xi32, #tpu.memory_space<vmem>> -> memref<128xi32, #tpu.memory_space<vmem>>
    %dma_start3A_15 = arith.constant 0 : i32
    %dma_start3A_16 = arith.constant 0 : i32
    %dma_start3A_17 = tpu.memref_slice %arg3[%dma_start3A_15, %dma_start3A_16] : memref<524288x32xf32, #tpu.memory_space<hbm>> -> memref<524288x32xf32, #tpu.memory_space<hbm>>
    tpu.enqueue_indirect_dma source(%dma_start3A_17 : memref<524288x32xf32, #tpu.memory_space<hbm>>) target(%dma_start3A_12 : memref<128x32xf32, #tpu.memory_space<vmem>>) offsets(%dma_start3A_14 : memref<128xi32, #tpu.memory_space<vmem>>) semaphore(%arg7 : memref<!tpu.dma_semaphore, #tpu.memory_space<semaphore_mem>>)
    %dma_start3A_18 = arith.constant 256 : i32
    %dma_start3A_19 = arith.constant 0 : i32
    %dma_start3A_20 = tpu.memref_slice %arg6[%dma_start3A_18, %dma_start3A_19] : memref<2048x32xf32, #tpu.memory_space<vmem>> -> memref<128x32xf32, #tpu.memory_space<vmem>>
    %dma_start3A_21 = arith.constant 256 : i32
    %dma_start3A_22 = tpu.memref_slice %arg5[%dma_start3A_21] : memref<2048xi32, #tpu.memory_space<vmem>> -> memref<128xi32, #tpu.memory_space<vmem>>
    %dma_start3A_23 = arith.constant 0 : i32
    %dma_start3A_24 = arith.constant 0 : i32
    %dma_start3A_25 = tpu.memref_slice %arg3[%dma_start3A_23, %dma_start3A_24] : memref<524288x32xf32, #tpu.memory_space<hbm>> -> memref<524288x32xf32, #tpu.memory_space<hbm>>
    tpu.enqueue_indirect_dma source(%dma_start3A_25 : memref<524288x32xf32, #tpu.memory_space<hbm>>) target(%dma_start3A_20 : memref<128x32xf32, #tpu.memory_space<vmem>>) offsets(%dma_start3A_22 : memref<128xi32, #tpu.memory_space<vmem>>) semaphore(%arg7 : memref<!tpu.dma_semaphore, #tpu.memory_space<semaphore_mem>>)
    %dma_start3A_26 = arith.constant 384 : i32
    %dma_start3A_27 = arith.constant 0 : i32
    %dma_start3A_28 = tpu.memref_slice %arg6[%dma_start3A_26, %dma_start3A_27] : memref<2048x32xf32, #tpu.memory_space<vmem>> -> memref<128x32xf32, #tpu.memory_space<vmem>>
    %dma_start3A_29 = arith.constant 384 : i32
    %dma_start3A_30 = tpu.memref_slice %arg5[%dma_start3A_29] : memref<2048xi32, #tpu.memory_space<vmem>> -> memref<128xi32, #tpu.memory_space<vmem>>
    %dma_start3A_31 = arith.constant 0 : i32
    %dma_start3A_32 = arith.constant 0 : i32
    %dma_start3A_33 = tpu.memref_slice %arg3[%dma_start3A_31, %dma_start3A_32] : memref<524288x32xf32, #tpu.memory_space<hbm>> -> memref<524288x32xf32, #tpu.memory_space<hbm>>
    tpu.enqueue_indirect_dma source(%dma_start3A_33 : memref<524288x32xf32, #tpu.memory_space<hbm>>) target(%dma_start3A_28 : memref<128x32xf32, #tpu.memory_space<vmem>>) offsets(%dma_start3A_30 : memref<128xi32, #tpu.memory_space<vmem>>) semaphore(%arg7 : memref<!tpu.dma_semaphore, #tpu.memory_space<semaphore_mem>>)
    %dma_start3A_34 = arith.constant 512 : i32
    %dma_start3A_35 = arith.constant 0 : i32
    %dma_start3A_36 = tpu.memref_slice %arg6[%dma_start3A_34, %dma_start3A_35] : memref<2048x32xf32, #tpu.memory_space<vmem>> -> memref<128x32xf32, #tpu.memory_space<vmem>>
    %dma_start3A_37 = arith.constant 512 : i32
    %dma_start3A_38 = tpu.memref_slice %arg5[%dma_start3A_37] : memref<2048xi32, #tpu.memory_space<vmem>> -> memref<128xi32, #tpu.memory_space<vmem>>
    %dma_start3A_39 = arith.constant 0 : i32
    %dma_start3A_40 = arith.constant 0 : i32
    %dma_start3A_41 = tpu.memref_slice %arg3[%dma_start3A_39, %dma_start3A_40] : memref<524288x32xf32, #tpu.memory_space<hbm>> -> memref<524288x32xf32, #tpu.memory_space<hbm>>
    tpu.enqueue_indirect_dma source(%dma_start3A_41 : memref<524288x32xf32, #tpu.memory_space<hbm>>) target(%dma_start3A_36 : memref<128x32xf32, #tpu.memory_space<vmem>>) offsets(%dma_start3A_38 : memref<128xi32, #tpu.memory_space<vmem>>) semaphore(%arg7 : memref<!tpu.dma_semaphore, #tpu.memory_space<semaphore_mem>>)
    %dma_start3A_42 = arith.constant 640 : i32
    %dma_start3A_43 = arith.constant 0 : i32
    %dma_start3A_44 = tpu.memref_slice %arg6[%dma_start3A_42, %dma_start3A_43] : memref<2048x32xf32, #tpu.memory_space<vmem>> -> memref<128x32xf32, #tpu.memory_space<vmem>>
    %dma_start3A_45 = arith.constant 640 : i32
    %dma_start3A_46 = tpu.memref_slice %arg5[%dma_start3A_45] : memref<2048xi32, #tpu.memory_space<vmem>> -> memref<128xi32, #tpu.memory_space<vmem>>
    %dma_start3A_47 = arith.constant 0 : i32
    %dma_start3A_48 = arith.constant 0 : i32
    %dma_start3A_49 = tpu.memref_slice %arg3[%dma_start3A_47, %dma_start3A_48] : memref<524288x32xf32, #tpu.memory_space<hbm>> -> memref<524288x32xf32, #tpu.memory_space<hbm>>
    tpu.enqueue_indirect_dma source(%dma_start3A_49 : memref<524288x32xf32, #tpu.memory_space<hbm>>) target(%dma_start3A_44 : memref<128x32xf32, #tpu.memory_space<vmem>>) offsets(%dma_start3A_46 : memref<128xi32, #tpu.memory_space<vmem>>) semaphore(%arg7 : memref<!tpu.dma_semaphore, #tpu.memory_space<semaphore_mem>>)
    %dma_start3A_50 = arith.constant 768 : i32
    %dma_start3A_51 = arith.constant 0 : i32
    %dma_start3A_52 = tpu.memref_slice %arg6[%dma_start3A_50, %dma_start3A_51] : memref<2048x32xf32, #tpu.memory_space<vmem>> -> memref<128x32xf32, #tpu.memory_space<vmem>>
    %dma_start3A_53 = arith.constant 768 : i32
    %dma_start3A_54 = tpu.memref_slice %arg5[%dma_start3A_53] : memref<2048xi32, #tpu.memory_space<vmem>> -> memref<128xi32, #tpu.memory_space<vmem>>
    %dma_start3A_55 = arith.constant 0 : i32
    %dma_start3A_56 = arith.constant 0 : i32
    %dma_start3A_57 = tpu.memref_slice %arg3[%dma_start3A_55, %dma_start3A_56] : memref<524288x32xf32, #tpu.memory_space<hbm>> -> memref<524288x32xf32, #tpu.memory_space<hbm>>
    tpu.enqueue_indirect_dma source(%dma_start3A_57 : memref<524288x32xf32, #tpu.memory_space<hbm>>) target(%dma_start3A_52 : memref<128x32xf32, #tpu.memory_space<vmem>>) offsets(%dma_start3A_54 : memref<128xi32, #tpu.memory_space<vmem>>) semaphore(%arg7 : memref<!tpu.dma_semaphore, #tpu.memory_space<semaphore_mem>>)
    %dma_start3A_58 = arith.constant 896 : i32
    %dma_start3A_59 = arith.constant 0 : i32
    %dma_start3A_60 = tpu.memref_slice %arg6[%dma_start3A_58, %dma_start3A_59] : memref<2048x32xf32, #tpu.memory_space<vmem>> -> memref<128x32xf32, #tpu.memory_space<vmem>>
    %dma_start3A_61 = arith.constant 896 : i32
    %dma_start3A_62 = tpu.memref_slice %arg5[%dma_start3A_61] : memref<2048xi32, #tpu.memory_space<vmem>> -> memref<128xi32, #tpu.memory_space<vmem>>
    %dma_start3A_63 = arith.constant 0 : i32
    %dma_start3A_64 = arith.constant 0 : i32
    %dma_start3A_65 = tpu.memref_slice %arg3[%dma_start3A_63, %dma_start3A_64] : memref<524288x32xf32, #tpu.memory_space<hbm>> -> memref<524288x32xf32, #tpu.memory_space<hbm>>
    tpu.enqueue_indirect_dma source(%dma_start3A_65 : memref<524288x32xf32, #tpu.memory_space<hbm>>) target(%dma_start3A_60 : memref<128x32xf32, #tpu.memory_space<vmem>>) offsets(%dma_start3A_62 : memref<128xi32, #tpu.memory_space<vmem>>) semaphore(%arg7 : memref<!tpu.dma_semaphore, #tpu.memory_space<semaphore_mem>>)
    %dma_start3A_66 = arith.constant 1024 : i32
    %dma_start3A_67 = arith.constant 0 : i32
    %dma_start3A_68 = tpu.memref_slice %arg6[%dma_start3A_66, %dma_start3A_67] : memref<2048x32xf32, #tpu.memory_space<vmem>> -> memref<128x32xf32, #tpu.memory_space<vmem>>
    %dma_start3A_69 = arith.constant 1024 : i32
    %dma_start3A_70 = tpu.memref_slice %arg5[%dma_start3A_69] : memref<2048xi32, #tpu.memory_space<vmem>> -> memref<128xi32, #tpu.memory_space<vmem>>
    %dma_start3A_71 = arith.constant 0 : i32
    %dma_start3A_72 = arith.constant 0 : i32
    %dma_start3A_73 = tpu.memref_slice %arg3[%dma_start3A_71, %dma_start3A_72] : memref<524288x32xf32, #tpu.memory_space<hbm>> -> memref<524288x32xf32, #tpu.memory_space<hbm>>
    tpu.enqueue_indirect_dma source(%dma_start3A_73 : memref<524288x32xf32, #tpu.memory_space<hbm>>) target(%dma_start3A_68 : memref<128x32xf32, #tpu.memory_space<vmem>>) offsets(%dma_start3A_70 : memref<128xi32, #tpu.memory_space<vmem>>) semaphore(%arg7 : memref<!tpu.dma_semaphore, #tpu.memory_space<semaphore_mem>>)
    %dma_start3A_74 = arith.constant 1152 : i32
    %dma_start3A_75 = arith.constant 0 : i32
    %dma_start3A_76 = tpu.memref_slice %arg6[%dma_start3A_74, %dma_start3A_75] : memref<2048x32xf32, #tpu.memory_space<vmem>> -> memref<128x32xf32, #tpu.memory_space<vmem>>
    %dma_start3A_77 = arith.constant 1152 : i32
    %dma_start3A_78 = tpu.memref_slice %arg5[%dma_start3A_77] : memref<2048xi32, #tpu.memory_space<vmem>> -> memref<128xi32, #tpu.memory_space<vmem>>
    %dma_start3A_79 = arith.constant 0 : i32
    %dma_start3A_80 = arith.constant 0 : i32
    %dma_start3A_81 = tpu.memref_slice %arg3[%dma_start3A_79, %dma_start3A_80] : memref<524288x32xf32, #tpu.memory_space<hbm>> -> memref<524288x32xf32, #tpu.memory_space<hbm>>
    tpu.enqueue_indirect_dma source(%dma_start3A_81 : memref<524288x32xf32, #tpu.memory_space<hbm>>) target(%dma_start3A_76 : memref<128x32xf32, #tpu.memory_space<vmem>>) offsets(%dma_start3A_78 : memref<128xi32, #tpu.memory_space<vmem>>) semaphore(%arg7 : memref<!tpu.dma_semaphore, #tpu.memory_space<semaphore_mem>>)
    %dma_start3A_82 = arith.constant 1280 : i32
    %dma_start3A_83 = arith.constant 0 : i32
    %dma_start3A_84 = tpu.memref_slice %arg6[%dma_start3A_82, %dma_start3A_83] : memref<2048x32xf32, #tpu.memory_space<vmem>> -> memref<128x32xf32, #tpu.memory_space<vmem>>
    %dma_start3A_85 = arith.constant 1280 : i32
    %dma_start3A_86 = tpu.memref_slice %arg5[%dma_start3A_85] : memref<2048xi32, #tpu.memory_space<vmem>> -> memref<128xi32, #tpu.memory_space<vmem>>
    %dma_start3A_87 = arith.constant 0 : i32
    %dma_start3A_88 = arith.constant 0 : i32
    %dma_start3A_89 = tpu.memref_slice %arg3[%dma_start3A_87, %dma_start3A_88] : memref<524288x32xf32, #tpu.memory_space<hbm>> -> memref<524288x32xf32, #tpu.memory_space<hbm>>
    tpu.enqueue_indirect_dma source(%dma_start3A_89 : memref<524288x32xf32, #tpu.memory_space<hbm>>) target(%dma_start3A_84 : memref<128x32xf32, #tpu.memory_space<vmem>>) offsets(%dma_start3A_86 : memref<128xi32, #tpu.memory_space<vmem>>) semaphore(%arg7 : memref<!tpu.dma_semaphore, #tpu.memory_space<semaphore_mem>>)
    %dma_start3A_90 = arith.constant 1408 : i32
    %dma_start3A_91 = arith.constant 0 : i32
    %dma_start3A_92 = tpu.memref_slice %arg6[%dma_start3A_90, %dma_start3A_91] : memref<2048x32xf32, #tpu.memory_space<vmem>> -> memref<128x32xf32, #tpu.memory_space<vmem>>
    %dma_start3A_93 = arith.constant 1408 : i32
    %dma_start3A_94 = tpu.memref_slice %arg5[%dma_start3A_93] : memref<2048xi32, #tpu.memory_space<vmem>> -> memref<128xi32, #tpu.memory_space<vmem>>
    %dma_start3A_95 = arith.constant 0 : i32
    %dma_start3A_96 = arith.constant 0 : i32
    %dma_start3A_97 = tpu.memref_slice %arg3[%dma_start3A_95, %dma_start3A_96] : memref<524288x32xf32, #tpu.memory_space<hbm>> -> memref<524288x32xf32, #tpu.memory_space<hbm>>
    tpu.enqueue_indirect_dma source(%dma_start3A_97 : memref<524288x32xf32, #tpu.memory_space<hbm>>) target(%dma_start3A_92 : memref<128x32xf32, #tpu.memory_space<vmem>>) offsets(%dma_start3A_94 : memref<128xi32, #tpu.memory_space<vmem>>) semaphore(%arg7 : memref<!tpu.dma_semaphore, #tpu.memory_space<semaphore_mem>>)
    %dma_start3A_98 = arith.constant 1536 : i32
    %dma_start3A_99 = arith.constant 0 : i32
    %dma_start3A_100 = tpu.memref_slice %arg6[%dma_start3A_98, %dma_start3A_99] : memref<2048x32xf32, #tpu.memory_space<vmem>> -> memref<128x32xf32, #tpu.memory_space<vmem>>
    %dma_start3A_101 = arith.constant 1536 : i32
    %dma_start3A_102 = tpu.memref_slice %arg5[%dma_start3A_101] : memref<2048xi32, #tpu.memory_space<vmem>> -> memref<128xi32, #tpu.memory_space<vmem>>
    %dma_start3A_103 = arith.constant 0 : i32
    %dma_start3A_104 = arith.constant 0 : i32
    %dma_start3A_105 = tpu.memref_slice %arg3[%dma_start3A_103, %dma_start3A_104] : memref<524288x32xf32, #tpu.memory_space<hbm>> -> memref<524288x32xf32, #tpu.memory_space<hbm>>
    tpu.enqueue_indirect_dma source(%dma_start3A_105 : memref<524288x32xf32, #tpu.memory_space<hbm>>) target(%dma_start3A_100 : memref<128x32xf32, #tpu.memory_space<vmem>>) offsets(%dma_start3A_102 : memref<128xi32, #tpu.memory_space<vmem>>) semaphore(%arg7 : memref<!tpu.dma_semaphore, #tpu.memory_space<semaphore_mem>>)
    %dma_start3A_106 = arith.constant 1664 : i32
    %dma_start3A_107 = arith.constant 0 : i32
    %dma_start3A_108 = tpu.memref_slice %arg6[%dma_start3A_106, %dma_start3A_107] : memref<2048x32xf32, #tpu.memory_space<vmem>> -> memref<128x32xf32, #tpu.memory_space<vmem>>
    %dma_start3A_109 = arith.constant 1664 : i32
    %dma_start3A_110 = tpu.memref_slice %arg5[%dma_start3A_109] : memref<2048xi32, #tpu.memory_space<vmem>> -> memref<128xi32, #tpu.memory_space<vmem>>
    %dma_start3A_111 = arith.constant 0 : i32
    %dma_start3A_112 = arith.constant 0 : i32
    %dma_start3A_113 = tpu.memref_slice %arg3[%dma_start3A_111, %dma_start3A_112] : memref<524288x32xf32, #tpu.memory_space<hbm>> -> memref<524288x32xf32, #tpu.memory_space<hbm>>
    tpu.enqueue_indirect_dma source(%dma_start3A_113 : memref<524288x32xf32, #tpu.memory_space<hbm>>) target(%dma_start3A_108 : memref<128x32xf32, #tpu.memory_space<vmem>>) offsets(%dma_start3A_110 : memref<128xi32, #tpu.memory_space<vmem>>) semaphore(%arg7 : memref<!tpu.dma_semaphore, #tpu.memory_space<semaphore_mem>>)
    %dma_start3A_114 = arith.constant 1792 : i32
    %dma_start3A_115 = arith.constant 0 : i32
    %dma_start3A_116 = tpu.memref_slice %arg6[%dma_start3A_114, %dma_start3A_115] : memref<2048x32xf32, #tpu.memory_space<vmem>> -> memref<128x32xf32, #tpu.memory_space<vmem>>
    %dma_start3A_117 = arith.constant 1792 : i32
    %dma_start3A_118 = tpu.memref_slice %arg5[%dma_start3A_117] : memref<2048xi32, #tpu.memory_space<vmem>> -> memref<128xi32, #tpu.memory_space<vmem>>
    %dma_start3A_119 = arith.constant 0 : i32
    %dma_start3A_120 = arith.constant 0 : i32
    %dma_start3A_121 = tpu.memref_slice %arg3[%dma_start3A_119, %dma_start3A_120] : memref<524288x32xf32, #tpu.memory_space<hbm>> -> memref<524288x32xf32, #tpu.memory_space<hbm>>
    tpu.enqueue_indirect_dma source(%dma_start3A_121 : memref<524288x32xf32, #tpu.memory_space<hbm>>) target(%dma_start3A_116 : memref<128x32xf32, #tpu.memory_space<vmem>>) offsets(%dma_start3A_118 : memref<128xi32, #tpu.memory_space<vmem>>) semaphore(%arg7 : memref<!tpu.dma_semaphore, #tpu.memory_space<semaphore_mem>>)
    %dma_start3A_122 = arith.constant 1920 : i32
    %dma_start3A_123 = arith.constant 0 : i32
    %dma_start3A_124 = tpu.memref_slice %arg6[%dma_start3A_122, %dma_start3A_123] : memref<2048x32xf32, #tpu.memory_space<vmem>> -> memref<128x32xf32, #tpu.memory_space<vmem>>
    %dma_start3A_125 = arith.constant 1920 : i32
    %dma_start3A_126 = tpu.memref_slice %arg5[%dma_start3A_125] : memref<2048xi32, #tpu.memory_space<vmem>> -> memref<128xi32, #tpu.memory_space<vmem>>
    %dma_start3A_127 = arith.constant 0 : i32
    %dma_start3A_128 = arith.constant 0 : i32
    %dma_start3A_129 = tpu.memref_slice %arg3[%dma_start3A_127, %dma_start3A_128] : memref<524288x32xf32, #tpu.memory_space<hbm>> -> memref<524288x32xf32, #tpu.memory_space<hbm>>
    tpu.enqueue_indirect_dma source(%dma_start3A_129 : memref<524288x32xf32, #tpu.memory_space<hbm>>) target(%dma_start3A_124 : memref<128x32xf32, #tpu.memory_space<vmem>>) offsets(%dma_start3A_126 : memref<128xi32, #tpu.memory_space<vmem>>) semaphore(%arg7 : memref<!tpu.dma_semaphore, #tpu.memory_space<semaphore_mem>>)
    %dma_wait3A = arith.constant 0 : i32
    %dma_wait3A_130 = arith.constant 0 : i32
    %dma_wait3A_131 = tpu.memref_slice %arg6[%dma_wait3A, %dma_wait3A_130] : memref<2048x32xf32, #tpu.memory_space<vmem>> -> memref<128x32xf32, #tpu.memory_space<vmem>>
    %dma_wait3A_132 = arith.constant 0 : i32
    %dma_wait3A_133 = tpu.memref_slice %arg5[%dma_wait3A_132] : memref<2048xi32, #tpu.memory_space<vmem>> -> memref<128xi32, #tpu.memory_space<vmem>>
    %dma_wait3A_134 = arith.constant 0 : i32
    %dma_wait3A_135 = arith.constant 0 : i32
    %dma_wait3A_136 = tpu.memref_slice %arg3[%dma_wait3A_134, %dma_wait3A_135] : memref<524288x32xf32, #tpu.memory_space<hbm>> -> memref<524288x32xf32, #tpu.memory_space<hbm>>
    tpu.wait_indirect_dma semaphore(%arg7 : memref<!tpu.dma_semaphore, #tpu.memory_space<semaphore_mem>>) src(%dma_wait3A_136 : memref<524288x32xf32, #tpu.memory_space<hbm>>) dst(%dma_wait3A_131 : memref<128x32xf32, #tpu.memory_space<vmem>>)
    %dma_wait3A_137 = arith.constant 128 : i32
    %dma_wait3A_138 = arith.constant 0 : i32
    %dma_wait3A_139 = tpu.memref_slice %arg6[%dma_wait3A_137, %dma_wait3A_138] : memref<2048x32xf32, #tpu.memory_space<vmem>> -> memref<128x32xf32, #tpu.memory_space<vmem>>
    %dma_wait3A_140 = arith.constant 128 : i32
    %dma_wait3A_141 = tpu.memref_slice %arg5[%dma_wait3A_140] : memref<2048xi32, #tpu.memory_space<vmem>> -> memref<128xi32, #tpu.memory_space<vmem>>
    %dma_wait3A_142 = arith.constant 0 : i32
    %dma_wait3A_143 = arith.constant 0 : i32
    %dma_wait3A_144 = tpu.memref_slice %arg3[%dma_wait3A_142, %dma_wait3A_143] : memref<524288x32xf32, #tpu.memory_space<hbm>> -> memref<524288x32xf32, #tpu.memory_space<hbm>>
    tpu.wait_indirect_dma semaphore(%arg7 : memref<!tpu.dma_semaphore, #tpu.memory_space<semaphore_mem>>) src(%dma_wait3A_144 : memref<524288x32xf32, #tpu.memory_space<hbm>>) dst(%dma_wait3A_139 : memref<128x32xf32, #tpu.memory_space<vmem>>)
    %dma_wait3A_145 = arith.constant 256 : i32
    %dma_wait3A_146 = arith.constant 0 : i32
    %dma_wait3A_147 = tpu.memref_slice %arg6[%dma_wait3A_145, %dma_wait3A_146] : memref<2048x32xf32, #tpu.memory_space<vmem>> -> memref<128x32xf32, #tpu.memory_space<vmem>>
    %dma_wait3A_148 = arith.constant 256 : i32
    %dma_wait3A_149 = tpu.memref_slice %arg5[%dma_wait3A_148] : memref<2048xi32, #tpu.memory_space<vmem>> -> memref<128xi32, #tpu.memory_space<vmem>>
    %dma_wait3A_150 = arith.constant 0 : i32
    %dma_wait3A_151 = arith.constant 0 : i32
    %dma_wait3A_152 = tpu.memref_slice %arg3[%dma_wait3A_150, %dma_wait3A_151] : memref<524288x32xf32, #tpu.memory_space<hbm>> -> memref<524288x32xf32, #tpu.memory_space<hbm>>
    tpu.wait_indirect_dma semaphore(%arg7 : memref<!tpu.dma_semaphore, #tpu.memory_space<semaphore_mem>>) src(%dma_wait3A_152 : memref<524288x32xf32, #tpu.memory_space<hbm>>) dst(%dma_wait3A_147 : memref<128x32xf32, #tpu.memory_space<vmem>>)
    %dma_wait3A_153 = arith.constant 384 : i32
    %dma_wait3A_154 = arith.constant 0 : i32
    %dma_wait3A_155 = tpu.memref_slice %arg6[%dma_wait3A_153, %dma_wait3A_154] : memref<2048x32xf32, #tpu.memory_space<vmem>> -> memref<128x32xf32, #tpu.memory_space<vmem>>
    %dma_wait3A_156 = arith.constant 384 : i32
    %dma_wait3A_157 = tpu.memref_slice %arg5[%dma_wait3A_156] : memref<2048xi32, #tpu.memory_space<vmem>> -> memref<128xi32, #tpu.memory_space<vmem>>
    %dma_wait3A_158 = arith.constant 0 : i32
    %dma_wait3A_159 = arith.constant 0 : i32
    %dma_wait3A_160 = tpu.memref_slice %arg3[%dma_wait3A_158, %dma_wait3A_159] : memref<524288x32xf32, #tpu.memory_space<hbm>> -> memref<524288x32xf32, #tpu.memory_space<hbm>>
    tpu.wait_indirect_dma semaphore(%arg7 : memref<!tpu.dma_semaphore, #tpu.memory_space<semaphore_mem>>) src(%dma_wait3A_160 : memref<524288x32xf32, #tpu.memory_space<hbm>>) dst(%dma_wait3A_155 : memref<128x32xf32, #tpu.memory_space<vmem>>)
    %dma_wait3A_161 = arith.constant 512 : i32
    %dma_wait3A_162 = arith.constant 0 : i32
    %dma_wait3A_163 = tpu.memref_slice %arg6[%dma_wait3A_161, %dma_wait3A_162] : memref<2048x32xf32, #tpu.memory_space<vmem>> -> memref<128x32xf32, #tpu.memory_space<vmem>>
    %dma_wait3A_164 = arith.constant 512 : i32
    %dma_wait3A_165 = tpu.memref_slice %arg5[%dma_wait3A_164] : memref<2048xi32, #tpu.memory_space<vmem>> -> memref<128xi32, #tpu.memory_space<vmem>>
    %dma_wait3A_166 = arith.constant 0 : i32
    %dma_wait3A_167 = arith.constant 0 : i32
    %dma_wait3A_168 = tpu.memref_slice %arg3[%dma_wait3A_166, %dma_wait3A_167] : memref<524288x32xf32, #tpu.memory_space<hbm>> -> memref<524288x32xf32, #tpu.memory_space<hbm>>
    tpu.wait_indirect_dma semaphore(%arg7 : memref<!tpu.dma_semaphore, #tpu.memory_space<semaphore_mem>>) src(%dma_wait3A_168 : memref<524288x32xf32, #tpu.memory_space<hbm>>) dst(%dma_wait3A_163 : memref<128x32xf32, #tpu.memory_space<vmem>>)
    %dma_wait3A_169 = arith.constant 640 : i32
    %dma_wait3A_170 = arith.constant 0 : i32
    %dma_wait3A_171 = tpu.memref_slice %arg6[%dma_wait3A_169, %dma_wait3A_170] : memref<2048x32xf32, #tpu.memory_space<vmem>> -> memref<128x32xf32, #tpu.memory_space<vmem>>
    %dma_wait3A_172 = arith.constant 640 : i32
    %dma_wait3A_173 = tpu.memref_slice %arg5[%dma_wait3A_172] : memref<2048xi32, #tpu.memory_space<vmem>> -> memref<128xi32, #tpu.memory_space<vmem>>
    %dma_wait3A_174 = arith.constant 0 : i32
    %dma_wait3A_175 = arith.constant 0 : i32
    %dma_wait3A_176 = tpu.memref_slice %arg3[%dma_wait3A_174, %dma_wait3A_175] : memref<524288x32xf32, #tpu.memory_space<hbm>> -> memref<524288x32xf32, #tpu.memory_space<hbm>>
    tpu.wait_indirect_dma semaphore(%arg7 : memref<!tpu.dma_semaphore, #tpu.memory_space<semaphore_mem>>) src(%dma_wait3A_176 : memref<524288x32xf32, #tpu.memory_space<hbm>>) dst(%dma_wait3A_171 : memref<128x32xf32, #tpu.memory_space<vmem>>)
    %dma_wait3A_177 = arith.constant 768 : i32
    %dma_wait3A_178 = arith.constant 0 : i32
    %dma_wait3A_179 = tpu.memref_slice %arg6[%dma_wait3A_177, %dma_wait3A_178] : memref<2048x32xf32, #tpu.memory_space<vmem>> -> memref<128x32xf32, #tpu.memory_space<vmem>>
    %dma_wait3A_180 = arith.constant 768 : i32
    %dma_wait3A_181 = tpu.memref_slice %arg5[%dma_wait3A_180] : memref<2048xi32, #tpu.memory_space<vmem>> -> memref<128xi32, #tpu.memory_space<vmem>>
    %dma_wait3A_182 = arith.constant 0 : i32
    %dma_wait3A_183 = arith.constant 0 : i32
    %dma_wait3A_184 = tpu.memref_slice %arg3[%dma_wait3A_182, %dma_wait3A_183] : memref<524288x32xf32, #tpu.memory_space<hbm>> -> memref<524288x32xf32, #tpu.memory_space<hbm>>
    tpu.wait_indirect_dma semaphore(%arg7 : memref<!tpu.dma_semaphore, #tpu.memory_space<semaphore_mem>>) src(%dma_wait3A_184 : memref<524288x32xf32, #tpu.memory_space<hbm>>) dst(%dma_wait3A_179 : memref<128x32xf32, #tpu.memory_space<vmem>>)
    %dma_wait3A_185 = arith.constant 896 : i32
    %dma_wait3A_186 = arith.constant 0 : i32
    %dma_wait3A_187 = tpu.memref_slice %arg6[%dma_wait3A_185, %dma_wait3A_186] : memref<2048x32xf32, #tpu.memory_space<vmem>> -> memref<128x32xf32, #tpu.memory_space<vmem>>
    %dma_wait3A_188 = arith.constant 896 : i32
    %dma_wait3A_189 = tpu.memref_slice %arg5[%dma_wait3A_188] : memref<2048xi32, #tpu.memory_space<vmem>> -> memref<128xi32, #tpu.memory_space<vmem>>
    %dma_wait3A_190 = arith.constant 0 : i32
    %dma_wait3A_191 = arith.constant 0 : i32
    %dma_wait3A_192 = tpu.memref_slice %arg3[%dma_wait3A_190, %dma_wait3A_191] : memref<524288x32xf32, #tpu.memory_space<hbm>> -> memref<524288x32xf32, #tpu.memory_space<hbm>>
    tpu.wait_indirect_dma semaphore(%arg7 : memref<!tpu.dma_semaphore, #tpu.memory_space<semaphore_mem>>) src(%dma_wait3A_192 : memref<524288x32xf32, #tpu.memory_space<hbm>>) dst(%dma_wait3A_187 : memref<128x32xf32, #tpu.memory_space<vmem>>)
    %dma_wait3A_193 = arith.constant 1024 : i32
    %dma_wait3A_194 = arith.constant 0 : i32
    %dma_wait3A_195 = tpu.memref_slice %arg6[%dma_wait3A_193, %dma_wait3A_194] : memref<2048x32xf32, #tpu.memory_space<vmem>> -> memref<128x32xf32, #tpu.memory_space<vmem>>
    %dma_wait3A_196 = arith.constant 1024 : i32
    %dma_wait3A_197 = tpu.memref_slice %arg5[%dma_wait3A_196] : memref<2048xi32, #tpu.memory_space<vmem>> -> memref<128xi32, #tpu.memory_space<vmem>>
    %dma_wait3A_198 = arith.constant 0 : i32
    %dma_wait3A_199 = arith.constant 0 : i32
    %dma_wait3A_200 = tpu.memref_slice %arg3[%dma_wait3A_198, %dma_wait3A_199] : memref<524288x32xf32, #tpu.memory_space<hbm>> -> memref<524288x32xf32, #tpu.memory_space<hbm>>
    tpu.wait_indirect_dma semaphore(%arg7 : memref<!tpu.dma_semaphore, #tpu.memory_space<semaphore_mem>>) src(%dma_wait3A_200 : memref<524288x32xf32, #tpu.memory_space<hbm>>) dst(%dma_wait3A_195 : memref<128x32xf32, #tpu.memory_space<vmem>>)
    %dma_wait3A_201 = arith.constant 1152 : i32
    %dma_wait3A_202 = arith.constant 0 : i32
    %dma_wait3A_203 = tpu.memref_slice %arg6[%dma_wait3A_201, %dma_wait3A_202] : memref<2048x32xf32, #tpu.memory_space<vmem>> -> memref<128x32xf32, #tpu.memory_space<vmem>>
    %dma_wait3A_204 = arith.constant 1152 : i32
    %dma_wait3A_205 = tpu.memref_slice %arg5[%dma_wait3A_204] : memref<2048xi32, #tpu.memory_space<vmem>> -> memref<128xi32, #tpu.memory_space<vmem>>
    %dma_wait3A_206 = arith.constant 0 : i32
    %dma_wait3A_207 = arith.constant 0 : i32
    %dma_wait3A_208 = tpu.memref_slice %arg3[%dma_wait3A_206, %dma_wait3A_207] : memref<524288x32xf32, #tpu.memory_space<hbm>> -> memref<524288x32xf32, #tpu.memory_space<hbm>>
    tpu.wait_indirect_dma semaphore(%arg7 : memref<!tpu.dma_semaphore, #tpu.memory_space<semaphore_mem>>) src(%dma_wait3A_208 : memref<524288x32xf32, #tpu.memory_space<hbm>>) dst(%dma_wait3A_203 : memref<128x32xf32, #tpu.memory_space<vmem>>)
    %dma_wait3A_209 = arith.constant 1280 : i32
    %dma_wait3A_210 = arith.constant 0 : i32
    %dma_wait3A_211 = tpu.memref_slice %arg6[%dma_wait3A_209, %dma_wait3A_210] : memref<2048x32xf32, #tpu.memory_space<vmem>> -> memref<128x32xf32, #tpu.memory_space<vmem>>
    %dma_wait3A_212 = arith.constant 1280 : i32
    %dma_wait3A_213 = tpu.memref_slice %arg5[%dma_wait3A_212] : memref<2048xi32, #tpu.memory_space<vmem>> -> memref<128xi32, #tpu.memory_space<vmem>>
    %dma_wait3A_214 = arith.constant 0 : i32
    %dma_wait3A_215 = arith.constant 0 : i32
    %dma_wait3A_216 = tpu.memref_slice %arg3[%dma_wait3A_214, %dma_wait3A_215] : memref<524288x32xf32, #tpu.memory_space<hbm>> -> memref<524288x32xf32, #tpu.memory_space<hbm>>
    tpu.wait_indirect_dma semaphore(%arg7 : memref<!tpu.dma_semaphore, #tpu.memory_space<semaphore_mem>>) src(%dma_wait3A_216 : memref<524288x32xf32, #tpu.memory_space<hbm>>) dst(%dma_wait3A_211 : memref<128x32xf32, #tpu.memory_space<vmem>>)
    %dma_wait3A_217 = arith.constant 1408 : i32
    %dma_wait3A_218 = arith.constant 0 : i32
    %dma_wait3A_219 = tpu.memref_slice %arg6[%dma_wait3A_217, %dma_wait3A_218] : memref<2048x32xf32, #tpu.memory_space<vmem>> -> memref<128x32xf32, #tpu.memory_space<vmem>>
    %dma_wait3A_220 = arith.constant 1408 : i32
    %dma_wait3A_221 = tpu.memref_slice %arg5[%dma_wait3A_220] : memref<2048xi32, #tpu.memory_space<vmem>> -> memref<128xi32, #tpu.memory_space<vmem>>
    %dma_wait3A_222 = arith.constant 0 : i32
    %dma_wait3A_223 = arith.constant 0 : i32
    %dma_wait3A_224 = tpu.memref_slice %arg3[%dma_wait3A_222, %dma_wait3A_223] : memref<524288x32xf32, #tpu.memory_space<hbm>> -> memref<524288x32xf32, #tpu.memory_space<hbm>>
    tpu.wait_indirect_dma semaphore(%arg7 : memref<!tpu.dma_semaphore, #tpu.memory_space<semaphore_mem>>) src(%dma_wait3A_224 : memref<524288x32xf32, #tpu.memory_space<hbm>>) dst(%dma_wait3A_219 : memref<128x32xf32, #tpu.memory_space<vmem>>)
    %dma_wait3A_225 = arith.constant 1536 : i32
    %dma_wait3A_226 = arith.constant 0 : i32
    %dma_wait3A_227 = tpu.memref_slice %arg6[%dma_wait3A_225, %dma_wait3A_226] : memref<2048x32xf32, #tpu.memory_space<vmem>> -> memref<128x32xf32, #tpu.memory_space<vmem>>
    %dma_wait3A_228 = arith.constant 1536 : i32
    %dma_wait3A_229 = tpu.memref_slice %arg5[%dma_wait3A_228] : memref<2048xi32, #tpu.memory_space<vmem>> -> memref<128xi32, #tpu.memory_space<vmem>>
    %dma_wait3A_230 = arith.constant 0 : i32
    %dma_wait3A_231 = arith.constant 0 : i32
    %dma_wait3A_232 = tpu.memref_slice %arg3[%dma_wait3A_230, %dma_wait3A_231] : memref<524288x32xf32, #tpu.memory_space<hbm>> -> memref<524288x32xf32, #tpu.memory_space<hbm>>
    tpu.wait_indirect_dma semaphore(%arg7 : memref<!tpu.dma_semaphore, #tpu.memory_space<semaphore_mem>>) src(%dma_wait3A_232 : memref<524288x32xf32, #tpu.memory_space<hbm>>) dst(%dma_wait3A_227 : memref<128x32xf32, #tpu.memory_space<vmem>>)
    %dma_wait3A_233 = arith.constant 1664 : i32
    %dma_wait3A_234 = arith.constant 0 : i32
    %dma_wait3A_235 = tpu.memref_slice %arg6[%dma_wait3A_233, %dma_wait3A_234] : memref<2048x32xf32, #tpu.memory_space<vmem>> -> memref<128x32xf32, #tpu.memory_space<vmem>>
    %dma_wait3A_236 = arith.constant 1664 : i32
    %dma_wait3A_237 = tpu.memref_slice %arg5[%dma_wait3A_236] : memref<2048xi32, #tpu.memory_space<vmem>> -> memref<128xi32, #tpu.memory_space<vmem>>
    %dma_wait3A_238 = arith.constant 0 : i32
    %dma_wait3A_239 = arith.constant 0 : i32
    %dma_wait3A_240 = tpu.memref_slice %arg3[%dma_wait3A_238, %dma_wait3A_239] : memref<524288x32xf32, #tpu.memory_space<hbm>> -> memref<524288x32xf32, #tpu.memory_space<hbm>>
    tpu.wait_indirect_dma semaphore(%arg7 : memref<!tpu.dma_semaphore, #tpu.memory_space<semaphore_mem>>) src(%dma_wait3A_240 : memref<524288x32xf32, #tpu.memory_space<hbm>>) dst(%dma_wait3A_235 : memref<128x32xf32, #tpu.memory_space<vmem>>)
    %dma_wait3A_241 = arith.constant 1792 : i32
    %dma_wait3A_242 = arith.constant 0 : i32
    %dma_wait3A_243 = tpu.memref_slice %arg6[%dma_wait3A_241, %dma_wait3A_242] : memref<2048x32xf32, #tpu.memory_space<vmem>> -> memref<128x32xf32, #tpu.memory_space<vmem>>
    %dma_wait3A_244 = arith.constant 1792 : i32
    %dma_wait3A_245 = tpu.memref_slice %arg5[%dma_wait3A_244] : memref<2048xi32, #tpu.memory_space<vmem>> -> memref<128xi32, #tpu.memory_space<vmem>>
    %dma_wait3A_246 = arith.constant 0 : i32
    %dma_wait3A_247 = arith.constant 0 : i32
    %dma_wait3A_248 = tpu.memref_slice %arg3[%dma_wait3A_246, %dma_wait3A_247] : memref<524288x32xf32, #tpu.memory_space<hbm>> -> memref<524288x32xf32, #tpu.memory_space<hbm>>
    tpu.wait_indirect_dma semaphore(%arg7 : memref<!tpu.dma_semaphore, #tpu.memory_space<semaphore_mem>>) src(%dma_wait3A_248 : memref<524288x32xf32, #tpu.memory_space<hbm>>) dst(%dma_wait3A_243 : memref<128x32xf32, #tpu.memory_space<vmem>>)
    %dma_wait3A_249 = arith.constant 1920 : i32
    %dma_wait3A_250 = arith.constant 0 : i32
    %dma_wait3A_251 = tpu.memref_slice %arg6[%dma_wait3A_249, %dma_wait3A_250] : memref<2048x32xf32, #tpu.memory_space<vmem>> -> memref<128x32xf32, #tpu.memory_space<vmem>>
    %dma_wait3A_252 = arith.constant 1920 : i32
    %dma_wait3A_253 = tpu.memref_slice %arg5[%dma_wait3A_252] : memref<2048xi32, #tpu.memory_space<vmem>> -> memref<128xi32, #tpu.memory_space<vmem>>
    %dma_wait3A_254 = arith.constant 0 : i32
    %dma_wait3A_255 = arith.constant 0 : i32
    %dma_wait3A_256 = tpu.memref_slice %arg3[%dma_wait3A_254, %dma_wait3A_255] : memref<524288x32xf32, #tpu.memory_space<hbm>> -> memref<524288x32xf32, #tpu.memory_space<hbm>>
    tpu.wait_indirect_dma semaphore(%arg7 : memref<!tpu.dma_semaphore, #tpu.memory_space<semaphore_mem>>) src(%dma_wait3A_256 : memref<524288x32xf32, #tpu.memory_space<hbm>>) dst(%dma_wait3A_251 : memref<128x32xf32, #tpu.memory_space<vmem>>)
    "tpu.region"() ({
      %run_scoped3A = tpu.sem_alloc : memref<!tpu.dma_semaphore, #tpu.memory_space<semaphore_mem>>
      %dma_start3A_257 = arith.constant 0 : i32
      %dma_start3A_258 = tpu.memref_slice %arg4[%mul3A_2, %dma_start3A_257] : memref<65536x32xf32, #tpu.memory_space<hbm>> -> memref<2048x32xf32, #tpu.memory_space<hbm>>
      %dma_start3A_259 = arith.constant 0 : i32
      %dma_start3A_260 = tpu.memref_slice %arg4[%mul3A_2, %dma_start3A_259] : memref<65536x32xf32, #tpu.memory_space<hbm>> -> memref<2048x32xf32, #tpu.memory_space<hbm>>
      tpu.enqueue_dma source(%arg6 : memref<2048x32xf32, #tpu.memory_space<vmem>>) target(%dma_start3A_260 : memref<2048x32xf32, #tpu.memory_space<hbm>>) target_semaphore(%run_scoped3A : memref<!tpu.dma_semaphore, #tpu.memory_space<semaphore_mem>>)
      %dma_wait3A_261 = arith.constant 0 : i32
      %dma_wait3A_262 = tpu.memref_slice %arg4[%mul3A_2, %dma_wait3A_261] : memref<65536x32xf32, #tpu.memory_space<hbm>> -> memref<2048x32xf32, #tpu.memory_space<hbm>>
      %dma_wait3A_263 = arith.constant 0 : i32
      %dma_wait3A_264 = tpu.memref_slice %arg4[%mul3A_2, %dma_wait3A_263] : memref<65536x32xf32, #tpu.memory_space<hbm>> -> memref<2048x32xf32, #tpu.memory_space<hbm>>
      tpu.wait_dma2 semaphore(%run_scoped3A : memref<!tpu.dma_semaphore, #tpu.memory_space<semaphore_mem>>) src(%arg6 : memref<2048x32xf32, #tpu.memory_space<vmem>>) dst(%dma_wait3A_264 : memref<2048x32xf32, #tpu.memory_space<hbm>>)
      tpu.yield
    }) : () -> ()
    return
  }
}

module attributes {stable_mosaic.version = 14 : i64} {
  func.func @_lambda_(%arg0: i32, %arg1: memref<128x8192xf32, #tpu.memory_space<vmem>>, %arg2: memref<8192x128xf32, #tpu.memory_space<vmem>>) attributes {dimension_semantics = [#tpu.dimension_semantics<arbitrary>], iteration_bounds = array<i64: 16>, scalar_prefetch = 0 : i64, scratch_operands = 0 : i64, tpu.core_type = #tpu.core_type<tc>, window_params = [{transform_indices = @transform_0, window_bounds = array<i64: 128, 8192>}, {transform_indices = @transform_1, window_bounds = array<i64: 8192, 128>}]} {
    %get3A = arith.constant 0 : index
    %get3A_0 = arith.constant 0 : index
    %get3A_1 = vector.load %arg1[%get3A, %get3A_0] : memref<128x8192xf32, #tpu.memory_space<vmem>>, vector<128x8192xf32>
    %transpose3A = tpu.transpose %get3A_1, [1, 0] : vector<128x8192xf32> -> vector<8192x128xf32>
    %swap3A = arith.constant 0 : index
    %swap3A_2 = arith.constant 0 : index
    %swap3A_3 = vector.load %arg2[%swap3A, %swap3A_2] : memref<8192x128xf32, #tpu.memory_space<vmem>>, vector<8192x128xf32>
    tpu.vector_store %arg2[%swap3A, %swap3A_2], %transpose3A {strides = array<i32>} : memref<8192x128xf32, #tpu.memory_space<vmem>>, vector<8192x128xf32>,
    return
  }
  func.func @transform_0(%arg0: i32) -> (i32, i32) {
    %mul3A = arith.constant 0 : i32
    %mul3A_0 = arith.muli %arg0, %mul3A : i32
    %c0_i32 = arith.constant 0 : i32
    return %mul3A_0, %arg0 : i32, i32
  }
  func.func @transform_1(%arg0: i32) -> (i32, i32) {
    %mul3A = arith.constant 0 : i32
    %mul3A_0 = arith.muli %arg0, %mul3A : i32
    %c0_i32 = arith.constant 0 : i32
    return %arg0, %mul3A_0 : i32, i32
  }
}

module attributes {stable_mosaic.version = 14 : i64} {
  func.func @_lambda_(%arg0: i32, %arg1: memref<128x8192xf32, #tpu.memory_space<vmem>>, %arg2: memref<8192x128xf32, #tpu.memory_space<vmem>>) attributes {dimension_semantics = [#tpu.dimension_semantics<arbitrary>], iteration_bounds = array<i64: 8>, scalar_prefetch = 0 : i64, scratch_operands = 0 : i64, tpu.core_type = #tpu.core_type<tc>, window_params = [{transform_indices = @transform_0, window_bounds = array<i64: 128, 8192>}, {transform_indices = @transform_1, window_bounds = array<i64: 8192, 128>}]} {
    %get3A = arith.constant 0 : index
    %get3A_0 = arith.constant 0 : index
    %get3A_1 = vector.load %arg1[%get3A, %get3A_0] : memref<128x8192xf32, #tpu.memory_space<vmem>>, vector<128x8192xf32>
    %transpose3A = tpu.transpose %get3A_1, [1, 0] : vector<128x8192xf32> -> vector<8192x128xf32>
    %swap3A = arith.constant 0 : index
    %swap3A_2 = arith.constant 0 : index
    %swap3A_3 = vector.load %arg2[%swap3A, %swap3A_2] : memref<8192x128xf32, #tpu.memory_space<vmem>>, vector<8192x128xf32>
    tpu.vector_store %arg2[%swap3A, %swap3A_2], %transpose3A {strides = array<i32>} : memref<8192x128xf32, #tpu.memory_space<vmem>>, vector<8192x128xf32>,
    return
  }
  func.func @transform_0(%arg0: i32) -> (i32, i32) {
    %mul3A = arith.constant 0 : i32
    %mul3A_0 = arith.muli %arg0, %mul3A : i32
    %c0_i32 = arith.constant 0 : i32
    return %mul3A_0, %arg0 : i32, i32
  }
  func.func @transform_1(%arg0: i32) -> (i32, i32) {
    %mul3A = arith.constant 0 : i32
    %mul3A_0 = arith.muli %arg0, %mul3A : i32
    %c0_i32 = arith.constant 0 : i32
    return %arg0, %mul3A_0 : i32, i32
  }
}

module attributes {stable_mosaic.version = 14 : i64} {
  func.func @_tc1_body(%arg0: i32, %arg1: memref<2048x128xf32, #tpu.memory_space<vmem>>, %arg2: memref<2048x128xf32, #tpu.memory_space<vmem>>, %arg3: memref<128x512xf32, #tpu.memory_space<vmem>>, %arg4: memref<128x512xf32, #tpu.memory_space<vmem>>, %arg5: memref<1x512xf32, #tpu.memory_space<vmem>>, %arg6: memref<512x256xf32, #tpu.memory_space<vmem>>, %arg7: memref<1x256xf32, #tpu.memory_space<vmem>>, %arg8: memref<512x256xf32, #tpu.memory_space<vmem>>, %arg9: memref<1x256xf32, #tpu.memory_space<vmem>>, %arg10: memref<256x512xf32, #tpu.memory_space<vmem>>, %arg11: memref<1x512xf32, #tpu.memory_space<vmem>>, %arg12: memref<1x512xf32, #tpu.memory_space<vmem>>, %arg13: memref<1x512xf32, #tpu.memory_space<vmem>>, %arg14: memref<512x64xf32, #tpu.memory_space<vmem>>, %arg15: memref<1x64xf32, #tpu.memory_space<vmem>>, %arg16: memref<1x64xi32, #tpu.memory_space<vmem>>, %arg17: memref<2048x512xf32, #tpu.memory_space<vmem>>, %arg18: memref<2048x4xi32, #tpu.memory_space<vmem>>, %arg19: memref<2048x256xf32, #tpu.memory_space<vmem>>) attributes {dimension_semantics = [#tpu.dimension_semantics<arbitrary>], iteration_bounds = array<i64: 8>, scalar_prefetch = 0 : i64, scratch_operands = 1 : i64, tpu.core_type = #tpu.core_type<tc>, window_params = [{transform_indices = @transform_0, window_bounds = array<i64: 2048, 128>}, {transform_indices = @transform_1, window_bounds = array<i64: 2048, 128>}, {transform_indices = @transform_2, window_bounds = array<i64: 128, 512>}, {transform_indices = @transform_3, window_bounds = array<i64: 128, 512>}, {transform_indices = @transform_4, window_bounds = array<i64: 1, 512>}, {transform_indices = @transform_5, window_bounds = array<i64: 512, 256>}, {transform_indices = @transform_6, window_bounds = array<i64: 1, 256>}, {transform_indices = @transform_7, window_bounds = array<i64: 512, 256>}, {transform_indices = @transform_8, window_bounds = array<i64: 1, 256>}, {transform_indices = @transform_9, window_bounds = array<i64: 256, 512>}, {transform_indices = @transform_10, window_bounds = array<i64: 1, 512>}, {transform_indices = @transform_11, window_bounds = array<i64: 1, 512>}, {transform_indices = @transform_12, window_bounds = array<i64: 1, 512>}, {transform_indices = @transform_13, window_bounds = array<i64: 512, 64>}, {transform_indices = @transform_14, window_bounds = array<i64: 1, 64>}, {transform_indices = @transform_15, window_bounds = array<i64: 1, 64>}, {transform_indices = @transform_16, window_bounds = array<i64: 2048, 512>}, {transform_indices = @transform_17, window_bounds = array<i64: 2048, 4>}]} {
    %get3A = arith.constant 0 : index
    %get3A_0 = arith.constant 0 : index
    %get3A_1 = vector.load %arg1[%get3A, %get3A_0] : memref<2048x128xf32, #tpu.memory_space<vmem>>, vector<2048x128xf32>
    %get3A_2 = arith.constant 0 : index
    %get3A_3 = arith.constant 0 : index
    %get3A_4 = vector.load %arg3[%get3A_2, %get3A_3] : memref<128x512xf32, #tpu.memory_space<vmem>>, vector<128x512xf32>
    %dot_general3A = arith.constant dense<0.000000e+00> : vector<2048x512xf32>
    %dot_general3A_5 = tpu.matmul %get3A_1, %get3A_4, %dot_general3A {dimension_numbers = #tpu.dot_dimension_numbers<[1], [0], [0], [1], [0, 0, 1, 1], [], []>, transpose_lhs_hint = false} : vector<2048x128xf32>, vector<128x512xf32>, vector<2048x512xf32> -> vector<2048x512xf32>
    %get3A_6 = arith.constant 0 : index
    %get3A_7 = arith.constant 0 : index
    %get3A_8 = vector.load %arg2[%get3A_6, %get3A_7] : memref<2048x128xf32, #tpu.memory_space<vmem>>, vector<2048x128xf32>
    %get3A_9 = arith.constant 0 : index
    %get3A_10 = arith.constant 0 : index
    %get3A_11 = vector.load %arg4[%get3A_9, %get3A_10] : memref<128x512xf32, #tpu.memory_space<vmem>>, vector<128x512xf32>
    %dot_general3A_12 = arith.constant dense<0.000000e+00> : vector<2048x512xf32>
    %dot_general3A_13 = tpu.matmul %get3A_8, %get3A_11, %dot_general3A_12 {dimension_numbers = #tpu.dot_dimension_numbers<[1], [0], [0], [1], [0, 0, 1, 1], [], []>, transpose_lhs_hint = false} : vector<2048x128xf32>, vector<128x512xf32>, vector<2048x512xf32> -> vector<2048x512xf32>
    %add3A = arith.addf %dot_general3A_5, %dot_general3A_13 : vector<2048x512xf32>
    %get3A_14 = arith.constant 0 : index
    %get3A_15 = arith.constant 0 : index
    %get3A_16 = vector.load %arg5[%get3A_14, %get3A_15] : memref<1x512xf32, #tpu.memory_space<vmem>>, vector<1x512xf32>
    %add3A_17 = vector.broadcast %get3A_16 : vector<1x512xf32> to vector<2048x512xf32>
    %add3A_18 = arith.addf %add3A, %add3A_17 : vector<2048x512xf32>
    %get3A_19 = arith.constant 0 : index
    %get3A_20 = arith.constant 0 : index
    %get3A_21 = vector.load %arg6[%get3A_19, %get3A_20] : memref<512x256xf32, #tpu.memory_space<vmem>>, vector<512x256xf32>
    %dot_general3A_22 = arith.constant dense<0.000000e+00> : vector<2048x256xf32>
    %dot_general3A_23 = tpu.matmul %add3A_18, %get3A_21, %dot_general3A_22 {dimension_numbers = #tpu.dot_dimension_numbers<[1], [0], [0], [1], [0, 0, 1, 1], [], []>, transpose_lhs_hint = false} : vector<2048x512xf32>, vector<512x256xf32>, vector<2048x256xf32> -> vector<2048x256xf32>
    %get3A_24 = arith.constant 0 : index
    %get3A_25 = arith.constant 0 : index
    %get3A_26 = vector.load %arg7[%get3A_24, %get3A_25] : memref<1x256xf32, #tpu.memory_space<vmem>>, vector<1x256xf32>
    %add3A_27 = vector.broadcast %get3A_26 : vector<1x256xf32> to vector<2048x256xf32>
    %add3A_28 = arith.addf %dot_general3A_23, %add3A_27 : vector<2048x256xf32>
    %neg3A = arith.constant 0.000000e+00 : f32
    %neg3A_29 = vector.broadcast %neg3A : f32 to vector<2048x256xf32>
    %neg3A_30 = arith.subf %neg3A_29, %add3A_28 : vector<2048x256xf32>
    %exp3A = math.exp %neg3A_30 : vector<2048x256xf32>
    %add3A_31 = arith.constant 1.000000e+00 : f32
    %add3A_32 = vector.broadcast %add3A_31 : f32 to vector<2048x256xf32>
    %add3A_33 = arith.addf %add3A_32, %exp3A : vector<2048x256xf32>
    %div3A = arith.constant 1.000000e+00 : f32
    %div3A_34 = vector.broadcast %div3A : f32 to vector<2048x256xf32>
    %div3A_35 = arith.divf %div3A_34, %add3A_33 : vector<2048x256xf32>
    %sub3A = arith.constant 1.000000e+00 : f32
    %sub3A_36 = vector.broadcast %sub3A : f32 to vector<2048x256xf32>
    %sub3A_37 = arith.subf %sub3A_36, %div3A_35 : vector<2048x256xf32>
    %get3A_38 = arith.constant 0 : index
    %get3A_39 = arith.constant 0 : index
    %get3A_40 = vector.load %arg8[%get3A_38, %get3A_39] : memref<512x256xf32, #tpu.memory_space<vmem>>, vector<512x256xf32>
    %dot_general3A_41 = arith.constant dense<0.000000e+00> : vector<2048x256xf32>
    %dot_general3A_42 = tpu.matmul %add3A_18, %get3A_40, %dot_general3A_41 {dimension_numbers = #tpu.dot_dimension_numbers<[1], [0], [0], [1], [0, 0, 1, 1], [], []>, transpose_lhs_hint = false} : vector<2048x512xf32>, vector<512x256xf32>, vector<2048x256xf32> -> vector<2048x256xf32>
    %get3A_43 = arith.constant 0 : index
    %get3A_44 = arith.constant 0 : index
    %get3A_45 = vector.load %arg9[%get3A_43, %get3A_44] : memref<1x256xf32, #tpu.memory_space<vmem>>, vector<1x256xf32>
    %add3A_46 = vector.broadcast %get3A_45 : vector<1x256xf32> to vector<2048x256xf32>
    %add3A_47 = arith.addf %dot_general3A_42, %add3A_46 : vector<2048x256xf32>
    %mul3A = arith.mulf %sub3A_37, %add3A_47 : vector<2048x256xf32>
    %max3A = arith.constant 9.99999997E-7 : f32
    %max3A_48 = vector.broadcast %max3A : f32 to vector<2048x256xf32>
    %max3A_49 = arith.maximumf %div3A_35, %max3A_48 : vector<2048x256xf32>
    %log3A = math.log %max3A_49 : vector<2048x256xf32>
    %iota3A = tpu.iota {dimensions = array<i32: 0>} : vector<512x512xi32>
    %iota3A_50 = tpu.iota {dimensions = array<i32: 1>} : vector<512x512xi32>
    %ge3A = arith.cmpi sge, %iota3A, %iota3A_50 : vector<512x512xi32>
    %jit3A = arith.constant 32 : i64
    %convert_element_type3A = arith.trunci %jit3A : i64 to i32
    %div3A_51 = vector.broadcast %convert_element_type3A : i32 to vector<512x512xi32>
    %div3A_52 = arith.divsi %iota3A, %div3A_51 : vector<512x512xi32>
    %sign3A = arith.constant 0 : i32
    %sign3A_53 = vector.broadcast %sign3A : i32 to vector<512x512xi32>
    %sign3A_54 = arith.cmpi sgt, %iota3A, %sign3A_53 : vector<512x512xi32>
    %sign3A_55 = arith.extui %sign3A_54 : vector<512x512xi1> to vector<512x512xi32>
    %sign3A_56 = arith.constant 0 : i32
    %sign3A_57 = vector.broadcast %sign3A_56 : i32 to vector<512x512xi32>
    %sign3A_58 = arith.cmpi slt, %iota3A, %sign3A_57 : vector<512x512xi32>
    %sign3A_59 = arith.extui %sign3A_58 : vector<512x512xi1> to vector<512x512xi32>
    %sign3A_60 = arith.subi %sign3A_55, %sign3A_59 : vector<512x512xi32>
    %sign3A_61 = arith.constant 0 : i32
    %sign3A_62 = arith.cmpi sgt, %convert_element_type3A, %sign3A_61 : i32
    %sign3A_63 = arith.extui %sign3A_62 : i1 to i32
    %sign3A_64 = arith.constant 0 : i32
    %sign3A_65 = arith.cmpi slt, %convert_element_type3A, %sign3A_64 : i32
    %sign3A_66 = arith.extui %sign3A_65 : i1 to i32
    %sign3A_67 = arith.subi %sign3A_63, %sign3A_66 : i32
    %ne3A = vector.broadcast %sign3A_67 : i32 to vector<512x512xi32>
    %ne3A_68 = arith.cmpi ne, %sign3A_60, %ne3A : vector<512x512xi32>
    %rem3A = vector.broadcast %convert_element_type3A : i32 to vector<512x512xi32>
    %rem3A_69 = arith.remsi %iota3A, %rem3A : vector<512x512xi32>
    %ne3A_70 = arith.constant 0 : i32
    %ne3A_71 = vector.broadcast %ne3A_70 : i32 to vector<512x512xi32>
    %ne3A_72 = arith.cmpi ne, %rem3A_69, %ne3A_71 : vector<512x512xi32>
    %and3A = arith.andi %ne3A_68, %ne3A_72 : vector<512x512xi1>
    %sub3A_73 = arith.constant 1 : i32
    %sub3A_74 = vector.broadcast %sub3A_73 : i32 to vector<512x512xi32>
    %sub3A_75 = arith.subi %div3A_52, %sub3A_74 : vector<512x512xi32>
    %select_n3A = arith.select %and3A, %sub3A_75, %div3A_52 : vector<512x512xi1>, vector<512x512xi32>
    %jit3A_76 = arith.constant 32 : i64
    %convert_element_type3A_77 = arith.trunci %jit3A_76 : i64 to i32
    %div3A_78 = vector.broadcast %convert_element_type3A_77 : i32 to vector<512x512xi32>
    %div3A_79 = arith.divsi %iota3A_50, %div3A_78 : vector<512x512xi32>
    %sign3A_80 = arith.constant 0 : i32
    %sign3A_81 = vector.broadcast %sign3A_80 : i32 to vector<512x512xi32>
    %sign3A_82 = arith.cmpi sgt, %iota3A_50, %sign3A_81 : vector<512x512xi32>
    %sign3A_83 = arith.extui %sign3A_82 : vector<512x512xi1> to vector<512x512xi32>
    %sign3A_84 = arith.constant 0 : i32
    %sign3A_85 = vector.broadcast %sign3A_84 : i32 to vector<512x512xi32>
    %sign3A_86 = arith.cmpi slt, %iota3A_50, %sign3A_85 : vector<512x512xi32>
    %sign3A_87 = arith.extui %sign3A_86 : vector<512x512xi1> to vector<512x512xi32>
    %sign3A_88 = arith.subi %sign3A_83, %sign3A_87 : vector<512x512xi32>
    %sign3A_89 = arith.constant 0 : i32
    %sign3A_90 = arith.cmpi sgt, %convert_element_type3A_77, %sign3A_89 : i32
    %sign3A_91 = arith.extui %sign3A_90 : i1 to i32
    %sign3A_92 = arith.constant 0 : i32
    %sign3A_93 = arith.cmpi slt, %convert_element_type3A_77, %sign3A_92 : i32
    %sign3A_94 = arith.extui %sign3A_93 : i1 to i32
    %sign3A_95 = arith.subi %sign3A_91, %sign3A_94 : i32
    %ne3A_96 = vector.broadcast %sign3A_95 : i32 to vector<512x512xi32>
    %ne3A_97 = arith.cmpi ne, %sign3A_88, %ne3A_96 : vector<512x512xi32>
    %rem3A_98 = vector.broadcast %convert_element_type3A_77 : i32 to vector<512x512xi32>
    %rem3A_99 = arith.remsi %iota3A_50, %rem3A_98 : vector<512x512xi32>
    %ne3A_100 = arith.constant 0 : i32
    %ne3A_101 = vector.broadcast %ne3A_100 : i32 to vector<512x512xi32>
    %ne3A_102 = arith.cmpi ne, %rem3A_99, %ne3A_101 : vector<512x512xi32>
    %and3A_103 = arith.andi %ne3A_97, %ne3A_102 : vector<512x512xi1>
    %sub3A_104 = arith.constant 1 : i32
    %sub3A_105 = vector.broadcast %sub3A_104 : i32 to vector<512x512xi32>
    %sub3A_106 = arith.subi %div3A_79, %sub3A_105 : vector<512x512xi32>
    %select_n3A_107 = arith.select %and3A_103, %sub3A_106, %div3A_79 : vector<512x512xi1>, vector<512x512xi32>
    %eq3A = arith.cmpi eq, %select_n3A, %select_n3A_107 : vector<512x512xi32>
    %and3A_108 = arith.andi %ge3A, %eq3A : vector<512x512xi1>
    %convert_element_type3A_109 = arith.extui %and3A_108 : vector<512x512xi1> to vector<512x512xi32>
    %convert_element_type3A_110 = arith.sitofp %convert_element_type3A_109 : vector<512x512xi32> to vector<512x512xf32>
    %slice3A = vector.extract_strided_slice %log3A {offsets = [0, 0], sizes = [512, 256], strides = [1, 1]} : vector<2048x256xf32> to vector<512x256xf32>
    %dot_general3A_111 = arith.constant dense<0.000000e+00> : vector<512x256xf32>
    %dot_general3A_112 = tpu.matmul %convert_element_type3A_110, %slice3A, %dot_general3A_111 {dimension_numbers = #tpu.dot_dimension_numbers<[1], [0], [0], [1], [0, 0, 1, 1], [], []>, transpose_lhs_hint = false} : vector<512x512xf32>, vector<512x256xf32>, vector<512x256xf32> -> vector<512x256xf32>
    %exp3A_113 = math.exp %dot_general3A_112 : vector<512x256xf32>
    %max3A_114 = arith.constant 9.99999993E-9 : f32
    %max3A_115 = vector.broadcast %max3A_114 : f32 to vector<512x256xf32>
    %max3A_116 = arith.maximumf %exp3A_113, %max3A_115 : vector<512x256xf32>
    %div3A_117 = arith.constant 1.000000e+00 : f32
    %div3A_118 = vector.broadcast %div3A_117 : f32 to vector<512x256xf32>
    %div3A_119 = arith.divf %div3A_118, %max3A_116 : vector<512x256xf32>
    %slice3A_120 = vector.extract_strided_slice %mul3A {offsets = [0, 0], sizes = [512, 256], strides = [1, 1]} : vector<2048x256xf32> to vector<512x256xf32>
    %mul3A_121 = arith.mulf %slice3A_120, %div3A_119 : vector<512x256xf32>
    %dot_general3A_122 = arith.constant dense<0.000000e+00> : vector<512x256xf32>
    %dot_general3A_123 = tpu.matmul %convert_element_type3A_110, %mul3A_121, %dot_general3A_122 {dimension_numbers = #tpu.dot_dimension_numbers<[1], [0], [0], [1], [0, 0, 1, 1], [], []>, transpose_lhs_hint = false} : vector<512x512xf32>, vector<512x256xf32>, vector<512x256xf32> -> vector<512x256xf32>
    %broadcast_in_dim3A = arith.constant 0.000000e+00 : f32
    %broadcast_in_dim3A_124 = vector.broadcast %broadcast_in_dim3A : f32 to vector<1x256xf32>
    %slice3A_125 = vector.extract_strided_slice %exp3A_113 {offsets = [0, 0], sizes = [32, 256], strides = [1, 1]} : vector<512x256xf32> to vector<32x256xf32>
    %slice3A_126 = vector.extract_strided_slice %dot_general3A_123 {offsets = [0, 0], sizes = [32, 256], strides = [1, 1]} : vector<512x256xf32> to vector<32x256xf32>
    %add3A_127 = vector.broadcast %broadcast_in_dim3A_124 : vector<1x256xf32> to vector<32x256xf32>
    %add3A_128 = arith.addf %add3A_127, %slice3A_126 : vector<32x256xf32>
    %mul3A_129 = arith.mulf %slice3A_125, %add3A_128 : vector<32x256xf32>
    %swap3A = arith.constant 0 : index
    %swap3A_130 = arith.constant 0 : index
    %swap3A_131 = vector.load %arg19[%swap3A, %swap3A_130] : memref<2048x256xf32, #tpu.memory_space<vmem>>, vector<32x256xf32>
    tpu.vector_store %arg19[%swap3A, %swap3A_130], %mul3A_129 {strides = array<i32>} : memref<2048x256xf32, #tpu.memory_space<vmem>>, vector<32x256xf32>,
    %slice3A_132 = vector.extract_strided_slice %mul3A_129 {offsets = [31, 0], sizes = [1, 256], strides = [1, 1]} : vector<32x256xf32> to vector<1x256xf32>
    %slice3A_133 = vector.extract_strided_slice %exp3A_113 {offsets = [32, 0], sizes = [32, 256], strides = [1, 1]} : vector<512x256xf32> to vector<32x256xf32>
    %slice3A_134 = vector.extract_strided_slice %dot_general3A_123 {offsets = [32, 0], sizes = [32, 256], strides = [1, 1]} : vector<512x256xf32> to vector<32x256xf32>
    %add3A_135 = vector.broadcast %slice3A_132 : vector<1x256xf32> to vector<32x256xf32>
    %add3A_136 = arith.addf %add3A_135, %slice3A_134 : vector<32x256xf32>
    %mul3A_137 = arith.mulf %slice3A_133, %add3A_136 : vector<32x256xf32>
    %swap3A_138 = arith.constant 32 : index
    %swap3A_139 = arith.constant 0 : index
    %swap3A_140 = vector.load %arg19[%swap3A_138, %swap3A_139] : memref<2048x256xf32, #tpu.memory_space<vmem>>, vector<32x256xf32>
    tpu.vector_store %arg19[%swap3A_138, %swap3A_139], %mul3A_137 {strides = array<i32>} : memref<2048x256xf32, #tpu.memory_space<vmem>>, vector<32x256xf32>,
    %slice3A_141 = vector.extract_strided_slice %mul3A_137 {offsets = [31, 0], sizes = [1, 256], strides = [1, 1]} : vector<32x256xf32> to vector<1x256xf32>
    %slice3A_142 = vector.extract_strided_slice %exp3A_113 {offsets = [64, 0], sizes = [32, 256], strides = [1, 1]} : vector<512x256xf32> to vector<32x256xf32>
    %slice3A_143 = vector.extract_strided_slice %dot_general3A_123 {offsets = [64, 0], sizes = [32, 256], strides = [1, 1]} : vector<512x256xf32> to vector<32x256xf32>
    %add3A_144 = vector.broadcast %slice3A_141 : vector<1x256xf32> to vector<32x256xf32>
    %add3A_145 = arith.addf %add3A_144, %slice3A_143 : vector<32x256xf32>
    %mul3A_146 = arith.mulf %slice3A_142, %add3A_145 : vector<32x256xf32>
    %swap3A_147 = arith.constant 64 : index
    %swap3A_148 = arith.constant 0 : index
    %swap3A_149 = vector.load %arg19[%swap3A_147, %swap3A_148] : memref<2048x256xf32, #tpu.memory_space<vmem>>, vector<32x256xf32>
    tpu.vector_store %arg19[%swap3A_147, %swap3A_148], %mul3A_146 {strides = array<i32>} : memref<2048x256xf32, #tpu.memory_space<vmem>>, vector<32x256xf32>,
    %slice3A_150 = vector.extract_strided_slice %mul3A_146 {offsets = [31, 0], sizes = [1, 256], strides = [1, 1]} : vector<32x256xf32> to vector<1x256xf32>
    %slice3A_151 = vector.extract_strided_slice %exp3A_113 {offsets = [96, 0], sizes = [32, 256], strides = [1, 1]} : vector<512x256xf32> to vector<32x256xf32>
    %slice3A_152 = vector.extract_strided_slice %dot_general3A_123 {offsets = [96, 0], sizes = [32, 256], strides = [1, 1]} : vector<512x256xf32> to vector<32x256xf32>
    %add3A_153 = vector.broadcast %slice3A_150 : vector<1x256xf32> to vector<32x256xf32>
    %add3A_154 = arith.addf %add3A_153, %slice3A_152 : vector<32x256xf32>
    %mul3A_155 = arith.mulf %slice3A_151, %add3A_154 : vector<32x256xf32>
    %swap3A_156 = arith.constant 96 : index
    %swap3A_157 = arith.constant 0 : index
    %swap3A_158 = vector.load %arg19[%swap3A_156, %swap3A_157] : memref<2048x256xf32, #tpu.memory_space<vmem>>, vector<32x256xf32>
    tpu.vector_store %arg19[%swap3A_156, %swap3A_157], %mul3A_155 {strides = array<i32>} : memref<2048x256xf32, #tpu.memory_space<vmem>>, vector<32x256xf32>,
    %slice3A_159 = vector.extract_strided_slice %mul3A_155 {offsets = [31, 0], sizes = [1, 256], strides = [1, 1]} : vector<32x256xf32> to vector<1x256xf32>
    %slice3A_160 = vector.extract_strided_slice %exp3A_113 {offsets = [128, 0], sizes = [32, 256], strides = [1, 1]} : vector<512x256xf32> to vector<32x256xf32>
    %slice3A_161 = vector.extract_strided_slice %dot_general3A_123 {offsets = [128, 0], sizes = [32, 256], strides = [1, 1]} : vector<512x256xf32> to vector<32x256xf32>
    %add3A_162 = vector.broadcast %slice3A_159 : vector<1x256xf32> to vector<32x256xf32>
    %add3A_163 = arith.addf %add3A_162, %slice3A_161 : vector<32x256xf32>
    %mul3A_164 = arith.mulf %slice3A_160, %add3A_163 : vector<32x256xf32>
    %swap3A_165 = arith.constant 128 : index
    %swap3A_166 = arith.constant 0 : index
    %swap3A_167 = vector.load %arg19[%swap3A_165, %swap3A_166] : memref<2048x256xf32, #tpu.memory_space<vmem>>, vector<32x256xf32>
    tpu.vector_store %arg19[%swap3A_165, %swap3A_166], %mul3A_164 {strides = array<i32>} : memref<2048x256xf32, #tpu.memory_space<vmem>>, vector<32x256xf32>,
    %slice3A_168 = vector.extract_strided_slice %mul3A_164 {offsets = [31, 0], sizes = [1, 256], strides = [1, 1]} : vector<32x256xf32> to vector<1x256xf32>
    %slice3A_169 = vector.extract_strided_slice %exp3A_113 {offsets = [160, 0], sizes = [32, 256], strides = [1, 1]} : vector<512x256xf32> to vector<32x256xf32>
    %slice3A_170 = vector.extract_strided_slice %dot_general3A_123 {offsets = [160, 0], sizes = [32, 256], strides = [1, 1]} : vector<512x256xf32> to vector<32x256xf32>
    %add3A_171 = vector.broadcast %slice3A_168 : vector<1x256xf32> to vector<32x256xf32>
    %add3A_172 = arith.addf %add3A_171, %slice3A_170 : vector<32x256xf32>
    %mul3A_173 = arith.mulf %slice3A_169, %add3A_172 : vector<32x256xf32>
    %swap3A_174 = arith.constant 160 : index
    %swap3A_175 = arith.constant 0 : index
    %swap3A_176 = vector.load %arg19[%swap3A_174, %swap3A_175] : memref<2048x256xf32, #tpu.memory_space<vmem>>, vector<32x256xf32>
    tpu.vector_store %arg19[%swap3A_174, %swap3A_175], %mul3A_173 {strides = array<i32>} : memref<2048x256xf32, #tpu.memory_space<vmem>>, vector<32x256xf32>,
    %slice3A_177 = vector.extract_strided_slice %mul3A_173 {offsets = [31, 0], sizes = [1, 256], strides = [1, 1]} : vector<32x256xf32> to vector<1x256xf32>
    %slice3A_178 = vector.extract_strided_slice %exp3A_113 {offsets = [192, 0], sizes = [32, 256], strides = [1, 1]} : vector<512x256xf32> to vector<32x256xf32>
    %slice3A_179 = vector.extract_strided_slice %dot_general3A_123 {offsets = [192, 0], sizes = [32, 256], strides = [1, 1]} : vector<512x256xf32> to vector<32x256xf32>
    %add3A_180 = vector.broadcast %slice3A_177 : vector<1x256xf32> to vector<32x256xf32>
    %add3A_181 = arith.addf %add3A_180, %slice3A_179 : vector<32x256xf32>
    %mul3A_182 = arith.mulf %slice3A_178, %add3A_181 : vector<32x256xf32>
    %swap3A_183 = arith.constant 192 : index
    %swap3A_184 = arith.constant 0 : index
    %swap3A_185 = vector.load %arg19[%swap3A_183, %swap3A_184] : memref<2048x256xf32, #tpu.memory_space<vmem>>, vector<32x256xf32>
    tpu.vector_store %arg19[%swap3A_183, %swap3A_184], %mul3A_182 {strides = array<i32>} : memref<2048x256xf32, #tpu.memory_space<vmem>>, vector<32x256xf32>,
    %slice3A_186 = vector.extract_strided_slice %mul3A_182 {offsets = [31, 0], sizes = [1, 256], strides = [1, 1]} : vector<32x256xf32> to vector<1x256xf32>
    %slice3A_187 = vector.extract_strided_slice %exp3A_113 {offsets = [224, 0], sizes = [32, 256], strides = [1, 1]} : vector<512x256xf32> to vector<32x256xf32>
    %slice3A_188 = vector.extract_strided_slice %dot_general3A_123 {offsets = [224, 0], sizes = [32, 256], strides = [1, 1]} : vector<512x256xf32> to vector<32x256xf32>
    %add3A_189 = vector.broadcast %slice3A_186 : vector<1x256xf32> to vector<32x256xf32>
    %add3A_190 = arith.addf %add3A_189, %slice3A_188 : vector<32x256xf32>
    %mul3A_191 = arith.mulf %slice3A_187, %add3A_190 : vector<32x256xf32>
    %swap3A_192 = arith.constant 224 : index
    %swap3A_193 = arith.constant 0 : index
    %swap3A_194 = vector.load %arg19[%swap3A_192, %swap3A_193] : memref<2048x256xf32, #tpu.memory_space<vmem>>, vector<32x256xf32>
    tpu.vector_store %arg19[%swap3A_192, %swap3A_193], %mul3A_191 {strides = array<i32>} : memref<2048x256xf32, #tpu.memory_space<vmem>>, vector<32x256xf32>,
    %slice3A_195 = vector.extract_strided_slice %mul3A_191 {offsets = [31, 0], sizes = [1, 256], strides = [1, 1]} : vector<32x256xf32> to vector<1x256xf32>
    %slice3A_196 = vector.extract_strided_slice %exp3A_113 {offsets = [256, 0], sizes = [32, 256], strides = [1, 1]} : vector<512x256xf32> to vector<32x256xf32>
    %slice3A_197 = vector.extract_strided_slice %dot_general3A_123 {offsets = [256, 0], sizes = [32, 256], strides = [1, 1]} : vector<512x256xf32> to vector<32x256xf32>
    %add3A_198 = vector.broadcast %slice3A_195 : vector<1x256xf32> to vector<32x256xf32>
    %add3A_199 = arith.addf %add3A_198, %slice3A_197 : vector<32x256xf32>
    %mul3A_200 = arith.mulf %slice3A_196, %add3A_199 : vector<32x256xf32>
    %swap3A_201 = arith.constant 256 : index
    %swap3A_202 = arith.constant 0 : index
    %swap3A_203 = vector.load %arg19[%swap3A_201, %swap3A_202] : memref<2048x256xf32, #tpu.memory_space<vmem>>, vector<32x256xf32>
    tpu.vector_store %arg19[%swap3A_201, %swap3A_202], %mul3A_200 {strides = array<i32>} : memref<2048x256xf32, #tpu.memory_space<vmem>>, vector<32x256xf32>,
    %slice3A_204 = vector.extract_strided_slice %mul3A_200 {offsets = [31, 0], sizes = [1, 256], strides = [1, 1]} : vector<32x256xf32> to vector<1x256xf32>
    %slice3A_205 = vector.extract_strided_slice %exp3A_113 {offsets = [288, 0], sizes = [32, 256], strides = [1, 1]} : vector<512x256xf32> to vector<32x256xf32>
    %slice3A_206 = vector.extract_strided_slice %dot_general3A_123 {offsets = [288, 0], sizes = [32, 256], strides = [1, 1]} : vector<512x256xf32> to vector<32x256xf32>
    %add3A_207 = vector.broadcast %slice3A_204 : vector<1x256xf32> to vector<32x256xf32>
    %add3A_208 = arith.addf %add3A_207, %slice3A_206 : vector<32x256xf32>
    %mul3A_209 = arith.mulf %slice3A_205, %add3A_208 : vector<32x256xf32>
    %swap3A_210 = arith.constant 288 : index
    %swap3A_211 = arith.constant 0 : index
    %swap3A_212 = vector.load %arg19[%swap3A_210, %swap3A_211] : memref<2048x256xf32, #tpu.memory_space<vmem>>, vector<32x256xf32>
    tpu.vector_store %arg19[%swap3A_210, %swap3A_211], %mul3A_209 {strides = array<i32>} : memref<2048x256xf32, #tpu.memory_space<vmem>>, vector<32x256xf32>,
    %slice3A_213 = vector.extract_strided_slice %mul3A_209 {offsets = [31, 0], sizes = [1, 256], strides = [1, 1]} : vector<32x256xf32> to vector<1x256xf32>
    %slice3A_214 = vector.extract_strided_slice %exp3A_113 {offsets = [320, 0], sizes = [32, 256], strides = [1, 1]} : vector<512x256xf32> to vector<32x256xf32>
    %slice3A_215 = vector.extract_strided_slice %dot_general3A_123 {offsets = [320, 0], sizes = [32, 256], strides = [1, 1]} : vector<512x256xf32> to vector<32x256xf32>
    %add3A_216 = vector.broadcast %slice3A_213 : vector<1x256xf32> to vector<32x256xf32>
    %add3A_217 = arith.addf %add3A_216, %slice3A_215 : vector<32x256xf32>
    %mul3A_218 = arith.mulf %slice3A_214, %add3A_217 : vector<32x256xf32>
    %swap3A_219 = arith.constant 320 : index
    %swap3A_220 = arith.constant 0 : index
    %swap3A_221 = vector.load %arg19[%swap3A_219, %swap3A_220] : memref<2048x256xf32, #tpu.memory_space<vmem>>, vector<32x256xf32>
    tpu.vector_store %arg19[%swap3A_219, %swap3A_220], %mul3A_218 {strides = array<i32>} : memref<2048x256xf32, #tpu.memory_space<vmem>>, vector<32x256xf32>,
    %slice3A_222 = vector.extract_strided_slice %mul3A_218 {offsets = [31, 0], sizes = [1, 256], strides = [1, 1]} : vector<32x256xf32> to vector<1x256xf32>
    %slice3A_223 = vector.extract_strided_slice %exp3A_113 {offsets = [352, 0], sizes = [32, 256], strides = [1, 1]} : vector<512x256xf32> to vector<32x256xf32>
    %slice3A_224 = vector.extract_strided_slice %dot_general3A_123 {offsets = [352, 0], sizes = [32, 256], strides = [1, 1]} : vector<512x256xf32> to vector<32x256xf32>
    %add3A_225 = vector.broadcast %slice3A_222 : vector<1x256xf32> to vector<32x256xf32>
    %add3A_226 = arith.addf %add3A_225, %slice3A_224 : vector<32x256xf32>
    %mul3A_227 = arith.mulf %slice3A_223, %add3A_226 : vector<32x256xf32>
    %swap3A_228 = arith.constant 352 : index
    %swap3A_229 = arith.constant 0 : index
    %swap3A_230 = vector.load %arg19[%swap3A_228, %swap3A_229] : memref<2048x256xf32, #tpu.memory_space<vmem>>, vector<32x256xf32>
    tpu.vector_store %arg19[%swap3A_228, %swap3A_229], %mul3A_227 {strides = array<i32>} : memref<2048x256xf32, #tpu.memory_space<vmem>>, vector<32x256xf32>,
    %slice3A_231 = vector.extract_strided_slice %mul3A_227 {offsets = [31, 0], sizes = [1, 256], strides = [1, 1]} : vector<32x256xf32> to vector<1x256xf32>
    %slice3A_232 = vector.extract_strided_slice %exp3A_113 {offsets = [384, 0], sizes = [32, 256], strides = [1, 1]} : vector<512x256xf32> to vector<32x256xf32>
    %slice3A_233 = vector.extract_strided_slice %dot_general3A_123 {offsets = [384, 0], sizes = [32, 256], strides = [1, 1]} : vector<512x256xf32> to vector<32x256xf32>
    %add3A_234 = vector.broadcast %slice3A_231 : vector<1x256xf32> to vector<32x256xf32>
    %add3A_235 = arith.addf %add3A_234, %slice3A_233 : vector<32x256xf32>
    %mul3A_236 = arith.mulf %slice3A_232, %add3A_235 : vector<32x256xf32>
    %swap3A_237 = arith.constant 384 : index
    %swap3A_238 = arith.constant 0 : index
    %swap3A_239 = vector.load %arg19[%swap3A_237, %swap3A_238] : memref<2048x256xf32, #tpu.memory_space<vmem>>, vector<32x256xf32>
    tpu.vector_store %arg19[%swap3A_237, %swap3A_238], %mul3A_236 {strides = array<i32>} : memref<2048x256xf32, #tpu.memory_space<vmem>>, vector<32x256xf32>,
    %slice3A_240 = vector.extract_strided_slice %mul3A_236 {offsets = [31, 0], sizes = [1, 256], strides = [1, 1]} : vector<32x256xf32> to vector<1x256xf32>
    %slice3A_241 = vector.extract_strided_slice %exp3A_113 {offsets = [416, 0], sizes = [32, 256], strides = [1, 1]} : vector<512x256xf32> to vector<32x256xf32>
    %slice3A_242 = vector.extract_strided_slice %dot_general3A_123 {offsets = [416, 0], sizes = [32, 256], strides = [1, 1]} : vector<512x256xf32> to vector<32x256xf32>
    %add3A_243 = vector.broadcast %slice3A_240 : vector<1x256xf32> to vector<32x256xf32>
    %add3A_244 = arith.addf %add3A_243, %slice3A_242 : vector<32x256xf32>
    %mul3A_245 = arith.mulf %slice3A_241, %add3A_244 : vector<32x256xf32>
    %swap3A_246 = arith.constant 416 : index
    %swap3A_247 = arith.constant 0 : index
    %swap3A_248 = vector.load %arg19[%swap3A_246, %swap3A_247] : memref<2048x256xf32, #tpu.memory_space<vmem>>, vector<32x256xf32>
    tpu.vector_store %arg19[%swap3A_246, %swap3A_247], %mul3A_245 {strides = array<i32>} : memref<2048x256xf32, #tpu.memory_space<vmem>>, vector<32x256xf32>,
    %slice3A_249 = vector.extract_strided_slice %mul3A_245 {offsets = [31, 0], sizes = [1, 256], strides = [1, 1]} : vector<32x256xf32> to vector<1x256xf32>
    %slice3A_250 = vector.extract_strided_slice %exp3A_113 {offsets = [448, 0], sizes = [32, 256], strides = [1, 1]} : vector<512x256xf32> to vector<32x256xf32>
    %slice3A_251 = vector.extract_strided_slice %dot_general3A_123 {offsets = [448, 0], sizes = [32, 256], strides = [1, 1]} : vector<512x256xf32> to vector<32x256xf32>
    %add3A_252 = vector.broadcast %slice3A_249 : vector<1x256xf32> to vector<32x256xf32>
    %add3A_253 = arith.addf %add3A_252, %slice3A_251 : vector<32x256xf32>
    %mul3A_254 = arith.mulf %slice3A_250, %add3A_253 : vector<32x256xf32>
    %swap3A_255 = arith.constant 448 : index
    %swap3A_256 = arith.constant 0 : index
    %swap3A_257 = vector.load %arg19[%swap3A_255, %swap3A_256] : memref<2048x256xf32, #tpu.memory_space<vmem>>, vector<32x256xf32>
    tpu.vector_store %arg19[%swap3A_255, %swap3A_256], %mul3A_254 {strides = array<i32>} : memref<2048x256xf32, #tpu.memory_space<vmem>>, vector<32x256xf32>,
    %slice3A_258 = vector.extract_strided_slice %mul3A_254 {offsets = [31, 0], sizes = [1, 256], strides = [1, 1]} : vector<32x256xf32> to vector<1x256xf32>
    %slice3A_259 = vector.extract_strided_slice %exp3A_113 {offsets = [480, 0], sizes = [32, 256], strides = [1, 1]} : vector<512x256xf32> to vector<32x256xf32>
    %slice3A_260 = vector.extract_strided_slice %dot_general3A_123 {offsets = [480, 0], sizes = [32, 256], strides = [1, 1]} : vector<512x256xf32> to vector<32x256xf32>
    %add3A_261 = vector.broadcast %slice3A_258 : vector<1x256xf32> to vector<32x256xf32>
    %add3A_262 = arith.addf %add3A_261, %slice3A_260 : vector<32x256xf32>
    %mul3A_263 = arith.mulf %slice3A_259, %add3A_262 : vector<32x256xf32>
    %swap3A_264 = arith.constant 480 : index
    %swap3A_265 = arith.constant 0 : index
    %swap3A_266 = vector.load %arg19[%swap3A_264, %swap3A_265] : memref<2048x256xf32, #tpu.memory_space<vmem>>, vector<32x256xf32>
    tpu.vector_store %arg19[%swap3A_264, %swap3A_265], %mul3A_263 {strides = array<i32>} : memref<2048x256xf32, #tpu.memory_space<vmem>>, vector<32x256xf32>,
    %slice3A_267 = vector.extract_strided_slice %log3A {offsets = [512, 0], sizes = [512, 256], strides = [1, 1]} : vector<2048x256xf32> to vector<512x256xf32>
    %dot_general3A_268 = arith.constant dense<0.000000e+00> : vector<512x256xf32>
    %dot_general3A_269 = tpu.matmul %convert_element_type3A_110, %slice3A_267, %dot_general3A_268 {dimension_numbers = #tpu.dot_dimension_numbers<[1], [0], [0], [1], [0, 0, 1, 1], [], []>, transpose_lhs_hint = false} : vector<512x512xf32>, vector<512x256xf32>, vector<512x256xf32> -> vector<512x256xf32>
    %exp3A_270 = math.exp %dot_general3A_269 : vector<512x256xf32>
    %max3A_271 = arith.constant 9.99999993E-9 : f32
    %max3A_272 = vector.broadcast %max3A_271 : f32 to vector<512x256xf32>
    %max3A_273 = arith.maximumf %exp3A_270, %max3A_272 : vector<512x256xf32>
    %div3A_274 = arith.constant 1.000000e+00 : f32
    %div3A_275 = vector.broadcast %div3A_274 : f32 to vector<512x256xf32>
    %div3A_276 = arith.divf %div3A_275, %max3A_273 : vector<512x256xf32>
    %slice3A_277 = vector.extract_strided_slice %mul3A {offsets = [512, 0], sizes = [512, 256], strides = [1, 1]} : vector<2048x256xf32> to vector<512x256xf32>
    %mul3A_278 = arith.mulf %slice3A_277, %div3A_276 : vector<512x256xf32>
    %dot_general3A_279 = arith.constant dense<0.000000e+00> : vector<512x256xf32>
    %dot_general3A_280 = tpu.matmul %convert_element_type3A_110, %mul3A_278, %dot_general3A_279 {dimension_numbers = #tpu.dot_dimension_numbers<[1], [0], [0], [1], [0, 0, 1, 1], [], []>, transpose_lhs_hint = false} : vector<512x512xf32>, vector<512x256xf32>, vector<512x256xf32> -> vector<512x256xf32>
    %broadcast_in_dim3A_281 = arith.constant 0.000000e+00 : f32
    %broadcast_in_dim3A_282 = vector.broadcast %broadcast_in_dim3A_281 : f32 to vector<1x256xf32>
    %slice3A_283 = vector.extract_strided_slice %exp3A_270 {offsets = [0, 0], sizes = [32, 256], strides = [1, 1]} : vector<512x256xf32> to vector<32x256xf32>
    %slice3A_284 = vector.extract_strided_slice %dot_general3A_280 {offsets = [0, 0], sizes = [32, 256], strides = [1, 1]} : vector<512x256xf32> to vector<32x256xf32>
    %add3A_285 = vector.broadcast %broadcast_in_dim3A_282 : vector<1x256xf32> to vector<32x256xf32>
    %add3A_286 = arith.addf %add3A_285, %slice3A_284 : vector<32x256xf32>
    %mul3A_287 = arith.mulf %slice3A_283, %add3A_286 : vector<32x256xf32>
    %swap3A_288 = arith.constant 512 : index
    %swap3A_289 = arith.constant 0 : index
    %swap3A_290 = vector.load %arg19[%swap3A_288, %swap3A_289] : memref<2048x256xf32, #tpu.memory_space<vmem>>, vector<32x256xf32>
    tpu.vector_store %arg19[%swap3A_288, %swap3A_289], %mul3A_287 {strides = array<i32>} : memref<2048x256xf32, #tpu.memory_space<vmem>>, vector<32x256xf32>,
    %slice3A_291 = vector.extract_strided_slice %mul3A_287 {offsets = [31, 0], sizes = [1, 256], strides = [1, 1]} : vector<32x256xf32> to vector<1x256xf32>
    %slice3A_292 = vector.extract_strided_slice %exp3A_270 {offsets = [32, 0], sizes = [32, 256], strides = [1, 1]} : vector<512x256xf32> to vector<32x256xf32>
    %slice3A_293 = vector.extract_strided_slice %dot_general3A_280 {offsets = [32, 0], sizes = [32, 256], strides = [1, 1]} : vector<512x256xf32> to vector<32x256xf32>
    %add3A_294 = vector.broadcast %slice3A_291 : vector<1x256xf32> to vector<32x256xf32>
    %add3A_295 = arith.addf %add3A_294, %slice3A_293 : vector<32x256xf32>
    %mul3A_296 = arith.mulf %slice3A_292, %add3A_295 : vector<32x256xf32>
    %swap3A_297 = arith.constant 544 : index
    %swap3A_298 = arith.constant 0 : index
    %swap3A_299 = vector.load %arg19[%swap3A_297, %swap3A_298] : memref<2048x256xf32, #tpu.memory_space<vmem>>, vector<32x256xf32>
    tpu.vector_store %arg19[%swap3A_297, %swap3A_298], %mul3A_296 {strides = array<i32>} : memref<2048x256xf32, #tpu.memory_space<vmem>>, vector<32x256xf32>,
    %slice3A_300 = vector.extract_strided_slice %mul3A_296 {offsets = [31, 0], sizes = [1, 256], strides = [1, 1]} : vector<32x256xf32> to vector<1x256xf32>
    %slice3A_301 = vector.extract_strided_slice %exp3A_270 {offsets = [64, 0], sizes = [32, 256], strides = [1, 1]} : vector<512x256xf32> to vector<32x256xf32>
    %slice3A_302 = vector.extract_strided_slice %dot_general3A_280 {offsets = [64, 0], sizes = [32, 256], strides = [1, 1]} : vector<512x256xf32> to vector<32x256xf32>
    %add3A_303 = vector.broadcast %slice3A_300 : vector<1x256xf32> to vector<32x256xf32>
    %add3A_304 = arith.addf %add3A_303, %slice3A_302 : vector<32x256xf32>
    %mul3A_305 = arith.mulf %slice3A_301, %add3A_304 : vector<32x256xf32>
    %swap3A_306 = arith.constant 576 : index
    %swap3A_307 = arith.constant 0 : index
    %swap3A_308 = vector.load %arg19[%swap3A_306, %swap3A_307] : memref<2048x256xf32, #tpu.memory_space<vmem>>, vector<32x256xf32>
    tpu.vector_store %arg19[%swap3A_306, %swap3A_307], %mul3A_305 {strides = array<i32>} : memref<2048x256xf32, #tpu.memory_space<vmem>>, vector<32x256xf32>,
    %slice3A_309 = vector.extract_strided_slice %mul3A_305 {offsets = [31, 0], sizes = [1, 256], strides = [1, 1]} : vector<32x256xf32> to vector<1x256xf32>
    %slice3A_310 = vector.extract_strided_slice %exp3A_270 {offsets = [96, 0], sizes = [32, 256], strides = [1, 1]} : vector<512x256xf32> to vector<32x256xf32>
    %slice3A_311 = vector.extract_strided_slice %dot_general3A_280 {offsets = [96, 0], sizes = [32, 256], strides = [1, 1]} : vector<512x256xf32> to vector<32x256xf32>
    %add3A_312 = vector.broadcast %slice3A_309 : vector<1x256xf32> to vector<32x256xf32>
    %add3A_313 = arith.addf %add3A_312, %slice3A_311 : vector<32x256xf32>
    %mul3A_314 = arith.mulf %slice3A_310, %add3A_313 : vector<32x256xf32>
    %swap3A_315 = arith.constant 608 : index
    %swap3A_316 = arith.constant 0 : index
    %swap3A_317 = vector.load %arg19[%swap3A_315, %swap3A_316] : memref<2048x256xf32, #tpu.memory_space<vmem>>, vector<32x256xf32>
    tpu.vector_store %arg19[%swap3A_315, %swap3A_316], %mul3A_314 {strides = array<i32>} : memref<2048x256xf32, #tpu.memory_space<vmem>>, vector<32x256xf32>,
    %slice3A_318 = vector.extract_strided_slice %mul3A_314 {offsets = [31, 0], sizes = [1, 256], strides = [1, 1]} : vector<32x256xf32> to vector<1x256xf32>
    %slice3A_319 = vector.extract_strided_slice %exp3A_270 {offsets = [128, 0], sizes = [32, 256], strides = [1, 1]} : vector<512x256xf32> to vector<32x256xf32>
    %slice3A_320 = vector.extract_strided_slice %dot_general3A_280 {offsets = [128, 0], sizes = [32, 256], strides = [1, 1]} : vector<512x256xf32> to vector<32x256xf32>
    %add3A_321 = vector.broadcast %slice3A_318 : vector<1x256xf32> to vector<32x256xf32>
    %add3A_322 = arith.addf %add3A_321, %slice3A_320 : vector<32x256xf32>
    %mul3A_323 = arith.mulf %slice3A_319, %add3A_322 : vector<32x256xf32>
    %swap3A_324 = arith.constant 640 : index
    %swap3A_325 = arith.constant 0 : index
    %swap3A_326 = vector.load %arg19[%swap3A_324, %swap3A_325] : memref<2048x256xf32, #tpu.memory_space<vmem>>, vector<32x256xf32>
    tpu.vector_store %arg19[%swap3A_324, %swap3A_325], %mul3A_323 {strides = array<i32>} : memref<2048x256xf32, #tpu.memory_space<vmem>>, vector<32x256xf32>,
    %slice3A_327 = vector.extract_strided_slice %mul3A_323 {offsets = [31, 0], sizes = [1, 256], strides = [1, 1]} : vector<32x256xf32> to vector<1x256xf32>
    %slice3A_328 = vector.extract_strided_slice %exp3A_270 {offsets = [160, 0], sizes = [32, 256], strides = [1, 1]} : vector<512x256xf32> to vector<32x256xf32>
    %slice3A_329 = vector.extract_strided_slice %dot_general3A_280 {offsets = [160, 0], sizes = [32, 256], strides = [1, 1]} : vector<512x256xf32> to vector<32x256xf32>
    %add3A_330 = vector.broadcast %slice3A_327 : vector<1x256xf32> to vector<32x256xf32>
    %add3A_331 = arith.addf %add3A_330, %slice3A_329 : vector<32x256xf32>
    %mul3A_332 = arith.mulf %slice3A_328, %add3A_331 : vector<32x256xf32>
    %swap3A_333 = arith.constant 672 : index
    %swap3A_334 = arith.constant 0 : index
    %swap3A_335 = vector.load %arg19[%swap3A_333, %swap3A_334] : memref<2048x256xf32, #tpu.memory_space<vmem>>, vector<32x256xf32>
    tpu.vector_store %arg19[%swap3A_333, %swap3A_334], %mul3A_332 {strides = array<i32>} : memref<2048x256xf32, #tpu.memory_space<vmem>>, vector<32x256xf32>,
    %slice3A_336 = vector.extract_strided_slice %mul3A_332 {offsets = [31, 0], sizes = [1, 256], strides = [1, 1]} : vector<32x256xf32> to vector<1x256xf32>
    %slice3A_337 = vector.extract_strided_slice %exp3A_270 {offsets = [192, 0], sizes = [32, 256], strides = [1, 1]} : vector<512x256xf32> to vector<32x256xf32>
    %slice3A_338 = vector.extract_strided_slice %dot_general3A_280 {offsets = [192, 0], sizes = [32, 256], strides = [1, 1]} : vector<512x256xf32> to vector<32x256xf32>
    %add3A_339 = vector.broadcast %slice3A_336 : vector<1x256xf32> to vector<32x256xf32>
    %add3A_340 = arith.addf %add3A_339, %slice3A_338 : vector<32x256xf32>
    %mul3A_341 = arith.mulf %slice3A_337, %add3A_340 : vector<32x256xf32>
    %swap3A_342 = arith.constant 704 : index
    %swap3A_343 = arith.constant 0 : index
    %swap3A_344 = vector.load %arg19[%swap3A_342, %swap3A_343] : memref<2048x256xf32, #tpu.memory_space<vmem>>, vector<32x256xf32>
    tpu.vector_store %arg19[%swap3A_342, %swap3A_343], %mul3A_341 {strides = array<i32>} : memref<2048x256xf32, #tpu.memory_space<vmem>>, vector<32x256xf32>,
    %slice3A_345 = vector.extract_strided_slice %mul3A_341 {offsets = [31, 0], sizes = [1, 256], strides = [1, 1]} : vector<32x256xf32> to vector<1x256xf32>
    %slice3A_346 = vector.extract_strided_slice %exp3A_270 {offsets = [224, 0], sizes = [32, 256], strides = [1, 1]} : vector<512x256xf32> to vector<32x256xf32>
    %slice3A_347 = vector.extract_strided_slice %dot_general3A_280 {offsets = [224, 0], sizes = [32, 256], strides = [1, 1]} : vector<512x256xf32> to vector<32x256xf32>
    %add3A_348 = vector.broadcast %slice3A_345 : vector<1x256xf32> to vector<32x256xf32>
    %add3A_349 = arith.addf %add3A_348, %slice3A_347 : vector<32x256xf32>
    %mul3A_350 = arith.mulf %slice3A_346, %add3A_349 : vector<32x256xf32>
    %swap3A_351 = arith.constant 736 : index
    %swap3A_352 = arith.constant 0 : index
    %swap3A_353 = vector.load %arg19[%swap3A_351, %swap3A_352] : memref<2048x256xf32, #tpu.memory_space<vmem>>, vector<32x256xf32>
    tpu.vector_store %arg19[%swap3A_351, %swap3A_352], %mul3A_350 {strides = array<i32>} : memref<2048x256xf32, #tpu.memory_space<vmem>>, vector<32x256xf32>,
    %slice3A_354 = vector.extract_strided_slice %mul3A_350 {offsets = [31, 0], sizes = [1, 256], strides = [1, 1]} : vector<32x256xf32> to vector<1x256xf32>
    %slice3A_355 = vector.extract_strided_slice %exp3A_270 {offsets = [256, 0], sizes = [32, 256], strides = [1, 1]} : vector<512x256xf32> to vector<32x256xf32>
    %slice3A_356 = vector.extract_strided_slice %dot_general3A_280 {offsets = [256, 0], sizes = [32, 256], strides = [1, 1]} : vector<512x256xf32> to vector<32x256xf32>
    %add3A_357 = vector.broadcast %slice3A_354 : vector<1x256xf32> to vector<32x256xf32>
    %add3A_358 = arith.addf %add3A_357, %slice3A_356 : vector<32x256xf32>
    %mul3A_359 = arith.mulf %slice3A_355, %add3A_358 : vector<32x256xf32>
    %swap3A_360 = arith.constant 768 : index
    %swap3A_361 = arith.constant 0 : index
    %swap3A_362 = vector.load %arg19[%swap3A_360, %swap3A_361] : memref<2048x256xf32, #tpu.memory_space<vmem>>, vector<32x256xf32>
    tpu.vector_store %arg19[%swap3A_360, %swap3A_361], %mul3A_359 {strides = array<i32>} : memref<2048x256xf32, #tpu.memory_space<vmem>>, vector<32x256xf32>,
    %slice3A_363 = vector.extract_strided_slice %mul3A_359 {offsets = [31, 0], sizes = [1, 256], strides = [1, 1]} : vector<32x256xf32> to vector<1x256xf32>
    %slice3A_364 = vector.extract_strided_slice %exp3A_270 {offsets = [288, 0], sizes = [32, 256], strides = [1, 1]} : vector<512x256xf32> to vector<32x256xf32>
    %slice3A_365 = vector.extract_strided_slice %dot_general3A_280 {offsets = [288, 0], sizes = [32, 256], strides = [1, 1]} : vector<512x256xf32> to vector<32x256xf32>
    %add3A_366 = vector.broadcast %slice3A_363 : vector<1x256xf32> to vector<32x256xf32>
    %add3A_367 = arith.addf %add3A_366, %slice3A_365 : vector<32x256xf32>
    %mul3A_368 = arith.mulf %slice3A_364, %add3A_367 : vector<32x256xf32>
    %swap3A_369 = arith.constant 800 : index
    %swap3A_370 = arith.constant 0 : index
    %swap3A_371 = vector.load %arg19[%swap3A_369, %swap3A_370] : memref<2048x256xf32, #tpu.memory_space<vmem>>, vector<32x256xf32>
    tpu.vector_store %arg19[%swap3A_369, %swap3A_370], %mul3A_368 {strides = array<i32>} : memref<2048x256xf32, #tpu.memory_space<vmem>>, vector<32x256xf32>,
    %slice3A_372 = vector.extract_strided_slice %mul3A_368 {offsets = [31, 0], sizes = [1, 256], strides = [1, 1]} : vector<32x256xf32> to vector<1x256xf32>
    %slice3A_373 = vector.extract_strided_slice %exp3A_270 {offsets = [320, 0], sizes = [32, 256], strides = [1, 1]} : vector<512x256xf32> to vector<32x256xf32>
    %slice3A_374 = vector.extract_strided_slice %dot_general3A_280 {offsets = [320, 0], sizes = [32, 256], strides = [1, 1]} : vector<512x256xf32> to vector<32x256xf32>
    %add3A_375 = vector.broadcast %slice3A_372 : vector<1x256xf32> to vector<32x256xf32>
    %add3A_376 = arith.addf %add3A_375, %slice3A_374 : vector<32x256xf32>
    %mul3A_377 = arith.mulf %slice3A_373, %add3A_376 : vector<32x256xf32>
    %swap3A_378 = arith.constant 832 : index
    %swap3A_379 = arith.constant 0 : index
    %swap3A_380 = vector.load %arg19[%swap3A_378, %swap3A_379] : memref<2048x256xf32, #tpu.memory_space<vmem>>, vector<32x256xf32>
    tpu.vector_store %arg19[%swap3A_378, %swap3A_379], %mul3A_377 {strides = array<i32>} : memref<2048x256xf32, #tpu.memory_space<vmem>>, vector<32x256xf32>,
    %slice3A_381 = vector.extract_strided_slice %mul3A_377 {offsets = [31, 0], sizes = [1, 256], strides = [1, 1]} : vector<32x256xf32> to vector<1x256xf32>
    %slice3A_382 = vector.extract_strided_slice %exp3A_270 {offsets = [352, 0], sizes = [32, 256], strides = [1, 1]} : vector<512x256xf32> to vector<32x256xf32>
    %slice3A_383 = vector.extract_strided_slice %dot_general3A_280 {offsets = [352, 0], sizes = [32, 256], strides = [1, 1]} : vector<512x256xf32> to vector<32x256xf32>
    %add3A_384 = vector.broadcast %slice3A_381 : vector<1x256xf32> to vector<32x256xf32>
    %add3A_385 = arith.addf %add3A_384, %slice3A_383 : vector<32x256xf32>
    %mul3A_386 = arith.mulf %slice3A_382, %add3A_385 : vector<32x256xf32>
    %swap3A_387 = arith.constant 864 : index
    %swap3A_388 = arith.constant 0 : index
    %swap3A_389 = vector.load %arg19[%swap3A_387, %swap3A_388] : memref<2048x256xf32, #tpu.memory_space<vmem>>, vector<32x256xf32>
    tpu.vector_store %arg19[%swap3A_387, %swap3A_388], %mul3A_386 {strides = array<i32>} : memref<2048x256xf32, #tpu.memory_space<vmem>>, vector<32x256xf32>,
    %slice3A_390 = vector.extract_strided_slice %mul3A_386 {offsets = [31, 0], sizes = [1, 256], strides = [1, 1]} : vector<32x256xf32> to vector<1x256xf32>
    %slice3A_391 = vector.extract_strided_slice %exp3A_270 {offsets = [384, 0], sizes = [32, 256], strides = [1, 1]} : vector<512x256xf32> to vector<32x256xf32>
    %slice3A_392 = vector.extract_strided_slice %dot_general3A_280 {offsets = [384, 0], sizes = [32, 256], strides = [1, 1]} : vector<512x256xf32> to vector<32x256xf32>
    %add3A_393 = vector.broadcast %slice3A_390 : vector<1x256xf32> to vector<32x256xf32>
    %add3A_394 = arith.addf %add3A_393, %slice3A_392 : vector<32x256xf32>
    %mul3A_395 = arith.mulf %slice3A_391, %add3A_394 : vector<32x256xf32>
    %swap3A_396 = arith.constant 896 : index
    %swap3A_397 = arith.constant 0 : index
    %swap3A_398 = vector.load %arg19[%swap3A_396, %swap3A_397] : memref<2048x256xf32, #tpu.memory_space<vmem>>, vector<32x256xf32>
    tpu.vector_store %arg19[%swap3A_396, %swap3A_397], %mul3A_395 {strides = array<i32>} : memref<2048x256xf32, #tpu.memory_space<vmem>>, vector<32x256xf32>,
    %slice3A_399 = vector.extract_strided_slice %mul3A_395 {offsets = [31, 0], sizes = [1, 256], strides = [1, 1]} : vector<32x256xf32> to vector<1x256xf32>
    %slice3A_400 = vector.extract_strided_slice %exp3A_270 {offsets = [416, 0], sizes = [32, 256], strides = [1, 1]} : vector<512x256xf32> to vector<32x256xf32>
    %slice3A_401 = vector.extract_strided_slice %dot_general3A_280 {offsets = [416, 0], sizes = [32, 256], strides = [1, 1]} : vector<512x256xf32> to vector<32x256xf32>
    %add3A_402 = vector.broadcast %slice3A_399 : vector<1x256xf32> to vector<32x256xf32>
    %add3A_403 = arith.addf %add3A_402, %slice3A_401 : vector<32x256xf32>
    %mul3A_404 = arith.mulf %slice3A_400, %add3A_403 : vector<32x256xf32>
    %swap3A_405 = arith.constant 928 : index
    %swap3A_406 = arith.constant 0 : index
    %swap3A_407 = vector.load %arg19[%swap3A_405, %swap3A_406] : memref<2048x256xf32, #tpu.memory_space<vmem>>, vector<32x256xf32>
    tpu.vector_store %arg19[%swap3A_405, %swap3A_406], %mul3A_404 {strides = array<i32>} : memref<2048x256xf32, #tpu.memory_space<vmem>>, vector<32x256xf32>,
    %slice3A_408 = vector.extract_strided_slice %mul3A_404 {offsets = [31, 0], sizes = [1, 256], strides = [1, 1]} : vector<32x256xf32> to vector<1x256xf32>
    %slice3A_409 = vector.extract_strided_slice %exp3A_270 {offsets = [448, 0], sizes = [32, 256], strides = [1, 1]} : vector<512x256xf32> to vector<32x256xf32>
    %slice3A_410 = vector.extract_strided_slice %dot_general3A_280 {offsets = [448, 0], sizes = [32, 256], strides = [1, 1]} : vector<512x256xf32> to vector<32x256xf32>
    %add3A_411 = vector.broadcast %slice3A_408 : vector<1x256xf32> to vector<32x256xf32>
    %add3A_412 = arith.addf %add3A_411, %slice3A_410 : vector<32x256xf32>
    %mul3A_413 = arith.mulf %slice3A_409, %add3A_412 : vector<32x256xf32>
    %swap3A_414 = arith.constant 960 : index
    %swap3A_415 = arith.constant 0 : index
    %swap3A_416 = vector.load %arg19[%swap3A_414, %swap3A_415] : memref<2048x256xf32, #tpu.memory_space<vmem>>, vector<32x256xf32>
    tpu.vector_store %arg19[%swap3A_414, %swap3A_415], %mul3A_413 {strides = array<i32>} : memref<2048x256xf32, #tpu.memory_space<vmem>>, vector<32x256xf32>,
    %slice3A_417 = vector.extract_strided_slice %mul3A_413 {offsets = [31, 0], sizes = [1, 256], strides = [1, 1]} : vector<32x256xf32> to vector<1x256xf32>
    %slice3A_418 = vector.extract_strided_slice %exp3A_270 {offsets = [480, 0], sizes = [32, 256], strides = [1, 1]} : vector<512x256xf32> to vector<32x256xf32>
    %slice3A_419 = vector.extract_strided_slice %dot_general3A_280 {offsets = [480, 0], sizes = [32, 256], strides = [1, 1]} : vector<512x256xf32> to vector<32x256xf32>
    %add3A_420 = vector.broadcast %slice3A_417 : vector<1x256xf32> to vector<32x256xf32>
    %add3A_421 = arith.addf %add3A_420, %slice3A_419 : vector<32x256xf32>
    %mul3A_422 = arith.mulf %slice3A_418, %add3A_421 : vector<32x256xf32>
    %swap3A_423 = arith.constant 992 : index
    %swap3A_424 = arith.constant 0 : index
    %swap3A_425 = vector.load %arg19[%swap3A_423, %swap3A_424] : memref<2048x256xf32, #tpu.memory_space<vmem>>, vector<32x256xf32>
    tpu.vector_store %arg19[%swap3A_423, %swap3A_424], %mul3A_422 {strides = array<i32>} : memref<2048x256xf32, #tpu.memory_space<vmem>>, vector<32x256xf32>,
    %slice3A_426 = vector.extract_strided_slice %log3A {offsets = [1024, 0], sizes = [512, 256], strides = [1, 1]} : vector<2048x256xf32> to vector<512x256xf32>
    %dot_general3A_427 = arith.constant dense<0.000000e+00> : vector<512x256xf32>
    %dot_general3A_428 = tpu.matmul %convert_element_type3A_110, %slice3A_426, %dot_general3A_427 {dimension_numbers = #tpu.dot_dimension_numbers<[1], [0], [0], [1], [0, 0, 1, 1], [], []>, transpose_lhs_hint = false} : vector<512x512xf32>, vector<512x256xf32>, vector<512x256xf32> -> vector<512x256xf32>
    %exp3A_429 = math.exp %dot_general3A_428 : vector<512x256xf32>
    %max3A_430 = arith.constant 9.99999993E-9 : f32
    %max3A_431 = vector.broadcast %max3A_430 : f32 to vector<512x256xf32>
    %max3A_432 = arith.maximumf %exp3A_429, %max3A_431 : vector<512x256xf32>
    %div3A_433 = arith.constant 1.000000e+00 : f32
    %div3A_434 = vector.broadcast %div3A_433 : f32 to vector<512x256xf32>
    %div3A_435 = arith.divf %div3A_434, %max3A_432 : vector<512x256xf32>
    %slice3A_436 = vector.extract_strided_slice %mul3A {offsets = [1024, 0], sizes = [512, 256], strides = [1, 1]} : vector<2048x256xf32> to vector<512x256xf32>
    %mul3A_437 = arith.mulf %slice3A_436, %div3A_435 : vector<512x256xf32>
    %dot_general3A_438 = arith.constant dense<0.000000e+00> : vector<512x256xf32>
    %dot_general3A_439 = tpu.matmul %convert_element_type3A_110, %mul3A_437, %dot_general3A_438 {dimension_numbers = #tpu.dot_dimension_numbers<[1], [0], [0], [1], [0, 0, 1, 1], [], []>, transpose_lhs_hint = false} : vector<512x512xf32>, vector<512x256xf32>, vector<512x256xf32> -> vector<512x256xf32>
    %broadcast_in_dim3A_440 = arith.constant 0.000000e+00 : f32
    %broadcast_in_dim3A_441 = vector.broadcast %broadcast_in_dim3A_440 : f32 to vector<1x256xf32>
    %slice3A_442 = vector.extract_strided_slice %exp3A_429 {offsets = [0, 0], sizes = [32, 256], strides = [1, 1]} : vector<512x256xf32> to vector<32x256xf32>
    %slice3A_443 = vector.extract_strided_slice %dot_general3A_439 {offsets = [0, 0], sizes = [32, 256], strides = [1, 1]} : vector<512x256xf32> to vector<32x256xf32>
    %add3A_444 = vector.broadcast %broadcast_in_dim3A_441 : vector<1x256xf32> to vector<32x256xf32>
    %add3A_445 = arith.addf %add3A_444, %slice3A_443 : vector<32x256xf32>
    %mul3A_446 = arith.mulf %slice3A_442, %add3A_445 : vector<32x256xf32>
    %swap3A_447 = arith.constant 1024 : index
    %swap3A_448 = arith.constant 0 : index
    %swap3A_449 = vector.load %arg19[%swap3A_447, %swap3A_448] : memref<2048x256xf32, #tpu.memory_space<vmem>>, vector<32x256xf32>
    tpu.vector_store %arg19[%swap3A_447, %swap3A_448], %mul3A_446 {strides = array<i32>} : memref<2048x256xf32, #tpu.memory_space<vmem>>, vector<32x256xf32>,
    %slice3A_450 = vector.extract_strided_slice %mul3A_446 {offsets = [31, 0], sizes = [1, 256], strides = [1, 1]} : vector<32x256xf32> to vector<1x256xf32>
    %slice3A_451 = vector.extract_strided_slice %exp3A_429 {offsets = [32, 0], sizes = [32, 256], strides = [1, 1]} : vector<512x256xf32> to vector<32x256xf32>
    %slice3A_452 = vector.extract_strided_slice %dot_general3A_439 {offsets = [32, 0], sizes = [32, 256], strides = [1, 1]} : vector<512x256xf32> to vector<32x256xf32>
    %add3A_453 = vector.broadcast %slice3A_450 : vector<1x256xf32> to vector<32x256xf32>
    %add3A_454 = arith.addf %add3A_453, %slice3A_452 : vector<32x256xf32>
    %mul3A_455 = arith.mulf %slice3A_451, %add3A_454 : vector<32x256xf32>
    %swap3A_456 = arith.constant 1056 : index
    %swap3A_457 = arith.constant 0 : index
    %swap3A_458 = vector.load %arg19[%swap3A_456, %swap3A_457] : memref<2048x256xf32, #tpu.memory_space<vmem>>, vector<32x256xf32>
    tpu.vector_store %arg19[%swap3A_456, %swap3A_457], %mul3A_455 {strides = array<i32>} : memref<2048x256xf32, #tpu.memory_space<vmem>>, vector<32x256xf32>,
    %slice3A_459 = vector.extract_strided_slice %mul3A_455 {offsets = [31, 0], sizes = [1, 256], strides = [1, 1]} : vector<32x256xf32> to vector<1x256xf32>
    %slice3A_460 = vector.extract_strided_slice %exp3A_429 {offsets = [64, 0], sizes = [32, 256], strides = [1, 1]} : vector<512x256xf32> to vector<32x256xf32>
    %slice3A_461 = vector.extract_strided_slice %dot_general3A_439 {offsets = [64, 0], sizes = [32, 256], strides = [1, 1]} : vector<512x256xf32> to vector<32x256xf32>
    %add3A_462 = vector.broadcast %slice3A_459 : vector<1x256xf32> to vector<32x256xf32>
    %add3A_463 = arith.addf %add3A_462, %slice3A_461 : vector<32x256xf32>
    %mul3A_464 = arith.mulf %slice3A_460, %add3A_463 : vector<32x256xf32>
    %swap3A_465 = arith.constant 1088 : index
    %swap3A_466 = arith.constant 0 : index
    %swap3A_467 = vector.load %arg19[%swap3A_465, %swap3A_466] : memref<2048x256xf32, #tpu.memory_space<vmem>>, vector<32x256xf32>
    tpu.vector_store %arg19[%swap3A_465, %swap3A_466], %mul3A_464 {strides = array<i32>} : memref<2048x256xf32, #tpu.memory_space<vmem>>, vector<32x256xf32>,
    %slice3A_468 = vector.extract_strided_slice %mul3A_464 {offsets = [31, 0], sizes = [1, 256], strides = [1, 1]} : vector<32x256xf32> to vector<1x256xf32>
    %slice3A_469 = vector.extract_strided_slice %exp3A_429 {offsets = [96, 0], sizes = [32, 256], strides = [1, 1]} : vector<512x256xf32> to vector<32x256xf32>
    %slice3A_470 = vector.extract_strided_slice %dot_general3A_439 {offsets = [96, 0], sizes = [32, 256], strides = [1, 1]} : vector<512x256xf32> to vector<32x256xf32>
    %add3A_471 = vector.broadcast %slice3A_468 : vector<1x256xf32> to vector<32x256xf32>
    %add3A_472 = arith.addf %add3A_471, %slice3A_470 : vector<32x256xf32>
    %mul3A_473 = arith.mulf %slice3A_469, %add3A_472 : vector<32x256xf32>
    %swap3A_474 = arith.constant 1120 : index
    %swap3A_475 = arith.constant 0 : index
    %swap3A_476 = vector.load %arg19[%swap3A_474, %swap3A_475] : memref<2048x256xf32, #tpu.memory_space<vmem>>, vector<32x256xf32>
    tpu.vector_store %arg19[%swap3A_474, %swap3A_475], %mul3A_473 {strides = array<i32>} : memref<2048x256xf32, #tpu.memory_space<vmem>>, vector<32x256xf32>,
    %slice3A_477 = vector.extract_strided_slice %mul3A_473 {offsets = [31, 0], sizes = [1, 256], strides = [1, 1]} : vector<32x256xf32> to vector<1x256xf32>
    %slice3A_478 = vector.extract_strided_slice %exp3A_429 {offsets = [128, 0], sizes = [32, 256], strides = [1, 1]} : vector<512x256xf32> to vector<32x256xf32>
    %slice3A_479 = vector.extract_strided_slice %dot_general3A_439 {offsets = [128, 0], sizes = [32, 256], strides = [1, 1]} : vector<512x256xf32> to vector<32x256xf32>
    %add3A_480 = vector.broadcast %slice3A_477 : vector<1x256xf32> to vector<32x256xf32>
    %add3A_481 = arith.addf %add3A_480, %slice3A_479 : vector<32x256xf32>
    %mul3A_482 = arith.mulf %slice3A_478, %add3A_481 : vector<32x256xf32>
    %swap3A_483 = arith.constant 1152 : index
    %swap3A_484 = arith.constant 0 : index
    %swap3A_485 = vector.load %arg19[%swap3A_483, %swap3A_484] : memref<2048x256xf32, #tpu.memory_space<vmem>>, vector<32x256xf32>
    tpu.vector_store %arg19[%swap3A_483, %swap3A_484], %mul3A_482 {strides = array<i32>} : memref<2048x256xf32, #tpu.memory_space<vmem>>, vector<32x256xf32>,
    %slice3A_486 = vector.extract_strided_slice %mul3A_482 {offsets = [31, 0], sizes = [1, 256], strides = [1, 1]} : vector<32x256xf32> to vector<1x256xf32>
    %slice3A_487 = vector.extract_strided_slice %exp3A_429 {offsets = [160, 0], sizes = [32, 256], strides = [1, 1]} : vector<512x256xf32> to vector<32x256xf32>
    %slice3A_488 = vector.extract_strided_slice %dot_general3A_439 {offsets = [160, 0], sizes = [32, 256], strides = [1, 1]} : vector<512x256xf32> to vector<32x256xf32>
    %add3A_489 = vector.broadcast %slice3A_486 : vector<1x256xf32> to vector<32x256xf32>
    %add3A_490 = arith.addf %add3A_489, %slice3A_488 : vector<32x256xf32>
    %mul3A_491 = arith.mulf %slice3A_487, %add3A_490 : vector<32x256xf32>
    %swap3A_492 = arith.constant 1184 : index
    %swap3A_493 = arith.constant 0 : index
    %swap3A_494 = vector.load %arg19[%swap3A_492, %swap3A_493] : memref<2048x256xf32, #tpu.memory_space<vmem>>, vector<32x256xf32>
    tpu.vector_store %arg19[%swap3A_492, %swap3A_493], %mul3A_491 {strides = array<i32>} : memref<2048x256xf32, #tpu.memory_space<vmem>>, vector<32x256xf32>,
    %slice3A_495 = vector.extract_strided_slice %mul3A_491 {offsets = [31, 0], sizes = [1, 256], strides = [1, 1]} : vector<32x256xf32> to vector<1x256xf32>
    %slice3A_496 = vector.extract_strided_slice %exp3A_429 {offsets = [192, 0], sizes = [32, 256], strides = [1, 1]} : vector<512x256xf32> to vector<32x256xf32>
    %slice3A_497 = vector.extract_strided_slice %dot_general3A_439 {offsets = [192, 0], sizes = [32, 256], strides = [1, 1]} : vector<512x256xf32> to vector<32x256xf32>
    %add3A_498 = vector.broadcast %slice3A_495 : vector<1x256xf32> to vector<32x256xf32>
    %add3A_499 = arith.addf %add3A_498, %slice3A_497 : vector<32x256xf32>
    %mul3A_500 = arith.mulf %slice3A_496, %add3A_499 : vector<32x256xf32>
    %swap3A_501 = arith.constant 1216 : index
    %swap3A_502 = arith.constant 0 : index
    %swap3A_503 = vector.load %arg19[%swap3A_501, %swap3A_502] : memref<2048x256xf32, #tpu.memory_space<vmem>>, vector<32x256xf32>
    tpu.vector_store %arg19[%swap3A_501, %swap3A_502], %mul3A_500 {strides = array<i32>} : memref<2048x256xf32, #tpu.memory_space<vmem>>, vector<32x256xf32>,
    %slice3A_504 = vector.extract_strided_slice %mul3A_500 {offsets = [31, 0], sizes = [1, 256], strides = [1, 1]} : vector<32x256xf32> to vector<1x256xf32>
    %slice3A_505 = vector.extract_strided_slice %exp3A_429 {offsets = [224, 0], sizes = [32, 256], strides = [1, 1]} : vector<512x256xf32> to vector<32x256xf32>
    %slice3A_506 = vector.extract_strided_slice %dot_general3A_439 {offsets = [224, 0], sizes = [32, 256], strides = [1, 1]} : vector<512x256xf32> to vector<32x256xf32>
    %add3A_507 = vector.broadcast %slice3A_504 : vector<1x256xf32> to vector<32x256xf32>
    %add3A_508 = arith.addf %add3A_507, %slice3A_506 : vector<32x256xf32>
    %mul3A_509 = arith.mulf %slice3A_505, %add3A_508 : vector<32x256xf32>
    %swap3A_510 = arith.constant 1248 : index
    %swap3A_511 = arith.constant 0 : index
    %swap3A_512 = vector.load %arg19[%swap3A_510, %swap3A_511] : memref<2048x256xf32, #tpu.memory_space<vmem>>, vector<32x256xf32>
    tpu.vector_store %arg19[%swap3A_510, %swap3A_511], %mul3A_509 {strides = array<i32>} : memref<2048x256xf32, #tpu.memory_space<vmem>>, vector<32x256xf32>,
    %slice3A_513 = vector.extract_strided_slice %mul3A_509 {offsets = [31, 0], sizes = [1, 256], strides = [1, 1]} : vector<32x256xf32> to vector<1x256xf32>
    %slice3A_514 = vector.extract_strided_slice %exp3A_429 {offsets = [256, 0], sizes = [32, 256], strides = [1, 1]} : vector<512x256xf32> to vector<32x256xf32>
    %slice3A_515 = vector.extract_strided_slice %dot_general3A_439 {offsets = [256, 0], sizes = [32, 256], strides = [1, 1]} : vector<512x256xf32> to vector<32x256xf32>
    %add3A_516 = vector.broadcast %slice3A_513 : vector<1x256xf32> to vector<32x256xf32>
    %add3A_517 = arith.addf %add3A_516, %slice3A_515 : vector<32x256xf32>
    %mul3A_518 = arith.mulf %slice3A_514, %add3A_517 : vector<32x256xf32>
    %swap3A_519 = arith.constant 1280 : index
    %swap3A_520 = arith.constant 0 : index
    %swap3A_521 = vector.load %arg19[%swap3A_519, %swap3A_520] : memref<2048x256xf32, #tpu.memory_space<vmem>>, vector<32x256xf32>
    tpu.vector_store %arg19[%swap3A_519, %swap3A_520], %mul3A_518 {strides = array<i32>} : memref<2048x256xf32, #tpu.memory_space<vmem>>, vector<32x256xf32>,
    %slice3A_522 = vector.extract_strided_slice %mul3A_518 {offsets = [31, 0], sizes = [1, 256], strides = [1, 1]} : vector<32x256xf32> to vector<1x256xf32>
    %slice3A_523 = vector.extract_strided_slice %exp3A_429 {offsets = [288, 0], sizes = [32, 256], strides = [1, 1]} : vector<512x256xf32> to vector<32x256xf32>
    %slice3A_524 = vector.extract_strided_slice %dot_general3A_439 {offsets = [288, 0], sizes = [32, 256], strides = [1, 1]} : vector<512x256xf32> to vector<32x256xf32>
    %add3A_525 = vector.broadcast %slice3A_522 : vector<1x256xf32> to vector<32x256xf32>
    %add3A_526 = arith.addf %add3A_525, %slice3A_524 : vector<32x256xf32>
    %mul3A_527 = arith.mulf %slice3A_523, %add3A_526 : vector<32x256xf32>
    %swap3A_528 = arith.constant 1312 : index
    %swap3A_529 = arith.constant 0 : index
    %swap3A_530 = vector.load %arg19[%swap3A_528, %swap3A_529] : memref<2048x256xf32, #tpu.memory_space<vmem>>, vector<32x256xf32>
    tpu.vector_store %arg19[%swap3A_528, %swap3A_529], %mul3A_527 {strides = array<i32>} : memref<2048x256xf32, #tpu.memory_space<vmem>>, vector<32x256xf32>,
    %slice3A_531 = vector.extract_strided_slice %mul3A_527 {offsets = [31, 0], sizes = [1, 256], strides = [1, 1]} : vector<32x256xf32> to vector<1x256xf32>
    %slice3A_532 = vector.extract_strided_slice %exp3A_429 {offsets = [320, 0], sizes = [32, 256], strides = [1, 1]} : vector<512x256xf32> to vector<32x256xf32>
    %slice3A_533 = vector.extract_strided_slice %dot_general3A_439 {offsets = [320, 0], sizes = [32, 256], strides = [1, 1]} : vector<512x256xf32> to vector<32x256xf32>
    %add3A_534 = vector.broadcast %slice3A_531 : vector<1x256xf32> to vector<32x256xf32>
    %add3A_535 = arith.addf %add3A_534, %slice3A_533 : vector<32x256xf32>
    %mul3A_536 = arith.mulf %slice3A_532, %add3A_535 : vector<32x256xf32>
    %swap3A_537 = arith.constant 1344 : index
    %swap3A_538 = arith.constant 0 : index
    %swap3A_539 = vector.load %arg19[%swap3A_537, %swap3A_538] : memref<2048x256xf32, #tpu.memory_space<vmem>>, vector<32x256xf32>
    tpu.vector_store %arg19[%swap3A_537, %swap3A_538], %mul3A_536 {strides = array<i32>} : memref<2048x256xf32, #tpu.memory_space<vmem>>, vector<32x256xf32>,
    %slice3A_540 = vector.extract_strided_slice %mul3A_536 {offsets = [31, 0], sizes = [1, 256], strides = [1, 1]} : vector<32x256xf32> to vector<1x256xf32>
    %slice3A_541 = vector.extract_strided_slice %exp3A_429 {offsets = [352, 0], sizes = [32, 256], strides = [1, 1]} : vector<512x256xf32> to vector<32x256xf32>
    %slice3A_542 = vector.extract_strided_slice %dot_general3A_439 {offsets = [352, 0], sizes = [32, 256], strides = [1, 1]} : vector<512x256xf32> to vector<32x256xf32>
    %add3A_543 = vector.broadcast %slice3A_540 : vector<1x256xf32> to vector<32x256xf32>
    %add3A_544 = arith.addf %add3A_543, %slice3A_542 : vector<32x256xf32>
    %mul3A_545 = arith.mulf %slice3A_541, %add3A_544 : vector<32x256xf32>
    %swap3A_546 = arith.constant 1376 : index
    %swap3A_547 = arith.constant 0 : index
    %swap3A_548 = vector.load %arg19[%swap3A_546, %swap3A_547] : memref<2048x256xf32, #tpu.memory_space<vmem>>, vector<32x256xf32>
    tpu.vector_store %arg19[%swap3A_546, %swap3A_547], %mul3A_545 {strides = array<i32>} : memref<2048x256xf32, #tpu.memory_space<vmem>>, vector<32x256xf32>,
    %slice3A_549 = vector.extract_strided_slice %mul3A_545 {offsets = [31, 0], sizes = [1, 256], strides = [1, 1]} : vector<32x256xf32> to vector<1x256xf32>
    %slice3A_550 = vector.extract_strided_slice %exp3A_429 {offsets = [384, 0], sizes = [32, 256], strides = [1, 1]} : vector<512x256xf32> to vector<32x256xf32>
    %slice3A_551 = vector.extract_strided_slice %dot_general3A_439 {offsets = [384, 0], sizes = [32, 256], strides = [1, 1]} : vector<512x256xf32> to vector<32x256xf32>
    %add3A_552 = vector.broadcast %slice3A_549 : vector<1x256xf32> to vector<32x256xf32>
    %add3A_553 = arith.addf %add3A_552, %slice3A_551 : vector<32x256xf32>
    %mul3A_554 = arith.mulf %slice3A_550, %add3A_553 : vector<32x256xf32>
    %swap3A_555 = arith.constant 1408 : index
    %swap3A_556 = arith.constant 0 : index
    %swap3A_557 = vector.load %arg19[%swap3A_555, %swap3A_556] : memref<2048x256xf32, #tpu.memory_space<vmem>>, vector<32x256xf32>
    tpu.vector_store %arg19[%swap3A_555, %swap3A_556], %mul3A_554 {strides = array<i32>} : memref<2048x256xf32, #tpu.memory_space<vmem>>, vector<32x256xf32>,
    %slice3A_558 = vector.extract_strided_slice %mul3A_554 {offsets = [31, 0], sizes = [1, 256], strides = [1, 1]} : vector<32x256xf32> to vector<1x256xf32>
    %slice3A_559 = vector.extract_strided_slice %exp3A_429 {offsets = [416, 0], sizes = [32, 256], strides = [1, 1]} : vector<512x256xf32> to vector<32x256xf32>
    %slice3A_560 = vector.extract_strided_slice %dot_general3A_439 {offsets = [416, 0], sizes = [32, 256], strides = [1, 1]} : vector<512x256xf32> to vector<32x256xf32>
    %add3A_561 = vector.broadcast %slice3A_558 : vector<1x256xf32> to vector<32x256xf32>
    %add3A_562 = arith.addf %add3A_561, %slice3A_560 : vector<32x256xf32>
    %mul3A_563 = arith.mulf %slice3A_559, %add3A_562 : vector<32x256xf32>
    %swap3A_564 = arith.constant 1440 : index
    %swap3A_565 = arith.constant 0 : index
    %swap3A_566 = vector.load %arg19[%swap3A_564, %swap3A_565] : memref<2048x256xf32, #tpu.memory_space<vmem>>, vector<32x256xf32>
    tpu.vector_store %arg19[%swap3A_564, %swap3A_565], %mul3A_563 {strides = array<i32>} : memref<2048x256xf32, #tpu.memory_space<vmem>>, vector<32x256xf32>,
    %slice3A_567 = vector.extract_strided_slice %mul3A_563 {offsets = [31, 0], sizes = [1, 256], strides = [1, 1]} : vector<32x256xf32> to vector<1x256xf32>
    %slice3A_568 = vector.extract_strided_slice %exp3A_429 {offsets = [448, 0], sizes = [32, 256], strides = [1, 1]} : vector<512x256xf32> to vector<32x256xf32>
    %slice3A_569 = vector.extract_strided_slice %dot_general3A_439 {offsets = [448, 0], sizes = [32, 256], strides = [1, 1]} : vector<512x256xf32> to vector<32x256xf32>
    %add3A_570 = vector.broadcast %slice3A_567 : vector<1x256xf32> to vector<32x256xf32>
    %add3A_571 = arith.addf %add3A_570, %slice3A_569 : vector<32x256xf32>
    %mul3A_572 = arith.mulf %slice3A_568, %add3A_571 : vector<32x256xf32>
    %swap3A_573 = arith.constant 1472 : index
    %swap3A_574 = arith.constant 0 : index
    %swap3A_575 = vector.load %arg19[%swap3A_573, %swap3A_574] : memref<2048x256xf32, #tpu.memory_space<vmem>>, vector<32x256xf32>
    tpu.vector_store %arg19[%swap3A_573, %swap3A_574], %mul3A_572 {strides = array<i32>} : memref<2048x256xf32, #tpu.memory_space<vmem>>, vector<32x256xf32>,
    %slice3A_576 = vector.extract_strided_slice %mul3A_572 {offsets = [31, 0], sizes = [1, 256], strides = [1, 1]} : vector<32x256xf32> to vector<1x256xf32>
    %slice3A_577 = vector.extract_strided_slice %exp3A_429 {offsets = [480, 0], sizes = [32, 256], strides = [1, 1]} : vector<512x256xf32> to vector<32x256xf32>
    %slice3A_578 = vector.extract_strided_slice %dot_general3A_439 {offsets = [480, 0], sizes = [32, 256], strides = [1, 1]} : vector<512x256xf32> to vector<32x256xf32>
    %add3A_579 = vector.broadcast %slice3A_576 : vector<1x256xf32> to vector<32x256xf32>
    %add3A_580 = arith.addf %add3A_579, %slice3A_578 : vector<32x256xf32>
    %mul3A_581 = arith.mulf %slice3A_577, %add3A_580 : vector<32x256xf32>
    %swap3A_582 = arith.constant 1504 : index
    %swap3A_583 = arith.constant 0 : index
    %swap3A_584 = vector.load %arg19[%swap3A_582, %swap3A_583] : memref<2048x256xf32, #tpu.memory_space<vmem>>, vector<32x256xf32>
    tpu.vector_store %arg19[%swap3A_582, %swap3A_583], %mul3A_581 {strides = array<i32>} : memref<2048x256xf32, #tpu.memory_space<vmem>>, vector<32x256xf32>,
    %slice3A_585 = vector.extract_strided_slice %log3A {offsets = [1536, 0], sizes = [512, 256], strides = [1, 1]} : vector<2048x256xf32> to vector<512x256xf32>
    %dot_general3A_586 = arith.constant dense<0.000000e+00> : vector<512x256xf32>
    %dot_general3A_587 = tpu.matmul %convert_element_type3A_110, %slice3A_585, %dot_general3A_586 {dimension_numbers = #tpu.dot_dimension_numbers<[1], [0], [0], [1], [0, 0, 1, 1], [], []>, transpose_lhs_hint = false} : vector<512x512xf32>, vector<512x256xf32>, vector<512x256xf32> -> vector<512x256xf32>
    %exp3A_588 = math.exp %dot_general3A_587 : vector<512x256xf32>
    %max3A_589 = arith.constant 9.99999993E-9 : f32
    %max3A_590 = vector.broadcast %max3A_589 : f32 to vector<512x256xf32>
    %max3A_591 = arith.maximumf %exp3A_588, %max3A_590 : vector<512x256xf32>
    %div3A_592 = arith.constant 1.000000e+00 : f32
    %div3A_593 = vector.broadcast %div3A_592 : f32 to vector<512x256xf32>
    %div3A_594 = arith.divf %div3A_593, %max3A_591 : vector<512x256xf32>
    %slice3A_595 = vector.extract_strided_slice %mul3A {offsets = [1536, 0], sizes = [512, 256], strides = [1, 1]} : vector<2048x256xf32> to vector<512x256xf32>
    %mul3A_596 = arith.mulf %slice3A_595, %div3A_594 : vector<512x256xf32>
    %dot_general3A_597 = arith.constant dense<0.000000e+00> : vector<512x256xf32>
    %dot_general3A_598 = tpu.matmul %convert_element_type3A_110, %mul3A_596, %dot_general3A_597 {dimension_numbers = #tpu.dot_dimension_numbers<[1], [0], [0], [1], [0, 0, 1, 1], [], []>, transpose_lhs_hint = false} : vector<512x512xf32>, vector<512x256xf32>, vector<512x256xf32> -> vector<512x256xf32>
    %broadcast_in_dim3A_599 = arith.constant 0.000000e+00 : f32
    %broadcast_in_dim3A_600 = vector.broadcast %broadcast_in_dim3A_599 : f32 to vector<1x256xf32>
    %slice3A_601 = vector.extract_strided_slice %exp3A_588 {offsets = [0, 0], sizes = [32, 256], strides = [1, 1]} : vector<512x256xf32> to vector<32x256xf32>
    %slice3A_602 = vector.extract_strided_slice %dot_general3A_598 {offsets = [0, 0], sizes = [32, 256], strides = [1, 1]} : vector<512x256xf32> to vector<32x256xf32>
    %add3A_603 = vector.broadcast %broadcast_in_dim3A_600 : vector<1x256xf32> to vector<32x256xf32>
    %add3A_604 = arith.addf %add3A_603, %slice3A_602 : vector<32x256xf32>
    %mul3A_605 = arith.mulf %slice3A_601, %add3A_604 : vector<32x256xf32>
    %swap3A_606 = arith.constant 1536 : index
    %swap3A_607 = arith.constant 0 : index
    %swap3A_608 = vector.load %arg19[%swap3A_606, %swap3A_607] : memref<2048x256xf32, #tpu.memory_space<vmem>>, vector<32x256xf32>
    tpu.vector_store %arg19[%swap3A_606, %swap3A_607], %mul3A_605 {strides = array<i32>} : memref<2048x256xf32, #tpu.memory_space<vmem>>, vector<32x256xf32>,
    %slice3A_609 = vector.extract_strided_slice %mul3A_605 {offsets = [31, 0], sizes = [1, 256], strides = [1, 1]} : vector<32x256xf32> to vector<1x256xf32>
    %slice3A_610 = vector.extract_strided_slice %exp3A_588 {offsets = [32, 0], sizes = [32, 256], strides = [1, 1]} : vector<512x256xf32> to vector<32x256xf32>
    %slice3A_611 = vector.extract_strided_slice %dot_general3A_598 {offsets = [32, 0], sizes = [32, 256], strides = [1, 1]} : vector<512x256xf32> to vector<32x256xf32>
    %add3A_612 = vector.broadcast %slice3A_609 : vector<1x256xf32> to vector<32x256xf32>
    %add3A_613 = arith.addf %add3A_612, %slice3A_611 : vector<32x256xf32>
    %mul3A_614 = arith.mulf %slice3A_610, %add3A_613 : vector<32x256xf32>
    %swap3A_615 = arith.constant 1568 : index
    %swap3A_616 = arith.constant 0 : index
    %swap3A_617 = vector.load %arg19[%swap3A_615, %swap3A_616] : memref<2048x256xf32, #tpu.memory_space<vmem>>, vector<32x256xf32>
    tpu.vector_store %arg19[%swap3A_615, %swap3A_616], %mul3A_614 {strides = array<i32>} : memref<2048x256xf32, #tpu.memory_space<vmem>>, vector<32x256xf32>,
    %slice3A_618 = vector.extract_strided_slice %mul3A_614 {offsets = [31, 0], sizes = [1, 256], strides = [1, 1]} : vector<32x256xf32> to vector<1x256xf32>
    %slice3A_619 = vector.extract_strided_slice %exp3A_588 {offsets = [64, 0], sizes = [32, 256], strides = [1, 1]} : vector<512x256xf32> to vector<32x256xf32>
    %slice3A_620 = vector.extract_strided_slice %dot_general3A_598 {offsets = [64, 0], sizes = [32, 256], strides = [1, 1]} : vector<512x256xf32> to vector<32x256xf32>
    %add3A_621 = vector.broadcast %slice3A_618 : vector<1x256xf32> to vector<32x256xf32>
    %add3A_622 = arith.addf %add3A_621, %slice3A_620 : vector<32x256xf32>
    %mul3A_623 = arith.mulf %slice3A_619, %add3A_622 : vector<32x256xf32>
    %swap3A_624 = arith.constant 1600 : index
    %swap3A_625 = arith.constant 0 : index
    %swap3A_626 = vector.load %arg19[%swap3A_624, %swap3A_625] : memref<2048x256xf32, #tpu.memory_space<vmem>>, vector<32x256xf32>
    tpu.vector_store %arg19[%swap3A_624, %swap3A_625], %mul3A_623 {strides = array<i32>} : memref<2048x256xf32, #tpu.memory_space<vmem>>, vector<32x256xf32>,
    %slice3A_627 = vector.extract_strided_slice %mul3A_623 {offsets = [31, 0], sizes = [1, 256], strides = [1, 1]} : vector<32x256xf32> to vector<1x256xf32>
    %slice3A_628 = vector.extract_strided_slice %exp3A_588 {offsets = [96, 0], sizes = [32, 256], strides = [1, 1]} : vector<512x256xf32> to vector<32x256xf32>
    %slice3A_629 = vector.extract_strided_slice %dot_general3A_598 {offsets = [96, 0], sizes = [32, 256], strides = [1, 1]} : vector<512x256xf32> to vector<32x256xf32>
    %add3A_630 = vector.broadcast %slice3A_627 : vector<1x256xf32> to vector<32x256xf32>
    %add3A_631 = arith.addf %add3A_630, %slice3A_629 : vector<32x256xf32>
    %mul3A_632 = arith.mulf %slice3A_628, %add3A_631 : vector<32x256xf32>
    %swap3A_633 = arith.constant 1632 : index
    %swap3A_634 = arith.constant 0 : index
    %swap3A_635 = vector.load %arg19[%swap3A_633, %swap3A_634] : memref<2048x256xf32, #tpu.memory_space<vmem>>, vector<32x256xf32>
    tpu.vector_store %arg19[%swap3A_633, %swap3A_634], %mul3A_632 {strides = array<i32>} : memref<2048x256xf32, #tpu.memory_space<vmem>>, vector<32x256xf32>,
    %slice3A_636 = vector.extract_strided_slice %mul3A_632 {offsets = [31, 0], sizes = [1, 256], strides = [1, 1]} : vector<32x256xf32> to vector<1x256xf32>
    %slice3A_637 = vector.extract_strided_slice %exp3A_588 {offsets = [128, 0], sizes = [32, 256], strides = [1, 1]} : vector<512x256xf32> to vector<32x256xf32>
    %slice3A_638 = vector.extract_strided_slice %dot_general3A_598 {offsets = [128, 0], sizes = [32, 256], strides = [1, 1]} : vector<512x256xf32> to vector<32x256xf32>
    %add3A_639 = vector.broadcast %slice3A_636 : vector<1x256xf32> to vector<32x256xf32>
    %add3A_640 = arith.addf %add3A_639, %slice3A_638 : vector<32x256xf32>
    %mul3A_641 = arith.mulf %slice3A_637, %add3A_640 : vector<32x256xf32>
    %swap3A_642 = arith.constant 1664 : index
    %swap3A_643 = arith.constant 0 : index
    %swap3A_644 = vector.load %arg19[%swap3A_642, %swap3A_643] : memref<2048x256xf32, #tpu.memory_space<vmem>>, vector<32x256xf32>
    tpu.vector_store %arg19[%swap3A_642, %swap3A_643], %mul3A_641 {strides = array<i32>} : memref<2048x256xf32, #tpu.memory_space<vmem>>, vector<32x256xf32>,
    %slice3A_645 = vector.extract_strided_slice %mul3A_641 {offsets = [31, 0], sizes = [1, 256], strides = [1, 1]} : vector<32x256xf32> to vector<1x256xf32>
    %slice3A_646 = vector.extract_strided_slice %exp3A_588 {offsets = [160, 0], sizes = [32, 256], strides = [1, 1]} : vector<512x256xf32> to vector<32x256xf32>
    %slice3A_647 = vector.extract_strided_slice %dot_general3A_598 {offsets = [160, 0], sizes = [32, 256], strides = [1, 1]} : vector<512x256xf32> to vector<32x256xf32>
    %add3A_648 = vector.broadcast %slice3A_645 : vector<1x256xf32> to vector<32x256xf32>
    %add3A_649 = arith.addf %add3A_648, %slice3A_647 : vector<32x256xf32>
    %mul3A_650 = arith.mulf %slice3A_646, %add3A_649 : vector<32x256xf32>
    %swap3A_651 = arith.constant 1696 : index
    %swap3A_652 = arith.constant 0 : index
    %swap3A_653 = vector.load %arg19[%swap3A_651, %swap3A_652] : memref<2048x256xf32, #tpu.memory_space<vmem>>, vector<32x256xf32>
    tpu.vector_store %arg19[%swap3A_651, %swap3A_652], %mul3A_650 {strides = array<i32>} : memref<2048x256xf32, #tpu.memory_space<vmem>>, vector<32x256xf32>,
    %slice3A_654 = vector.extract_strided_slice %mul3A_650 {offsets = [31, 0], sizes = [1, 256], strides = [1, 1]} : vector<32x256xf32> to vector<1x256xf32>
    %slice3A_655 = vector.extract_strided_slice %exp3A_588 {offsets = [192, 0], sizes = [32, 256], strides = [1, 1]} : vector<512x256xf32> to vector<32x256xf32>
    %slice3A_656 = vector.extract_strided_slice %dot_general3A_598 {offsets = [192, 0], sizes = [32, 256], strides = [1, 1]} : vector<512x256xf32> to vector<32x256xf32>
    %add3A_657 = vector.broadcast %slice3A_654 : vector<1x256xf32> to vector<32x256xf32>
    %add3A_658 = arith.addf %add3A_657, %slice3A_656 : vector<32x256xf32>
    %mul3A_659 = arith.mulf %slice3A_655, %add3A_658 : vector<32x256xf32>
    %swap3A_660 = arith.constant 1728 : index
    %swap3A_661 = arith.constant 0 : index
    %swap3A_662 = vector.load %arg19[%swap3A_660, %swap3A_661] : memref<2048x256xf32, #tpu.memory_space<vmem>>, vector<32x256xf32>
    tpu.vector_store %arg19[%swap3A_660, %swap3A_661], %mul3A_659 {strides = array<i32>} : memref<2048x256xf32, #tpu.memory_space<vmem>>, vector<32x256xf32>,
    %slice3A_663 = vector.extract_strided_slice %mul3A_659 {offsets = [31, 0], sizes = [1, 256], strides = [1, 1]} : vector<32x256xf32> to vector<1x256xf32>
    %slice3A_664 = vector.extract_strided_slice %exp3A_588 {offsets = [224, 0], sizes = [32, 256], strides = [1, 1]} : vector<512x256xf32> to vector<32x256xf32>
    %slice3A_665 = vector.extract_strided_slice %dot_general3A_598 {offsets = [224, 0], sizes = [32, 256], strides = [1, 1]} : vector<512x256xf32> to vector<32x256xf32>
    %add3A_666 = vector.broadcast %slice3A_663 : vector<1x256xf32> to vector<32x256xf32>
    %add3A_667 = arith.addf %add3A_666, %slice3A_665 : vector<32x256xf32>
    %mul3A_668 = arith.mulf %slice3A_664, %add3A_667 : vector<32x256xf32>
    %swap3A_669 = arith.constant 1760 : index
    %swap3A_670 = arith.constant 0 : index
    %swap3A_671 = vector.load %arg19[%swap3A_669, %swap3A_670] : memref<2048x256xf32, #tpu.memory_space<vmem>>, vector<32x256xf32>
    tpu.vector_store %arg19[%swap3A_669, %swap3A_670], %mul3A_668 {strides = array<i32>} : memref<2048x256xf32, #tpu.memory_space<vmem>>, vector<32x256xf32>,
    %slice3A_672 = vector.extract_strided_slice %mul3A_668 {offsets = [31, 0], sizes = [1, 256], strides = [1, 1]} : vector<32x256xf32> to vector<1x256xf32>
    %slice3A_673 = vector.extract_strided_slice %exp3A_588 {offsets = [256, 0], sizes = [32, 256], strides = [1, 1]} : vector<512x256xf32> to vector<32x256xf32>
    %slice3A_674 = vector.extract_strided_slice %dot_general3A_598 {offsets = [256, 0], sizes = [32, 256], strides = [1, 1]} : vector<512x256xf32> to vector<32x256xf32>
    %add3A_675 = vector.broadcast %slice3A_672 : vector<1x256xf32> to vector<32x256xf32>
    %add3A_676 = arith.addf %add3A_675, %slice3A_674 : vector<32x256xf32>
    %mul3A_677 = arith.mulf %slice3A_673, %add3A_676 : vector<32x256xf32>
    %swap3A_678 = arith.constant 1792 : index
    %swap3A_679 = arith.constant 0 : index
    %swap3A_680 = vector.load %arg19[%swap3A_678, %swap3A_679] : memref<2048x256xf32, #tpu.memory_space<vmem>>, vector<32x256xf32>
    tpu.vector_store %arg19[%swap3A_678, %swap3A_679], %mul3A_677 {strides = array<i32>} : memref<2048x256xf32, #tpu.memory_space<vmem>>, vector<32x256xf32>,
    %slice3A_681 = vector.extract_strided_slice %mul3A_677 {offsets = [31, 0], sizes = [1, 256], strides = [1, 1]} : vector<32x256xf32> to vector<1x256xf32>
    %slice3A_682 = vector.extract_strided_slice %exp3A_588 {offsets = [288, 0], sizes = [32, 256], strides = [1, 1]} : vector<512x256xf32> to vector<32x256xf32>
    %slice3A_683 = vector.extract_strided_slice %dot_general3A_598 {offsets = [288, 0], sizes = [32, 256], strides = [1, 1]} : vector<512x256xf32> to vector<32x256xf32>
    %add3A_684 = vector.broadcast %slice3A_681 : vector<1x256xf32> to vector<32x256xf32>
    %add3A_685 = arith.addf %add3A_684, %slice3A_683 : vector<32x256xf32>
    %mul3A_686 = arith.mulf %slice3A_682, %add3A_685 : vector<32x256xf32>
    %swap3A_687 = arith.constant 1824 : index
    %swap3A_688 = arith.constant 0 : index
    %swap3A_689 = vector.load %arg19[%swap3A_687, %swap3A_688] : memref<2048x256xf32, #tpu.memory_space<vmem>>, vector<32x256xf32>
    tpu.vector_store %arg19[%swap3A_687, %swap3A_688], %mul3A_686 {strides = array<i32>} : memref<2048x256xf32, #tpu.memory_space<vmem>>, vector<32x256xf32>,
    %slice3A_690 = vector.extract_strided_slice %mul3A_686 {offsets = [31, 0], sizes = [1, 256], strides = [1, 1]} : vector<32x256xf32> to vector<1x256xf32>
    %slice3A_691 = vector.extract_strided_slice %exp3A_588 {offsets = [320, 0], sizes = [32, 256], strides = [1, 1]} : vector<512x256xf32> to vector<32x256xf32>
    %slice3A_692 = vector.extract_strided_slice %dot_general3A_598 {offsets = [320, 0], sizes = [32, 256], strides = [1, 1]} : vector<512x256xf32> to vector<32x256xf32>
    %add3A_693 = vector.broadcast %slice3A_690 : vector<1x256xf32> to vector<32x256xf32>
    %add3A_694 = arith.addf %add3A_693, %slice3A_692 : vector<32x256xf32>
    %mul3A_695 = arith.mulf %slice3A_691, %add3A_694 : vector<32x256xf32>
    %swap3A_696 = arith.constant 1856 : index
    %swap3A_697 = arith.constant 0 : index
    %swap3A_698 = vector.load %arg19[%swap3A_696, %swap3A_697] : memref<2048x256xf32, #tpu.memory_space<vmem>>, vector<32x256xf32>
    tpu.vector_store %arg19[%swap3A_696, %swap3A_697], %mul3A_695 {strides = array<i32>} : memref<2048x256xf32, #tpu.memory_space<vmem>>, vector<32x256xf32>,
    %slice3A_699 = vector.extract_strided_slice %mul3A_695 {offsets = [31, 0], sizes = [1, 256], strides = [1, 1]} : vector<32x256xf32> to vector<1x256xf32>
    %slice3A_700 = vector.extract_strided_slice %exp3A_588 {offsets = [352, 0], sizes = [32, 256], strides = [1, 1]} : vector<512x256xf32> to vector<32x256xf32>
    %slice3A_701 = vector.extract_strided_slice %dot_general3A_598 {offsets = [352, 0], sizes = [32, 256], strides = [1, 1]} : vector<512x256xf32> to vector<32x256xf32>
    %add3A_702 = vector.broadcast %slice3A_699 : vector<1x256xf32> to vector<32x256xf32>
    %add3A_703 = arith.addf %add3A_702, %slice3A_701 : vector<32x256xf32>
    %mul3A_704 = arith.mulf %slice3A_700, %add3A_703 : vector<32x256xf32>
    %swap3A_705 = arith.constant 1888 : index
    %swap3A_706 = arith.constant 0 : index
    %swap3A_707 = vector.load %arg19[%swap3A_705, %swap3A_706] : memref<2048x256xf32, #tpu.memory_space<vmem>>, vector<32x256xf32>
    tpu.vector_store %arg19[%swap3A_705, %swap3A_706], %mul3A_704 {strides = array<i32>} : memref<2048x256xf32, #tpu.memory_space<vmem>>, vector<32x256xf32>,
    %slice3A_708 = vector.extract_strided_slice %mul3A_704 {offsets = [31, 0], sizes = [1, 256], strides = [1, 1]} : vector<32x256xf32> to vector<1x256xf32>
    %slice3A_709 = vector.extract_strided_slice %exp3A_588 {offsets = [384, 0], sizes = [32, 256], strides = [1, 1]} : vector<512x256xf32> to vector<32x256xf32>
    %slice3A_710 = vector.extract_strided_slice %dot_general3A_598 {offsets = [384, 0], sizes = [32, 256], strides = [1, 1]} : vector<512x256xf32> to vector<32x256xf32>
    %add3A_711 = vector.broadcast %slice3A_708 : vector<1x256xf32> to vector<32x256xf32>
    %add3A_712 = arith.addf %add3A_711, %slice3A_710 : vector<32x256xf32>
    %mul3A_713 = arith.mulf %slice3A_709, %add3A_712 : vector<32x256xf32>
    %swap3A_714 = arith.constant 1920 : index
    %swap3A_715 = arith.constant 0 : index
    %swap3A_716 = vector.load %arg19[%swap3A_714, %swap3A_715] : memref<2048x256xf32, #tpu.memory_space<vmem>>, vector<32x256xf32>
    tpu.vector_store %arg19[%swap3A_714, %swap3A_715], %mul3A_713 {strides = array<i32>} : memref<2048x256xf32, #tpu.memory_space<vmem>>, vector<32x256xf32>,
    %slice3A_717 = vector.extract_strided_slice %mul3A_713 {offsets = [31, 0], sizes = [1, 256], strides = [1, 1]} : vector<32x256xf32> to vector<1x256xf32>
    %slice3A_718 = vector.extract_strided_slice %exp3A_588 {offsets = [416, 0], sizes = [32, 256], strides = [1, 1]} : vector<512x256xf32> to vector<32x256xf32>
    %slice3A_719 = vector.extract_strided_slice %dot_general3A_598 {offsets = [416, 0], sizes = [32, 256], strides = [1, 1]} : vector<512x256xf32> to vector<32x256xf32>
    %add3A_720 = vector.broadcast %slice3A_717 : vector<1x256xf32> to vector<32x256xf32>
    %add3A_721 = arith.addf %add3A_720, %slice3A_719 : vector<32x256xf32>
    %mul3A_722 = arith.mulf %slice3A_718, %add3A_721 : vector<32x256xf32>
    %swap3A_723 = arith.constant 1952 : index
    %swap3A_724 = arith.constant 0 : index
    %swap3A_725 = vector.load %arg19[%swap3A_723, %swap3A_724] : memref<2048x256xf32, #tpu.memory_space<vmem>>, vector<32x256xf32>
    tpu.vector_store %arg19[%swap3A_723, %swap3A_724], %mul3A_722 {strides = array<i32>} : memref<2048x256xf32, #tpu.memory_space<vmem>>, vector<32x256xf32>,
    %slice3A_726 = vector.extract_strided_slice %mul3A_722 {offsets = [31, 0], sizes = [1, 256], strides = [1, 1]} : vector<32x256xf32> to vector<1x256xf32>
    %slice3A_727 = vector.extract_strided_slice %exp3A_588 {offsets = [448, 0], sizes = [32, 256], strides = [1, 1]} : vector<512x256xf32> to vector<32x256xf32>
    %slice3A_728 = vector.extract_strided_slice %dot_general3A_598 {offsets = [448, 0], sizes = [32, 256], strides = [1, 1]} : vector<512x256xf32> to vector<32x256xf32>
    %add3A_729 = vector.broadcast %slice3A_726 : vector<1x256xf32> to vector<32x256xf32>
    %add3A_730 = arith.addf %add3A_729, %slice3A_728 : vector<32x256xf32>
    %mul3A_731 = arith.mulf %slice3A_727, %add3A_730 : vector<32x256xf32>
    %swap3A_732 = arith.constant 1984 : index
    %swap3A_733 = arith.constant 0 : index
    %swap3A_734 = vector.load %arg19[%swap3A_732, %swap3A_733] : memref<2048x256xf32, #tpu.memory_space<vmem>>, vector<32x256xf32>
    tpu.vector_store %arg19[%swap3A_732, %swap3A_733], %mul3A_731 {strides = array<i32>} : memref<2048x256xf32, #tpu.memory_space<vmem>>, vector<32x256xf32>,
    %slice3A_735 = vector.extract_strided_slice %mul3A_731 {offsets = [31, 0], sizes = [1, 256], strides = [1, 1]} : vector<32x256xf32> to vector<1x256xf32>
    %slice3A_736 = vector.extract_strided_slice %exp3A_588 {offsets = [480, 0], sizes = [32, 256], strides = [1, 1]} : vector<512x256xf32> to vector<32x256xf32>
    %slice3A_737 = vector.extract_strided_slice %dot_general3A_598 {offsets = [480, 0], sizes = [32, 256], strides = [1, 1]} : vector<512x256xf32> to vector<32x256xf32>
    %add3A_738 = vector.broadcast %slice3A_735 : vector<1x256xf32> to vector<32x256xf32>
    %add3A_739 = arith.addf %add3A_738, %slice3A_737 : vector<32x256xf32>
    %mul3A_740 = arith.mulf %slice3A_736, %add3A_739 : vector<32x256xf32>
    %swap3A_741 = arith.constant 2016 : index
    %swap3A_742 = arith.constant 0 : index
    %swap3A_743 = vector.load %arg19[%swap3A_741, %swap3A_742] : memref<2048x256xf32, #tpu.memory_space<vmem>>, vector<32x256xf32>
    tpu.vector_store %arg19[%swap3A_741, %swap3A_742], %mul3A_740 {strides = array<i32>} : memref<2048x256xf32, #tpu.memory_space<vmem>>, vector<32x256xf32>,
    %get3A_744 = arith.constant 0 : index
    %get3A_745 = arith.constant 0 : index
    %get3A_746 = vector.load %arg19[%get3A_744, %get3A_745] : memref<2048x256xf32, #tpu.memory_space<vmem>>, vector<2048x256xf32>
    %get3A_747 = arith.constant 0 : index
    %get3A_748 = arith.constant 0 : index
    %get3A_749 = vector.load %arg10[%get3A_747, %get3A_748] : memref<256x512xf32, #tpu.memory_space<vmem>>, vector<256x512xf32>
    %dot_general3A_750 = arith.constant dense<0.000000e+00> : vector<2048x512xf32>
    %dot_general3A_751 = tpu.matmul %get3A_746, %get3A_749, %dot_general3A_750 {dimension_numbers = #tpu.dot_dimension_numbers<[1], [0], [0], [1], [0, 0, 1, 1], [], []>, transpose_lhs_hint = false} : vector<2048x256xf32>, vector<256x512xf32>, vector<2048x512xf32> -> vector<2048x512xf32>
    %add3A_752 = arith.addf %add3A_18, %dot_general3A_751 : vector<2048x512xf32>
    %get3A_753 = arith.constant 0 : index
    %get3A_754 = arith.constant 0 : index
    %get3A_755 = vector.load %arg11[%get3A_753, %get3A_754] : memref<1x512xf32, #tpu.memory_space<vmem>>, vector<1x512xf32>
    %add3A_756 = vector.broadcast %get3A_755 : vector<1x512xf32> to vector<2048x512xf32>
    %add3A_757 = arith.addf %add3A_752, %add3A_756 : vector<2048x512xf32>
    %get3A_758 = arith.constant 0 : index
    %get3A_759 = arith.constant 0 : index
    %get3A_760 = vector.load %arg12[%get3A_758, %get3A_759] : memref<1x512xf32, #tpu.memory_space<vmem>>, vector<1x512xf32>
    %get3A_761 = arith.constant 0 : index
    %get3A_762 = arith.constant 0 : index
    %get3A_763 = vector.load %arg13[%get3A_761, %get3A_762] : memref<1x512xf32, #tpu.memory_space<vmem>>, vector<1x512xf32>
    %reduce_sum3A = arith.constant dense<0.000000e+00> : vector<2048xf32>
    %reduce_sum3A_764 = vector.multi_reduction <add>, %add3A_757, %reduce_sum3A [1] : vector<2048x512xf32> to vector<2048xf32>
    %broadcast_in_dim3A_765 = vector.shape_cast %reduce_sum3A_764 : vector<2048xf32> to vector<2048x1xf32>
    %div3A_766 = arith.constant 5.120000e+02 : f32
    %div3A_767 = vector.broadcast %div3A_766 : f32 to vector<2048x1xf32>
    %div3A_768 = arith.divf %broadcast_in_dim3A_765, %div3A_767 : vector<2048x1xf32>
    %jit3A_769 = arith.constant 0 : i64
    %reduce_sum3A_770 = arith.constant dense<0.000000e+00> : vector<2048xf32>
    %reduce_sum3A_771 = vector.multi_reduction <add>, %add3A_757, %reduce_sum3A_770 [1] : vector<2048x512xf32> to vector<2048xf32>
    %broadcast_in_dim3A_772 = vector.shape_cast %reduce_sum3A_771 : vector<2048xf32> to vector<2048x1xf32>
    %div3A_773 = arith.constant 5.120000e+02 : f32
    %div3A_774 = vector.broadcast %div3A_773 : f32 to vector<2048x1xf32>
    %div3A_775 = arith.divf %broadcast_in_dim3A_772, %div3A_774 : vector<2048x1xf32>
    %sub3A_776 = vector.broadcast %div3A_775 : vector<2048x1xf32> to vector<2048x512xf32>
    %sub3A_777 = arith.subf %add3A_757, %sub3A_776 : vector<2048x512xf32>
    %square3A = arith.mulf %sub3A_777, %sub3A_777 : vector<2048x512xf32>
    %convert_element_type3A_778 = arith.sitofp %jit3A_769 : i64 to f32
    %sub3A_779 = arith.constant 5.120000e+02 : f32
    %sub3A_780 = arith.subf %sub3A_779, %convert_element_type3A_778 : f32
    %reduce_sum3A_781 = arith.constant dense<0.000000e+00> : vector<2048xf32>
    %reduce_sum3A_782 = vector.multi_reduction <add>, %square3A, %reduce_sum3A_781 [1] : vector<2048x512xf32> to vector<2048xf32>
    %broadcast_in_dim3A_783 = vector.shape_cast %reduce_sum3A_782 : vector<2048xf32> to vector<2048x1xf32>
    %div3A_784 = vector.broadcast %sub3A_780 : f32 to vector<2048x1xf32>
    %div3A_785 = arith.divf %broadcast_in_dim3A_783, %div3A_784 : vector<2048x1xf32>
    %gt3A = arith.constant 0.000000e+00 : f32
    %gt3A_786 = arith.cmpf ogt, %sub3A_780, %gt3A : f32
    %jit3A_787 = arith.constant 0x7FF8000000000000 : f64
    %convert_element_type3A_788 = arith.truncf %jit3A_787 : f64 to f32
    %broadcast_in_dim3A_789 = vector.broadcast %convert_element_type3A_788 : f32 to vector<2048x1xf32>
    %select_n3A_790 = arith.select %gt3A_786, %div3A_785, %broadcast_in_dim3A_789 : vector<2048x1xf32>
    %sub3A_791 = vector.broadcast %div3A_768 : vector<2048x1xf32> to vector<2048x512xf32>
    %sub3A_792 = arith.subf %add3A_757, %sub3A_791 : vector<2048x512xf32>
    %add3A_793 = arith.constant 9.99999974E-6 : f32
    %add3A_794 = vector.broadcast %add3A_793 : f32 to vector<2048x1xf32>
    %add3A_795 = arith.addf %select_n3A_790, %add3A_794 : vector<2048x1xf32>
    %sqrt3A = math.sqrt %add3A_795 : vector<2048x1xf32>
    %div3A_796 = vector.broadcast %sqrt3A : vector<2048x1xf32> to vector<2048x512xf32>
    %div3A_797 = arith.divf %sub3A_792, %div3A_796 : vector<2048x512xf32>
    %mul3A_798 = vector.broadcast %get3A_760 : vector<1x512xf32> to vector<2048x512xf32>
    %mul3A_799 = arith.mulf %div3A_797, %mul3A_798 : vector<2048x512xf32>
    %add3A_800 = vector.broadcast %get3A_763 : vector<1x512xf32> to vector<2048x512xf32>
    %add3A_801 = arith.addf %mul3A_799, %add3A_800 : vector<2048x512xf32>
    %swap3A_802 = arith.constant 0 : index
    %swap3A_803 = arith.constant 0 : index
    %swap3A_804 = vector.load %arg17[%swap3A_802, %swap3A_803] : memref<2048x512xf32, #tpu.memory_space<vmem>>, vector<2048x512xf32>
    tpu.vector_store %arg17[%swap3A_802, %swap3A_803], %add3A_801 {strides = array<i32>} : memref<2048x512xf32, #tpu.memory_space<vmem>>, vector<2048x512xf32>,
    %get3A_805 = arith.constant 0 : index
    %get3A_806 = arith.constant 0 : index
    %get3A_807 = vector.load %arg14[%get3A_805, %get3A_806] : memref<512x64xf32, #tpu.memory_space<vmem>>, vector<512x64xf32>
    %dot_general3A_808 = arith.constant dense<0.000000e+00> : vector<2048x64xf32>
    %dot_general3A_809 = tpu.matmul %add3A_801, %get3A_807, %dot_general3A_808 {dimension_numbers = #tpu.dot_dimension_numbers<[1], [0], [0], [1], [0, 0, 1, 1], [], []>, transpose_lhs_hint = false} : vector<2048x512xf32>, vector<512x64xf32>, vector<2048x64xf32> -> vector<2048x64xf32>
    %get3A_810 = arith.constant 0 : index
    %get3A_811 = arith.constant 0 : index
    %get3A_812 = vector.load %arg15[%get3A_810, %get3A_811] : memref<1x64xf32, #tpu.memory_space<vmem>>, vector<1x64xf32>
    %add3A_813 = vector.broadcast %get3A_812 : vector<1x64xf32> to vector<2048x64xf32>
    %add3A_814 = arith.addf %dot_general3A_809, %add3A_813 : vector<2048x64xf32>
    %slice3A_815 = vector.extract_strided_slice %add3A_814 {offsets = [0, 0], sizes = [2048, 16], strides = [1, 1]} : vector<2048x64xf32> to vector<2048x16xf32>
    %get3A_816 = arith.constant 0 : index
    %get3A_817 = arith.constant 0 : index
    %get3A_818 = vector.load %arg16[%get3A_816, %get3A_817] : memref<1x64xi32, #tpu.memory_space<vmem>>, vector<1x16xi32>
    %gt3A_819 = arith.constant 0.000000e+00 : f32
    %gt3A_820 = vector.broadcast %gt3A_819 : f32 to vector<2048x16xf32>
    %gt3A_821 = arith.cmpf ogt, %slice3A_815, %gt3A_820 : vector<2048x16xf32>
    %jit3A_822 = arith.constant 0 : i32
    %broadcast_in_dim3A_823 = vector.shape_cast %get3A_818 : vector<1x16xi32> to vector<1x16xi32>
    %broadcast_in_dim3A_824 = vector.broadcast %broadcast_in_dim3A_823 : vector<1x16xi32> to vector<2048x16xi32>
    %broadcast_in_dim3A_825 = vector.broadcast %jit3A_822 : i32 to vector<2048x16xi32>
    %select_n3A_826 = arith.select %gt3A_821, %broadcast_in_dim3A_824, %broadcast_in_dim3A_825 : vector<2048x16xi1>, vector<2048x16xi32>
    %slice3A_827 = vector.extract_strided_slice %select_n3A_826 {offsets = [0, 0], sizes = [2048, 8], strides = [1, 1]} : vector<2048x16xi32> to vector<2048x8xi32>
    %slice3A_828 = vector.extract_strided_slice %select_n3A_826 {offsets = [0, 8], sizes = [2048, 8], strides = [1, 1]} : vector<2048x16xi32> to vector<2048x8xi32>
    %xor3A = arith.xori %slice3A_827, %slice3A_828 : vector<2048x8xi32>
    %slice3A_829 = vector.extract_strided_slice %xor3A {offsets = [0, 0], sizes = [2048, 4], strides = [1, 1]} : vector<2048x8xi32> to vector<2048x4xi32>
    %slice3A_830 = vector.extract_strided_slice %xor3A {offsets = [0, 4], sizes = [2048, 4], strides = [1, 1]} : vector<2048x8xi32> to vector<2048x4xi32>
    %xor3A_831 = arith.xori %slice3A_829, %slice3A_830 : vector<2048x4xi32>
    %slice3A_832 = vector.extract_strided_slice %xor3A_831 {offsets = [0, 0], sizes = [2048, 2], strides = [1, 1]} : vector<2048x4xi32> to vector<2048x2xi32>
    %slice3A_833 = vector.extract_strided_slice %xor3A_831 {offsets = [0, 2], sizes = [2048, 2], strides = [1, 1]} : vector<2048x4xi32> to vector<2048x2xi32>
    %xor3A_834 = arith.xori %slice3A_832, %slice3A_833 : vector<2048x2xi32>
    %slice3A_835 = vector.extract_strided_slice %xor3A_834 {offsets = [0, 0], sizes = [2048, 1], strides = [1, 1]} : vector<2048x2xi32> to vector<2048x1xi32>
    %slice3A_836 = vector.extract_strided_slice %xor3A_834 {offsets = [0, 1], sizes = [2048, 1], strides = [1, 1]} : vector<2048x2xi32> to vector<2048x1xi32>
    %xor3A_837 = arith.xori %slice3A_835, %slice3A_836 : vector<2048x1xi32>
    %mul3A_838 = arith.constant 4 : i32
    %mul3A_839 = vector.broadcast %mul3A_838 : i32 to vector<2048x1xi32>
    %mul3A_840 = arith.muli %xor3A_837, %mul3A_839 : vector<2048x1xi32>
    %add3A_841 = arith.constant 0 : i32
    %add3A_842 = vector.broadcast %add3A_841 : i32 to vector<2048x1xi32>
    %add3A_843 = arith.addi %mul3A_840, %add3A_842 : vector<2048x1xi32>
    %swap3A_844 = arith.constant 0 : index
    %swap3A_845 = arith.constant 0 : index
    %swap3A_846 = vector.load %arg18[%swap3A_844, %swap3A_845] : memref<2048x4xi32, #tpu.memory_space<vmem>>, vector<2048x1xi32>
    tpu.vector_store %arg18[%swap3A_844, %swap3A_845], %add3A_843 {strides = array<i32>} : memref<2048x4xi32, #tpu.memory_space<vmem>>, vector<2048x1xi32>,
    %slice3A_847 = vector.extract_strided_slice %add3A_814 {offsets = [0, 16], sizes = [2048, 16], strides = [1, 1]} : vector<2048x64xf32> to vector<2048x16xf32>
    %get3A_848 = arith.constant 0 : index
    %get3A_849 = arith.constant 16 : index
    %get3A_850 = vector.load %arg16[%get3A_848, %get3A_849] : memref<1x64xi32, #tpu.memory_space<vmem>>, vector<1x16xi32>
    %gt3A_851 = arith.constant 0.000000e+00 : f32
    %gt3A_852 = vector.broadcast %gt3A_851 : f32 to vector<2048x16xf32>
    %gt3A_853 = arith.cmpf ogt, %slice3A_847, %gt3A_852 : vector<2048x16xf32>
    %jit3A_854 = arith.constant 0 : i32
    %broadcast_in_dim3A_855 = vector.shape_cast %get3A_850 : vector<1x16xi32> to vector<1x16xi32>
    %broadcast_in_dim3A_856 = vector.broadcast %broadcast_in_dim3A_855 : vector<1x16xi32> to vector<2048x16xi32>
    %broadcast_in_dim3A_857 = vector.broadcast %jit3A_854 : i32 to vector<2048x16xi32>
    %select_n3A_858 = arith.select %gt3A_853, %broadcast_in_dim3A_856, %broadcast_in_dim3A_857 : vector<2048x16xi1>, vector<2048x16xi32>
    %slice3A_859 = vector.extract_strided_slice %select_n3A_858 {offsets = [0, 0], sizes = [2048, 8], strides = [1, 1]} : vector<2048x16xi32> to vector<2048x8xi32>
    %slice3A_860 = vector.extract_strided_slice %select_n3A_858 {offsets = [0, 8], sizes = [2048, 8], strides = [1, 1]} : vector<2048x16xi32> to vector<2048x8xi32>
    %xor3A_861 = arith.xori %slice3A_859, %slice3A_860 : vector<2048x8xi32>
    %slice3A_862 = vector.extract_strided_slice %xor3A_861 {offsets = [0, 0], sizes = [2048, 4], strides = [1, 1]} : vector<2048x8xi32> to vector<2048x4xi32>
    %slice3A_863 = vector.extract_strided_slice %xor3A_861 {offsets = [0, 4], sizes = [2048, 4], strides = [1, 1]} : vector<2048x8xi32> to vector<2048x4xi32>
    %xor3A_864 = arith.xori %slice3A_862, %slice3A_863 : vector<2048x4xi32>
    %slice3A_865 = vector.extract_strided_slice %xor3A_864 {offsets = [0, 0], sizes = [2048, 2], strides = [1, 1]} : vector<2048x4xi32> to vector<2048x2xi32>
    %slice3A_866 = vector.extract_strided_slice %xor3A_864 {offsets = [0, 2], sizes = [2048, 2], strides = [1, 1]} : vector<2048x4xi32> to vector<2048x2xi32>
    %xor3A_867 = arith.xori %slice3A_865, %slice3A_866 : vector<2048x2xi32>
    %slice3A_868 = vector.extract_strided_slice %xor3A_867 {offsets = [0, 0], sizes = [2048, 1], strides = [1, 1]} : vector<2048x2xi32> to vector<2048x1xi32>
    %slice3A_869 = vector.extract_strided_slice %xor3A_867 {offsets = [0, 1], sizes = [2048, 1], strides = [1, 1]} : vector<2048x2xi32> to vector<2048x1xi32>
    %xor3A_870 = arith.xori %slice3A_868, %slice3A_869 : vector<2048x1xi32>
    %mul3A_871 = arith.constant 4 : i32
    %mul3A_872 = vector.broadcast %mul3A_871 : i32 to vector<2048x1xi32>
    %mul3A_873 = arith.muli %xor3A_870, %mul3A_872 : vector<2048x1xi32>
    %add3A_874 = arith.constant 1 : i32
    %add3A_875 = vector.broadcast %add3A_874 : i32 to vector<2048x1xi32>
    %add3A_876 = arith.addi %mul3A_873, %add3A_875 : vector<2048x1xi32>
    %swap3A_877 = arith.constant 0 : index
    %swap3A_878 = arith.constant 1 : index
    %swap3A_879 = vector.load %arg18[%swap3A_877, %swap3A_878] : memref<2048x4xi32, #tpu.memory_space<vmem>>, vector<2048x1xi32>
    tpu.vector_store %arg18[%swap3A_877, %swap3A_878], %add3A_876 {strides = array<i32>} : memref<2048x4xi32, #tpu.memory_space<vmem>>, vector<2048x1xi32>,
    %slice3A_880 = vector.extract_strided_slice %add3A_814 {offsets = [0, 32], sizes = [2048, 16], strides = [1, 1]} : vector<2048x64xf32> to vector<2048x16xf32>
    %get3A_881 = arith.constant 0 : index
    %get3A_882 = arith.constant 32 : index
    %get3A_883 = vector.load %arg16[%get3A_881, %get3A_882] : memref<1x64xi32, #tpu.memory_space<vmem>>, vector<1x16xi32>
    %gt3A_884 = arith.constant 0.000000e+00 : f32
    %gt3A_885 = vector.broadcast %gt3A_884 : f32 to vector<2048x16xf32>
    %gt3A_886 = arith.cmpf ogt, %slice3A_880, %gt3A_885 : vector<2048x16xf32>
    %jit3A_887 = arith.constant 0 : i32
    %broadcast_in_dim3A_888 = vector.shape_cast %get3A_883 : vector<1x16xi32> to vector<1x16xi32>
    %broadcast_in_dim3A_889 = vector.broadcast %broadcast_in_dim3A_888 : vector<1x16xi32> to vector<2048x16xi32>
    %broadcast_in_dim3A_890 = vector.broadcast %jit3A_887 : i32 to vector<2048x16xi32>
    %select_n3A_891 = arith.select %gt3A_886, %broadcast_in_dim3A_889, %broadcast_in_dim3A_890 : vector<2048x16xi1>, vector<2048x16xi32>
    %slice3A_892 = vector.extract_strided_slice %select_n3A_891 {offsets = [0, 0], sizes = [2048, 8], strides = [1, 1]} : vector<2048x16xi32> to vector<2048x8xi32>
    %slice3A_893 = vector.extract_strided_slice %select_n3A_891 {offsets = [0, 8], sizes = [2048, 8], strides = [1, 1]} : vector<2048x16xi32> to vector<2048x8xi32>
    %xor3A_894 = arith.xori %slice3A_892, %slice3A_893 : vector<2048x8xi32>
    %slice3A_895 = vector.extract_strided_slice %xor3A_894 {offsets = [0, 0], sizes = [2048, 4], strides = [1, 1]} : vector<2048x8xi32> to vector<2048x4xi32>
    %slice3A_896 = vector.extract_strided_slice %xor3A_894 {offsets = [0, 4], sizes = [2048, 4], strides = [1, 1]} : vector<2048x8xi32> to vector<2048x4xi32>
    %xor3A_897 = arith.xori %slice3A_895, %slice3A_896 : vector<2048x4xi32>
    %slice3A_898 = vector.extract_strided_slice %xor3A_897 {offsets = [0, 0], sizes = [2048, 2], strides = [1, 1]} : vector<2048x4xi32> to vector<2048x2xi32>
    %slice3A_899 = vector.extract_strided_slice %xor3A_897 {offsets = [0, 2], sizes = [2048, 2], strides = [1, 1]} : vector<2048x4xi32> to vector<2048x2xi32>
    %xor3A_900 = arith.xori %slice3A_898, %slice3A_899 : vector<2048x2xi32>
    %slice3A_901 = vector.extract_strided_slice %xor3A_900 {offsets = [0, 0], sizes = [2048, 1], strides = [1, 1]} : vector<2048x2xi32> to vector<2048x1xi32>
    %slice3A_902 = vector.extract_strided_slice %xor3A_900 {offsets = [0, 1], sizes = [2048, 1], strides = [1, 1]} : vector<2048x2xi32> to vector<2048x1xi32>
    %xor3A_903 = arith.xori %slice3A_901, %slice3A_902 : vector<2048x1xi32>
    %mul3A_904 = arith.constant 4 : i32
    %mul3A_905 = vector.broadcast %mul3A_904 : i32 to vector<2048x1xi32>
    %mul3A_906 = arith.muli %xor3A_903, %mul3A_905 : vector<2048x1xi32>
    %add3A_907 = arith.constant 2 : i32
    %add3A_908 = vector.broadcast %add3A_907 : i32 to vector<2048x1xi32>
    %add3A_909 = arith.addi %mul3A_906, %add3A_908 : vector<2048x1xi32>
    %swap3A_910 = arith.constant 0 : index
    %swap3A_911 = arith.constant 2 : index
    %swap3A_912 = vector.load %arg18[%swap3A_910, %swap3A_911] : memref<2048x4xi32, #tpu.memory_space<vmem>>, vector<2048x1xi32>
    tpu.vector_store %arg18[%swap3A_910, %swap3A_911], %add3A_909 {strides = array<i32>} : memref<2048x4xi32, #tpu.memory_space<vmem>>, vector<2048x1xi32>,
    %slice3A_913 = vector.extract_strided_slice %add3A_814 {offsets = [0, 48], sizes = [2048, 16], strides = [1, 1]} : vector<2048x64xf32> to vector<2048x16xf32>
    %get3A_914 = arith.constant 0 : index
    %get3A_915 = arith.constant 48 : index
    %get3A_916 = vector.load %arg16[%get3A_914, %get3A_915] : memref<1x64xi32, #tpu.memory_space<vmem>>, vector<1x16xi32>
    %gt3A_917 = arith.constant 0.000000e+00 : f32
    %gt3A_918 = vector.broadcast %gt3A_917 : f32 to vector<2048x16xf32>
    %gt3A_919 = arith.cmpf ogt, %slice3A_913, %gt3A_918 : vector<2048x16xf32>
    %jit3A_920 = arith.constant 0 : i32
    %broadcast_in_dim3A_921 = vector.shape_cast %get3A_916 : vector<1x16xi32> to vector<1x16xi32>
    %broadcast_in_dim3A_922 = vector.broadcast %broadcast_in_dim3A_921 : vector<1x16xi32> to vector<2048x16xi32>
    %broadcast_in_dim3A_923 = vector.broadcast %jit3A_920 : i32 to vector<2048x16xi32>
    %select_n3A_924 = arith.select %gt3A_919, %broadcast_in_dim3A_922, %broadcast_in_dim3A_923 : vector<2048x16xi1>, vector<2048x16xi32>
    %slice3A_925 = vector.extract_strided_slice %select_n3A_924 {offsets = [0, 0], sizes = [2048, 8], strides = [1, 1]} : vector<2048x16xi32> to vector<2048x8xi32>
    %slice3A_926 = vector.extract_strided_slice %select_n3A_924 {offsets = [0, 8], sizes = [2048, 8], strides = [1, 1]} : vector<2048x16xi32> to vector<2048x8xi32>
    %xor3A_927 = arith.xori %slice3A_925, %slice3A_926 : vector<2048x8xi32>
    %slice3A_928 = vector.extract_strided_slice %xor3A_927 {offsets = [0, 0], sizes = [2048, 4], strides = [1, 1]} : vector<2048x8xi32> to vector<2048x4xi32>
    %slice3A_929 = vector.extract_strided_slice %xor3A_927 {offsets = [0, 4], sizes = [2048, 4], strides = [1, 1]} : vector<2048x8xi32> to vector<2048x4xi32>
    %xor3A_930 = arith.xori %slice3A_928, %slice3A_929 : vector<2048x4xi32>
    %slice3A_931 = vector.extract_strided_slice %xor3A_930 {offsets = [0, 0], sizes = [2048, 2], strides = [1, 1]} : vector<2048x4xi32> to vector<2048x2xi32>
    %slice3A_932 = vector.extract_strided_slice %xor3A_930 {offsets = [0, 2], sizes = [2048, 2], strides = [1, 1]} : vector<2048x4xi32> to vector<2048x2xi32>
    %xor3A_933 = arith.xori %slice3A_931, %slice3A_932 : vector<2048x2xi32>
    %slice3A_934 = vector.extract_strided_slice %xor3A_933 {offsets = [0, 0], sizes = [2048, 1], strides = [1, 1]} : vector<2048x2xi32> to vector<2048x1xi32>
    %slice3A_935 = vector.extract_strided_slice %xor3A_933 {offsets = [0, 1], sizes = [2048, 1], strides = [1, 1]} : vector<2048x2xi32> to vector<2048x1xi32>
    %xor3A_936 = arith.xori %slice3A_934, %slice3A_935 : vector<2048x1xi32>
    %mul3A_937 = arith.constant 4 : i32
    %mul3A_938 = vector.broadcast %mul3A_937 : i32 to vector<2048x1xi32>
    %mul3A_939 = arith.muli %xor3A_936, %mul3A_938 : vector<2048x1xi32>
    %add3A_940 = arith.constant 3 : i32
    %add3A_941 = vector.broadcast %add3A_940 : i32 to vector<2048x1xi32>
    %add3A_942 = arith.addi %mul3A_939, %add3A_941 : vector<2048x1xi32>
    %swap3A_943 = arith.constant 0 : index
    %swap3A_944 = arith.constant 3 : index
    %swap3A_945 = vector.load %arg18[%swap3A_943, %swap3A_944] : memref<2048x4xi32, #tpu.memory_space<vmem>>, vector<2048x1xi32>
    tpu.vector_store %arg18[%swap3A_943, %swap3A_944], %add3A_942 {strides = array<i32>} : memref<2048x4xi32, #tpu.memory_space<vmem>>, vector<2048x1xi32>,
    return
  }
  func.func @transform_0(%arg0: i32) -> (i32, i32) {
    %mul3A = arith.constant 0 : i32
    %mul3A_0 = arith.muli %arg0, %mul3A : i32
    %c0_i32 = arith.constant 0 : i32
    return %arg0, %mul3A_0 : i32, i32
  }
  func.func @transform_1(%arg0: i32) -> (i32, i32) {
    %mul3A = arith.constant 0 : i32
    %mul3A_0 = arith.muli %arg0, %mul3A : i32
    %c0_i32 = arith.constant 0 : i32
    return %arg0, %mul3A_0 : i32, i32
  }
  func.func @transform_2(%arg0: i32) -> (i32, i32) {
    %mul3A = arith.constant 0 : i32
    %mul3A_0 = arith.muli %arg0, %mul3A : i32
    %mul3A_1 = arith.constant 0 : i32
    %mul3A_2 = arith.muli %arg0, %mul3A_1 : i32
    %c0_i32 = arith.constant 0 : i32
    return %mul3A_0, %mul3A_2 : i32, i32
  }
  func.func @transform_3(%arg0: i32) -> (i32, i32) {
    %mul3A = arith.constant 0 : i32
    %mul3A_0 = arith.muli %arg0, %mul3A : i32
    %mul3A_1 = arith.constant 0 : i32
    %mul3A_2 = arith.muli %arg0, %mul3A_1 : i32
    %c0_i32 = arith.constant 0 : i32
    return %mul3A_0, %mul3A_2 : i32, i32
  }
  func.func @transform_4(%arg0: i32) -> (i32, i32) {
    %mul3A = arith.constant 0 : i32
    %mul3A_0 = arith.muli %arg0, %mul3A : i32
    %mul3A_1 = arith.constant 0 : i32
    %mul3A_2 = arith.muli %arg0, %mul3A_1 : i32
    %c0_i32 = arith.constant 0 : i32
    return %mul3A_0, %mul3A_2 : i32, i32
  }
  func.func @transform_5(%arg0: i32) -> (i32, i32) {
    %mul3A = arith.constant 0 : i32
    %mul3A_0 = arith.muli %arg0, %mul3A : i32
    %mul3A_1 = arith.constant 0 : i32
    %mul3A_2 = arith.muli %arg0, %mul3A_1 : i32
    %c0_i32 = arith.constant 0 : i32
    return %mul3A_0, %mul3A_2 : i32, i32
  }
  func.func @transform_6(%arg0: i32) -> (i32, i32) {
    %mul3A = arith.constant 0 : i32
    %mul3A_0 = arith.muli %arg0, %mul3A : i32
    %mul3A_1 = arith.constant 0 : i32
    %mul3A_2 = arith.muli %arg0, %mul3A_1 : i32
    %c0_i32 = arith.constant 0 : i32
    return %mul3A_0, %mul3A_2 : i32, i32
  }
  func.func @transform_7(%arg0: i32) -> (i32, i32) {
    %mul3A = arith.constant 0 : i32
    %mul3A_0 = arith.muli %arg0, %mul3A : i32
    %mul3A_1 = arith.constant 0 : i32
    %mul3A_2 = arith.muli %arg0, %mul3A_1 : i32
    %c0_i32 = arith.constant 0 : i32
    return %mul3A_0, %mul3A_2 : i32, i32
  }
  func.func @transform_8(%arg0: i32) -> (i32, i32) {
    %mul3A = arith.constant 0 : i32
    %mul3A_0 = arith.muli %arg0, %mul3A : i32
    %mul3A_1 = arith.constant 0 : i32
    %mul3A_2 = arith.muli %arg0, %mul3A_1 : i32
    %c0_i32 = arith.constant 0 : i32
    return %mul3A_0, %mul3A_2 : i32, i32
  }
  func.func @transform_9(%arg0: i32) -> (i32, i32) {
    %mul3A = arith.constant 0 : i32
    %mul3A_0 = arith.muli %arg0, %mul3A : i32
    %mul3A_1 = arith.constant 0 : i32
    %mul3A_2 = arith.muli %arg0, %mul3A_1 : i32
    %c0_i32 = arith.constant 0 : i32
    return %mul3A_0, %mul3A_2 : i32, i32
  }
  func.func @transform_10(%arg0: i32) -> (i32, i32) {
    %mul3A = arith.constant 0 : i32
    %mul3A_0 = arith.muli %arg0, %mul3A : i32
    %mul3A_1 = arith.constant 0 : i32
    %mul3A_2 = arith.muli %arg0, %mul3A_1 : i32
    %c0_i32 = arith.constant 0 : i32
    return %mul3A_0, %mul3A_2 : i32, i32
  }
  func.func @transform_11(%arg0: i32) -> (i32, i32) {
    %mul3A = arith.constant 0 : i32
    %mul3A_0 = arith.muli %arg0, %mul3A : i32
    %mul3A_1 = arith.constant 0 : i32
    %mul3A_2 = arith.muli %arg0, %mul3A_1 : i32
    %c0_i32 = arith.constant 0 : i32
    return %mul3A_0, %mul3A_2 : i32, i32
  }
  func.func @transform_12(%arg0: i32) -> (i32, i32) {
    %mul3A = arith.constant 0 : i32
    %mul3A_0 = arith.muli %arg0, %mul3A : i32
    %mul3A_1 = arith.constant 0 : i32
    %mul3A_2 = arith.muli %arg0, %mul3A_1 : i32
    %c0_i32 = arith.constant 0 : i32
    return %mul3A_0, %mul3A_2 : i32, i32
  }
  func.func @transform_13(%arg0: i32) -> (i32, i32) {
    %mul3A = arith.constant 0 : i32
    %mul3A_0 = arith.muli %arg0, %mul3A : i32
    %mul3A_1 = arith.constant 0 : i32
    %mul3A_2 = arith.muli %arg0, %mul3A_1 : i32
    %c0_i32 = arith.constant 0 : i32
    return %mul3A_0, %mul3A_2 : i32, i32
  }
  func.func @transform_14(%arg0: i32) -> (i32, i32) {
    %mul3A = arith.constant 0 : i32
    %mul3A_0 = arith.muli %arg0, %mul3A : i32
    %mul3A_1 = arith.constant 0 : i32
    %mul3A_2 = arith.muli %arg0, %mul3A_1 : i32
    %c0_i32 = arith.constant 0 : i32
    return %mul3A_0, %mul3A_2 : i32, i32
  }
  func.func @transform_15(%arg0: i32) -> (i32, i32) {
    %mul3A = arith.constant 0 : i32
    %mul3A_0 = arith.muli %arg0, %mul3A : i32
    %mul3A_1 = arith.constant 0 : i32
    %mul3A_2 = arith.muli %arg0, %mul3A_1 : i32
    %c0_i32 = arith.constant 0 : i32
    return %mul3A_0, %mul3A_2 : i32, i32
  }
  func.func @transform_16(%arg0: i32) -> (i32, i32) {
    %mul3A = arith.constant 0 : i32
    %mul3A_0 = arith.muli %arg0, %mul3A : i32
    %c0_i32 = arith.constant 0 : i32
    return %arg0, %mul3A_0 : i32, i32
  }
  func.func @transform_17(%arg0: i32) -> (i32, i32) {
    %mul3A = arith.constant 0 : i32
    %mul3A_0 = arith.muli %arg0, %mul3A : i32
    %c0_i32 = arith.constant 0 : i32
    return %arg0, %mul3A_0 : i32, i32
  }
}

module attributes {stable_mosaic.version = 14 : i64} {
  func.func @_tc2_body(%arg0: i32, %arg1: memref<1024x512xf32, #tpu.memory_space<vmem>>, %arg2: memref<1024x128xf32, #tpu.memory_space<vmem>>, %arg3: memref<128x512xf32, #tpu.memory_space<vmem>>, %arg4: memref<1x512xf32, #tpu.memory_space<vmem>>, %arg5: memref<512x512xf32, #tpu.memory_space<vmem>>, %arg6: memref<512x512xf32, #tpu.memory_space<vmem>>, %arg7: memref<512x512xf32, #tpu.memory_space<vmem>>, %arg8: memref<1x512xf32, #tpu.memory_space<vmem>>, %arg9: memref<1x512xf32, #tpu.memory_space<vmem>>, %arg10: memref<512x512xf32, #tpu.memory_space<vmem>>, %arg11: memref<512x512xf32, #tpu.memory_space<vmem>>, %arg12: memref<512x512xf32, #tpu.memory_space<vmem>>, %arg13: memref<1x512xf32, #tpu.memory_space<vmem>>, %arg14: memref<1x512xf32, #tpu.memory_space<vmem>>, %arg15: memref<512x1024xf32, #tpu.memory_space<vmem>>, %arg16: memref<1x1024xf32, #tpu.memory_space<vmem>>, %arg17: memref<1024x1024xf32, #tpu.memory_space<vmem>>) attributes {dimension_semantics = [#tpu.dimension_semantics<arbitrary>], iteration_bounds = array<i64: 16>, scalar_prefetch = 0 : i64, scratch_operands = 0 : i64, tpu.core_type = #tpu.core_type<tc>, window_params = [{transform_indices = @transform_0, window_bounds = array<i64: 1024, 512>}, {transform_indices = @transform_1, window_bounds = array<i64: 1024, 128>}, {transform_indices = @transform_2, window_bounds = array<i64: 128, 512>}, {transform_indices = @transform_3, window_bounds = array<i64: 1, 512>}, {transform_indices = @transform_4, window_bounds = array<i64: 512, 512>}, {transform_indices = @transform_5, window_bounds = array<i64: 512, 512>}, {transform_indices = @transform_6, window_bounds = array<i64: 512, 512>}, {transform_indices = @transform_7, window_bounds = array<i64: 1, 512>}, {transform_indices = @transform_8, window_bounds = array<i64: 1, 512>}, {transform_indices = @transform_9, window_bounds = array<i64: 512, 512>}, {transform_indices = @transform_10, window_bounds = array<i64: 512, 512>}, {transform_indices = @transform_11, window_bounds = array<i64: 512, 512>}, {transform_indices = @transform_12, window_bounds = array<i64: 1, 512>}, {transform_indices = @transform_13, window_bounds = array<i64: 1, 512>}, {transform_indices = @transform_14, window_bounds = array<i64: 512, 1024>}, {transform_indices = @transform_15, window_bounds = array<i64: 1, 1024>}, {transform_indices = @transform_16, window_bounds = array<i64: 1024, 1024>}]} {
    %get3A = arith.constant 0 : index
    %get3A_0 = arith.constant 0 : index
    %get3A_1 = vector.load %arg1[%get3A, %get3A_0] : memref<1024x512xf32, #tpu.memory_space<vmem>>, vector<1024x512xf32>
    %get3A_2 = arith.constant 0 : index
    %get3A_3 = arith.constant 0 : index
    %get3A_4 = vector.load %arg2[%get3A_2, %get3A_3] : memref<1024x128xf32, #tpu.memory_space<vmem>>, vector<1024x128xf32>
    %get3A_5 = arith.constant 0 : index
    %get3A_6 = arith.constant 0 : index
    %get3A_7 = vector.load %arg3[%get3A_5, %get3A_6] : memref<128x512xf32, #tpu.memory_space<vmem>>, vector<128x512xf32>
    %dot_general3A = arith.constant dense<0.000000e+00> : vector<1024x512xf32>
    %dot_general3A_8 = tpu.matmul %get3A_4, %get3A_7, %dot_general3A {dimension_numbers = #tpu.dot_dimension_numbers<[1], [0], [0], [1], [0, 0, 1, 1], [], []>, transpose_lhs_hint = false} : vector<1024x128xf32>, vector<128x512xf32>, vector<1024x512xf32> -> vector<1024x512xf32>
    %add3A = arith.addf %get3A_1, %dot_general3A_8 : vector<1024x512xf32>
    %get3A_9 = arith.constant 0 : index
    %get3A_10 = arith.constant 0 : index
    %get3A_11 = vector.load %arg4[%get3A_9, %get3A_10] : memref<1x512xf32, #tpu.memory_space<vmem>>, vector<1x512xf32>
    %add3A_12 = vector.broadcast %get3A_11 : vector<1x512xf32> to vector<1024x512xf32>
    %add3A_13 = arith.addf %add3A, %add3A_12 : vector<1024x512xf32>
    %get3A_14 = arith.constant 0 : index
    %get3A_15 = arith.constant 0 : index
    %get3A_16 = vector.load %arg5[%get3A_14, %get3A_15] : memref<512x512xf32, #tpu.memory_space<vmem>>, vector<512x512xf32>
    %dot_general3A_17 = arith.constant dense<0.000000e+00> : vector<1024x512xf32>
    %dot_general3A_18 = tpu.matmul %add3A_13, %get3A_16, %dot_general3A_17 {dimension_numbers = #tpu.dot_dimension_numbers<[1], [0], [0], [1], [0, 0, 1, 1], [], []>, transpose_lhs_hint = false} : vector<1024x512xf32>, vector<512x512xf32>, vector<1024x512xf32> -> vector<1024x512xf32>
    %neg3A = arith.constant 0.000000e+00 : f32
    %neg3A_19 = vector.broadcast %neg3A : f32 to vector<1024x512xf32>
    %neg3A_20 = arith.subf %neg3A_19, %dot_general3A_18 : vector<1024x512xf32>
    %exp3A = math.exp %neg3A_20 : vector<1024x512xf32>
    %add3A_21 = arith.constant 1.000000e+00 : f32
    %add3A_22 = vector.broadcast %add3A_21 : f32 to vector<1024x512xf32>
    %add3A_23 = arith.addf %add3A_22, %exp3A : vector<1024x512xf32>
    %div3A = arith.constant 1.000000e+00 : f32
    %div3A_24 = vector.broadcast %div3A : f32 to vector<1024x512xf32>
    %div3A_25 = arith.divf %div3A_24, %add3A_23 : vector<1024x512xf32>
    %mul3A = arith.mulf %dot_general3A_18, %div3A_25 : vector<1024x512xf32>
    %get3A_26 = arith.constant 0 : index
    %get3A_27 = arith.constant 0 : index
    %get3A_28 = vector.load %arg6[%get3A_26, %get3A_27] : memref<512x512xf32, #tpu.memory_space<vmem>>, vector<512x512xf32>
    %dot_general3A_29 = arith.constant dense<0.000000e+00> : vector<1024x512xf32>
    %dot_general3A_30 = tpu.matmul %add3A_13, %get3A_28, %dot_general3A_29 {dimension_numbers = #tpu.dot_dimension_numbers<[1], [0], [0], [1], [0, 0, 1, 1], [], []>, transpose_lhs_hint = false} : vector<1024x512xf32>, vector<512x512xf32>, vector<1024x512xf32> -> vector<1024x512xf32>
    %mul3A_31 = arith.mulf %mul3A, %dot_general3A_30 : vector<1024x512xf32>
    %get3A_32 = arith.constant 0 : index
    %get3A_33 = arith.constant 0 : index
    %get3A_34 = vector.load %arg7[%get3A_32, %get3A_33] : memref<512x512xf32, #tpu.memory_space<vmem>>, vector<512x512xf32>
    %dot_general3A_35 = arith.constant dense<0.000000e+00> : vector<1024x512xf32>
    %dot_general3A_36 = tpu.matmul %mul3A_31, %get3A_34, %dot_general3A_35 {dimension_numbers = #tpu.dot_dimension_numbers<[1], [0], [0], [1], [0, 0, 1, 1], [], []>, transpose_lhs_hint = false} : vector<1024x512xf32>, vector<512x512xf32>, vector<1024x512xf32> -> vector<1024x512xf32>
    %add3A_37 = arith.addf %dot_general3A_36, %add3A_13 : vector<1024x512xf32>
    %get3A_38 = arith.constant 0 : index
    %get3A_39 = arith.constant 0 : index
    %get3A_40 = vector.load %arg8[%get3A_38, %get3A_39] : memref<1x512xf32, #tpu.memory_space<vmem>>, vector<1x512xf32>
    %get3A_41 = arith.constant 0 : index
    %get3A_42 = arith.constant 0 : index
    %get3A_43 = vector.load %arg9[%get3A_41, %get3A_42] : memref<1x512xf32, #tpu.memory_space<vmem>>, vector<1x512xf32>
    %reduce_sum3A = arith.constant dense<0.000000e+00> : vector<1024xf32>
    %reduce_sum3A_44 = vector.multi_reduction <add>, %add3A_37, %reduce_sum3A [1] : vector<1024x512xf32> to vector<1024xf32>
    %broadcast_in_dim3A = vector.shape_cast %reduce_sum3A_44 : vector<1024xf32> to vector<1024x1xf32>
    %div3A_45 = arith.constant 5.120000e+02 : f32
    %div3A_46 = vector.broadcast %div3A_45 : f32 to vector<1024x1xf32>
    %div3A_47 = arith.divf %broadcast_in_dim3A, %div3A_46 : vector<1024x1xf32>
    %jit3A = arith.constant 0 : i64
    %reduce_sum3A_48 = arith.constant dense<0.000000e+00> : vector<1024xf32>
    %reduce_sum3A_49 = vector.multi_reduction <add>, %add3A_37, %reduce_sum3A_48 [1] : vector<1024x512xf32> to vector<1024xf32>
    %broadcast_in_dim3A_50 = vector.shape_cast %reduce_sum3A_49 : vector<1024xf32> to vector<1024x1xf32>
    %div3A_51 = arith.constant 5.120000e+02 : f32
    %div3A_52 = vector.broadcast %div3A_51 : f32 to vector<1024x1xf32>
    %div3A_53 = arith.divf %broadcast_in_dim3A_50, %div3A_52 : vector<1024x1xf32>
    %sub3A = vector.broadcast %div3A_53 : vector<1024x1xf32> to vector<1024x512xf32>
    %sub3A_54 = arith.subf %add3A_37, %sub3A : vector<1024x512xf32>
    %square3A = arith.mulf %sub3A_54, %sub3A_54 : vector<1024x512xf32>
    %convert_element_type3A = arith.sitofp %jit3A : i64 to f32
    %sub3A_55 = arith.constant 5.120000e+02 : f32
    %sub3A_56 = arith.subf %sub3A_55, %convert_element_type3A : f32
    %reduce_sum3A_57 = arith.constant dense<0.000000e+00> : vector<1024xf32>
    %reduce_sum3A_58 = vector.multi_reduction <add>, %square3A, %reduce_sum3A_57 [1] : vector<1024x512xf32> to vector<1024xf32>
    %broadcast_in_dim3A_59 = vector.shape_cast %reduce_sum3A_58 : vector<1024xf32> to vector<1024x1xf32>
    %div3A_60 = vector.broadcast %sub3A_56 : f32 to vector<1024x1xf32>
    %div3A_61 = arith.divf %broadcast_in_dim3A_59, %div3A_60 : vector<1024x1xf32>
    %gt3A = arith.constant 0.000000e+00 : f32
    %gt3A_62 = arith.cmpf ogt, %sub3A_56, %gt3A : f32
    %jit3A_63 = arith.constant 0x7FF8000000000000 : f64
    %convert_element_type3A_64 = arith.truncf %jit3A_63 : f64 to f32
    %broadcast_in_dim3A_65 = vector.broadcast %convert_element_type3A_64 : f32 to vector<1024x1xf32>
    %select_n3A = arith.select %gt3A_62, %div3A_61, %broadcast_in_dim3A_65 : vector<1024x1xf32>
    %sub3A_66 = vector.broadcast %div3A_47 : vector<1024x1xf32> to vector<1024x512xf32>
    %sub3A_67 = arith.subf %add3A_37, %sub3A_66 : vector<1024x512xf32>
    %add3A_68 = arith.constant 9.99999974E-6 : f32
    %add3A_69 = vector.broadcast %add3A_68 : f32 to vector<1024x1xf32>
    %add3A_70 = arith.addf %select_n3A, %add3A_69 : vector<1024x1xf32>
    %sqrt3A = math.sqrt %add3A_70 : vector<1024x1xf32>
    %div3A_71 = vector.broadcast %sqrt3A : vector<1024x1xf32> to vector<1024x512xf32>
    %div3A_72 = arith.divf %sub3A_67, %div3A_71 : vector<1024x512xf32>
    %mul3A_73 = vector.broadcast %get3A_40 : vector<1x512xf32> to vector<1024x512xf32>
    %mul3A_74 = arith.mulf %div3A_72, %mul3A_73 : vector<1024x512xf32>
    %add3A_75 = vector.broadcast %get3A_43 : vector<1x512xf32> to vector<1024x512xf32>
    %add3A_76 = arith.addf %mul3A_74, %add3A_75 : vector<1024x512xf32>
    %get3A_77 = arith.constant 0 : index
    %get3A_78 = arith.constant 0 : index
    %get3A_79 = vector.load %arg10[%get3A_77, %get3A_78] : memref<512x512xf32, #tpu.memory_space<vmem>>, vector<512x512xf32>
    %dot_general3A_80 = arith.constant dense<0.000000e+00> : vector<1024x512xf32>
    %dot_general3A_81 = tpu.matmul %add3A_76, %get3A_79, %dot_general3A_80 {dimension_numbers = #tpu.dot_dimension_numbers<[1], [0], [0], [1], [0, 0, 1, 1], [], []>, transpose_lhs_hint = false} : vector<1024x512xf32>, vector<512x512xf32>, vector<1024x512xf32> -> vector<1024x512xf32>
    %neg3A_82 = arith.constant 0.000000e+00 : f32
    %neg3A_83 = vector.broadcast %neg3A_82 : f32 to vector<1024x512xf32>
    %neg3A_84 = arith.subf %neg3A_83, %dot_general3A_81 : vector<1024x512xf32>
    %exp3A_85 = math.exp %neg3A_84 : vector<1024x512xf32>
    %add3A_86 = arith.constant 1.000000e+00 : f32
    %add3A_87 = vector.broadcast %add3A_86 : f32 to vector<1024x512xf32>
    %add3A_88 = arith.addf %add3A_87, %exp3A_85 : vector<1024x512xf32>
    %div3A_89 = arith.constant 1.000000e+00 : f32
    %div3A_90 = vector.broadcast %div3A_89 : f32 to vector<1024x512xf32>
    %div3A_91 = arith.divf %div3A_90, %add3A_88 : vector<1024x512xf32>
    %mul3A_92 = arith.mulf %dot_general3A_81, %div3A_91 : vector<1024x512xf32>
    %get3A_93 = arith.constant 0 : index
    %get3A_94 = arith.constant 0 : index
    %get3A_95 = vector.load %arg11[%get3A_93, %get3A_94] : memref<512x512xf32, #tpu.memory_space<vmem>>, vector<512x512xf32>
    %dot_general3A_96 = arith.constant dense<0.000000e+00> : vector<1024x512xf32>
    %dot_general3A_97 = tpu.matmul %add3A_76, %get3A_95, %dot_general3A_96 {dimension_numbers = #tpu.dot_dimension_numbers<[1], [0], [0], [1], [0, 0, 1, 1], [], []>, transpose_lhs_hint = false} : vector<1024x512xf32>, vector<512x512xf32>, vector<1024x512xf32> -> vector<1024x512xf32>
    %mul3A_98 = arith.mulf %mul3A_92, %dot_general3A_97 : vector<1024x512xf32>
    %get3A_99 = arith.constant 0 : index
    %get3A_100 = arith.constant 0 : index
    %get3A_101 = vector.load %arg12[%get3A_99, %get3A_100] : memref<512x512xf32, #tpu.memory_space<vmem>>, vector<512x512xf32>
    %dot_general3A_102 = arith.constant dense<0.000000e+00> : vector<1024x512xf32>
    %dot_general3A_103 = tpu.matmul %mul3A_98, %get3A_101, %dot_general3A_102 {dimension_numbers = #tpu.dot_dimension_numbers<[1], [0], [0], [1], [0, 0, 1, 1], [], []>, transpose_lhs_hint = false} : vector<1024x512xf32>, vector<512x512xf32>, vector<1024x512xf32> -> vector<1024x512xf32>
    %add3A_104 = arith.addf %dot_general3A_103, %add3A_76 : vector<1024x512xf32>
    %get3A_105 = arith.constant 0 : index
    %get3A_106 = arith.constant 0 : index
    %get3A_107 = vector.load %arg13[%get3A_105, %get3A_106] : memref<1x512xf32, #tpu.memory_space<vmem>>, vector<1x512xf32>
    %get3A_108 = arith.constant 0 : index
    %get3A_109 = arith.constant 0 : index
    %get3A_110 = vector.load %arg14[%get3A_108, %get3A_109] : memref<1x512xf32, #tpu.memory_space<vmem>>, vector<1x512xf32>
    %reduce_sum3A_111 = arith.constant dense<0.000000e+00> : vector<1024xf32>
    %reduce_sum3A_112 = vector.multi_reduction <add>, %add3A_104, %reduce_sum3A_111 [1] : vector<1024x512xf32> to vector<1024xf32>
    %broadcast_in_dim3A_113 = vector.shape_cast %reduce_sum3A_112 : vector<1024xf32> to vector<1024x1xf32>
    %div3A_114 = arith.constant 5.120000e+02 : f32
    %div3A_115 = vector.broadcast %div3A_114 : f32 to vector<1024x1xf32>
    %div3A_116 = arith.divf %broadcast_in_dim3A_113, %div3A_115 : vector<1024x1xf32>
    %jit3A_117 = arith.constant 0 : i64
    %reduce_sum3A_118 = arith.constant dense<0.000000e+00> : vector<1024xf32>
    %reduce_sum3A_119 = vector.multi_reduction <add>, %add3A_104, %reduce_sum3A_118 [1] : vector<1024x512xf32> to vector<1024xf32>
    %broadcast_in_dim3A_120 = vector.shape_cast %reduce_sum3A_119 : vector<1024xf32> to vector<1024x1xf32>
    %div3A_121 = arith.constant 5.120000e+02 : f32
    %div3A_122 = vector.broadcast %div3A_121 : f32 to vector<1024x1xf32>
    %div3A_123 = arith.divf %broadcast_in_dim3A_120, %div3A_122 : vector<1024x1xf32>
    %sub3A_124 = vector.broadcast %div3A_123 : vector<1024x1xf32> to vector<1024x512xf32>
    %sub3A_125 = arith.subf %add3A_104, %sub3A_124 : vector<1024x512xf32>
    %square3A_126 = arith.mulf %sub3A_125, %sub3A_125 : vector<1024x512xf32>
    %convert_element_type3A_127 = arith.sitofp %jit3A_117 : i64 to f32
    %sub3A_128 = arith.constant 5.120000e+02 : f32
    %sub3A_129 = arith.subf %sub3A_128, %convert_element_type3A_127 : f32
    %reduce_sum3A_130 = arith.constant dense<0.000000e+00> : vector<1024xf32>
    %reduce_sum3A_131 = vector.multi_reduction <add>, %square3A_126, %reduce_sum3A_130 [1] : vector<1024x512xf32> to vector<1024xf32>
    %broadcast_in_dim3A_132 = vector.shape_cast %reduce_sum3A_131 : vector<1024xf32> to vector<1024x1xf32>
    %div3A_133 = vector.broadcast %sub3A_129 : f32 to vector<1024x1xf32>
    %div3A_134 = arith.divf %broadcast_in_dim3A_132, %div3A_133 : vector<1024x1xf32>
    %gt3A_135 = arith.constant 0.000000e+00 : f32
    %gt3A_136 = arith.cmpf ogt, %sub3A_129, %gt3A_135 : f32
    %jit3A_137 = arith.constant 0x7FF8000000000000 : f64
    %convert_element_type3A_138 = arith.truncf %jit3A_137 : f64 to f32
    %broadcast_in_dim3A_139 = vector.broadcast %convert_element_type3A_138 : f32 to vector<1024x1xf32>
    %select_n3A_140 = arith.select %gt3A_136, %div3A_134, %broadcast_in_dim3A_139 : vector<1024x1xf32>
    %sub3A_141 = vector.broadcast %div3A_116 : vector<1024x1xf32> to vector<1024x512xf32>
    %sub3A_142 = arith.subf %add3A_104, %sub3A_141 : vector<1024x512xf32>
    %add3A_143 = arith.constant 9.99999974E-6 : f32
    %add3A_144 = vector.broadcast %add3A_143 : f32 to vector<1024x1xf32>
    %add3A_145 = arith.addf %select_n3A_140, %add3A_144 : vector<1024x1xf32>
    %sqrt3A_146 = math.sqrt %add3A_145 : vector<1024x1xf32>
    %div3A_147 = vector.broadcast %sqrt3A_146 : vector<1024x1xf32> to vector<1024x512xf32>
    %div3A_148 = arith.divf %sub3A_142, %div3A_147 : vector<1024x512xf32>
    %mul3A_149 = vector.broadcast %get3A_107 : vector<1x512xf32> to vector<1024x512xf32>
    %mul3A_150 = arith.mulf %div3A_148, %mul3A_149 : vector<1024x512xf32>
    %add3A_151 = vector.broadcast %get3A_110 : vector<1x512xf32> to vector<1024x512xf32>
    %add3A_152 = arith.addf %mul3A_150, %add3A_151 : vector<1024x512xf32>
    %get3A_153 = arith.constant 0 : index
    %get3A_154 = arith.constant 0 : index
    %get3A_155 = vector.load %arg15[%get3A_153, %get3A_154] : memref<512x1024xf32, #tpu.memory_space<vmem>>, vector<512x1024xf32>
    %dot_general3A_156 = arith.constant dense<0.000000e+00> : vector<1024x1024xf32>
    %dot_general3A_157 = tpu.matmul %add3A_152, %get3A_155, %dot_general3A_156 {dimension_numbers = #tpu.dot_dimension_numbers<[1], [0], [0], [1], [0, 0, 1, 1], [], []>, transpose_lhs_hint = false} : vector<1024x512xf32>, vector<512x1024xf32>, vector<1024x1024xf32> -> vector<1024x1024xf32>
    %get3A_158 = arith.constant 0 : index
    %get3A_159 = arith.constant 0 : index
    %get3A_160 = vector.load %arg16[%get3A_158, %get3A_159] : memref<1x1024xf32, #tpu.memory_space<vmem>>, vector<1x1024xf32>
    %add3A_161 = vector.broadcast %get3A_160 : vector<1x1024xf32> to vector<1024x1024xf32>
    %add3A_162 = arith.addf %dot_general3A_157, %add3A_161 : vector<1024x1024xf32>
    %swap3A = arith.constant 0 : index
    %swap3A_163 = arith.constant 0 : index
    %swap3A_164 = vector.load %arg17[%swap3A, %swap3A_163] : memref<1024x1024xf32, #tpu.memory_space<vmem>>, vector<1024x1024xf32>
    tpu.vector_store %arg17[%swap3A, %swap3A_163], %add3A_162 {strides = array<i32>} : memref<1024x1024xf32, #tpu.memory_space<vmem>>, vector<1024x1024xf32>,
    return
  }
  func.func @transform_0(%arg0: i32) -> (i32, i32) {
    %mul3A = arith.constant 0 : i32
    %mul3A_0 = arith.muli %arg0, %mul3A : i32
    %c0_i32 = arith.constant 0 : i32
    return %arg0, %mul3A_0 : i32, i32
  }
  func.func @transform_1(%arg0: i32) -> (i32, i32) {
    %mul3A = arith.constant 0 : i32
    %mul3A_0 = arith.muli %arg0, %mul3A : i32
    %c0_i32 = arith.constant 0 : i32
    return %arg0, %mul3A_0 : i32, i32
  }
  func.func @transform_2(%arg0: i32) -> (i32, i32) {
    %mul3A = arith.constant 0 : i32
    %mul3A_0 = arith.muli %arg0, %mul3A : i32
    %mul3A_1 = arith.constant 0 : i32
    %mul3A_2 = arith.muli %arg0, %mul3A_1 : i32
    %c0_i32 = arith.constant 0 : i32
    return %mul3A_0, %mul3A_2 : i32, i32
  }
  func.func @transform_3(%arg0: i32) -> (i32, i32) {
    %mul3A = arith.constant 0 : i32
    %mul3A_0 = arith.muli %arg0, %mul3A : i32
    %mul3A_1 = arith.constant 0 : i32
    %mul3A_2 = arith.muli %arg0, %mul3A_1 : i32
    %c0_i32 = arith.constant 0 : i32
    return %mul3A_0, %mul3A_2 : i32, i32
  }
  func.func @transform_4(%arg0: i32) -> (i32, i32) {
    %mul3A = arith.constant 0 : i32
    %mul3A_0 = arith.muli %arg0, %mul3A : i32
    %mul3A_1 = arith.constant 0 : i32
    %mul3A_2 = arith.muli %arg0, %mul3A_1 : i32
    %c0_i32 = arith.constant 0 : i32
    return %mul3A_0, %mul3A_2 : i32, i32
  }
  func.func @transform_5(%arg0: i32) -> (i32, i32) {
    %mul3A = arith.constant 0 : i32
    %mul3A_0 = arith.muli %arg0, %mul3A : i32
    %mul3A_1 = arith.constant 0 : i32
    %mul3A_2 = arith.muli %arg0, %mul3A_1 : i32
    %c0_i32 = arith.constant 0 : i32
    return %mul3A_0, %mul3A_2 : i32, i32
  }
  func.func @transform_6(%arg0: i32) -> (i32, i32) {
    %mul3A = arith.constant 0 : i32
    %mul3A_0 = arith.muli %arg0, %mul3A : i32
    %mul3A_1 = arith.constant 0 : i32
    %mul3A_2 = arith.muli %arg0, %mul3A_1 : i32
    %c0_i32 = arith.constant 0 : i32
    return %mul3A_0, %mul3A_2 : i32, i32
  }
  func.func @transform_7(%arg0: i32) -> (i32, i32) {
    %mul3A = arith.constant 0 : i32
    %mul3A_0 = arith.muli %arg0, %mul3A : i32
    %mul3A_1 = arith.constant 0 : i32
    %mul3A_2 = arith.muli %arg0, %mul3A_1 : i32
    %c0_i32 = arith.constant 0 : i32
    return %mul3A_0, %mul3A_2 : i32, i32
  }
  func.func @transform_8(%arg0: i32) -> (i32, i32) {
    %mul3A = arith.constant 0 : i32
    %mul3A_0 = arith.muli %arg0, %mul3A : i32
    %mul3A_1 = arith.constant 0 : i32
    %mul3A_2 = arith.muli %arg0, %mul3A_1 : i32
    %c0_i32 = arith.constant 0 : i32
    return %mul3A_0, %mul3A_2 : i32, i32
  }
  func.func @transform_9(%arg0: i32) -> (i32, i32) {
    %mul3A = arith.constant 0 : i32
    %mul3A_0 = arith.muli %arg0, %mul3A : i32
    %mul3A_1 = arith.constant 0 : i32
    %mul3A_2 = arith.muli %arg0, %mul3A_1 : i32
    %c0_i32 = arith.constant 0 : i32
    return %mul3A_0, %mul3A_2 : i32, i32
  }
  func.func @transform_10(%arg0: i32) -> (i32, i32) {
    %mul3A = arith.constant 0 : i32
    %mul3A_0 = arith.muli %arg0, %mul3A : i32
    %mul3A_1 = arith.constant 0 : i32
    %mul3A_2 = arith.muli %arg0, %mul3A_1 : i32
    %c0_i32 = arith.constant 0 : i32
    return %mul3A_0, %mul3A_2 : i32, i32
  }
  func.func @transform_11(%arg0: i32) -> (i32, i32) {
    %mul3A = arith.constant 0 : i32
    %mul3A_0 = arith.muli %arg0, %mul3A : i32
    %mul3A_1 = arith.constant 0 : i32
    %mul3A_2 = arith.muli %arg0, %mul3A_1 : i32
    %c0_i32 = arith.constant 0 : i32
    return %mul3A_0, %mul3A_2 : i32, i32
  }
  func.func @transform_12(%arg0: i32) -> (i32, i32) {
    %mul3A = arith.constant 0 : i32
    %mul3A_0 = arith.muli %arg0, %mul3A : i32
    %mul3A_1 = arith.constant 0 : i32
    %mul3A_2 = arith.muli %arg0, %mul3A_1 : i32
    %c0_i32 = arith.constant 0 : i32
    return %mul3A_0, %mul3A_2 : i32, i32
  }
  func.func @transform_13(%arg0: i32) -> (i32, i32) {
    %mul3A = arith.constant 0 : i32
    %mul3A_0 = arith.muli %arg0, %mul3A : i32
    %mul3A_1 = arith.constant 0 : i32
    %mul3A_2 = arith.muli %arg0, %mul3A_1 : i32
    %c0_i32 = arith.constant 0 : i32
    return %mul3A_0, %mul3A_2 : i32, i32
  }
  func.func @transform_14(%arg0: i32) -> (i32, i32) {
    %mul3A = arith.constant 0 : i32
    %mul3A_0 = arith.muli %arg0, %mul3A : i32
    %mul3A_1 = arith.constant 0 : i32
    %mul3A_2 = arith.muli %arg0, %mul3A_1 : i32
    %c0_i32 = arith.constant 0 : i32
    return %mul3A_0, %mul3A_2 : i32, i32
  }
  func.func @transform_15(%arg0: i32) -> (i32, i32) {
    %mul3A = arith.constant 0 : i32
    %mul3A_0 = arith.muli %arg0, %mul3A : i32
    %mul3A_1 = arith.constant 0 : i32
    %mul3A_2 = arith.muli %arg0, %mul3A_1 : i32
    %c0_i32 = arith.constant 0 : i32
    return %mul3A_0, %mul3A_2 : i32, i32
  }
  func.func @transform_16(%arg0: i32) -> (i32, i32) {
    %mul3A = arith.constant 0 : i32
    %mul3A_0 = arith.muli %arg0, %mul3A : i32
    %c0_i32 = arith.constant 0 : i32
    return %arg0, %mul3A_0 : i32, i32
  }
}

</mosaic_0001>

<sc_bundles>
// kernel: kernel.11.cloned.1.call-start
scs
__scs_entry_jumppad:
0x0: {  	(pc) =	sbr.rel $0x88, $3  }
0x1: {  	(tag) =	ssettag $0x0;
	lr =	simm.s32 $0x1  }
0x2: {  	[smem:$0x3F83] =	sst lr;
	_ =	strace $0xD0000000  }
0x3: {  	_ = 	snop  }
0x4: {  	_ = 	snop  }
0x5: {  	_ = 	snop  }
0x6: {  	_ = 	snop  }
0x7: {  	_ = 	snop  }
__scs_overlays_trampoline_lowered:
0x8: {  	[smem:$0x3F92] =	sst s0  }
0x9: {  	[smem:$0x3F93] =	sst s1  }
0xa: {  	[smem:$0x3F94] =	sst s2  }
0xb: {  	[smem:$0x3F95] =	sst s3  }
0xc: {  	[smem:$0x3F96] =	sst s4  }
0xd: {  	[smem:$0x3F97] =	sst s5  }
0xe: {  	[smem:$0x3F98] =	sst s6  }
0xf: {  	[smem:$0x3F99] =	sst s7  }
0x10: {  	[smem:$0x3F9A] =	sst s8  }
0x11: {  	[smem:$0x3F9B] =	sst s9;
	s0 =	simm.s32 @!p0 $0x0  }
0x12: {  	s1 =	sld [smem:$0x3F81];
	s0 =	simm.s32 @p0 $0x1  }
0x13: {  	[smem:$0x3F9C] =	sst s0;
	s0 =	simm.s32 @!p1 $0x0  }
0x14: {  	s2 =	sld [smem:$0x3F80];
	s0 =	simm.s32 @p1 $0x1  }
0x15: {  	[smem:$0x3F9D] =	sst s0;
	s0 =	simm.s32 @!p2 $0x0  }
0x16: {  	s3 =	sld [smem:$0x3FDB];
	s0 =	simm.s32 @p2 $0x1  }
0x17: {  	s4 =	simm.s32 $0x1BF5;
	[smem:$0x3F9F] =	sst s0  }
0x18: {  	s0 =	sld [smem:$0x3F82];
	_ =	swait.ge [sflag:s4], $0x0  }
0x19: {  	s7 =	sld [smem:$0x3F83]  }
0x1a: {  	s8 =	sadd.s32 $0xFFFFE003, lr  }
0x1b: {  	s9 =	sadd.s32 $0xFFFFFEF7, lr;
	s5 =	simm.s32 $0xFFFFFFFF;
	p2 =	slt.u32 s8, $0xFFFFF086  }
0x1c: {  	p1 =	slt.u32 s9, $0xF7A;
	s5 =	simm.s32 @!p2 $0x0  }
0x1d: {  	s5 =	simm.s32 @p1 $0x1;
	p0 =	seq.s32 s7, s2  }
0x1e: {  	s7 =	smul.u32 @!p0 $0xF7A, s2;
	p2 =	seq.s32 @!p0 s5, $0x0  }
0x1f: {  	s9 =	smul.u32 $0xF7A, s1;
	s8 =	simm.s32 @!p0 $0x1BF5;
	p2 =	por !p2, p0  }
0x20: {  	[sflag:s8] =	ssyncset.s32 @!p0 $0xFFFFF086;
	s6 =	sadd.s32 @!p0 s3, s7;
	s7 =	simm.s32 @!p0 $0x108  }
0x21: {  	s3 =	sadd.s32 s3, s9;
	s6 =	sadd.s32 @!p0 $0x88, s6;
	s7 =	simm.s32 @p2 $0x1082  }
0x22: {  	[simem:s7], [sflag:s8] =	dma.local @!p0 [hbm:s6], $0xF7A  }
0x23: {  	s9 =	sor.u32 $0xD0000000, s2;
	s6 =	simm.s32 $0x108;
	_ =	swait.ge @!p0 [sflag:s8], $0x0  }
0x24: {  	s3 =	sadd.s32 $0x88, s3;
	s6 =	simm.s32 @!p1 $0x1082;
	[sflag:s4] =	ssyncset.s32 $0xFFFFF086  }
0x25: {  	[simem:s6], [sflag:s4] =	dma.local [hbm:s3], $0xF7A  }
0x26: {  	[smem:$0x3F83] =	sst s1;
	(tag) =	ssettag s2;
	_ =	strace s9  }
0x27: {  	s1 =	sld [smem:$0x3F93]  }
0x28: {  	s2 =	sld [smem:$0x3F94]  }
0x29: {  	s4 =	sld [smem:$0x3F96]  }
0x2a: {  	p0 =	seq.s32 s5, $0x0;
	s5 =	sld [smem:$0x3F97]  }
0x2b: {  	s6 =	sld [smem:$0x3F98]  }
0x2c: {  	s7 =	sld [smem:$0x3F99]  }
0x2d: {  	s3 =	simm.s32 $0x108;
	s8 =	sld [smem:$0x3F9A]  }
0x2e: {  	s3 =	simm.s32 @!p0 $0x1082;
	s9 =	sld [smem:$0x3F9B]  }
0x2f: {  	lr =	sadd.s32 s0, s3;
	s0 =	sld [smem:$0x3F92]  }
0x30: {  	s3 =	sld [smem:$0x3F95]  }
0x31: {  	[smem:$0x3F9E] =	sst s10  }
0x32: {  	s10 =	sld [smem:$0x3F9C];
	_ =	sdelay $0x3  }
0x33: {  	p0 =	seq.s32 s10, $0x1;
	s10 =	sld [smem:$0x3F9E];
	_ =	sdelay $0x3  }
0x34: {  	[smem:$0x3F9E] =	sst s10  }
0x35: {  	s10 =	sld [smem:$0x3F9D];
	_ =	sdelay $0x3  }
0x36: {  	p1 =	seq.s32 s10, $0x1;
	s10 =	sld [smem:$0x3F9E];
	_ =	sdelay $0x3  }
0x37: {  	[smem:$0x3F9E] =	sst s10  }
0x38: {  	s10 =	sld [smem:$0x3F9F]  }
0x39: {  	_ = 	snop;
	(pc) =	sbr.ind lr, $3  }
0x3a: {  	_ = 	snop  }
0x3b: {  	_ = 	snop  }
0x3c: {  	p2 =	seq.s32 s10, $0x1;
	s10 =	sld [smem:$0x3F9E]  }
0x3d: {  	_ =	shalt  }
0x3e: {  	_ =	shalt  }
0x3f: {  	_ =	shalt  }
0x40: {  	_ =	shalt  }
0x41: {  	_ =	shalt  }
0x42: {  	_ =	shalt  }
0x43: {  	_ =	shalt  }
0x44: {  	_ =	shalt  }
0x45: {  	_ =	shalt  }
0x46: {  	_ =	shalt  }
0x47: {  	_ =	shalt  }
0x48: {  	_ =	shalt  }
0x49: {  	_ =	shalt  }
0x4a: {  	_ =	shalt  }
0x4b: {  	_ =	shalt  }
0x4c: {  	_ =	shalt  }
0x4d: {  	_ =	shalt  }
0x4e: {  	_ =	shalt  }
0x4f: {  	_ =	shalt  }
0x50: {  	_ =	shalt  }
0x51: {  	_ =	shalt  }
0x52: {  	_ =	shalt  }
0x53: {  	_ =	shalt  }
0x54: {  	_ =	shalt  }
0x55: {  	_ =	shalt  }
0x56: {  	_ =	shalt  }
0x57: {  	_ =	shalt  }
0x58: {  	_ =	shalt  }
0x59: {  	_ =	shalt  }
0x5a: {  	_ =	shalt  }
0x5b: {  	_ =	shalt  }
0x5c: {  	_ =	shalt  }
0x5d: {  	_ =	shalt  }
0x5e: {  	_ =	shalt  }
0x5f: {  	_ =	shalt  }
0x60: {  	_ =	shalt  }
0x61: {  	_ =	shalt  }
0x62: {  	_ =	shalt  }
0x63: {  	_ =	shalt  }
0x64: {  	_ =	shalt  }
0x65: {  	_ =	shalt  }
0x66: {  	_ =	shalt  }
0x67: {  	_ =	shalt  }
0x68: {  	_ =	shalt  }
0x69: {  	_ =	shalt  }
0x6a: {  	_ =	shalt  }
0x6b: {  	_ =	shalt  }
0x6c: {  	_ =	shalt  }
0x6d: {  	_ =	shalt  }
0x6e: {  	_ =	shalt  }
0x6f: {  	_ =	shalt  }
0x70: {  	_ =	shalt  }
0x71: {  	_ =	shalt  }
0x72: {  	_ =	shalt  }
0x73: {  	_ =	shalt  }
0x74: {  	_ =	shalt  }
0x75: {  	_ =	shalt  }
0x76: {  	_ =	shalt  }
0x77: {  	_ =	shalt  }
0x78: {  	_ =	shalt  }
0x79: {  	_ =	shalt  }
0x7a: {  	_ =	shalt  }
0x7b: {  	_ =	shalt  }
0x7c: {  	_ =	shalt  }
0x7d: {  	_ =	shalt  }
0x7e: {  	_ =	shalt  }
0x7f: {  	_ =	shalt  }
0x80: {  	_ =	shalt  }
0x81: {  	_ =	shalt  }
0x82: {  	_ =	shalt  }
0x83: {  	_ =	shalt  }
0x84: {  	_ =	shalt  }
0x85: {  	_ =	shalt  }
0x86: {  	_ =	shalt  }
0x87: {  	_ =	shalt  }
.Lfunc_end0:
.L_simem_size_0:
called_computation.1_lowered:
.L_overlay_start_0:
0x88: {  	s2 =	sld [smem:$0x3FD9]  }
0x89: {  	s3 =	sld [smem:$0x3FFE];
	_ =	sdelay $0x1  }
0x8a: {  	s1 =	srdreg.scid  }
0x8b: {  	s0 =	sand.u32 $0x1, s1  }
0x8c: {  	s17 =	sshll.u32 s0, $0xA;
	s2 =	sadd.s32 s3, s2  }
0x8d: {  	s2 =	sadd.s32 s2, s17  }
0x8e: {  	[smem:$0x3FAA] =	sst s2  }
0x8f: {  	_ = 	snop  }
0x90: {  	s2 =	sld [smem:$0x3FD0];
	(tm) =	ssettm $0x1  }
0x91: {  	s18 =	sld [smem:$0x3FFB];
	_ =	sdelay $0x3  }
0x92: {  	_ =	strace s18  }
0x93: {  	s3 =	sld [smem:$0x3FFC];
	_ =	sdelay $0x3  }
0x94: {  	_ =	strace s3  }
0x95: {  	s3 =	sld [smem:$0x3FFD];
	_ =	sdelay $0x3  }
0x96: {  	_ =	strace s3  }
0x97: {  	_ =	strace $0x8FFFFFFF  }
0x98: {  	s19 =	sld [smem:$0x3FDB];
	_ =	sdelay $0x1  }
0x99: {  	s4 =	simm.s32 $_scs_section_size  }
0x9a: {  	s5 =	simm.s32 $_size__tile_overlayer_lowered;
	s6 =	simm.s32 $_tile_overlayer_lowered  }
0x9b: {  	s22 =	simm.s32 $0x1BFF;
	s21 =	sshll.u32 s6, $0x1;
	s3 =	sadd.s32 s4, s19  }
0x9c: {  	s7 =	simm.s32 $0x0;
	s20 =	sshll.u32 s5, $0x1;
	s5 =	sadd.s32 s21, s3  }
0x9d: {  	[timem:s7], [sflag:s22] =	dma.local [hbm:s5], s20  }
0x9e: {  	_ =	swait.ge [sflag:s22], s20  }
0x9f: {  	s4 =	ssub.s32 $0x0, s20;
	[sflag:s22] =	ssyncset.done $0x0  }
0xa0: {  	[sflag:s22] =	ssyncadd.s32 s4;
	_ =	sdelay $0x1  }
0xa1: {  	s23 =	simm.s32 $0x1B8B  }
0xa2: {  	_ =	swait.ge [sflag:s23], $0x1  }
0xa3: {  	[sflag:s23] =	ssyncset.done $0x0  }
0xa4: {  	s25 =	simm.s32 $0x1B8E;
	s24 =	sld [smem:$0x3FFE];
	[sflag:s23] =	ssyncadd.s32 $0xFFFFFFFF  }
0xa5: {  	s26 =	simm.s32 $execute0_lowered;
	[smem:$0x3FD2] =	sst s25  }
0xa6: {  	s5 =	sshll.u32 s26, $0x1;
	_ =	strace $0x80000049;
	[dreg:$0x1] =	wrdreg $0xFFFFFFFF  }
0xa7: {  	s28 =	simm.s32 $_size_execute0_lowered;
	s3 =	sadd.s32 s3, s5;
	[dreg:$0x0] =	wrdreg $0x0  }
0xa8: {  	s5 =	sshll.u32 s28, $0x1;
	[dreg:$0x2] =	wrdreg s3  }
0xa9: {  	[dreg:$0x3] =	wrdreg s5  }
0xaa: {  	[dreg:$0x4] =	wrdreg $0xC0  }
0xab: {  	_ =	task [dreg:s7], $0x5FFFF  }
0xac: {  	[dreg:$0x1] =	wrdreg $0xFFFFFFFF  }
0xad: {  	[dreg:$0x0] =	wrdreg $0x60  }
0xae: {  	[dreg:$0x2] =	wrdreg s24  }
0xaf: {  	[dreg:$0x3] =	wrdreg s2  }
0xb0: {  	[dreg:$0x4] =	wrdreg $0x9  }
0xb1: {  	_ =	task.clear_ibuf [dreg:s7], $0x5FFFF;
	_ =	strace $0x90000049  }
0xb2: {  	s29 =	simm.s32 $0x9;
	_ =	strace $0x8000004B  }
0xb3: {  	_ =	swait.ge [sflag:s29], $0x1  }
0xb4: {  	[sflag:s29] =	ssyncadd.s32 $0xFFFFFFFF  }
0xb5: {  	_ =	strace $0x9000004B  }
0xb6: {  	_ =	sfence  }
0xb7: {  	s30 =	sld [smem:$0x0];
	_ =	sdelay $0x2  }
0xb8: {  	s31 =	sshll.u32 s1, $0xD;
	s1 =	sshrl.u32 s1, $0x2  }
0xb9: {  	s3 =	sand.u32 $0x4000, s31;
	s1 =	sadd.s32 s1, s30  }
0xba: {  	s0 =	sor.u32 s3, s0;
	s1 =	sshll.u32 s1, $0x11  }
0xbb: {  	s0 =	sor.u32 s1, s0  }
0xbc: {  	s0 =	sadd.s32 $0x8F2B, s0  }
0xbd: {  	[sflag:s0] =	ssyncadd.remote.s32 $0x1  }
0xbe: {  	_ =	sfence.sel $0xFFFF  }
0xbf: {  	[dreg:$0x0] =	wrdreg $0xFFFFFFFF;
	(pc) =	sbr.abs _section_cstart, $3  }
0xc0: {  	[dreg:$0x1] =	wrdreg $0xFFFFFFFF  }
0xc1: {  	_ =	task.clear_ibuf [dreg:s7], $0x2FFFF;
	_ =	strace $0x9FFFFFFF  }
0xc2: {  	(tm) =	ssettm $0x7FFFFFFF  }
0xc3: {  	_ =	shalt  }
tec
execute0_lowered:
.L_overlay_start_1:
0x0: {  	(tag) =	ssettag $0x1  }
0x1: {  	s1 =	srdreg.scid  }
0x2: {  	s0 =	stileid.u32;
	s3 =	rddreg [dreg:$0x0]  }
0x3: {  	s5 =	rddreg [dreg:$0x1];
	s20 =	simm.s32 $0x1800;
	s21 =	simm.s32 $0x100  }
0x4: {  	s23 =	simm.s32 $0x2800;
	s24 =	simm.s32 $0x180;
	s25 =	simm.s32 $0x3800  }
0x5: {  	s26 =	simm.s32 $0x200;
	s7 =	simm.s32 $0x80;
	s11 =	simm.s32 $0x300  }
0x6: {  	s12 =	simm.s32 $0x6800;
	s13 =	simm.s32 $0x380;
	s14 =	simm.s32 $0x7800  }
0x7: {  	s15 =	simm.s32 $0x400;
	s16 =	simm.s32 $0x8800;
	s17 =	simm.s32 $0x480  }
0x8: {  	s18 =	simm.s32 $0x9800;
	p0 =	por $0x0, $0x0;
	s1 =	sand.u32 $0x1, s1  }
0x9: {  	s28 =	simm.s32 $0x700;
	s2 =	sshll.u32 s0, $0xC;
	s4 =	sshll.u32 s1, $0xB  }
0xa: {  	s29 =	simm.s32 $0xE800;
	s4 =	sor.u32 s4, s2;
	s2 =	simm.s32 $0x0  }
0xb: {  	s30 =	simm.s32 $0x780;
	s31 =	simm.s32 $0xF800;
	[smem:$0x7FF] =	sst s2  }
0xc: {  	s1 =	ssub.s32 $0x2, s1;
	_ =	strace $0x8000004A;
	[dreg:$0x5] =	wrdreg s20  }
0xd: {  	s22 =	sshrl.u32 s1, $0x1;
	s6 =	sshrl.u32 s4, $0x3;
	[dreg:$0x6] =	wrdreg s21  }
0xe: {  	s4 =	sshll.u32 s4, $0x2;
	s1 =	ssub.s32 s1, s22;
	[dreg:$0x7] =	wrdreg s23  }
0xf: {  	s22 =	simm.s32 $0xB800;
	s6 =	sadd.s32 s6, s3;
	[dreg:$0x8] =	wrdreg s24  }
0x10: {  	s3 =	sadd.s32 s4, s3;
	s1 =	smax.u32 s1, $0x1;
	[dreg:$0x9] =	wrdreg s25  }
0x11: {  	s4 =	simm.s32 $0x800;
	[dreg:$0xa] =	wrdreg s26;
	p1 =	sne.s32 s1, $0x1  }
.Ltmp0:
0x12: {  	s20 =	simm.s32 $0xA800;
	s21 =	simm.s32 $0x580;
	(pc) =	sbr.rel @!p1 .LBB2_3-.Ltmp0, $4  }
0x13: {  	s23 =	simm.s32 $0x600;
	s24 =	simm.s32 $0xC800;
	s25 =	simm.s32 $0x680  }
0x14: {  	s26 =	simm.s32 $0xD800;
	s19 =	sadd.s32 $0x41400, s6;
	s3 =	sadd.s32 $0x1400, s3  }
0x15: {  	s8 =	sadd.s32 $0xFFFFFFFF, s1;
	s6 =	simm.s32 $0x1;
	[dreg:$0x3] =	wrdreg s19  }
0x16: {  	[dreg:$0x4] =	wrdreg s3;
	s3 =	simm.s32 $0x2;
	s19 =	simm.s32 $0x500  }
0x17: {  	s0 =	rddreg [dreg:$0x3]  }
0x18: {  	[tilespmem:s2], [sflag:$0x2] =	stream.linear.gather [hbm4b:s0+s2], $0x800, $0x38;
	[tilespmem:$0x10800] =	vst v63  }
0x19: {  	_ =	swait.ge [sflag:s3], $0x800  }
0x1a: {  	s10 =	rddreg [dreg:$0x6]  }
0x1b: {  	s1 =	rddreg [dreg:$0x5]  }
0x1c: {  	s0 =	rddreg [dreg:$0x7]  }
0x1d: {  	[sflag:s3] =	ssyncset.done $0x0;
	[dreg:$0xb] =	wrdreg s10  }
0x1e: {  	[sflag:s3] =	ssyncadd.s32 $0xFFFFF800;
	s10 =	rddreg [dreg:$0x9]  }
0x1f: {  	[tilespmem:s4], [sflag:$0x1] =	stream.indirect.gather [hbm4b:s5+s7], $0x20, s2, s7, $0xb8;
	[tilespmem:$0x10800] =	vst v63  }
0x20: {  	[dreg:$0xc] =	wrdreg s10  }
0x21: {  	s10 =	rddreg [dreg:$0xb]  }
0x22: {  	[tilespmem:s1], [sflag:$0x1] =	stream.indirect.gather [hbm4b:s5+s7], $0x20, s7, s7, $0xb8;
	[tilespmem:$0x10800] =	vst v63  }
0x23: {  	s1 =	rddreg [dreg:$0x8]  }
0x24: {  	[tilespmem:s0], [sflag:$0x1] =	stream.indirect.gather [hbm4b:s5+s7], $0x20, s10, s7, $0xb8;
	[tilespmem:$0x10800] =	vst v63  }
0x25: {  	s10 =	rddreg [dreg:$0xc]  }
0x26: {  	[tilespmem:s10], [sflag:$0x1] =	stream.indirect.gather [hbm4b:s5+s7], $0x20, s1, s7, $0xb8;
	[tilespmem:$0x10800] =	vst v63  }
0x27: {  	s9 =	simm.s32 $0x4800;
	s0 =	rddreg [dreg:$0xa]  }
0x28: {  	[tilespmem:s9], [sflag:$0x1] =	stream.indirect.gather [hbm4b:s5+s7], $0x20, s0, s7, $0xb8;
	[tilespmem:$0x10800] =	vst v63  }
0x29: {  	s1 =	simm.s32 $0x280;
	s9 =	simm.s32 $0x5800  }
0x2a: {  	[tilespmem:s9], [sflag:$0x1] =	stream.indirect.gather [hbm4b:s5+s7], $0x20, s1, s7, $0xb8;
	[tilespmem:$0x10800] =	vst v63  }
0x2b: {  	_ = 	snop  }
0x2c: {  	[tilespmem:s12], [sflag:$0x1] =	stream.indirect.gather [hbm4b:s5+s7], $0x20, s11, s7, $0xb8;
	[tilespmem:$0x10800] =	vst v63  }
0x2d: {  	_ = 	snop  }
0x2e: {  	[tilespmem:s14], [sflag:$0x1] =	stream.indirect.gather [hbm4b:s5+s7], $0x20, s13, s7, $0xb8;
	[tilespmem:$0x10800] =	vst v63  }
0x2f: {  	_ = 	snop  }
0x30: {  	[tilespmem:s16], [sflag:$0x1] =	stream.indirect.gather [hbm4b:s5+s7], $0x20, s15, s7, $0xb8;
	[tilespmem:$0x10800] =	vst v63  }
0x31: {  	_ = 	snop  }
0x32: {  	[tilespmem:s18], [sflag:$0x1] =	stream.indirect.gather [hbm4b:s5+s7], $0x20, s17, s7, $0xb8;
	[tilespmem:$0x10800] =	vst v63  }
0x33: {  	_ = 	snop  }
0x34: {  	[tilespmem:s20], [sflag:$0x1] =	stream.indirect.gather [hbm4b:s5+s7], $0x20, s19, s7, $0xb8;
	[tilespmem:$0x10800] =	vst v63  }
0x35: {  	_ = 	snop  }
0x36: {  	[tilespmem:s22], [sflag:$0x1] =	stream.indirect.gather [hbm4b:s5+s7], $0x20, s21, s7, $0xb8;
	[tilespmem:$0x10800] =	vst v63  }
0x37: {  	_ = 	snop  }
0x38: {  	[tilespmem:s24], [sflag:$0x1] =	stream.indirect.gather [hbm4b:s5+s7], $0x20, s23, s7, $0xb8;
	[tilespmem:$0x10800] =	vst v63  }
0x39: {  	_ = 	snop  }
0x3a: {  	[tilespmem:s26], [sflag:$0x1] =	stream.indirect.gather [hbm4b:s5+s7], $0x20, s25, s7, $0xb8;
	[tilespmem:$0x10800] =	vst v63  }
0x3b: {  	_ = 	snop  }
0x3c: {  	[tilespmem:s29], [sflag:$0x1] =	stream.indirect.gather [hbm4b:s5+s7], $0x20, s28, s7, $0xb8;
	[tilespmem:$0x10800] =	vst v63  }
0x3d: {  	_ = 	snop  }
0x3e: {  	[tilespmem:s31], [sflag:$0x1] =	stream.indirect.gather [hbm4b:s5+s7], $0x20, s30, s7, $0xb8;
	[tilespmem:$0x10800] =	vst v63  }
0x3f: {  	_ =	swait.ge [sflag:s6], $0x1000  }
0x40: {  	[sflag:s6] =	ssyncset.done $0x0  }
0x41: {  	[sflag:s6] =	ssyncadd.s32 $0xFFFFF000  }
0x42: {  	_ =	swait.ge [sflag:s6], $0x1000  }
0x43: {  	[sflag:s6] =	ssyncset.done $0x0  }
0x44: {  	[sflag:s6] =	ssyncadd.s32 $0xFFFFF000  }
0x45: {  	_ =	swait.ge [sflag:s6], $0x1000  }
0x46: {  	[sflag:s6] =	ssyncset.done $0x0  }
0x47: {  	[sflag:s6] =	ssyncadd.s32 $0xFFFFF000  }
0x48: {  	_ =	swait.ge [sflag:s6], $0x1000  }
0x49: {  	[sflag:s6] =	ssyncset.done $0x0  }
0x4a: {  	[sflag:s6] =	ssyncadd.s32 $0xFFFFF000  }
0x4b: {  	_ =	swait.ge [sflag:s6], $0x1000  }
0x4c: {  	[sflag:s6] =	ssyncset.done $0x0  }
0x4d: {  	[sflag:s6] =	ssyncadd.s32 $0xFFFFF000  }
0x4e: {  	_ =	swait.ge [sflag:s6], $0x1000  }
0x4f: {  	[sflag:s6] =	ssyncset.done $0x0  }
0x50: {  	[sflag:s6] =	ssyncadd.s32 $0xFFFFF000  }
0x51: {  	_ =	swait.ge [sflag:s6], $0x1000  }
0x52: {  	[sflag:s6] =	ssyncset.done $0x0  }
0x53: {  	[sflag:s6] =	ssyncadd.s32 $0xFFFFF000  }
0x54: {  	_ =	swait.ge [sflag:s6], $0x1000  }
0x55: {  	[sflag:s6] =	ssyncset.done $0x0  }
0x56: {  	[sflag:s6] =	ssyncadd.s32 $0xFFFFF000  }
0x57: {  	_ =	swait.ge [sflag:s6], $0x1000  }
0x58: {  	[sflag:s6] =	ssyncset.done $0x0  }
0x59: {  	[sflag:s6] =	ssyncadd.s32 $0xFFFFF000  }
0x5a: {  	_ =	swait.ge [sflag:s6], $0x1000  }
0x5b: {  	[sflag:s6] =	ssyncset.done $0x0  }
0x5c: {  	[sflag:s6] =	ssyncadd.s32 $0xFFFFF000  }
0x5d: {  	_ =	swait.ge [sflag:s6], $0x1000  }
0x5e: {  	[sflag:s6] =	ssyncset.done $0x0  }
0x5f: {  	[sflag:s6] =	ssyncadd.s32 $0xFFFFF000  }
0x60: {  	_ =	swait.ge [sflag:s6], $0x1000  }
0x61: {  	[sflag:s6] =	ssyncset.done $0x0  }
0x62: {  	[sflag:s6] =	ssyncadd.s32 $0xFFFFF000  }
0x63: {  	_ =	swait.ge [sflag:s6], $0x1000  }
0x64: {  	[sflag:s6] =	ssyncset.done $0x0  }
0x65: {  	[sflag:s6] =	ssyncadd.s32 $0xFFFFF000  }
0x66: {  	_ =	swait.ge [sflag:s6], $0x1000  }
0x67: {  	[sflag:s6] =	ssyncset.done $0x0  }
0x68: {  	[sflag:s6] =	ssyncadd.s32 $0xFFFFF000  }
0x69: {  	_ =	swait.ge [sflag:s6], $0x1000  }
0x6a: {  	p1 =	sne.s32 s8, $0x1;
	[sflag:s6] =	ssyncset.done $0x0  }
.Ltmp1:
0x6b: {  	[sflag:s6] =	ssyncadd.s32 $0xFFFFF000;
	(pc) =	sbr.rel @!p1 .LBB2_3-.Ltmp1, $4  }
0x6c: {  	_ =	swait.ge [sflag:s6], $0x1000  }
0x6d: {  	p0 =	por $0x1, $0x1;
	[sflag:s6] =	ssyncset.done $0x0  }
0x6e: {  	s1 =	sadd.s32 $0xFFFFFFFF, s8;
	s10 =	rddreg [dreg:$0x4];
	[sflag:s6] =	ssyncadd.s32 $0xFFFFF000  }
0x6f: {  	[hbm4b:s10+s2] =	stream.linear.scatter [tilespmem:s4], [sflag:$0x2], $0x10000, $0x38;
	[tilespmem:$0x10800] =	vst v63  }
.LBB2_2:
0x70: {  	_ =	swait.ge [sflag:s3], $0x10000  }
0x71: {  	[sflag:s3] =	ssyncset.done $0x0  }
0x72: {  	s0 =	rddreg [dreg:$0x3];
	[sflag:s3] =	ssyncadd.s32 $0xFFFF0000  }
0x73: {  	[tilespmem:s2], [sflag:$0x2] =	stream.linear.gather [hbm4b:s0+s2], $0x800, $0x38;
	[tilespmem:$0x10800] =	vst v63  }
0x74: {  	_ =	swait.ge [sflag:s3], $0x800  }
0x75: {  	s0 =	rddreg [dreg:$0x6];
	[sflag:s3] =	ssyncset.done $0x0  }
0x76: {  	s8 =	rddreg [dreg:$0x5];
	[sflag:s3] =	ssyncadd.s32 $0xFFFFF800  }
0x77: {  	[tilespmem:s4], [sflag:$0x1] =	stream.indirect.gather [hbm4b:s5+s7], $0x20, s2, s7, $0xb8;
	[tilespmem:$0x10800] =	vst v63  }
0x78: {  	s9 =	rddreg [dreg:$0x7]  }
0x79: {  	[tilespmem:s8], [sflag:$0x1] =	stream.indirect.gather [hbm4b:s5+s7], $0x20, s7, s7, $0xb8;
	[tilespmem:$0x10800] =	vst v63  }
0x7a: {  	s10 =	rddreg [dreg:$0x9]  }
0x7b: {  	[tilespmem:s9], [sflag:$0x1] =	stream.indirect.gather [hbm4b:s5+s7], $0x20, s0, s7, $0xb8;
	[tilespmem:$0x10800] =	vst v63  }
0x7c: {  	s8 =	rddreg [dreg:$0x8]  }
0x7d: {  	[tilespmem:s10], [sflag:$0x1] =	stream.indirect.gather [hbm4b:s5+s7], $0x20, s8, s7, $0xb8;
	[tilespmem:$0x10800] =	vst v63  }
0x7e: {  	s0 =	rddreg [dreg:$0xa];
	s8 =	simm.s32 $0x4800  }
0x7f: {  	[tilespmem:s8], [sflag:$0x1] =	stream.indirect.gather [hbm4b:s5+s7], $0x20, s0, s7, $0xb8;
	[tilespmem:$0x10800] =	vst v63  }
0x80: {  	s9 =	simm.s32 $0x280;
	s10 =	simm.s32 $0x5800  }
0x81: {  	[tilespmem:s10], [sflag:$0x1] =	stream.indirect.gather [hbm4b:s5+s7], $0x20, s9, s7, $0xb8;
	[tilespmem:$0x10800] =	vst v63  }
0x82: {  	_ = 	snop  }
0x83: {  	[tilespmem:s12], [sflag:$0x1] =	stream.indirect.gather [hbm4b:s5+s7], $0x20, s11, s7, $0xb8;
	[tilespmem:$0x10800] =	vst v63  }
0x84: {  	_ = 	snop  }
0x85: {  	[tilespmem:s14], [sflag:$0x1] =	stream.indirect.gather [hbm4b:s5+s7], $0x20, s13, s7, $0xb8;
	[tilespmem:$0x10800] =	vst v63  }
0x86: {  	_ = 	snop  }
0x87: {  	[tilespmem:s16], [sflag:$0x1] =	stream.indirect.gather [hbm4b:s5+s7], $0x20, s15, s7, $0xb8;
	[tilespmem:$0x10800] =	vst v63  }
0x88: {  	_ = 	snop  }
0x89: {  	[tilespmem:s18], [sflag:$0x1] =	stream.indirect.gather [hbm4b:s5+s7], $0x20, s17, s7, $0xb8;
	[tilespmem:$0x10800] =	vst v63  }
0x8a: {  	_ = 	snop  }
0x8b: {  	[tilespmem:s20], [sflag:$0x1] =	stream.indirect.gather [hbm4b:s5+s7], $0x20, s19, s7, $0xb8;
	[tilespmem:$0x10800] =	vst v63  }
0x8c: {  	_ = 	snop  }
0x8d: {  	[tilespmem:s22], [sflag:$0x1] =	stream.indirect.gather [hbm4b:s5+s7], $0x20, s21, s7, $0xb8;
	[tilespmem:$0x10800] =	vst v63  }
0x8e: {  	_ = 	snop  }
0x8f: {  	[tilespmem:s24], [sflag:$0x1] =	stream.indirect.gather [hbm4b:s5+s7], $0x20, s23, s7, $0xb8;
	[tilespmem:$0x10800] =	vst v63  }
0x90: {  	_ = 	snop  }
0x91: {  	[tilespmem:s26], [sflag:$0x1] =	stream.indirect.gather [hbm4b:s5+s7], $0x20, s25, s7, $0xb8;
	[tilespmem:$0x10800] =	vst v63  }
0x92: {  	_ = 	snop  }
0x93: {  	[tilespmem:s29], [sflag:$0x1] =	stream.indirect.gather [hbm4b:s5+s7], $0x20, s28, s7, $0xb8;
	[tilespmem:$0x10800] =	vst v63  }
0x94: {  	_ = 	snop  }
0x95: {  	[tilespmem:s31], [sflag:$0x1] =	stream.indirect.gather [hbm4b:s5+s7], $0x20, s30, s7, $0xb8;
	[tilespmem:$0x10800] =	vst v63  }
0x96: {  	_ =	swait.ge [sflag:s6], $0x1000  }
0x97: {  	[sflag:s6] =	ssyncset.done $0x0  }
0x98: {  	[sflag:s6] =	ssyncadd.s32 $0xFFFFF000  }
0x99: {  	_ =	swait.ge [sflag:s6], $0x1000  }
0x9a: {  	[sflag:s6] =	ssyncset.done $0x0  }
0x9b: {  	[sflag:s6] =	ssyncadd.s32 $0xFFFFF000  }
0x9c: {  	_ =	swait.ge [sflag:s6], $0x1000  }
0x9d: {  	[sflag:s6] =	ssyncset.done $0x0  }
0x9e: {  	[sflag:s6] =	ssyncadd.s32 $0xFFFFF000  }
0x9f: {  	_ =	swait.ge [sflag:s6], $0x1000  }
0xa0: {  	[sflag:s6] =	ssyncset.done $0x0  }
0xa1: {  	[sflag:s6] =	ssyncadd.s32 $0xFFFFF000  }
0xa2: {  	_ =	swait.ge [sflag:s6], $0x1000  }
0xa3: {  	[sflag:s6] =	ssyncset.done $0x0  }
0xa4: {  	[sflag:s6] =	ssyncadd.s32 $0xFFFFF000  }
0xa5: {  	_ =	swait.ge [sflag:s6], $0x1000  }
0xa6: {  	[sflag:s6] =	ssyncset.done $0x0  }
0xa7: {  	[sflag:s6] =	ssyncadd.s32 $0xFFFFF000  }
0xa8: {  	_ =	swait.ge [sflag:s6], $0x1000  }
0xa9: {  	[sflag:s6] =	ssyncset.done $0x0  }
0xaa: {  	[sflag:s6] =	ssyncadd.s32 $0xFFFFF000  }
0xab: {  	_ =	swait.ge [sflag:s6], $0x1000  }
0xac: {  	[sflag:s6] =	ssyncset.done $0x0  }
0xad: {  	[sflag:s6] =	ssyncadd.s32 $0xFFFFF000  }
0xae: {  	_ =	swait.ge [sflag:s6], $0x1000  }
0xaf: {  	[sflag:s6] =	ssyncset.done $0x0  }
0xb0: {  	[sflag:s6] =	ssyncadd.s32 $0xFFFFF000  }
0xb1: {  	_ =	swait.ge [sflag:s6], $0x1000  }
0xb2: {  	[sflag:s6] =	ssyncset.done $0x0  }
0xb3: {  	[sflag:s6] =	ssyncadd.s32 $0xFFFFF000  }
0xb4: {  	_ =	swait.ge [sflag:s6], $0x1000  }
0xb5: {  	[sflag:s6] =	ssyncset.done $0x0  }
0xb6: {  	[sflag:s6] =	ssyncadd.s32 $0xFFFFF000  }
0xb7: {  	_ =	swait.ge [sflag:s6], $0x1000  }
0xb8: {  	[sflag:s6] =	ssyncset.done $0x0  }
0xb9: {  	[sflag:s6] =	ssyncadd.s32 $0xFFFFF000  }
0xba: {  	_ =	swait.ge [sflag:s6], $0x1000  }
0xbb: {  	[sflag:s6] =	ssyncset.done $0x0  }
0xbc: {  	[sflag:s6] =	ssyncadd.s32 $0xFFFFF000  }
0xbd: {  	_ =	swait.ge [sflag:s6], $0x1000  }
0xbe: {  	[sflag:s6] =	ssyncset.done $0x0  }
0xbf: {  	[sflag:s6] =	ssyncadd.s32 $0xFFFFF000  }
0xc0: {  	_ =	swait.ge [sflag:s6], $0x1000  }
0xc1: {  	p1 =	sne.s32 s1, $0x1;
	[sflag:s6] =	ssyncset.done $0x0  }
.Ltmp2:
0xc2: {  	[sflag:s6] =	ssyncadd.s32 $0xFFFFF000;
	(pc) =	sbr.rel @p1 .LBB2_2-.Ltmp2, $4  }
0xc3: {  	_ =	swait.ge [sflag:s6], $0x1000  }
0xc4: {  	[sflag:s6] =	ssyncset.done $0x0  }
0xc5: {  	s1 =	sadd.s32 $0xFFFFFFFF, s1;
	s10 =	rddreg [dreg:$0x4];
	[sflag:s6] =	ssyncadd.s32 $0xFFFFF000  }
0xc6: {  	[hbm4b:s10+s2] =	stream.linear.scatter [tilespmem:s4], [sflag:$0x2], $0x10000, $0x38;
	[tilespmem:$0x10800] =	vst v63  }
.LBB2_3:
0xc7: {  	_ =	swait.ge @p0 [sflag:s3], $0x10000  }
0xc8: {  	[sflag:s3] =	ssyncset.done @p0 $0x0  }
0xc9: {  	s0 =	rddreg [dreg:$0x3];
	[sflag:s3] =	ssyncadd.s32 @p0 $0xFFFF0000  }
0xca: {  	[tilespmem:s2], [sflag:$0x2] =	stream.linear.gather [hbm4b:s0+s2], $0x800, $0x38;
	[tilespmem:$0x10800] =	vst v63  }
0xcb: {  	_ =	swait.ge [sflag:s3], $0x800  }
0xcc: {  	[sflag:s3] =	ssyncset.done $0x0;
	s10 =	rddreg [dreg:$0x5]  }
0xcd: {  	s0 =	rddreg [dreg:$0x6];
	[sflag:s3] =	ssyncadd.s32 $0xFFFFF800  }
0xce: {  	[tilespmem:s4], [sflag:$0x1] =	stream.indirect.gather [hbm4b:s5+s7], $0x20, s2, s7, $0xb8;
	[tilespmem:$0x10800] =	vst v63  }
0xcf: {  	s1 =	rddreg [dreg:$0x7]  }
0xd0: {  	[tilespmem:s10], [sflag:$0x1] =	stream.indirect.gather [hbm4b:s5+s7], $0x20, s7, s7, $0xb8;
	[tilespmem:$0x10800] =	vst v63  }
0xd1: {  	s8 =	rddreg [dreg:$0x9]  }
0xd2: {  	[tilespmem:s1], [sflag:$0x1] =	stream.indirect.gather [hbm4b:s5+s7], $0x20, s0, s7, $0xb8;
	[tilespmem:$0x10800] =	vst v63  }
0xd3: {  	s9 =	rddreg [dreg:$0x8]  }
0xd4: {  	[tilespmem:s8], [sflag:$0x1] =	stream.indirect.gather [hbm4b:s5+s7], $0x20, s9, s7, $0xb8;
	[tilespmem:$0x10800] =	vst v63  }
0xd5: {  	s10 =	simm.s32 $0x4800;
	s1 =	rddreg [dreg:$0xa]  }
0xd6: {  	[tilespmem:s10], [sflag:$0x1] =	stream.indirect.gather [hbm4b:s5+s7], $0x20, s1, s7, $0xb8;
	[tilespmem:$0x10800] =	vst v63  }
0xd7: {  	s9 =	simm.s32 $0x5800;
	s10 =	simm.s32 $0x280  }
0xd8: {  	[tilespmem:s9], [sflag:$0x1] =	stream.indirect.gather [hbm4b:s5+s7], $0x20, s10, s7, $0xb8;
	[tilespmem:$0x10800] =	vst v63  }
0xd9: {  	_ = 	snop  }
0xda: {  	[tilespmem:s12], [sflag:$0x1] =	stream.indirect.gather [hbm4b:s5+s7], $0x20, s11, s7, $0xb8;
	[tilespmem:$0x10800] =	vst v63  }
0xdb: {  	_ = 	snop  }
0xdc: {  	[tilespmem:s14], [sflag:$0x1] =	stream.indirect.gather [hbm4b:s5+s7], $0x20, s13, s7, $0xb8;
	[tilespmem:$0x10800] =	vst v63  }
0xdd: {  	_ = 	snop  }
0xde: {  	[tilespmem:s16], [sflag:$0x1] =	stream.indirect.gather [hbm4b:s5+s7], $0x20, s15, s7, $0xb8;
	[tilespmem:$0x10800] =	vst v63  }
0xdf: {  	_ = 	snop  }
0xe0: {  	[tilespmem:s18], [sflag:$0x1] =	stream.indirect.gather [hbm4b:s5+s7], $0x20, s17, s7, $0xb8;
	[tilespmem:$0x10800] =	vst v63  }
0xe1: {  	_ = 	snop  }
0xe2: {  	[tilespmem:s20], [sflag:$0x1] =	stream.indirect.gather [hbm4b:s5+s7], $0x20, s19, s7, $0xb8;
	[tilespmem:$0x10800] =	vst v63  }
0xe3: {  	_ = 	snop  }
0xe4: {  	[tilespmem:s22], [sflag:$0x1] =	stream.indirect.gather [hbm4b:s5+s7], $0x20, s21, s7, $0xb8;
	[tilespmem:$0x10800] =	vst v63  }
0xe5: {  	_ = 	snop  }
0xe6: {  	[tilespmem:s24], [sflag:$0x1] =	stream.indirect.gather [hbm4b:s5+s7], $0x20, s23, s7, $0xb8;
	[tilespmem:$0x10800] =	vst v63  }
0xe7: {  	_ = 	snop  }
0xe8: {  	[tilespmem:s26], [sflag:$0x1] =	stream.indirect.gather [hbm4b:s5+s7], $0x20, s25, s7, $0xb8;
	[tilespmem:$0x10800] =	vst v63  }
0xe9: {  	_ = 	snop  }
0xea: {  	[tilespmem:s29], [sflag:$0x1] =	stream.indirect.gather [hbm4b:s5+s7], $0x20, s28, s7, $0xb8;
	[tilespmem:$0x10800] =	vst v63  }
0xeb: {  	_ = 	snop  }
0xec: {  	[tilespmem:s31], [sflag:$0x1] =	stream.indirect.gather [hbm4b:s5+s7], $0x20, s30, s7, $0xb8;
	[tilespmem:$0x10800] =	vst v63  }
0xed: {  	_ =	swait.ge [sflag:s6], $0x1000  }
0xee: {  	[sflag:s6] =	ssyncset.done $0x0  }
0xef: {  	[sflag:s6] =	ssyncadd.s32 $0xFFFFF000  }
0xf0: {  	_ =	swait.ge [sflag:s6], $0x1000  }
0xf1: {  	[sflag:s6] =	ssyncset.done $0x0  }
0xf2: {  	[sflag:s6] =	ssyncadd.s32 $0xFFFFF000  }
0xf3: {  	_ =	swait.ge [sflag:s6], $0x1000  }
0xf4: {  	[sflag:s6] =	ssyncset.done $0x0  }
0xf5: {  	[sflag:s6] =	ssyncadd.s32 $0xFFFFF000  }
0xf6: {  	_ =	swait.ge [sflag:s6], $0x1000  }
0xf7: {  	[sflag:s6] =	ssyncset.done $0x0  }
0xf8: {  	[sflag:s6] =	ssyncadd.s32 $0xFFFFF000  }
0xf9: {  	_ =	swait.ge [sflag:s6], $0x1000  }
0xfa: {  	[sflag:s6] =	ssyncset.done $0x0  }
0xfb: {  	[sflag:s6] =	ssyncadd.s32 $0xFFFFF000  }
0xfc: {  	_ =	swait.ge [sflag:s6], $0x1000  }
0xfd: {  	[sflag:s6] =	ssyncset.done $0x0  }
0xfe: {  	[sflag:s6] =	ssyncadd.s32 $0xFFFFF000  }
0xff: {  	_ =	swait.ge [sflag:s6], $0x1000  }
0x100: {  	[sflag:s6] =	ssyncset.done $0x0  }
0x101: {  	[sflag:s6] =	ssyncadd.s32 $0xFFFFF000  }
0x102: {  	_ =	swait.ge [sflag:s6], $0x1000  }
0x103: {  	[sflag:s6] =	ssyncset.done $0x0  }
0x104: {  	[sflag:s6] =	ssyncadd.s32 $0xFFFFF000  }
0x105: {  	_ =	swait.ge [sflag:s6], $0x1000  }
0x106: {  	[sflag:s6] =	ssyncset.done $0x0  }
0x107: {  	[sflag:s6] =	ssyncadd.s32 $0xFFFFF000  }
0x108: {  	_ =	swait.ge [sflag:s6], $0x1000  }
0x109: {  	[sflag:s6] =	ssyncset.done $0x0  }
0x10a: {  	[sflag:s6] =	ssyncadd.s32 $0xFFFFF000  }
0x10b: {  	_ =	swait.ge [sflag:s6], $0x1000  }
0x10c: {  	[sflag:s6] =	ssyncset.done $0x0  }
0x10d: {  	[sflag:s6] =	ssyncadd.s32 $0xFFFFF000  }
0x10e: {  	_ =	swait.ge [sflag:s6], $0x1000  }
0x10f: {  	[sflag:s6] =	ssyncset.done $0x0  }
0x110: {  	[sflag:s6] =	ssyncadd.s32 $0xFFFFF000  }
0x111: {  	_ =	swait.ge [sflag:s6], $0x1000  }
0x112: {  	[sflag:s6] =	ssyncset.done $0x0  }
0x113: {  	[sflag:s6] =	ssyncadd.s32 $0xFFFFF000  }
0x114: {  	_ =	swait.ge [sflag:s6], $0x1000  }
0x115: {  	[sflag:s6] =	ssyncset.done $0x0  }
0x116: {  	[sflag:s6] =	ssyncadd.s32 $0xFFFFF000  }
0x117: {  	_ =	swait.ge [sflag:s6], $0x1000  }
0x118: {  	[sflag:s6] =	ssyncset.done $0x0  }
0x119: {  	[sflag:s6] =	ssyncadd.s32 $0xFFFFF000  }
0x11a: {  	_ =	swait.ge [sflag:s6], $0x1000  }
0x11b: {  	[sflag:s6] =	ssyncset.done $0x0  }
0x11c: {  	s30 =	rddreg [dreg:$0x4];
	[sflag:s6] =	ssyncadd.s32 $0xFFFFF000  }
0x11d: {  	[hbm4b:s30+s2] =	stream.linear.scatter [tilespmem:s4], [sflag:$0x2], $0x10000, $0x38;
	[tilespmem:$0x10800] =	vst v63  }
0x11e: {  	_ =	swait.ge [sflag:s3], $0x10000  }
0x11f: {  	[sflag:s3] =	ssyncset.done $0x0  }
0x120: {  	[sflag:s3] =	ssyncadd.s32 $0xFFFF0000  }
0x121: {  	_ =	sfence.sel $0x180000  }
0x122: {  	[bflag:$0x0] =	sbarrier.arrive $0xFFFF  }
0x123: {  	_ =	strace $0x9000004A  }
0x124: {  	s31 =	stileid.u32;
	[bflag:$0x2] =	sbarrier.arrive $0xFFFF  }
0x125: {  	p0 =	sne.s32 s31, $0x0;
	s0 =	rddreg [dreg:$0x2]  }
0x126: {  	s0 =	sadd.s32 @!p0 $0x100000, s0  }
0x127: {  	[sflag:s0] =	ssyncadd.tile.s32 @!p0 $0x1;
	_ =	shalt  }
.Lfunc_end2:
_tile_overlayer_lowered:
.L_overlay_start_2:
0x128: {  	(tag) =	ssettag $0x2  }
0x129: {  	s0 =	rddreg [dreg:$0x0];
	s2 =	stileid.u32  }
0x12a: {  	s1 =	rddreg [dreg:$0x1];
	p0 =	sne.s32 s2, $0x0  }
0x12b: {  	s3 =	rddreg [dreg:$0x2];
	[bflag:$0x3] =	sbarrier.arrive $0xFFFF;
	s2 =	simm.s32 @!p0 $0x1C02  }
0x12c: {  	[timem:s3], [sflag:s2] =	dma.local @!p0 [hbm:s0], s1  }
0x12d: {  	s0 =	simm.s32 @!p0 $0x2  }
0x12e: {  	_ =	swait.ge @!p0 [sflag:s0], s1  }
0x12f: {  	s1 =	ssub.s32 @!p0 $0x0, s1;
	[sflag:s0] =	ssyncset.done @!p0 $0x0  }
0x130: {  	[sflag:s0] =	ssyncadd.s32 @!p0 s1  }
0x131: {  	[bflag:$0x3] =	sbarrier.arrive $0xFFFF  }
0x132: {  	_ =	shalt  }

// kernel: kernel.8.cloned.1.call-start
scs
__scs_entry_jumppad:
0x0: {  	(pc) =	sbr.rel $0x88, $3  }
0x1: {  	(tag) =	ssettag $0x0;
	lr =	simm.s32 $0x1  }
0x2: {  	[smem:$0x3F83] =	sst lr;
	_ =	strace $0xD0000000  }
0x3: {  	_ = 	snop  }
0x4: {  	_ = 	snop  }
0x5: {  	_ = 	snop  }
0x6: {  	_ = 	snop  }
0x7: {  	_ = 	snop  }
__scs_overlays_trampoline_lowered:
0x8: {  	[smem:$0x3F92] =	sst s0  }
0x9: {  	[smem:$0x3F93] =	sst s1  }
0xa: {  	[smem:$0x3F94] =	sst s2  }
0xb: {  	[smem:$0x3F95] =	sst s3  }
0xc: {  	[smem:$0x3F96] =	sst s4  }
0xd: {  	[smem:$0x3F97] =	sst s5  }
0xe: {  	[smem:$0x3F98] =	sst s6  }
0xf: {  	[smem:$0x3F99] =	sst s7  }
0x10: {  	[smem:$0x3F9A] =	sst s8  }
0x11: {  	[smem:$0x3F9B] =	sst s9;
	s0 =	simm.s32 @!p0 $0x0  }
0x12: {  	s1 =	sld [smem:$0x3F81];
	s0 =	simm.s32 @p0 $0x1  }
0x13: {  	[smem:$0x3F9C] =	sst s0;
	s0 =	simm.s32 @!p1 $0x0  }
0x14: {  	s2 =	sld [smem:$0x3F80];
	s0 =	simm.s32 @p1 $0x1  }
0x15: {  	[smem:$0x3F9D] =	sst s0;
	s0 =	simm.s32 @!p2 $0x0  }
0x16: {  	s3 =	sld [smem:$0x3FDB];
	s0 =	simm.s32 @p2 $0x1  }
0x17: {  	s4 =	simm.s32 $0x1BF5;
	[smem:$0x3F9F] =	sst s0  }
0x18: {  	s0 =	sld [smem:$0x3F82];
	_ =	swait.ge [sflag:s4], $0x0  }
0x19: {  	s7 =	sld [smem:$0x3F83]  }
0x1a: {  	s8 =	sadd.s32 $0xFFFFE003, lr  }
0x1b: {  	s9 =	sadd.s32 $0xFFFFFEF7, lr;
	s5 =	simm.s32 $0xFFFFFFFF;
	p2 =	slt.u32 s8, $0xFFFFF086  }
0x1c: {  	p1 =	slt.u32 s9, $0xF7A;
	s5 =	simm.s32 @!p2 $0x0  }
0x1d: {  	s5 =	simm.s32 @p1 $0x1;
	p0 =	seq.s32 s7, s2  }
0x1e: {  	s7 =	smul.u32 @!p0 $0xF7A, s2;
	p2 =	seq.s32 @!p0 s5, $0x0  }
0x1f: {  	s9 =	smul.u32 $0xF7A, s1;
	s8 =	simm.s32 @!p0 $0x1BF5;
	p2 =	por !p2, p0  }
0x20: {  	[sflag:s8] =	ssyncset.s32 @!p0 $0xFFFFF086;
	s6 =	sadd.s32 @!p0 s3, s7;
	s7 =	simm.s32 @!p0 $0x108  }
0x21: {  	s3 =	sadd.s32 s3, s9;
	s6 =	sadd.s32 @!p0 $0x88, s6;
	s7 =	simm.s32 @p2 $0x1082  }
0x22: {  	[simem:s7], [sflag:s8] =	dma.local @!p0 [hbm:s6], $0xF7A  }
0x23: {  	s9 =	sor.u32 $0xD0000000, s2;
	s6 =	simm.s32 $0x108;
	_ =	swait.ge @!p0 [sflag:s8], $0x0  }
0x24: {  	s3 =	sadd.s32 $0x88, s3;
	s6 =	simm.s32 @!p1 $0x1082;
	[sflag:s4] =	ssyncset.s32 $0xFFFFF086  }
0x25: {  	[simem:s6], [sflag:s4] =	dma.local [hbm:s3], $0xF7A  }
0x26: {  	[smem:$0x3F83] =	sst s1;
	(tag) =	ssettag s2;
	_ =	strace s9  }
0x27: {  	s1 =	sld [smem:$0x3F93]  }
0x28: {  	s2 =	sld [smem:$0x3F94]  }
0x29: {  	s4 =	sld [smem:$0x3F96]  }
0x2a: {  	p0 =	seq.s32 s5, $0x0;
	s5 =	sld [smem:$0x3F97]  }
0x2b: {  	s6 =	sld [smem:$0x3F98]  }
0x2c: {  	s7 =	sld [smem:$0x3F99]  }
0x2d: {  	s3 =	simm.s32 $0x108;
	s8 =	sld [smem:$0x3F9A]  }
0x2e: {  	s3 =	simm.s32 @!p0 $0x1082;
	s9 =	sld [smem:$0x3F9B]  }
0x2f: {  	lr =	sadd.s32 s0, s3;
	s0 =	sld [smem:$0x3F92]  }
0x30: {  	s3 =	sld [smem:$0x3F95]  }
0x31: {  	[smem:$0x3F9E] =	sst s10  }
0x32: {  	s10 =	sld [smem:$0x3F9C];
	_ =	sdelay $0x3  }
0x33: {  	p0 =	seq.s32 s10, $0x1;
	s10 =	sld [smem:$0x3F9E];
	_ =	sdelay $0x3  }
0x34: {  	[smem:$0x3F9E] =	sst s10  }
0x35: {  	s10 =	sld [smem:$0x3F9D];
	_ =	sdelay $0x3  }
0x36: {  	p1 =	seq.s32 s10, $0x1;
	s10 =	sld [smem:$0x3F9E];
	_ =	sdelay $0x3  }
0x37: {  	[smem:$0x3F9E] =	sst s10  }
0x38: {  	s10 =	sld [smem:$0x3F9F]  }
0x39: {  	_ = 	snop;
	(pc) =	sbr.ind lr, $3  }
0x3a: {  	_ = 	snop  }
0x3b: {  	_ = 	snop  }
0x3c: {  	p2 =	seq.s32 s10, $0x1;
	s10 =	sld [smem:$0x3F9E]  }
0x3d: {  	_ =	shalt  }
0x3e: {  	_ =	shalt  }
0x3f: {  	_ =	shalt  }
0x40: {  	_ =	shalt  }
0x41: {  	_ =	shalt  }
0x42: {  	_ =	shalt  }
0x43: {  	_ =	shalt  }
0x44: {  	_ =	shalt  }
0x45: {  	_ =	shalt  }
0x46: {  	_ =	shalt  }
0x47: {  	_ =	shalt  }
0x48: {  	_ =	shalt  }
0x49: {  	_ =	shalt  }
0x4a: {  	_ =	shalt  }
0x4b: {  	_ =	shalt  }
0x4c: {  	_ =	shalt  }
0x4d: {  	_ =	shalt  }
0x4e: {  	_ =	shalt  }
0x4f: {  	_ =	shalt  }
0x50: {  	_ =	shalt  }
0x51: {  	_ =	shalt  }
0x52: {  	_ =	shalt  }
0x53: {  	_ =	shalt  }
0x54: {  	_ =	shalt  }
0x55: {  	_ =	shalt  }
0x56: {  	_ =	shalt  }
0x57: {  	_ =	shalt  }
0x58: {  	_ =	shalt  }
0x59: {  	_ =	shalt  }
0x5a: {  	_ =	shalt  }
0x5b: {  	_ =	shalt  }
0x5c: {  	_ =	shalt  }
0x5d: {  	_ =	shalt  }
0x5e: {  	_ =	shalt  }
0x5f: {  	_ =	shalt  }
0x60: {  	_ =	shalt  }
0x61: {  	_ =	shalt  }
0x62: {  	_ =	shalt  }
0x63: {  	_ =	shalt  }
0x64: {  	_ =	shalt  }
0x65: {  	_ =	shalt  }
0x66: {  	_ =	shalt  }
0x67: {  	_ =	shalt  }
0x68: {  	_ =	shalt  }
0x69: {  	_ =	shalt  }
0x6a: {  	_ =	shalt  }
0x6b: {  	_ =	shalt  }
0x6c: {  	_ =	shalt  }
0x6d: {  	_ =	shalt  }
0x6e: {  	_ =	shalt  }
0x6f: {  	_ =	shalt  }
0x70: {  	_ =	shalt  }
0x71: {  	_ =	shalt  }
0x72: {  	_ =	shalt  }
0x73: {  	_ =	shalt  }
0x74: {  	_ =	shalt  }
0x75: {  	_ =	shalt  }
0x76: {  	_ =	shalt  }
0x77: {  	_ =	shalt  }
0x78: {  	_ =	shalt  }
0x79: {  	_ =	shalt  }
0x7a: {  	_ =	shalt  }
0x7b: {  	_ =	shalt  }
0x7c: {  	_ =	shalt  }
0x7d: {  	_ =	shalt  }
0x7e: {  	_ =	shalt  }
0x7f: {  	_ =	shalt  }
0x80: {  	_ =	shalt  }
0x81: {  	_ =	shalt  }
0x82: {  	_ =	shalt  }
0x83: {  	_ =	shalt  }
0x84: {  	_ =	shalt  }
0x85: {  	_ =	shalt  }
0x86: {  	_ =	shalt  }
0x87: {  	_ =	shalt  }
.Lfunc_end0:
.L_simem_size_0:
called_computation_lowered:
.L_overlay_start_0:
0x88: {  	s2 =	sld [smem:$0x3FD9]  }
0x89: {  	s3 =	sld [smem:$0x3FFE];
	_ =	sdelay $0x1  }
0x8a: {  	s1 =	srdreg.scid  }
0x8b: {  	s0 =	sand.u32 $0x1, s1  }
0x8c: {  	s17 =	sshll.u32 s0, $0xA;
	s2 =	sadd.s32 s3, s2  }
0x8d: {  	s2 =	sadd.s32 s2, s17  }
0x8e: {  	[smem:$0x3FAA] =	sst s2  }
0x8f: {  	_ = 	snop  }
0x90: {  	s2 =	sld [smem:$0x3FC9];
	(tm) =	ssettm $0x1  }
0x91: {  	s18 =	sld [smem:$0x3FFB];
	_ =	sdelay $0x3  }
0x92: {  	_ =	strace s18  }
0x93: {  	s3 =	sld [smem:$0x3FFC];
	_ =	sdelay $0x3  }
0x94: {  	_ =	strace s3  }
0x95: {  	s3 =	sld [smem:$0x3FFD];
	_ =	sdelay $0x3  }
0x96: {  	_ =	strace s3  }
0x97: {  	_ =	strace $0x8FFFFFFF  }
0x98: {  	s19 =	sld [smem:$0x3FDB];
	_ =	sdelay $0x1  }
0x99: {  	s4 =	simm.s32 $_scs_section_size  }
0x9a: {  	s5 =	simm.s32 $_size__tile_overlayer_lowered;
	s6 =	simm.s32 $_tile_overlayer_lowered  }
0x9b: {  	s22 =	simm.s32 $0x1BFF;
	s21 =	sshll.u32 s6, $0x1;
	s3 =	sadd.s32 s4, s19  }
0x9c: {  	s7 =	simm.s32 $0x0;
	s20 =	sshll.u32 s5, $0x1;
	s5 =	sadd.s32 s21, s3  }
0x9d: {  	[timem:s7], [sflag:s22] =	dma.local [hbm:s5], s20  }
0x9e: {  	_ =	swait.ge [sflag:s22], s20  }
0x9f: {  	s4 =	ssub.s32 $0x0, s20;
	[sflag:s22] =	ssyncset.done $0x0  }
0xa0: {  	[sflag:s22] =	ssyncadd.s32 s4;
	_ =	sdelay $0x1  }
0xa1: {  	s23 =	simm.s32 $0x1B8B  }
0xa2: {  	_ =	swait.ge [sflag:s23], $0x1  }
0xa3: {  	[sflag:s23] =	ssyncset.done $0x0  }
0xa4: {  	s25 =	simm.s32 $0x1B8E;
	s24 =	sld [smem:$0x3FFE];
	[sflag:s23] =	ssyncadd.s32 $0xFFFFFFFF  }
0xa5: {  	s26 =	simm.s32 $execute0_lowered;
	[smem:$0x3FD2] =	sst s25  }
0xa6: {  	s5 =	sshll.u32 s26, $0x1;
	_ =	strace $0x80000046;
	[dreg:$0x1] =	wrdreg $0xFFFFFFFF  }
0xa7: {  	s28 =	simm.s32 $_size_execute0_lowered;
	s3 =	sadd.s32 s3, s5;
	[dreg:$0x0] =	wrdreg $0x0  }
0xa8: {  	s5 =	sshll.u32 s28, $0x1;
	[dreg:$0x2] =	wrdreg s3  }
0xa9: {  	[dreg:$0x3] =	wrdreg s5  }
0xaa: {  	[dreg:$0x4] =	wrdreg $0xC0  }
0xab: {  	_ =	task [dreg:s7], $0x5FFFF  }
0xac: {  	[dreg:$0x1] =	wrdreg $0xFFFFFFFF  }
0xad: {  	[dreg:$0x0] =	wrdreg $0x60  }
0xae: {  	[dreg:$0x2] =	wrdreg s24  }
0xaf: {  	[dreg:$0x3] =	wrdreg s2  }
0xb0: {  	[dreg:$0x4] =	wrdreg $0x9  }
0xb1: {  	_ =	task.clear_ibuf [dreg:s7], $0x5FFFF;
	_ =	strace $0x90000046  }
0xb2: {  	s29 =	simm.s32 $0x9;
	_ =	strace $0x80000048  }
0xb3: {  	_ =	swait.ge [sflag:s29], $0x1  }
0xb4: {  	[sflag:s29] =	ssyncadd.s32 $0xFFFFFFFF  }
0xb5: {  	_ =	strace $0x90000048  }
0xb6: {  	_ =	sfence  }
0xb7: {  	s30 =	sld [smem:$0x0];
	_ =	sdelay $0x2  }
0xb8: {  	s31 =	sshll.u32 s1, $0xD;
	s1 =	sshrl.u32 s1, $0x2  }
0xb9: {  	s3 =	sand.u32 $0x4000, s31;
	s1 =	sadd.s32 s1, s30  }
0xba: {  	s0 =	sor.u32 s3, s0;
	s1 =	sshll.u32 s1, $0x11  }
0xbb: {  	s0 =	sor.u32 s1, s0  }
0xbc: {  	s0 =	sadd.s32 $0x8F2B, s0  }
0xbd: {  	[sflag:s0] =	ssyncadd.remote.s32 $0x1  }
0xbe: {  	_ =	sfence.sel $0xFFFF  }
0xbf: {  	[dreg:$0x0] =	wrdreg $0xFFFFFFFF;
	(pc) =	sbr.abs _section_cstart, $3  }
0xc0: {  	[dreg:$0x1] =	wrdreg $0xFFFFFFFF  }
0xc1: {  	_ =	task.clear_ibuf [dreg:s7], $0x2FFFF;
	_ =	strace $0x9FFFFFFF  }
0xc2: {  	(tm) =	ssettm $0x7FFFFFFF  }
0xc3: {  	_ =	shalt  }
tec
execute0_lowered:
.L_overlay_start_1:
0x0: {  	(tag) =	ssettag $0x1  }
0x1: {  	s0 =	rddreg [dreg:$0x0]  }
0x2: {  	s2 =	rddreg [dreg:$0x1];
	s1 =	srdreg.scid  }
0x3: {  	s4 =	stileid.u32;
	s3 =	simm.s32 $0x0;
	s10 =	simm.s32 $0x20  }
0x4: {  	s11 =	simm.s32 $0x2;
	s12 =	simm.s32 $0x230;
	s13 =	simm.s32 $0x80  }
0x5: {  	s14 =	simm.s32 $0x1230;
	s21 =	simm.s32 $0x1;
	s22 =	simm.s32 $0x11230  }
0x6: {  	s24 =	simm.s32 $0x11A30;
	s29 =	simm.s32 $0x12A30;
	s31 =	simm.s32 $0x13230  }
0x7: {  	s16 =	simm.s32 $0x14230;
	s18 =	simm.s32 $0x14A30;
	s20 =	simm.s32 $0x15230  }
0x8: {  	s30 =	simm.s32 $0x16230;
	s15 =	simm.s32 $0x16A30;
	s19 =	simm.s32 $0x17230  }
0x9: {  	s28 =	simm.s32 $0x17A30;
	s1 =	sand.u32 $0x1, s1;
	s4 =	sshll.u32 s4, $0x1  }
0xa: {  	s17 =	simm.s32 $0x18230;
	[smem:$0x7FF] =	sst s3;
	s4 =	sor.u32 s1, s4  }
0xb: {  	_ =	strace $0x80000047;
	s1 =	ssub.s32 $0x2, s1;
	s5 =	sshll.u32 s4, $0x6  }
0xc: {  	v0 =	vlaneseq.u32;
	s6 =	sshll.u32 s4, $0xD;
	s4 =	sadd.s32 $0x1C00, s0;
	s25 =	sshrl.u32 s1, $0x1  }
0xd: {  	v0 =	vmul.u32 $0x8, v0;
	s5 =	sadd.s32 s5, s0;
	s0 =	sadd.s32 s6, s0;
	s1 =	ssub.s32 s1, s25  }
0xe: {  	s25 =	simm.s32 $0x15A30;
	s5 =	sadd.s32 $0x1400, s5;
	s26 =	sadd.s32 $0x101C00, s0  }
0xf: {  	v1 =	vimm.s32 $0x0;
	s23 =	simm.s32 $0x0;
	v2 =	vor.u32 $0x1, v0;
	s7 =	sadd.s32 $0x141C00, s0;
	s8 =	sadd.s32 $0x142C00, s0  }
0x10: {  	v3 =	vor.u32 $0x2, v0;
	v4 =	vor.u32 $0x3, v0;
	v5 =	vor.u32 $0x4, v0;
	s9 =	smax.u32 s1, $0x1;
	s1 =	simm.s32 $0x13A30;
	[dreg:$0x3] =	wrdreg s5  }
0x11: {  	v6 =	vor.u32 $0x5, v0;
	v7 =	vor.u32 $0x6, v0;
	v8 =	vor.u32 $0x7, v0;
	s0 =	simm.s32 $0x18A30;
	[dreg:$0x4] =	wrdreg s26;
	s26 =	simm.s32 $0x12230  }
.LBB2_1:
0x12: {  	[tilespmem:$0x0] =	vst v1  }
0x13: {  	[tilespmem:$0x10] =	vst v1  }
0x14: {  	[tilespmem:$0x20] =	vst v1;
	s5 =	rddreg [dreg:$0x3]  }
0x15: {  	[tilespmem:s10], [sflag:$0x2] =	stream.linear.gather [hbm4b:s5+s3], $0x200, $0x38;
	[tilespmem:$0x19230] =	vst v63  }
0x16: {  	_ =	swait.ge [sflag:s11], $0x200  }
0x17: {  	[sflag:s11] =	ssyncset.done $0x0  }
0x18: {  	s10 =	simm.s32 $0x1F;
	s5 =	simm.s32 $0x0;
	[sflag:s11] =	ssyncadd.s32 $0xFFFFFE00  }
.LBB2_2:
0x19: {  	v11 =	vld [tilespmem:s10+$0x0]  }
0x1a: {  	v12 =	vld [tilespmem:s10+$0xFFFFFFFF]  }
0x1b: {  	v13 =	vld [tilespmem:s10+$0xFFFFFFFE]  }
0x1c: {  	v14 =	vld [tilespmem:s10+$0xFFFFFFFC]  }
0x1d: {  	v15 =	vld [tilespmem:s10+$0xFFFFFFF9]  }
0x1e: {  	v10 =	vld [tilespmem:s10+$0xFFFFFFF4]  }
0x1f: {  	v17 =	vld [tilespmem:s10+$0xFFFFFFEC];
	_ =	sdelay $0x1  }
0x20: {  	v9 =	vmul.u32 $0x79B1, v11  }
0x21: {  	v16 =	vmul.u32 $0xAE3D, v12;
	v18 =	vmul.u32 $0x8C51, v13;
	v19 =	vmul.u32 $0x7395, v14  }
0x22: {  	v42 =	vmul.u32 $0x5, v15;
	v20 =	vmul.u32 $0x59, v10;
	v43 =	vmul.u32 $0x8C51, v11  }
0x23: {  	v44 =	vmul.u32 $0x7395, v11;
	v21 =	vmul.u32 $0x5, v17;
	v45 =	vmul.u32 $0x5, v12  }
0x24: {  	v46 =	vmul.u32 $0x59, v13;
	v47 =	vmul.u32 $0x59, v11;
	v22 =	vmul.u32 $0x5, v11  }
0x25: {  	v48 =	vmul.u32 $0xC2F5, v15;
	v23 =	vmul.u32 $0xC2F5, v12;
	v24 =	vmul.u32 $0x8EA9, v10  }
0x26: {  	v49 =	vmul.u32 $0x8EA9, v13;
	v25 =	vsub.s32 $0x0, v17;
	v51 =	vmul.u32 $0xFFFF, v14  }
0x27: {  	v52 =	vmul.u32 $0x24E1, v15;
	v53 =	vmul.u32 $0x8EA9, v11;
	v54 =	vmul.u32 $0xFFFF, v11  }
0x28: {  	v55 =	vmul.u32 $0xDDF, v10;
	v26 =	vmul.u32 $0x24E1, v12;
	v57 =	vmul.u32 $0xDDF, v13  }
0x29: {  	v59 =	vmul.u32 $0x76CD, v17;
	v60 =	vmul.u32 $0x76CD, v14;
	v61 =	vmul.u32 $0x79CD, v15  }
0x2a: {  	v62 =	vmul.u32 $0xDDF, v11;
	v63 =	vmul.u32 $0x76CD, v11;
	v30 =	vmul.u32 $0x4DC1, v10  }
0x2b: {  	v27 =	vmul.u32 $0x79CD, v12;
	v32 =	vmul.u32 $0x4DC1, v13;
	v34 =	vmul.u32 $0xCA83, v17  }
0x2c: {  	v35 =	vmul.u32 $0xCA83, v14;
	v36 =	vmul.u32 $0xAE47, v15;
	v37 =	vmul.u32 $0x4DC1, v11  }
0x2d: {  	v38 =	vmul.u32 $0xCA83, v11;
	v39 =	vmul.u32 $0xAE47, v12;
	v41 =	vmul.u32 $0x8C57, v13  }
0x2e: {  	v28 =	vmul.u32 $0x5, v14;
	v9 =	vxor.u32 v16, v9;
	v56 =	vxor.u32 v54, v53  }
0x2f: {  	v31 =	vxor.u32 v63, v62;
	v40 =	vxor.u32 v38, v37;
	v53 =	vmul.u32 $0xCA77, v13  }
0x30: {  	v54 =	vor.u32 s5, v2;
	v13 =	vmul.u32 $0x7395, v13;
	v62 =	vor.u32 s5, v7  }
0x31: {  	v18 =	vxor.u32 v18, v9;
	v9 =	vmul.u32 $0xCA77, v11;
	v58 =	vxor.u32 v26, v56  }
0x32: {  	v33 =	vxor.u32 v27, v31;
	v56 =	vmul.u32 $0x8C51, v15;
	v18 =	vxor.u32 v19, v18  }
0x33: {  	v16 =	vxor.u32 v42, v18;
	v18 =	vxor.u32 v44, v43;
	v42 =	vmul.u32 $0x8C57, v10  }
0x34: {  	v43 =	vmul.u32 $0x739D, v14;
	v44 =	vmul.u32 $0x739D, v17;
	v14 =	vmul.u32 $0xAE3D, v14  }
0x35: {  	v16 =	vxor.u32 v20, v16;
	v18 =	vxor.u32 v45, v18;
	v20 =	vxor.u32 v22, v47  }
0x36: {  	v22 =	vxor.u32 v32, v33;
	v45 =	vmul.u32 $0x79B1, v15;
	v47 =	vmul.u32 $0xAE3D, v17  }
0x37: {  	v15 =	vmul.u32 $0x59, v15;
	v17 =	vmul.u32 $0xC2F5, v17;
	v16 =	vxor.u32 v9, v16  }
0x38: {  	v18 =	vxor.u32 v46, v18;
	v50 =	vxor.u32 v23, v20;
	v20 =	vxor.u32 v57, v58  }
0x39: {  	v22 =	vxor.u32 v35, v22;
	v23 =	vxor.u32 v39, v40;
	v46 =	vmul.u32 $0xCA77, v10  }
0x3a: {  	v57 =	vor.u32 s5, v4;
	v58 =	vmul.u32 $0x5, v10;
	v10 =	vmul.u32 $0x7395, v10  }
0x3b: {  	v18 =	vxor.u32 v48, v18;
	v19 =	vxor.u32 v49, v50;
	v20 =	vxor.u32 v60, v20  }
0x3c: {  	v22 =	vxor.u32 v36, v22;
	v23 =	vxor.u32 v41, v23;
	v48 =	vmul.u32 $0x8C57, v11  }
0x3d: {  	v49 =	vmul.u32 $0x739D, v11;
	v16 =	vxor.u32 v21, v16;
	v11 =	vmul.u32 $0xAE3D, v11  }
0x3e: {  	v18 =	vxor.u32 v24, v18;
	v19 =	vxor.u32 v51, v19;
	v20 =	vxor.u32 v61, v20  }
0x3f: {  	v22 =	vxor.u32 v42, v22;
	v23 =	vxor.u32 v43, v23;
	v51 =	vmul.u32 $0x79B1, v12  }
0x40: {  	v16 =	vshll.u32 v16, $0x3;
	v12 =	vmul.u32 $0x8C51, v12;
	v61 =	vor.u32 s5, v6  }
0x41: {  	v19 =	vxor.u32 v52, v19;
	v18 =	vxor.u32 v25, v18;
	v20 =	vxor.u32 v30, v20  }
0x42: {  	v22 =	vxor.u32 v44, v22;
	v23 =	vxor.u32 v45, v23;
	v50 =	vxor.u32 v49, v48  }
0x43: {  	v52 =	vor.u32 s5, v0;
	v16 =	vand.u32 $0x7FFF8, v16;
	v19 =	vxor.u32 v55, v19  }
0x44: {  	v20 =	vxor.u32 v34, v20;
	v23 =	vxor.u32 v46, v23;
	v18 =	vxor.u32 v28, v18  }
0x45: {  	v24 =	vxor.u32 v51, v50;
	v55 =	vor.u32 s5, v3;
	v22 =	vshll.u32 v22, $0x3  }
0x46: {  	v11 =	vxor.u32 v12, v11;
	v19 =	vxor.u32 v59, v19;
	v23 =	vxor.u32 v47, v23  }
0x47: {  	v18 =	vshll.u32 v18, $0x3;
	v24 =	vxor.u32 v53, v24;
	v20 =	vshll.u32 v20, $0x3  }
0x48: {  	v22 =	vand.u32 $0x7FFF8, v22;
	v11 =	vxor.u32 v13, v11;
	v59 =	vor.u32 s5, v5  }
0x49: {  	v18 =	vand.u32 $0x7FFF8, v18;
	v19 =	vshll.u32 v19, $0x3;
	v14 =	vxor.u32 v14, v24  }
0x4a: {  	v20 =	vand.u32 $0x7FFF8, v20;
	v22 =	vor.u32 $0x4, v22;
	v11 =	vxor.u32 v15, v11  }
0x4b: {  	v60 =	vshll.u32 v23, $0x3;
	v18 =	vor.u32 $0x1, v18;
	v19 =	vand.u32 $0x7FFF8, v19  }
0x4c: {  	v20 =	vor.u32 $0x3, v20;
	v12 =	vxor.u32 v56, v14;
	v11 =	vxor.u32 v58, v11;
	[tilespmem:v52+s12+$0x0] =	vst.idx.msk $0xffff, v16  }
0x4d: {  	v19 =	vor.u32 $0x2, v19;
	v10 =	vxor.u32 v10, v12;
	v11 =	vxor.u32 v17, v11;
	[tilespmem:v54+s12+$0x0] =	vst.idx.msk $0xffff, v18  }
0x4e: {  	p0 =	sne.s32 s5, $0xF80;
	v10 =	vxor.u32 v21, v10;
	v9 =	vxor.u32 v9, v11;
	v11 =	vor.u32 s5, v8;
	[tilespmem:v55+s12+$0x0] =	vst.idx.msk $0xffff, v19  }
.Ltmp0:
0x4f: {  	v63 =	vand.u32 $0x7FFF8, v60;
	v10 =	vshll.u32 v10, $0x3;
	v9 =	vxor.u32 v28, v9;
	[tilespmem:v57+s12+$0x0] =	vst.idx.msk $0xffff, v20;
	(pc) =	sbr.rel @p0 .LBB2_2-.Ltmp0, $4  }
0x50: {  	v13 =	vor.u32 $0x5, v63;
	v10 =	vand.u32 $0x7FFF8, v10;
	v9 =	vshll.u32 v9, $0x3;
	[tilespmem:v59+s12+$0x0] =	vst.idx.msk $0xffff, v22  }
0x51: {  	v10 =	vor.u32 $0x6, v10;
	v9 =	vand.u32 $0x7FFF8, v9;
	[tilespmem:v61+s12+$0x0] =	vst.idx.msk $0xffff, v13  }
0x52: {  	v9 =	vor.u32 $0x7, v9;
	[tilespmem:v62+s12+$0x0] =	vst.idx.msk $0xffff, v10  }
0x53: {  	s10 =	sadd.s32 $0x10, s10;
	s5 =	sadd.s32 $0x80, s5;
	[tilespmem:v11+s12+$0x0] =	vst.idx.msk $0xffff, v9  }
0x54: {  	s10 =	simm.s32 $0x20  }
0x55: {  	[tilespmem:s14], [sflag:$0x1] =	stream.indirect.gather [hbm4b:s2+s13], $0x80, s10, s13, $0xb8;
	[tilespmem:$0x19230] =	vst v63  }
0x56: {  	s5 =	simm.s32 $0xA0;
	s6 =	simm.s32 $0x5230  }
0x57: {  	[tilespmem:s6], [sflag:$0x1] =	stream.indirect.gather [hbm4b:s2+s13], $0x80, s5, s13, $0xb8;
	[tilespmem:$0x19230] =	vst v63  }
0x58: {  	s5 =	simm.s32 $0x120;
	s6 =	simm.s32 $0x9230  }
0x59: {  	[tilespmem:s6], [sflag:$0x1] =	stream.indirect.gather [hbm4b:s2+s13], $0x80, s5, s13, $0xb8;
	[tilespmem:$0x19230] =	vst v63  }
0x5a: {  	s5 =	simm.s32 $0x1A0;
	s6 =	simm.s32 $0xD230  }
0x5b: {  	[tilespmem:s6], [sflag:$0x1] =	stream.indirect.gather [hbm4b:s2+s13], $0x80, s5, s13, $0xb8;
	[tilespmem:$0x19230] =	vst v63  }
0x5c: {  	_ =	swait.ge [sflag:s21], $0x4000  }
0x5d: {  	[sflag:s21] =	ssyncset.done $0x0  }
0x5e: {  	[sflag:s21] =	ssyncadd.s32 $0xFFFFC000  }
0x5f: {  	_ =	swait.ge [sflag:s21], $0x4000  }
0x60: {  	[sflag:s21] =	ssyncset.done $0x0  }
0x61: {  	[sflag:s21] =	ssyncadd.s32 $0xFFFFC000  }
0x62: {  	_ =	swait.ge [sflag:s21], $0x4000  }
0x63: {  	[sflag:s21] =	ssyncset.done $0x0  }
0x64: {  	[sflag:s21] =	ssyncadd.s32 $0xFFFFC000  }
0x65: {  	_ =	swait.ge [sflag:s21], $0x4000  }
0x66: {  	[sflag:s21] =	ssyncset.done $0x0  }
0x67: {  	s6 =	rddreg [dreg:$0x4];
	[sflag:s21] =	ssyncadd.s32 $0xFFFFC000  }
0x68: {  	[hbm4b:s6+s3] =	stream.linear.scatter [tilespmem:s14], [sflag:$0x2], $0x10000, $0x38;
	[tilespmem:$0x19230] =	vst v63  }
0x69: {  	_ =	swait.ge [sflag:s11], $0x10000  }
0x6a: {  	[sflag:s11] =	ssyncset.done $0x0  }
0x6b: {  	[sflag:s11] =	ssyncadd.s32 $0xFFFF0000  }
0x6c: {  	[tilespmem:s22], [sflag:$0x1] =	stream.indirect.gather [hbm4b:s4+s13], $0x10, s12, s13, $0xb8;
	[tilespmem:$0x19230] =	vst v63  }
0x6d: {  	s6 =	simm.s32 $0x2B0  }
0x6e: {  	[tilespmem:s24], [sflag:$0x1] =	stream.indirect.gather [hbm4b:s4+s13], $0x10, s6, s13, $0xb8;
	[tilespmem:$0x19230] =	vst v63  }
0x6f: {  	s6 =	simm.s32 $0x330  }
0x70: {  	[tilespmem:s26], [sflag:$0x1] =	stream.indirect.gather [hbm4b:s4+s13], $0x10, s6, s13, $0xb8;
	[tilespmem:$0x19230] =	vst v63  }
0x71: {  	s6 =	simm.s32 $0x3B0  }
0x72: {  	[tilespmem:s29], [sflag:$0x1] =	stream.indirect.gather [hbm4b:s4+s13], $0x10, s6, s13, $0xb8;
	[tilespmem:$0x19230] =	vst v63  }
0x73: {  	s6 =	simm.s32 $0x430  }
0x74: {  	[tilespmem:s31], [sflag:$0x1] =	stream.indirect.gather [hbm4b:s4+s13], $0x10, s6, s13, $0xb8;
	[tilespmem:$0x19230] =	vst v63  }
0x75: {  	s6 =	simm.s32 $0x4B0  }
0x76: {  	[tilespmem:s1], [sflag:$0x1] =	stream.indirect.gather [hbm4b:s4+s13], $0x10, s6, s13, $0xb8;
	[tilespmem:$0x19230] =	vst v63  }
0x77: {  	s6 =	simm.s32 $0x530  }
0x78: {  	[tilespmem:s16], [sflag:$0x1] =	stream.indirect.gather [hbm4b:s4+s13], $0x10, s6, s13, $0xb8;
	[tilespmem:$0x19230] =	vst v63  }
0x79: {  	s6 =	simm.s32 $0x5B0  }
0x7a: {  	[tilespmem:s18], [sflag:$0x1] =	stream.indirect.gather [hbm4b:s4+s13], $0x10, s6, s13, $0xb8;
	[tilespmem:$0x19230] =	vst v63  }
0x7b: {  	s6 =	simm.s32 $0x630  }
0x7c: {  	[tilespmem:s20], [sflag:$0x1] =	stream.indirect.gather [hbm4b:s4+s13], $0x10, s6, s13, $0xb8;
	[tilespmem:$0x19230] =	vst v63  }
0x7d: {  	s6 =	simm.s32 $0x6B0  }
0x7e: {  	[tilespmem:s25], [sflag:$0x1] =	stream.indirect.gather [hbm4b:s4+s13], $0x10, s6, s13, $0xb8;
	[tilespmem:$0x19230] =	vst v63  }
0x7f: {  	s6 =	simm.s32 $0x730  }
0x80: {  	[tilespmem:s30], [sflag:$0x1] =	stream.indirect.gather [hbm4b:s4+s13], $0x10, s6, s13, $0xb8;
	[tilespmem:$0x19230] =	vst v63  }
0x81: {  	s6 =	simm.s32 $0x7B0  }
0x82: {  	[tilespmem:s15], [sflag:$0x1] =	stream.indirect.gather [hbm4b:s4+s13], $0x10, s6, s13, $0xb8;
	[tilespmem:$0x19230] =	vst v63  }
0x83: {  	s6 =	simm.s32 $0x830  }
0x84: {  	[tilespmem:s19], [sflag:$0x1] =	stream.indirect.gather [hbm4b:s4+s13], $0x10, s6, s13, $0xb8;
	[tilespmem:$0x19230] =	vst v63  }
0x85: {  	s6 =	simm.s32 $0x8B0  }
0x86: {  	[tilespmem:s28], [sflag:$0x1] =	stream.indirect.gather [hbm4b:s4+s13], $0x10, s6, s13, $0xb8;
	[tilespmem:$0x19230] =	vst v63  }
0x87: {  	s6 =	simm.s32 $0x930  }
0x88: {  	[tilespmem:s17], [sflag:$0x1] =	stream.indirect.gather [hbm4b:s4+s13], $0x10, s6, s13, $0xb8;
	[tilespmem:$0x19230] =	vst v63  }
0x89: {  	s6 =	simm.s32 $0x9B0  }
0x8a: {  	[tilespmem:s0], [sflag:$0x1] =	stream.indirect.gather [hbm4b:s4+s13], $0x10, s6, s13, $0xb8;
	[tilespmem:$0x19230] =	vst v63  }
0x8b: {  	_ =	swait.ge [sflag:s21], $0x800  }
0x8c: {  	[sflag:s21] =	ssyncset.done $0x0  }
0x8d: {  	[sflag:s21] =	ssyncadd.s32 $0xFFFFF800  }
0x8e: {  	_ =	swait.ge [sflag:s21], $0x800  }
0x8f: {  	[sflag:s21] =	ssyncset.done $0x0  }
0x90: {  	[sflag:s21] =	ssyncadd.s32 $0xFFFFF800  }
0x91: {  	_ =	swait.ge [sflag:s21], $0x800  }
0x92: {  	[sflag:s21] =	ssyncset.done $0x0  }
0x93: {  	[sflag:s21] =	ssyncadd.s32 $0xFFFFF800  }
0x94: {  	_ =	swait.ge [sflag:s21], $0x800  }
0x95: {  	[sflag:s21] =	ssyncset.done $0x0  }
0x96: {  	[sflag:s21] =	ssyncadd.s32 $0xFFFFF800  }
0x97: {  	_ =	swait.ge [sflag:s21], $0x800  }
0x98: {  	[sflag:s21] =	ssyncset.done $0x0  }
0x99: {  	[sflag:s21] =	ssyncadd.s32 $0xFFFFF800  }
0x9a: {  	_ =	swait.ge [sflag:s21], $0x800  }
0x9b: {  	[sflag:s21] =	ssyncset.done $0x0  }
0x9c: {  	[sflag:s21] =	ssyncadd.s32 $0xFFFFF800  }
0x9d: {  	_ =	swait.ge [sflag:s21], $0x800  }
0x9e: {  	[sflag:s21] =	ssyncset.done $0x0  }
0x9f: {  	[sflag:s21] =	ssyncadd.s32 $0xFFFFF800  }
0xa0: {  	_ =	swait.ge [sflag:s21], $0x800  }
0xa1: {  	[sflag:s21] =	ssyncset.done $0x0  }
0xa2: {  	[sflag:s21] =	ssyncadd.s32 $0xFFFFF800  }
0xa3: {  	_ =	swait.ge [sflag:s21], $0x800  }
0xa4: {  	[sflag:s21] =	ssyncset.done $0x0  }
0xa5: {  	[sflag:s21] =	ssyncadd.s32 $0xFFFFF800  }
0xa6: {  	_ =	swait.ge [sflag:s21], $0x800  }
0xa7: {  	[sflag:s21] =	ssyncset.done $0x0  }
0xa8: {  	[sflag:s21] =	ssyncadd.s32 $0xFFFFF800  }
0xa9: {  	_ =	swait.ge [sflag:s21], $0x800  }
0xaa: {  	[sflag:s21] =	ssyncset.done $0x0  }
0xab: {  	[sflag:s21] =	ssyncadd.s32 $0xFFFFF800  }
0xac: {  	_ =	swait.ge [sflag:s21], $0x800  }
0xad: {  	[sflag:s21] =	ssyncset.done $0x0  }
0xae: {  	[sflag:s21] =	ssyncadd.s32 $0xFFFFF800  }
0xaf: {  	_ =	swait.ge [sflag:s21], $0x800  }
0xb0: {  	[sflag:s21] =	ssyncset.done $0x0  }
0xb1: {  	[sflag:s21] =	ssyncadd.s32 $0xFFFFF800  }
0xb2: {  	_ =	swait.ge [sflag:s21], $0x800  }
0xb3: {  	[sflag:s21] =	ssyncset.done $0x0  }
0xb4: {  	[sflag:s21] =	ssyncadd.s32 $0xFFFFF800  }
0xb5: {  	_ =	swait.ge [sflag:s21], $0x800  }
0xb6: {  	[sflag:s21] =	ssyncset.done $0x0  }
0xb7: {  	[sflag:s21] =	ssyncadd.s32 $0xFFFFF800  }
0xb8: {  	_ =	swait.ge [sflag:s21], $0x800  }
0xb9: {  	[sflag:s21] =	ssyncset.done $0x0  }
0xba: {  	[sflag:s21] =	ssyncadd.s32 $0xFFFFF800  }
0xbb: {  	[hbm4b:s7+s3] =	stream.linear.scatter [tilespmem:s22], [sflag:$0x2], $0x8000, $0x38;
	[tilespmem:$0x19230] =	vst v63  }
0xbc: {  	_ =	swait.ge [sflag:s11], $0x8000  }
0xbd: {  	[sflag:s11] =	ssyncset.done $0x0  }
0xbe: {  	s6 =	simm.s32 $0xA30;
	[sflag:s11] =	ssyncadd.s32 $0xFFFF8000  }
0xbf: {  	[tilespmem:s22], [sflag:$0x1] =	stream.indirect.gather [hbm4b:s4+s13], $0x10, s6, s13, $0xb8;
	[tilespmem:$0x19230] =	vst v63  }
0xc0: {  	s6 =	simm.s32 $0xAB0  }
0xc1: {  	[tilespmem:s24], [sflag:$0x1] =	stream.indirect.gather [hbm4b:s4+s13], $0x10, s6, s13, $0xb8;
	[tilespmem:$0x19230] =	vst v63  }
0xc2: {  	s6 =	simm.s32 $0xB30  }
0xc3: {  	[tilespmem:s26], [sflag:$0x1] =	stream.indirect.gather [hbm4b:s4+s13], $0x10, s6, s13, $0xb8;
	[tilespmem:$0x19230] =	vst v63  }
0xc4: {  	s6 =	simm.s32 $0xBB0  }
0xc5: {  	[tilespmem:s29], [sflag:$0x1] =	stream.indirect.gather [hbm4b:s4+s13], $0x10, s6, s13, $0xb8;
	[tilespmem:$0x19230] =	vst v63  }
0xc6: {  	s6 =	simm.s32 $0xC30  }
0xc7: {  	[tilespmem:s31], [sflag:$0x1] =	stream.indirect.gather [hbm4b:s4+s13], $0x10, s6, s13, $0xb8;
	[tilespmem:$0x19230] =	vst v63  }
0xc8: {  	s6 =	simm.s32 $0xCB0  }
0xc9: {  	[tilespmem:s1], [sflag:$0x1] =	stream.indirect.gather [hbm4b:s4+s13], $0x10, s6, s13, $0xb8;
	[tilespmem:$0x19230] =	vst v63  }
0xca: {  	s6 =	simm.s32 $0xD30  }
0xcb: {  	[tilespmem:s16], [sflag:$0x1] =	stream.indirect.gather [hbm4b:s4+s13], $0x10, s6, s13, $0xb8;
	[tilespmem:$0x19230] =	vst v63  }
0xcc: {  	s6 =	simm.s32 $0xDB0  }
0xcd: {  	[tilespmem:s18], [sflag:$0x1] =	stream.indirect.gather [hbm4b:s4+s13], $0x10, s6, s13, $0xb8;
	[tilespmem:$0x19230] =	vst v63  }
0xce: {  	s6 =	simm.s32 $0xE30  }
0xcf: {  	[tilespmem:s20], [sflag:$0x1] =	stream.indirect.gather [hbm4b:s4+s13], $0x10, s6, s13, $0xb8;
	[tilespmem:$0x19230] =	vst v63  }
0xd0: {  	s6 =	simm.s32 $0xEB0  }
0xd1: {  	[tilespmem:s25], [sflag:$0x1] =	stream.indirect.gather [hbm4b:s4+s13], $0x10, s6, s13, $0xb8;
	[tilespmem:$0x19230] =	vst v63  }
0xd2: {  	s6 =	simm.s32 $0xF30  }
0xd3: {  	[tilespmem:s30], [sflag:$0x1] =	stream.indirect.gather [hbm4b:s4+s13], $0x10, s6, s13, $0xb8;
	[tilespmem:$0x19230] =	vst v63  }
0xd4: {  	s6 =	simm.s32 $0xFB0  }
0xd5: {  	[tilespmem:s15], [sflag:$0x1] =	stream.indirect.gather [hbm4b:s4+s13], $0x10, s6, s13, $0xb8;
	[tilespmem:$0x19230] =	vst v63  }
0xd6: {  	s6 =	simm.s32 $0x1030  }
0xd7: {  	[tilespmem:s19], [sflag:$0x1] =	stream.indirect.gather [hbm4b:s4+s13], $0x10, s6, s13, $0xb8;
	[tilespmem:$0x19230] =	vst v63  }
0xd8: {  	s6 =	simm.s32 $0x10B0  }
0xd9: {  	[tilespmem:s28], [sflag:$0x1] =	stream.indirect.gather [hbm4b:s4+s13], $0x10, s6, s13, $0xb8;
	[tilespmem:$0x19230] =	vst v63  }
0xda: {  	s6 =	simm.s32 $0x1130  }
0xdb: {  	[tilespmem:s17], [sflag:$0x1] =	stream.indirect.gather [hbm4b:s4+s13], $0x10, s6, s13, $0xb8;
	[tilespmem:$0x19230] =	vst v63  }
0xdc: {  	s6 =	simm.s32 $0x11B0  }
0xdd: {  	[tilespmem:s0], [sflag:$0x1] =	stream.indirect.gather [hbm4b:s4+s13], $0x10, s6, s13, $0xb8;
	[tilespmem:$0x19230] =	vst v63  }
0xde: {  	_ =	swait.ge [sflag:s21], $0x800  }
0xdf: {  	[sflag:s21] =	ssyncset.done $0x0  }
0xe0: {  	[sflag:s21] =	ssyncadd.s32 $0xFFFFF800  }
0xe1: {  	_ =	swait.ge [sflag:s21], $0x800  }
0xe2: {  	[sflag:s21] =	ssyncset.done $0x0  }
0xe3: {  	[sflag:s21] =	ssyncadd.s32 $0xFFFFF800  }
0xe4: {  	_ =	swait.ge [sflag:s21], $0x800  }
0xe5: {  	[sflag:s21] =	ssyncset.done $0x0  }
0xe6: {  	[sflag:s21] =	ssyncadd.s32 $0xFFFFF800  }
0xe7: {  	_ =	swait.ge [sflag:s21], $0x800  }
0xe8: {  	[sflag:s21] =	ssyncset.done $0x0  }
0xe9: {  	[sflag:s21] =	ssyncadd.s32 $0xFFFFF800  }
0xea: {  	_ =	swait.ge [sflag:s21], $0x800  }
0xeb: {  	[sflag:s21] =	ssyncset.done $0x0  }
0xec: {  	[sflag:s21] =	ssyncadd.s32 $0xFFFFF800  }
0xed: {  	_ =	swait.ge [sflag:s21], $0x800  }
0xee: {  	[sflag:s21] =	ssyncset.done $0x0  }
0xef: {  	[sflag:s21] =	ssyncadd.s32 $0xFFFFF800  }
0xf0: {  	_ =	swait.ge [sflag:s21], $0x800  }
0xf1: {  	[sflag:s21] =	ssyncset.done $0x0  }
0xf2: {  	[sflag:s21] =	ssyncadd.s32 $0xFFFFF800  }
0xf3: {  	_ =	swait.ge [sflag:s21], $0x800  }
0xf4: {  	[sflag:s21] =	ssyncset.done $0x0  }
0xf5: {  	[sflag:s21] =	ssyncadd.s32 $0xFFFFF800  }
0xf6: {  	_ =	swait.ge [sflag:s21], $0x800  }
0xf7: {  	[sflag:s21] =	ssyncset.done $0x0  }
0xf8: {  	[sflag:s21] =	ssyncadd.s32 $0xFFFFF800  }
0xf9: {  	_ =	swait.ge [sflag:s21], $0x800  }
0xfa: {  	[sflag:s21] =	ssyncset.done $0x0  }
0xfb: {  	[sflag:s21] =	ssyncadd.s32 $0xFFFFF800  }
0xfc: {  	_ =	swait.ge [sflag:s21], $0x800  }
0xfd: {  	[sflag:s21] =	ssyncset.done $0x0  }
0xfe: {  	[sflag:s21] =	ssyncadd.s32 $0xFFFFF800  }
0xff: {  	_ =	swait.ge [sflag:s21], $0x800  }
0x100: {  	[sflag:s21] =	ssyncset.done $0x0  }
0x101: {  	[sflag:s21] =	ssyncadd.s32 $0xFFFFF800  }
0x102: {  	_ =	swait.ge [sflag:s21], $0x800  }
0x103: {  	[sflag:s21] =	ssyncset.done $0x0  }
0x104: {  	[sflag:s21] =	ssyncadd.s32 $0xFFFFF800  }
0x105: {  	_ =	swait.ge [sflag:s21], $0x800  }
0x106: {  	[sflag:s21] =	ssyncset.done $0x0  }
0x107: {  	[sflag:s21] =	ssyncadd.s32 $0xFFFFF800  }
0x108: {  	_ =	swait.ge [sflag:s21], $0x800  }
0x109: {  	[sflag:s21] =	ssyncset.done $0x0  }
0x10a: {  	[sflag:s21] =	ssyncadd.s32 $0xFFFFF800  }
0x10b: {  	s23 =	sadd.s32 $0x1, s23;
	_ =	swait.ge [sflag:s21], $0x800  }
0x10c: {  	p0 =	sne.s32 s23, s9;
	[sflag:s21] =	ssyncset.done $0x0  }
.Ltmp1:
0x10d: {  	[sflag:s21] =	ssyncadd.s32 $0xFFFFF800;
	(pc) =	sbr.rel @p0 .LBB2_1-.Ltmp1, $4  }
0x10e: {  	[hbm4b:s8+s3] =	stream.linear.scatter [tilespmem:s22], [sflag:$0x2], $0x8000, $0x38;
	[tilespmem:$0x19230] =	vst v63  }
0x10f: {  	_ =	swait.ge [sflag:s11], $0x8000  }
0x110: {  	[sflag:s11] =	ssyncset.done $0x0  }
0x111: {  	[sflag:s11] =	ssyncadd.s32 $0xFFFF8000  }
0x112: {  	_ =	sfence.sel $0x180000  }
0x113: {  	[bflag:$0x0] =	sbarrier.arrive $0xFFFF  }
0x114: {  	_ =	strace $0x90000047  }
0x115: {  	s0 =	stileid.u32;
	[bflag:$0x2] =	sbarrier.arrive $0xFFFF  }
0x116: {  	p0 =	sne.s32 s0, $0x0;
	s0 =	rddreg [dreg:$0x2]  }
0x117: {  	s0 =	sadd.s32 @!p0 $0x100000, s0  }
0x118: {  	[sflag:s0] =	ssyncadd.tile.s32 @!p0 $0x1;
	_ =	shalt  }
.Lfunc_end2:
_tile_overlayer_lowered:
.L_overlay_start_2:
0x119: {  	(tag) =	ssettag $0x2  }
0x11a: {  	s0 =	rddreg [dreg:$0x0];
	s2 =	stileid.u32  }
0x11b: {  	s1 =	rddreg [dreg:$0x1];
	p0 =	sne.s32 s2, $0x0  }
0x11c: {  	s3 =	rddreg [dreg:$0x2];
	[bflag:$0x3] =	sbarrier.arrive $0xFFFF;
	s2 =	simm.s32 @!p0 $0x1C02  }
0x11d: {  	[timem:s3], [sflag:s2] =	dma.local @!p0 [hbm:s0], s1  }
0x11e: {  	s0 =	simm.s32 @!p0 $0x2  }
0x11f: {  	_ =	swait.ge @!p0 [sflag:s0], s1  }
0x120: {  	s1 =	ssub.s32 @!p0 $0x0, s1;
	[sflag:s0] =	ssyncset.done @!p0 $0x0  }
0x121: {  	[sflag:s0] =	ssyncadd.s32 @!p0 s1  }
0x122: {  	[bflag:$0x3] =	sbarrier.arrive $0xFFFF  }
0x123: {  	_ =	shalt  }

</sc_bundles>
